<compile_context>
chip_gen: v7x
topology: tpu7x:2x2x1
jax: 0.10.2.dev20260603
libtpu: 0.0.44.dev20260713+nightly
codegen_flags: <defaults>
</compile_context>

<pallas_src>
import functools

import jax
import jax.numpy as jnp
from jax import lax
from jax.experimental import pallas as pl
from jax.experimental.pallas import tpu as pltpu
from jax.experimental.pallas import tpu_sc as plsc

N = 10000
E = 320000
D0 = 128
H = 64
C = 2
G = 64

NC = 2
NS = 16
NW = NC * NS
CHUNK = 128
NBUF0 = 5
NBUF1 = 8

EP = 327680
NPAD = EP - E
NTRASH = 8
N2 = N + NTRASH

EROWS = EP // CHUNK
EPW = EP // NW
NCHUNK = EPW // CHUNK
NITER = NCHUNK // NBUF1

EPT = EP // NS
NCHUNK0 = EPT // CHUNK
NITER0 = NCHUNK0 // NBUF0

RPT = 624
RPT_LAST = N - RPT * (NS - 1)

_SC_PARAMS = pltpu.CompilerParams(use_tc_tiling_on_sc=False)


def _stripe_copy(src, dst, sid):
    r0 = sid * RPT

    @pl.when(sid < NS - 1)
    def _():
        pltpu.sync_copy(src.at[pl.ds(r0, RPT)], dst.at[pl.ds(r0, RPT)])

    @pl.when(sid == NS - 1)
    def _():
        pltpu.sync_copy(src.at[pl.ds(RPT * (NS - 1), RPT_LAST)],
                        dst.at[pl.ds(RPT * (NS - 1), RPT_LAST)])


def _edge_loop(h_ref, sidx, didx, rows, acc, gsem, ssem, niter):
    nbuf = len(rows)
    for b in range(nbuf):
        pltpu.async_copy(h_ref.at[sidx.at[b]], rows[b], gsem[b])

    def body(j, _):
        k0 = j * nbuf
        for b in range(nbuf):
            pltpu.make_async_copy(h_ref.at[sidx.at[k0 + b]], rows[b],
                                  gsem[b]).wait()
            pltpu.async_copy(rows[b], acc.at[didx.at[k0 + b]], ssem[b],
                             add=True)
        for b in range(nbuf):
            pltpu.make_async_copy(rows[b], acc.at[didx.at[k0 + b]],
                                  ssem[b]).wait()

            @pl.when(j < niter - 1)
            def _():
                pltpu.async_copy(h_ref.at[sidx.at[k0 + nbuf + b]], rows[b],
                                 gsem[b])
        return ()

    lax.fori_loop(0, niter, body, ())


@functools.lru_cache(maxsize=None)
def _make_aggr0():
    mesh = plsc.VectorSubcoreMesh(core_axis_name="c", subcore_axis_name="s")

    @functools.partial(
        pl.kernel,
        out_type=jax.ShapeDtypeStruct((NC, N, H), jnp.float32),
        mesh=mesh,
        scratch_types=[
            pltpu.VMEM((NCHUNK0, CHUNK), jnp.int32),
            pltpu.VMEM((NCHUNK0, CHUNK), jnp.int32),
            [pltpu.VMEM((CHUNK, H), jnp.float32) for _ in range(NBUF0)],
            pltpu.VMEM_SHARED((N2, H), jnp.float32),
            [pltpu.SemaphoreType.DMA for _ in range(NBUF0)],
            [pltpu.SemaphoreType.DMA for _ in range(NBUF0)],
        ],
        compiler_params=_SC_PARAMS,
    )
    def aggr0(hlo_hbm, hhi_hbm, src_hbm, dst_hbm, out_hbm, sidx, didx, rows,
              acc, gsem, ssem):
        cid = lax.axis_index("c")
        sid = lax.axis_index("s")
        pltpu.sync_copy(src_hbm.at[pl.ds(sid * NCHUNK0, NCHUNK0)], sidx)
        pltpu.sync_copy(dst_hbm.at[pl.ds(sid * NCHUNK0, NCHUNK0)], didx)

        @pl.when(cid == 0)
        def _():
            _stripe_copy(hlo_hbm, acc, sid)

        @pl.when(cid == 1)
        def _():
            _stripe_copy(hhi_hbm, acc, sid)

        plsc.subcore_barrier()

        @pl.when(cid == 0)
        def _():
            _edge_loop(hlo_hbm, sidx, didx, rows, acc, gsem, ssem, NITER0)

        @pl.when(cid == 1)
        def _():
            _edge_loop(hhi_hbm, sidx, didx, rows, acc, gsem, ssem, NITER0)

        plsc.subcore_barrier()
        _stripe_copy(acc, out_hbm.at[cid], sid)

    return aggr0


@functools.lru_cache(maxsize=None)
def _make_aggr():
    mesh = plsc.VectorSubcoreMesh(core_axis_name="c", subcore_axis_name="s")

    @functools.partial(
        pl.kernel,
        out_type=jax.ShapeDtypeStruct((NC, N, H), jnp.float32),
        mesh=mesh,
        scratch_types=[
            pltpu.VMEM((NCHUNK, CHUNK), jnp.int32),
            pltpu.VMEM((NCHUNK, CHUNK), jnp.int32),
            [pltpu.VMEM((CHUNK, H), jnp.float32) for _ in range(NBUF1)],
            pltpu.VMEM_SHARED((N2, H), jnp.float32),
            [pltpu.SemaphoreType.DMA for _ in range(NBUF1)],
            [pltpu.SemaphoreType.DMA for _ in range(NBUF1)],
        ],
        compiler_params=_SC_PARAMS,
    )
    def aggr(h_hbm, src_hbm, dst_hbm, out_hbm, sidx, didx, rows,
             acc, gsem, ssem):
        cid = lax.axis_index("c")
        sid = lax.axis_index("s")
        wid = cid * NS + sid
        pltpu.sync_copy(src_hbm.at[pl.ds(wid * NCHUNK, NCHUNK)], sidx)
        pltpu.sync_copy(dst_hbm.at[pl.ds(wid * NCHUNK, NCHUNK)], didx)
        _stripe_copy(h_hbm, acc, sid)
        plsc.subcore_barrier()
        _edge_loop(h_hbm, sidx, didx, rows, acc, gsem, ssem, NITER)
        plsc.subcore_barrier()
        _stripe_copy(acc, out_hbm.at[cid], sid)

    return aggr


NP = N // 2
_BN = 1000
_NBLK = NP // _BN


def _mlp_halves(acc_lo_e, acc_lo_o, acc_hi_e, acc_hi_o,
                w1_ref, b1_ref, w2_ref, b2_ref):
    w1lo = w1_ref[:H]
    w1hi = w1_ref[H:]
    outs = []
    for alo, ahi in ((acc_lo_e, acc_hi_e), (acc_lo_o, acc_hi_o)):
        t = (jnp.dot(alo, w1lo, preferred_element_type=jnp.float32)
             + jnp.dot(ahi, w1hi, preferred_element_type=jnp.float32))
        t = jnp.maximum(t + b1_ref[...], 0.0)
        u = jnp.dot(t, w2_ref[...], preferred_element_type=jnp.float32)
        outs.append(jnp.maximum(u + b2_ref[...], 0.0))
    return outs


def _mlp0_body(a_ref, w1_ref, b1_ref, w2_ref, b2_ref, o_ref):
    lo = a_ref[0]
    hi = a_ref[1]
    he, ho = _mlp_halves(lo[:, :H], lo[:, H:], hi[:, :H], hi[:, H:],
                         w1_ref, b1_ref, w2_ref, b2_ref)
    o_ref[...] = jnp.concatenate([he, ho], axis=1)


_MLP0 = pl.pallas_call(
    _mlp0_body,
    grid=(_NBLK,),
    in_specs=[
        pl.BlockSpec((NC, _BN, D0), lambda i: (0, i, 0)),
        pl.BlockSpec((D0, H), lambda i: (0, 0)),
        pl.BlockSpec((1, H), lambda i: (0, 0)),
        pl.BlockSpec((H, H), lambda i: (0, 0)),
        pl.BlockSpec((1, H), lambda i: (0, 0)),
    ],
    out_specs=pl.BlockSpec((_BN, D0), lambda i: (i, 0)),
    out_shape=jax.ShapeDtypeStruct((NP, D0), jnp.float32),
)


def _mlp_halves64(acc, w1_ref, b1_ref, w2_ref, b2_ref):
    outs = []
    for a in (acc[:, :H], acc[:, H:]):
        t = jnp.dot(a, w1_ref[...], preferred_element_type=jnp.float32)
        t = jnp.maximum(t + b1_ref[...], 0.0)
        u = jnp.dot(t, w2_ref[...], preferred_element_type=jnp.float32)
        outs.append(jnp.maximum(u + b2_ref[...], 0.0))
    return outs


def _mlp_body(h_ref, a_ref, w1_ref, b1_ref, w2_ref, b2_ref, o_ref):
    acc = a_ref[0] + a_ref[1] - h_ref[...]
    he, ho = _mlp_halves64(acc, w1_ref, b1_ref, w2_ref, b2_ref)
    o_ref[...] = jnp.concatenate([he, ho], axis=1)


_MLP = pl.pallas_call(
    _mlp_body,
    grid=(_NBLK,),
    in_specs=[
        pl.BlockSpec((_BN, D0), lambda i: (i, 0)),
        pl.BlockSpec((NC, _BN, D0), lambda i: (0, i, 0)),
        pl.BlockSpec((H, H), lambda i: (0, 0)),
        pl.BlockSpec((1, H), lambda i: (0, 0)),
        pl.BlockSpec((H, H), lambda i: (0, 0)),
        pl.BlockSpec((1, H), lambda i: (0, 0)),
    ],
    out_specs=pl.BlockSpec((_BN, D0), lambda i: (i, 0)),
    out_shape=jax.ShapeDtypeStruct((NP, D0), jnp.float32),
)


def _final_body(h_ref, a_ref, be_ref, bo_ref, w1_ref, b1_ref, w2_ref, b2_ref,
                l1w_ref, l1b_ref, l2w_ref, l2b_ref, o_ref, sums, counts):
    i = pl.program_id(0)

    @pl.when(i == 0)
    def _():
        sums[...] = jnp.zeros_like(sums)
        counts[...] = jnp.zeros_like(counts)

    acc = a_ref[0] + a_ref[1] - h_ref[...]
    h3e, h3o = _mlp_halves64(acc, w1_ref, b1_ref, w2_ref, b2_ref)

    ones = jnp.ones((_BN, 1), jnp.float32)
    for b_ref, h3 in ((be_ref, h3e), (bo_ref, h3o)):
        b = b_ref[0, 0, :]
        onehot = (b[:, None] == lax.broadcasted_iota(jnp.int32, (_BN, G), 1))
        onehot = onehot.astype(jnp.float32)
        sums[...] += lax.dot_general(onehot, h3, (((0,), (0,)), ((), ())),
                                     preferred_element_type=jnp.float32)
        counts[...] += lax.dot_general(onehot, ones, (((0,), (0,)), ((), ())),
                                       preferred_element_type=jnp.float32)

    @pl.when(i == _NBLK - 1)
    def _():
        pooled = sums[...] / jnp.maximum(counts[...], 1.0)
        y = jnp.dot(pooled, l1w_ref[...], preferred_element_type=jnp.float32)
        y = jnp.maximum(y + l1b_ref[...], 0.0)
        o_ref[...] = (jnp.dot(y, l2w_ref[...],
                              preferred_element_type=jnp.float32)
                      + l2b_ref[...])


_FINAL = pl.pallas_call(
    _final_body,
    grid=(_NBLK,),
    in_specs=[
        pl.BlockSpec((_BN, D0), lambda i: (i, 0)),
        pl.BlockSpec((NC, _BN, D0), lambda i: (0, i, 0)),
        pl.BlockSpec((1, 1, _BN), lambda i: (i, 0, 0)),
        pl.BlockSpec((1, 1, _BN), lambda i: (i, 0, 0)),
        pl.BlockSpec((H, H), lambda i: (0, 0)),
        pl.BlockSpec((1, H), lambda i: (0, 0)),
        pl.BlockSpec((H, H), lambda i: (0, 0)),
        pl.BlockSpec((1, H), lambda i: (0, 0)),
        pl.BlockSpec((H, H), lambda i: (0, 0)),
        pl.BlockSpec((1, H), lambda i: (0, 0)),
        pl.BlockSpec((H, C), lambda i: (0, 0)),
        pl.BlockSpec((1, C), lambda i: (0, 0)),
    ],
    out_specs=pl.BlockSpec((G, C), lambda i: (0, 0)),
    out_shape=jax.ShapeDtypeStruct((G, C), jnp.float32),
    scratch_shapes=[
        pltpu.VMEM((G, H), jnp.float32),
        pltpu.VMEM((G, 1), jnp.float32),
    ],
)


def kernel(x, edge_index, batch,
           gin0_W1, gin0_b1, gin0_W2, gin0_b2,
           gin1_W1, gin1_b1, gin1_W2, gin1_b2,
           gin2_W1, gin2_b1, gin2_W2, gin2_b2,
           lin1_W, lin1_b, lin2_W, lin2_b):
    pad_i = jnp.arange(NPAD, dtype=jnp.int32)
    src = jnp.concatenate([edge_index[0].astype(jnp.int32),
                           pad_i % N]).reshape(EROWS, CHUNK)
    dst = jnp.concatenate([edge_index[1].astype(jnp.int32),
                           N + (pad_i % NTRASH)]).reshape(EROWS, CHUNK)
    bi = batch.astype(jnp.int32).reshape(NP, 2)
    be = bi[:, 0].reshape(_NBLK, 1, _BN)
    bo = bi[:, 1].reshape(_NBLK, 1, _BN)

    a = _make_aggr0()(x[:, :H], x[:, H:], src, dst)
    h1 = _MLP0(a.reshape(NC, NP, D0), gin0_W1, gin0_b1.reshape(1, H),
               gin0_W2, gin0_b2.reshape(1, H))
    a = _make_aggr()(h1.reshape(N, H), src, dst)
    h2 = _MLP(h1, a.reshape(NC, NP, D0), gin1_W1, gin1_b1.reshape(1, H),
              gin1_W2, gin1_b2.reshape(1, H))
    a = _make_aggr()(h2.reshape(N, H), src, dst)
    out = _FINAL(h2, a.reshape(NC, NP, D0), be, bo,
                 gin2_W1, gin2_b1.reshape(1, H),
                 gin2_W2, gin2_b2.reshape(1, H),
                 lin1_W, lin1_b.reshape(1, H),
                 lin2_W, lin2_b.reshape(1, C))
    return out

# --- scband reference (transcript-rebuilt; emitter-appended) ---
"""Pipeline reference for scband-ginmodel-38749194945060 (READ-ONLY COPY).

The authoritative reference and input builder live on the scoring server;
editing this copy changes nothing except your own understanding.
"""

import jax, jax.numpy as jnp
import numpy as np

N = 10000
E = 320000
D = 128
H = 64
C = 2
G = 64


def setup_inputs(seed: int = 0) -> dict:
    key = jax.random.key(seed)
    ks = jax.random.split(key, 24)
    inp = {}
    inp["x"] = jax.random.normal(ks[0], (N, D), dtype=jnp.float32)
    inp["edge_index"] = jax.random.randint(ks[1], (2, E), 0, N)
    inp["batch"] = jnp.sort(jax.random.randint(ks[2], (N,), 0, G))
    # GIN layer MLP params (Linear stored as (in, out) so y = x @ W + b)
    dims = [(D, H), (H, H), (H, H)]
    ki = 3
    for li, (din, dout) in enumerate(dims):
        s1 = 1.0 / np.sqrt(din)
        s2 = 1.0 / np.sqrt(H)
        inp[f"gin{li}_W1"] = jax.random.uniform(ks[ki], (din, H), minval=-s1, maxval=s1, dtype=jnp.float32); ki += 1
        inp[f"gin{li}_b1"] = jax.random.uniform(ks[ki], (H,), minval=-s1, maxval=s1, dtype=jnp.float32); ki += 1
        inp[f"gin{li}_W2"] = jax.random.uniform(ks[ki], (H, H), minval=-s2, maxval=s2, dtype=jnp.float32); ki += 1
        inp[f"gin{li}_b2"] = jax.random.uniform(ks[ki], (H,), minval=-s2, maxval=s2, dtype=jnp.float32); ki += 1
    sh = 1.0 / np.sqrt(H)
    inp["lin1_W"] = jax.random.uniform(ks[ki], (H, H), minval=-sh, maxval=sh, dtype=jnp.float32); ki += 1
    inp["lin1_b"] = jax.random.uniform(ks[ki], (H,), minval=-sh, maxval=sh, dtype=jnp.float32); ki += 1
    inp["lin2_W"] = jax.random.uniform(ks[ki], (H, C), minval=-sh, maxval=sh, dtype=jnp.float32); ki += 1
    inp["lin2_b"] = jax.random.uniform(ks[ki], (C,), minval=-sh, maxval=sh, dtype=jnp.float32); ki += 1
    return inp


def _gin_conv(x, edge_index, W1, b1, W2, b2):
    # GINConv with eps=0: h_i = MLP((1+eps)*x_i + sum_{j->i} x_j)
    src = edge_index[0]
    dst = edge_index[1]
    msgs = jnp.take(x, src, axis=0)
    aggr = jnp.zeros_like(x).at[dst].add(msgs)
    h = x + aggr
    h = jax.nn.relu(h @ W1 + b1)
    h = h @ W2 + b2
    return h


def reference(x, edge_index, batch,
              gin0_W1, gin0_b1, gin0_W2, gin0_b2,
              gin1_W1, gin1_b1, gin1_W2, gin1_b2,
              gin2_W1, gin2_b1, gin2_W2, gin2_b2,
              lin1_W, lin1_b, lin2_W, lin2_b):
    layers = [
        (gin0_W1, gin0_b1, gin0_W2, gin0_b2),
        (gin1_W1, gin1_b1, gin1_W2, gin1_b2),
        (gin2_W1, gin2_b1, gin2_W2, gin2_b2),
    ]
    h = x
    for (W1, b1, W2, b2) in layers:
        h = _gin_conv(h, edge_index, W1, b1, W2, b2)
        h = jax.nn.relu(h)
        # dropout p=0.0 (eval) -> identity
    # global_mean_pool over graph ids in `batch`
    sums = jnp.zeros((G, h.shape[1]), dtype=h.dtype).at[batch].add(h)
    counts = jnp.zeros((G,), dtype=h.dtype).at[batch].add(1.0)
    pooled = sums / jnp.maximum(counts, 1.0)[:, None]
    h = jax.nn.relu(pooled @ lin1_W + lin1_b)
    out = h @ lin2_W + lin2_b
    return out

if __name__ == "__main__":
    import jax
    _d = setup_inputs()
    print(jax.jit(kernel)(*tuple(_d.values())))

</pallas_src>

<mosaic_0001>
#map = affine_map<(d0, d1) -> (0, 0)>
#map1 = affine_map<(d0, d1) -> (0, 0, 0)>
module attributes {stable_mosaic.version = 14 : i64} {
  func.func @aggr0(%arg0: i32, %arg1: i32, %arg2: memref<10000x64xf32, #tpu.memory_space<hbm>>, %arg3: memref<10000x64xf32, #tpu.memory_space<hbm>>, %arg4: memref<2560x128xi32, #tpu.memory_space<hbm>>, %arg5: memref<2560x128xi32, #tpu.memory_space<hbm>>, %arg6: memref<2x10000x64xf32, #tpu.memory_space<hbm>>, %arg7: memref<160x128xi32, #tpu.memory_space<vmem>>, %arg8: memref<160x128xi32, #tpu.memory_space<vmem>>, %arg9: memref<128x64xf32, #tpu.memory_space<vmem>>, %arg10: memref<128x64xf32, #tpu.memory_space<vmem>>, %arg11: memref<128x64xf32, #tpu.memory_space<vmem>>, %arg12: memref<128x64xf32, #tpu.memory_space<vmem>>, %arg13: memref<128x64xf32, #tpu.memory_space<vmem>>, %arg14: memref<10008x64xf32, #tpu.memory_space<vmem_shared>>, %arg15: memref<!tpu.dma_semaphore, #tpu.memory_space<semaphore_mem>>, %arg16: memref<!tpu.dma_semaphore, #tpu.memory_space<semaphore_mem>>, %arg17: memref<!tpu.dma_semaphore, #tpu.memory_space<semaphore_mem>>, %arg18: memref<!tpu.dma_semaphore, #tpu.memory_space<semaphore_mem>>, %arg19: memref<!tpu.dma_semaphore, #tpu.memory_space<semaphore_mem>>, %arg20: memref<!tpu.dma_semaphore, #tpu.memory_space<semaphore_mem>>, %arg21: memref<!tpu.dma_semaphore, #tpu.memory_space<semaphore_mem>>, %arg22: memref<!tpu.dma_semaphore, #tpu.memory_space<semaphore_mem>>, %arg23: memref<!tpu.dma_semaphore, #tpu.memory_space<semaphore_mem>>, %arg24: memref<!tpu.dma_semaphore, #tpu.memory_space<semaphore_mem>>) attributes {dimension_semantics = [#tpu.dimension_semantics<core_parallel>, #tpu.dimension_semantics<subcore_parallel>], iteration_bounds = array<i64: 2, 16>, scalar_prefetch = 0 : i64, scratch_operands = 18 : i64, tpu.core_type = #tpu.core_type<sc_vector_subcore>, window_params = [{transform_indices = #map}, {transform_indices = #map}, {transform_indices = #map}, {transform_indices = #map}, {transform_indices = #map1}]} {
    %mul3A = arith.constant 160 : i32
    %mul3A_0 = arith.muli %arg1, %mul3A : i32
    "tpu.region"() ({
      %run_scoped3A = tpu.sem_alloc : memref<!tpu.dma_semaphore, #tpu.memory_space<semaphore_mem>>
      %dma_start3A = arith.constant 0 : i32
      %dma_start3A_32 = tpu.memref_slice %arg4[%mul3A_0, %dma_start3A] : memref<2560x128xi32, #tpu.memory_space<hbm>> -> memref<160x128xi32, #tpu.memory_space<hbm>>
      %dma_start3A_33 = arith.constant 0 : i32
      %dma_start3A_34 = tpu.memref_slice %arg4[%mul3A_0, %dma_start3A_33] : memref<2560x128xi32, #tpu.memory_space<hbm>> -> memref<160x128xi32, #tpu.memory_space<hbm>>
      tpu.enqueue_dma source(%dma_start3A_34 : memref<160x128xi32, #tpu.memory_space<hbm>>) target(%arg7 : memref<160x128xi32, #tpu.memory_space<vmem>>) target_semaphore(%run_scoped3A : memref<!tpu.dma_semaphore, #tpu.memory_space<semaphore_mem>>)
      %dma_wait3A = arith.constant 0 : i32
      %dma_wait3A_35 = tpu.memref_slice %arg4[%mul3A_0, %dma_wait3A] : memref<2560x128xi32, #tpu.memory_space<hbm>> -> memref<160x128xi32, #tpu.memory_space<hbm>>
      %dma_wait3A_36 = arith.constant 0 : i32
      %dma_wait3A_37 = tpu.memref_slice %arg4[%mul3A_0, %dma_wait3A_36] : memref<2560x128xi32, #tpu.memory_space<hbm>> -> memref<160x128xi32, #tpu.memory_space<hbm>>
      tpu.wait_dma2 semaphore(%run_scoped3A : memref<!tpu.dma_semaphore, #tpu.memory_space<semaphore_mem>>) src(%dma_wait3A_37 : memref<160x128xi32, #tpu.memory_space<hbm>>) dst(%arg7 : memref<160x128xi32, #tpu.memory_space<vmem>>)
      tpu.yield
    }) : () -> ()
    %mul3A_1 = arith.constant 160 : i32
    %mul3A_2 = arith.muli %arg1, %mul3A_1 : i32
    "tpu.region"() ({
      %run_scoped3A = tpu.sem_alloc : memref<!tpu.dma_semaphore, #tpu.memory_space<semaphore_mem>>
      %dma_start3A = arith.constant 0 : i32
      %dma_start3A_32 = tpu.memref_slice %arg5[%mul3A_2, %dma_start3A] : memref<2560x128xi32, #tpu.memory_space<hbm>> -> memref<160x128xi32, #tpu.memory_space<hbm>>
      %dma_start3A_33 = arith.constant 0 : i32
      %dma_start3A_34 = tpu.memref_slice %arg5[%mul3A_2, %dma_start3A_33] : memref<2560x128xi32, #tpu.memory_space<hbm>> -> memref<160x128xi32, #tpu.memory_space<hbm>>
      tpu.enqueue_dma source(%dma_start3A_34 : memref<160x128xi32, #tpu.memory_space<hbm>>) target(%arg8 : memref<160x128xi32, #tpu.memory_space<vmem>>) target_semaphore(%run_scoped3A : memref<!tpu.dma_semaphore, #tpu.memory_space<semaphore_mem>>)
      %dma_wait3A = arith.constant 0 : i32
      %dma_wait3A_35 = tpu.memref_slice %arg5[%mul3A_2, %dma_wait3A] : memref<2560x128xi32, #tpu.memory_space<hbm>> -> memref<160x128xi32, #tpu.memory_space<hbm>>
      %dma_wait3A_36 = arith.constant 0 : i32
      %dma_wait3A_37 = tpu.memref_slice %arg5[%mul3A_2, %dma_wait3A_36] : memref<2560x128xi32, #tpu.memory_space<hbm>> -> memref<160x128xi32, #tpu.memory_space<hbm>>
      tpu.wait_dma2 semaphore(%run_scoped3A : memref<!tpu.dma_semaphore, #tpu.memory_space<semaphore_mem>>) src(%dma_wait3A_37 : memref<160x128xi32, #tpu.memory_space<hbm>>) dst(%arg8 : memref<160x128xi32, #tpu.memory_space<vmem>>)
      tpu.yield
    }) : () -> ()
    %eq3A = arith.constant 0 : i32
    %eq3A_3 = arith.cmpi eq, %arg0, %eq3A : i32
    %convert_element_type3A = arith.extui %eq3A_3 : i1 to i32
    %cond3A = arith.constant 0 : i32
    %cond3A_4 = arith.cmpi ne, %convert_element_type3A, %cond3A : i32
    scf.if %cond3A_4 {
      %mul3A_32 = arith.constant 624 : i32
      %mul3A_33 = arith.muli %arg1, %mul3A_32 : i32
      %lt3A_34 = arith.constant 15 : i32
      %lt3A_35 = arith.cmpi slt, %arg1, %lt3A_34 : i32
      %convert_element_type3A_36 = arith.extui %lt3A_35 : i1 to i32
      %cond3A_37 = arith.constant 0 : i32
      %cond3A_38 = arith.cmpi ne, %convert_element_type3A_36, %cond3A_37 : i32
      scf.if %cond3A_38 {
        "tpu.region"() ({
          %run_scoped3A = tpu.sem_alloc : memref<!tpu.dma_semaphore, #tpu.memory_space<semaphore_mem>>
          %dma_start3A = arith.constant 0 : i32
          %dma_start3A_44 = tpu.memref_slice %arg14[%mul3A_33, %dma_start3A] : memref<10008x64xf32, #tpu.memory_space<vmem_shared>> -> memref<624x64xf32, #tpu.memory_space<vmem_shared>>
          %dma_start3A_45 = arith.constant 0 : i32
          %dma_start3A_46 = tpu.memref_slice %arg2[%mul3A_33, %dma_start3A_45] : memref<10000x64xf32, #tpu.memory_space<hbm>> -> memref<624x64xf32, #tpu.memory_space<hbm>>
          tpu.enqueue_dma source(%dma_start3A_46 : memref<624x64xf32, #tpu.memory_space<hbm>>) target(%dma_start3A_44 : memref<624x64xf32, #tpu.memory_space<vmem_shared>>) target_semaphore(%run_scoped3A : memref<!tpu.dma_semaphore, #tpu.memory_space<semaphore_mem>>)
          %dma_wait3A = arith.constant 0 : i32
          %dma_wait3A_47 = tpu.memref_slice %arg14[%mul3A_33, %dma_wait3A] : memref<10008x64xf32, #tpu.memory_space<vmem_shared>> -> memref<624x64xf32, #tpu.memory_space<vmem_shared>>
          %dma_wait3A_48 = arith.constant 0 : i32
          %dma_wait3A_49 = tpu.memref_slice %arg2[%mul3A_33, %dma_wait3A_48] : memref<10000x64xf32, #tpu.memory_space<hbm>> -> memref<624x64xf32, #tpu.memory_space<hbm>>
          tpu.wait_dma2 semaphore(%run_scoped3A : memref<!tpu.dma_semaphore, #tpu.memory_space<semaphore_mem>>) src(%dma_wait3A_49 : memref<624x64xf32, #tpu.memory_space<hbm>>) dst(%dma_wait3A_47 : memref<624x64xf32, #tpu.memory_space<vmem_shared>>)
          tpu.yield
        }) : () -> ()
      } else {
      }
      %eq3A_39 = arith.constant 15 : i32
      %eq3A_40 = arith.cmpi eq, %arg1, %eq3A_39 : i32
      %convert_element_type3A_41 = arith.extui %eq3A_40 : i1 to i32
      %cond3A_42 = arith.constant 0 : i32
      %cond3A_43 = arith.cmpi ne, %convert_element_type3A_41, %cond3A_42 : i32
      scf.if %cond3A_43 {
        "tpu.region"() ({
          %run_scoped3A = tpu.sem_alloc : memref<!tpu.dma_semaphore, #tpu.memory_space<semaphore_mem>>
          %dma_start3A = arith.constant 9360 : i32
          %dma_start3A_44 = arith.constant 0 : i32
          %dma_start3A_45 = tpu.memref_slice %arg14[%dma_start3A, %dma_start3A_44] : memref<10008x64xf32, #tpu.memory_space<vmem_shared>> -> memref<640x64xf32, #tpu.memory_space<vmem_shared>>
          %dma_start3A_46 = arith.constant 9360 : i32
          %dma_start3A_47 = arith.constant 0 : i32
          %dma_start3A_48 = tpu.memref_slice %arg2[%dma_start3A_46, %dma_start3A_47] : memref<10000x64xf32, #tpu.memory_space<hbm>> -> memref<640x64xf32, #tpu.memory_space<hbm>>
          tpu.enqueue_dma source(%dma_start3A_48 : memref<640x64xf32, #tpu.memory_space<hbm>>) target(%dma_start3A_45 : memref<640x64xf32, #tpu.memory_space<vmem_shared>>) target_semaphore(%run_scoped3A : memref<!tpu.dma_semaphore, #tpu.memory_space<semaphore_mem>>)
          %dma_wait3A = arith.constant 9360 : i32
          %dma_wait3A_49 = arith.constant 0 : i32
          %dma_wait3A_50 = tpu.memref_slice %arg14[%dma_wait3A, %dma_wait3A_49] : memref<10008x64xf32, #tpu.memory_space<vmem_shared>> -> memref<640x64xf32, #tpu.memory_space<vmem_shared>>
          %dma_wait3A_51 = arith.constant 9360 : i32
          %dma_wait3A_52 = arith.constant 0 : i32
          %dma_wait3A_53 = tpu.memref_slice %arg2[%dma_wait3A_51, %dma_wait3A_52] : memref<10000x64xf32, #tpu.memory_space<hbm>> -> memref<640x64xf32, #tpu.memory_space<hbm>>
          tpu.wait_dma2 semaphore(%run_scoped3A : memref<!tpu.dma_semaphore, #tpu.memory_space<semaphore_mem>>) src(%dma_wait3A_53 : memref<640x64xf32, #tpu.memory_space<hbm>>) dst(%dma_wait3A_50 : memref<640x64xf32, #tpu.memory_space<vmem_shared>>)
          tpu.yield
        }) : () -> ()
      } else {
      }
    } else {
    }
    %eq3A_5 = arith.constant 1 : i32
    %eq3A_6 = arith.cmpi eq, %arg0, %eq3A_5 : i32
    %convert_element_type3A_7 = arith.extui %eq3A_6 : i1 to i32
    %cond3A_8 = arith.constant 0 : i32
    %cond3A_9 = arith.cmpi ne, %convert_element_type3A_7, %cond3A_8 : i32
    scf.if %cond3A_9 {
      %mul3A_32 = arith.constant 624 : i32
      %mul3A_33 = arith.muli %arg1, %mul3A_32 : i32
      %lt3A_34 = arith.constant 15 : i32
      %lt3A_35 = arith.cmpi slt, %arg1, %lt3A_34 : i32
      %convert_element_type3A_36 = arith.extui %lt3A_35 : i1 to i32
      %cond3A_37 = arith.constant 0 : i32
      %cond3A_38 = arith.cmpi ne, %convert_element_type3A_36, %cond3A_37 : i32
      scf.if %cond3A_38 {
        "tpu.region"() ({
          %run_scoped3A = tpu.sem_alloc : memref<!tpu.dma_semaphore, #tpu.memory_space<semaphore_mem>>
          %dma_start3A = arith.constant 0 : i32
          %dma_start3A_44 = tpu.memref_slice %arg14[%mul3A_33, %dma_start3A] : memref<10008x64xf32, #tpu.memory_space<vmem_shared>> -> memref<624x64xf32, #tpu.memory_space<vmem_shared>>
          %dma_start3A_45 = arith.constant 0 : i32
          %dma_start3A_46 = tpu.memref_slice %arg3[%mul3A_33, %dma_start3A_45] : memref<10000x64xf32, #tpu.memory_space<hbm>> -> memref<624x64xf32, #tpu.memory_space<hbm>>
          tpu.enqueue_dma source(%dma_start3A_46 : memref<624x64xf32, #tpu.memory_space<hbm>>) target(%dma_start3A_44 : memref<624x64xf32, #tpu.memory_space<vmem_shared>>) target_semaphore(%run_scoped3A : memref<!tpu.dma_semaphore, #tpu.memory_space<semaphore_mem>>)
          %dma_wait3A = arith.constant 0 : i32
          %dma_wait3A_47 = tpu.memref_slice %arg14[%mul3A_33, %dma_wait3A] : memref<10008x64xf32, #tpu.memory_space<vmem_shared>> -> memref<624x64xf32, #tpu.memory_space<vmem_shared>>
          %dma_wait3A_48 = arith.constant 0 : i32
          %dma_wait3A_49 = tpu.memref_slice %arg3[%mul3A_33, %dma_wait3A_48] : memref<10000x64xf32, #tpu.memory_space<hbm>> -> memref<624x64xf32, #tpu.memory_space<hbm>>
          tpu.wait_dma2 semaphore(%run_scoped3A : memref<!tpu.dma_semaphore, #tpu.memory_space<semaphore_mem>>) src(%dma_wait3A_49 : memref<624x64xf32, #tpu.memory_space<hbm>>) dst(%dma_wait3A_47 : memref<624x64xf32, #tpu.memory_space<vmem_shared>>)
          tpu.yield
        }) : () -> ()
      } else {
      }
      %eq3A_39 = arith.constant 15 : i32
      %eq3A_40 = arith.cmpi eq, %arg1, %eq3A_39 : i32
      %convert_element_type3A_41 = arith.extui %eq3A_40 : i1 to i32
      %cond3A_42 = arith.constant 0 : i32
      %cond3A_43 = arith.cmpi ne, %convert_element_type3A_41, %cond3A_42 : i32
      scf.if %cond3A_43 {
        "tpu.region"() ({
          %run_scoped3A = tpu.sem_alloc : memref<!tpu.dma_semaphore, #tpu.memory_space<semaphore_mem>>
          %dma_start3A = arith.constant 9360 : i32
          %dma_start3A_44 = arith.constant 0 : i32
          %dma_start3A_45 = tpu.memref_slice %arg14[%dma_start3A, %dma_start3A_44] : memref<10008x64xf32, #tpu.memory_space<vmem_shared>> -> memref<640x64xf32, #tpu.memory_space<vmem_shared>>
          %dma_start3A_46 = arith.constant 9360 : i32
          %dma_start3A_47 = arith.constant 0 : i32
          %dma_start3A_48 = tpu.memref_slice %arg3[%dma_start3A_46, %dma_start3A_47] : memref<10000x64xf32, #tpu.memory_space<hbm>> -> memref<640x64xf32, #tpu.memory_space<hbm>>
          tpu.enqueue_dma source(%dma_start3A_48 : memref<640x64xf32, #tpu.memory_space<hbm>>) target(%dma_start3A_45 : memref<640x64xf32, #tpu.memory_space<vmem_shared>>) target_semaphore(%run_scoped3A : memref<!tpu.dma_semaphore, #tpu.memory_space<semaphore_mem>>)
          %dma_wait3A = arith.constant 9360 : i32
          %dma_wait3A_49 = arith.constant 0 : i32
          %dma_wait3A_50 = tpu.memref_slice %arg14[%dma_wait3A, %dma_wait3A_49] : memref<10008x64xf32, #tpu.memory_space<vmem_shared>> -> memref<640x64xf32, #tpu.memory_space<vmem_shared>>
          %dma_wait3A_51 = arith.constant 9360 : i32
          %dma_wait3A_52 = arith.constant 0 : i32
          %dma_wait3A_53 = tpu.memref_slice %arg3[%dma_wait3A_51, %dma_wait3A_52] : memref<10000x64xf32, #tpu.memory_space<hbm>> -> memref<640x64xf32, #tpu.memory_space<hbm>>
          tpu.wait_dma2 semaphore(%run_scoped3A : memref<!tpu.dma_semaphore, #tpu.memory_space<semaphore_mem>>) src(%dma_wait3A_53 : memref<640x64xf32, #tpu.memory_space<hbm>>) dst(%dma_wait3A_50 : memref<640x64xf32, #tpu.memory_space<vmem_shared>>)
          tpu.yield
        }) : () -> ()
      } else {
      }
    } else {
    }
    %barrier3A = arith.constant 0 : index
    tpu.barrier barrier_id(%barrier3A)
    %eq3A_10 = arith.constant 0 : i32
    %eq3A_11 = arith.cmpi eq, %arg0, %eq3A_10 : i32
    %convert_element_type3A_12 = arith.extui %eq3A_11 : i1 to i32
    %cond3A_13 = arith.constant 0 : i32
    %cond3A_14 = arith.cmpi ne, %convert_element_type3A_12, %cond3A_13 : i32
    scf.if %cond3A_14 {
      %dma_start3A = arith.constant 0 : i32
      %dma_start3A_32 = arith.constant 0 : i32
      %dma_start3A_33 = tpu.memref_slice %arg7[%dma_start3A, %dma_start3A_32] : memref<160x128xi32, #tpu.memory_space<vmem>> -> memref<1x128xi32, #tpu.memory_space<vmem>>
      %dma_start3A_34 = tpu.memref_squeeze %dma_start3A_33 : memref<1x128xi32, #tpu.memory_space<vmem>> -> memref<128xi32, #tpu.memory_space<vmem>>
      %dma_start3A_35 = arith.constant 0 : i32
      %dma_start3A_36 = arith.constant 0 : i32
      %dma_start3A_37 = tpu.memref_slice %arg2[%dma_start3A_35, %dma_start3A_36] : memref<10000x64xf32, #tpu.memory_space<hbm>> -> memref<10000x64xf32, #tpu.memory_space<hbm>>
      tpu.enqueue_indirect_dma source(%dma_start3A_37 : memref<10000x64xf32, #tpu.memory_space<hbm>>) target(%arg9 : memref<128x64xf32, #tpu.memory_space<vmem>>) offsets(%dma_start3A_34 : memref<128xi32, #tpu.memory_space<vmem>>) semaphore(%arg15 : memref<!tpu.dma_semaphore, #tpu.memory_space<semaphore_mem>>)
      %dma_start3A_38 = arith.constant 1 : i32
      %dma_start3A_39 = arith.constant 0 : i32
      %dma_start3A_40 = tpu.memref_slice %arg7[%dma_start3A_38, %dma_start3A_39] : memref<160x128xi32, #tpu.memory_space<vmem>> -> memref<1x128xi32, #tpu.memory_space<vmem>>
      %dma_start3A_41 = tpu.memref_squeeze %dma_start3A_40 : memref<1x128xi32, #tpu.memory_space<vmem>> -> memref<128xi32, #tpu.memory_space<vmem>>
      %dma_start3A_42 = arith.constant 0 : i32
      %dma_start3A_43 = arith.constant 0 : i32
      %dma_start3A_44 = tpu.memref_slice %arg2[%dma_start3A_42, %dma_start3A_43] : memref<10000x64xf32, #tpu.memory_space<hbm>> -> memref<10000x64xf32, #tpu.memory_space<hbm>>
      tpu.enqueue_indirect_dma source(%dma_start3A_44 : memref<10000x64xf32, #tpu.memory_space<hbm>>) target(%arg10 : memref<128x64xf32, #tpu.memory_space<vmem>>) offsets(%dma_start3A_41 : memref<128xi32, #tpu.memory_space<vmem>>) semaphore(%arg16 : memref<!tpu.dma_semaphore, #tpu.memory_space<semaphore_mem>>)
      %dma_start3A_45 = arith.constant 2 : i32
      %dma_start3A_46 = arith.constant 0 : i32
      %dma_start3A_47 = tpu.memref_slice %arg7[%dma_start3A_45, %dma_start3A_46] : memref<160x128xi32, #tpu.memory_space<vmem>> -> memref<1x128xi32, #tpu.memory_space<vmem>>
      %dma_start3A_48 = tpu.memref_squeeze %dma_start3A_47 : memref<1x128xi32, #tpu.memory_space<vmem>> -> memref<128xi32, #tpu.memory_space<vmem>>
      %dma_start3A_49 = arith.constant 0 : i32
      %dma_start3A_50 = arith.constant 0 : i32
      %dma_start3A_51 = tpu.memref_slice %arg2[%dma_start3A_49, %dma_start3A_50] : memref<10000x64xf32, #tpu.memory_space<hbm>> -> memref<10000x64xf32, #tpu.memory_space<hbm>>
      tpu.enqueue_indirect_dma source(%dma_start3A_51 : memref<10000x64xf32, #tpu.memory_space<hbm>>) target(%arg11 : memref<128x64xf32, #tpu.memory_space<vmem>>) offsets(%dma_start3A_48 : memref<128xi32, #tpu.memory_space<vmem>>) semaphore(%arg17 : memref<!tpu.dma_semaphore, #tpu.memory_space<semaphore_mem>>)
      %dma_start3A_52 = arith.constant 3 : i32
      %dma_start3A_53 = arith.constant 0 : i32
      %dma_start3A_54 = tpu.memref_slice %arg7[%dma_start3A_52, %dma_start3A_53] : memref<160x128xi32, #tpu.memory_space<vmem>> -> memref<1x128xi32, #tpu.memory_space<vmem>>
      %dma_start3A_55 = tpu.memref_squeeze %dma_start3A_54 : memref<1x128xi32, #tpu.memory_space<vmem>> -> memref<128xi32, #tpu.memory_space<vmem>>
      %dma_start3A_56 = arith.constant 0 : i32
      %dma_start3A_57 = arith.constant 0 : i32
      %dma_start3A_58 = tpu.memref_slice %arg2[%dma_start3A_56, %dma_start3A_57] : memref<10000x64xf32, #tpu.memory_space<hbm>> -> memref<10000x64xf32, #tpu.memory_space<hbm>>
      tpu.enqueue_indirect_dma source(%dma_start3A_58 : memref<10000x64xf32, #tpu.memory_space<hbm>>) target(%arg12 : memref<128x64xf32, #tpu.memory_space<vmem>>) offsets(%dma_start3A_55 : memref<128xi32, #tpu.memory_space<vmem>>) semaphore(%arg18 : memref<!tpu.dma_semaphore, #tpu.memory_space<semaphore_mem>>)
      %dma_start3A_59 = arith.constant 4 : i32
      %dma_start3A_60 = arith.constant 0 : i32
      %dma_start3A_61 = tpu.memref_slice %arg7[%dma_start3A_59, %dma_start3A_60] : memref<160x128xi32, #tpu.memory_space<vmem>> -> memref<1x128xi32, #tpu.memory_space<vmem>>
      %dma_start3A_62 = tpu.memref_squeeze %dma_start3A_61 : memref<1x128xi32, #tpu.memory_space<vmem>> -> memref<128xi32, #tpu.memory_space<vmem>>
      %dma_start3A_63 = arith.constant 0 : i32
      %dma_start3A_64 = arith.constant 0 : i32
      %dma_start3A_65 = tpu.memref_slice %arg2[%dma_start3A_63, %dma_start3A_64] : memref<10000x64xf32, #tpu.memory_space<hbm>> -> memref<10000x64xf32, #tpu.memory_space<hbm>>
      tpu.enqueue_indirect_dma source(%dma_start3A_65 : memref<10000x64xf32, #tpu.memory_space<hbm>>) target(%arg13 : memref<128x64xf32, #tpu.memory_space<vmem>>) offsets(%dma_start3A_62 : memref<128xi32, #tpu.memory_space<vmem>>) semaphore(%arg19 : memref<!tpu.dma_semaphore, #tpu.memory_space<semaphore_mem>>)
      %scan3A = arith.constant 0 : i32
      %scan3A_66 = arith.constant 32 : i32
      %scan3A_67 = arith.addi %scan3A, %scan3A_66 : i32
      %scan3A_68 = arith.constant 1 : i32
      scf.for %scan3A_70 = %scan3A to %scan3A_67 step %scan3A_68  : i32 {
        %mul3A_71 = arith.constant 5 : i32
        %mul3A_72 = arith.muli %scan3A_70, %mul3A_71 : i32
        %add3A = arith.constant 0 : i32
        %add3A_73 = arith.addi %mul3A_72, %add3A : i32
        %dma_wait3A = arith.constant 0 : i32
        %dma_wait3A_74 = tpu.memref_slice %arg7[%add3A_73, %dma_wait3A] : memref<160x128xi32, #tpu.memory_space<vmem>> -> memref<1x128xi32, #tpu.memory_space<vmem>>
        %dma_wait3A_75 = tpu.memref_squeeze %dma_wait3A_74 : memref<1x128xi32, #tpu.memory_space<vmem>> -> memref<128xi32, #tpu.memory_space<vmem>>
        %dma_wait3A_76 = arith.constant 0 : i32
        %dma_wait3A_77 = arith.constant 0 : i32
        %dma_wait3A_78 = tpu.memref_slice %arg2[%dma_wait3A_76, %dma_wait3A_77] : memref<10000x64xf32, #tpu.memory_space<hbm>> -> memref<10000x64xf32, #tpu.memory_space<hbm>>
        tpu.wait_indirect_dma semaphore(%arg15 : memref<!tpu.dma_semaphore, #tpu.memory_space<semaphore_mem>>) src(%dma_wait3A_78 : memref<10000x64xf32, #tpu.memory_space<hbm>>) dst(%arg9 : memref<128x64xf32, #tpu.memory_space<vmem>>)
        %add3A_79 = arith.constant 0 : i32
        %add3A_80 = arith.addi %mul3A_72, %add3A_79 : i32
        %dma_start3A_81 = arith.constant 0 : i32
        %dma_start3A_82 = tpu.memref_slice %arg8[%add3A_80, %dma_start3A_81] : memref<160x128xi32, #tpu.memory_space<vmem>> -> memref<1x128xi32, #tpu.memory_space<vmem>>
        %dma_start3A_83 = tpu.memref_squeeze %dma_start3A_82 : memref<1x128xi32, #tpu.memory_space<vmem>> -> memref<128xi32, #tpu.memory_space<vmem>>
        %dma_start3A_84 = arith.constant 0 : i32
        %dma_start3A_85 = arith.constant 0 : i32
        %dma_start3A_86 = tpu.memref_slice %arg14[%dma_start3A_84, %dma_start3A_85] : memref<10008x64xf32, #tpu.memory_space<vmem_shared>> -> memref<10008x64xf32, #tpu.memory_space<vmem_shared>>
        tpu.enqueue_indirect_dma source(%arg9 : memref<128x64xf32, #tpu.memory_space<vmem>>) target(%dma_start3A_86 : memref<10008x64xf32, #tpu.memory_space<vmem_shared>>) offsets(%dma_start3A_83 : memref<128xi32, #tpu.memory_space<vmem>>) semaphore(%arg20 : memref<!tpu.dma_semaphore, #tpu.memory_space<semaphore_mem>>) {add = true}
        %add3A_87 = arith.constant 1 : i32
        %add3A_88 = arith.addi %mul3A_72, %add3A_87 : i32
        %dma_wait3A_89 = arith.constant 0 : i32
        %dma_wait3A_90 = tpu.memref_slice %arg7[%add3A_88, %dma_wait3A_89] : memref<160x128xi32, #tpu.memory_space<vmem>> -> memref<1x128xi32, #tpu.memory_space<vmem>>
        %dma_wait3A_91 = tpu.memref_squeeze %dma_wait3A_90 : memref<1x128xi32, #tpu.memory_space<vmem>> -> memref<128xi32, #tpu.memory_space<vmem>>
        %dma_wait3A_92 = arith.constant 0 : i32
        %dma_wait3A_93 = arith.constant 0 : i32
        %dma_wait3A_94 = tpu.memref_slice %arg2[%dma_wait3A_92, %dma_wait3A_93] : memref<10000x64xf32, #tpu.memory_space<hbm>> -> memref<10000x64xf32, #tpu.memory_space<hbm>>
        tpu.wait_indirect_dma semaphore(%arg16 : memref<!tpu.dma_semaphore, #tpu.memory_space<semaphore_mem>>) src(%dma_wait3A_94 : memref<10000x64xf32, #tpu.memory_space<hbm>>) dst(%arg10 : memref<128x64xf32, #tpu.memory_space<vmem>>)
        %add3A_95 = arith.constant 1 : i32
        %add3A_96 = arith.addi %mul3A_72, %add3A_95 : i32
        %dma_start3A_97 = arith.constant 0 : i32
        %dma_start3A_98 = tpu.memref_slice %arg8[%add3A_96, %dma_start3A_97] : memref<160x128xi32, #tpu.memory_space<vmem>> -> memref<1x128xi32, #tpu.memory_space<vmem>>
        %dma_start3A_99 = tpu.memref_squeeze %dma_start3A_98 : memref<1x128xi32, #tpu.memory_space<vmem>> -> memref<128xi32, #tpu.memory_space<vmem>>
        %dma_start3A_100 = arith.constant 0 : i32
        %dma_start3A_101 = arith.constant 0 : i32
        %dma_start3A_102 = tpu.memref_slice %arg14[%dma_start3A_100, %dma_start3A_101] : memref<10008x64xf32, #tpu.memory_space<vmem_shared>> -> memref<10008x64xf32, #tpu.memory_space<vmem_shared>>
        tpu.enqueue_indirect_dma source(%arg10 : memref<128x64xf32, #tpu.memory_space<vmem>>) target(%dma_start3A_102 : memref<10008x64xf32, #tpu.memory_space<vmem_shared>>) offsets(%dma_start3A_99 : memref<128xi32, #tpu.memory_space<vmem>>) semaphore(%arg21 : memref<!tpu.dma_semaphore, #tpu.memory_space<semaphore_mem>>) {add = true}
        %add3A_103 = arith.constant 2 : i32
        %add3A_104 = arith.addi %mul3A_72, %add3A_103 : i32
        %dma_wait3A_105 = arith.constant 0 : i32
        %dma_wait3A_106 = tpu.memref_slice %arg7[%add3A_104, %dma_wait3A_105] : memref<160x128xi32, #tpu.memory_space<vmem>> -> memref<1x128xi32, #tpu.memory_space<vmem>>
        %dma_wait3A_107 = tpu.memref_squeeze %dma_wait3A_106 : memref<1x128xi32, #tpu.memory_space<vmem>> -> memref<128xi32, #tpu.memory_space<vmem>>
        %dma_wait3A_108 = arith.constant 0 : i32
        %dma_wait3A_109 = arith.constant 0 : i32
        %dma_wait3A_110 = tpu.memref_slice %arg2[%dma_wait3A_108, %dma_wait3A_109] : memref<10000x64xf32, #tpu.memory_space<hbm>> -> memref<10000x64xf32, #tpu.memory_space<hbm>>
        tpu.wait_indirect_dma semaphore(%arg17 : memref<!tpu.dma_semaphore, #tpu.memory_space<semaphore_mem>>) src(%dma_wait3A_110 : memref<10000x64xf32, #tpu.memory_space<hbm>>) dst(%arg11 : memref<128x64xf32, #tpu.memory_space<vmem>>)
        %add3A_111 = arith.constant 2 : i32
        %add3A_112 = arith.addi %mul3A_72, %add3A_111 : i32
        %dma_start3A_113 = arith.constant 0 : i32
        %dma_start3A_114 = tpu.memref_slice %arg8[%add3A_112, %dma_start3A_113] : memref<160x128xi32, #tpu.memory_space<vmem>> -> memref<1x128xi32, #tpu.memory_space<vmem>>
        %dma_start3A_115 = tpu.memref_squeeze %dma_start3A_114 : memref<1x128xi32, #tpu.memory_space<vmem>> -> memref<128xi32, #tpu.memory_space<vmem>>
        %dma_start3A_116 = arith.constant 0 : i32
        %dma_start3A_117 = arith.constant 0 : i32
        %dma_start3A_118 = tpu.memref_slice %arg14[%dma_start3A_116, %dma_start3A_117] : memref<10008x64xf32, #tpu.memory_space<vmem_shared>> -> memref<10008x64xf32, #tpu.memory_space<vmem_shared>>
        tpu.enqueue_indirect_dma source(%arg11 : memref<128x64xf32, #tpu.memory_space<vmem>>) target(%dma_start3A_118 : memref<10008x64xf32, #tpu.memory_space<vmem_shared>>) offsets(%dma_start3A_115 : memref<128xi32, #tpu.memory_space<vmem>>) semaphore(%arg22 : memref<!tpu.dma_semaphore, #tpu.memory_space<semaphore_mem>>) {add = true}
        %add3A_119 = arith.constant 3 : i32
        %add3A_120 = arith.addi %mul3A_72, %add3A_119 : i32
        %dma_wait3A_121 = arith.constant 0 : i32
        %dma_wait3A_122 = tpu.memref_slice %arg7[%add3A_120, %dma_wait3A_121] : memref<160x128xi32, #tpu.memory_space<vmem>> -> memref<1x128xi32, #tpu.memory_space<vmem>>
        %dma_wait3A_123 = tpu.memref_squeeze %dma_wait3A_122 : memref<1x128xi32, #tpu.memory_space<vmem>> -> memref<128xi32, #tpu.memory_space<vmem>>
        %dma_wait3A_124 = arith.constant 0 : i32
        %dma_wait3A_125 = arith.constant 0 : i32
        %dma_wait3A_126 = tpu.memref_slice %arg2[%dma_wait3A_124, %dma_wait3A_125] : memref<10000x64xf32, #tpu.memory_space<hbm>> -> memref<10000x64xf32, #tpu.memory_space<hbm>>
        tpu.wait_indirect_dma semaphore(%arg18 : memref<!tpu.dma_semaphore, #tpu.memory_space<semaphore_mem>>) src(%dma_wait3A_126 : memref<10000x64xf32, #tpu.memory_space<hbm>>) dst(%arg12 : memref<128x64xf32, #tpu.memory_space<vmem>>)
        %add3A_127 = arith.constant 3 : i32
        %add3A_128 = arith.addi %mul3A_72, %add3A_127 : i32
        %dma_start3A_129 = arith.constant 0 : i32
        %dma_start3A_130 = tpu.memref_slice %arg8[%add3A_128, %dma_start3A_129] : memref<160x128xi32, #tpu.memory_space<vmem>> -> memref<1x128xi32, #tpu.memory_space<vmem>>
        %dma_start3A_131 = tpu.memref_squeeze %dma_start3A_130 : memref<1x128xi32, #tpu.memory_space<vmem>> -> memref<128xi32, #tpu.memory_space<vmem>>
        %dma_start3A_132 = arith.constant 0 : i32
        %dma_start3A_133 = arith.constant 0 : i32
        %dma_start3A_134 = tpu.memref_slice %arg14[%dma_start3A_132, %dma_start3A_133] : memref<10008x64xf32, #tpu.memory_space<vmem_shared>> -> memref<10008x64xf32, #tpu.memory_space<vmem_shared>>
        tpu.enqueue_indirect_dma source(%arg12 : memref<128x64xf32, #tpu.memory_space<vmem>>) target(%dma_start3A_134 : memref<10008x64xf32, #tpu.memory_space<vmem_shared>>) offsets(%dma_start3A_131 : memref<128xi32, #tpu.memory_space<vmem>>) semaphore(%arg23 : memref<!tpu.dma_semaphore, #tpu.memory_space<semaphore_mem>>) {add = true}
        %add3A_135 = arith.constant 4 : i32
        %add3A_136 = arith.addi %mul3A_72, %add3A_135 : i32
        %dma_wait3A_137 = arith.constant 0 : i32
        %dma_wait3A_138 = tpu.memref_slice %arg7[%add3A_136, %dma_wait3A_137] : memref<160x128xi32, #tpu.memory_space<vmem>> -> memref<1x128xi32, #tpu.memory_space<vmem>>
        %dma_wait3A_139 = tpu.memref_squeeze %dma_wait3A_138 : memref<1x128xi32, #tpu.memory_space<vmem>> -> memref<128xi32, #tpu.memory_space<vmem>>
        %dma_wait3A_140 = arith.constant 0 : i32
        %dma_wait3A_141 = arith.constant 0 : i32
        %dma_wait3A_142 = tpu.memref_slice %arg2[%dma_wait3A_140, %dma_wait3A_141] : memref<10000x64xf32, #tpu.memory_space<hbm>> -> memref<10000x64xf32, #tpu.memory_space<hbm>>
        tpu.wait_indirect_dma semaphore(%arg19 : memref<!tpu.dma_semaphore, #tpu.memory_space<semaphore_mem>>) src(%dma_wait3A_142 : memref<10000x64xf32, #tpu.memory_space<hbm>>) dst(%arg13 : memref<128x64xf32, #tpu.memory_space<vmem>>)
        %add3A_143 = arith.constant 4 : i32
        %add3A_144 = arith.addi %mul3A_72, %add3A_143 : i32
        %dma_start3A_145 = arith.constant 0 : i32
        %dma_start3A_146 = tpu.memref_slice %arg8[%add3A_144, %dma_start3A_145] : memref<160x128xi32, #tpu.memory_space<vmem>> -> memref<1x128xi32, #tpu.memory_space<vmem>>
        %dma_start3A_147 = tpu.memref_squeeze %dma_start3A_146 : memref<1x128xi32, #tpu.memory_space<vmem>> -> memref<128xi32, #tpu.memory_space<vmem>>
        %dma_start3A_148 = arith.constant 0 : i32
        %dma_start3A_149 = arith.constant 0 : i32
        %dma_start3A_150 = tpu.memref_slice %arg14[%dma_start3A_148, %dma_start3A_149] : memref<10008x64xf32, #tpu.memory_space<vmem_shared>> -> memref<10008x64xf32, #tpu.memory_space<vmem_shared>>
        tpu.enqueue_indirect_dma source(%arg13 : memref<128x64xf32, #tpu.memory_space<vmem>>) target(%dma_start3A_150 : memref<10008x64xf32, #tpu.memory_space<vmem_shared>>) offsets(%dma_start3A_147 : memref<128xi32, #tpu.memory_space<vmem>>) semaphore(%arg24 : memref<!tpu.dma_semaphore, #tpu.memory_space<semaphore_mem>>) {add = true}
        %add3A_151 = arith.constant 0 : i32
        %add3A_152 = arith.addi %mul3A_72, %add3A_151 : i32
        %dma_wait3A_153 = arith.constant 0 : i32
        %dma_wait3A_154 = tpu.memref_slice %arg8[%add3A_152, %dma_wait3A_153] : memref<160x128xi32, #tpu.memory_space<vmem>> -> memref<1x128xi32, #tpu.memory_space<vmem>>
        %dma_wait3A_155 = tpu.memref_squeeze %dma_wait3A_154 : memref<1x128xi32, #tpu.memory_space<vmem>> -> memref<128xi32, #tpu.memory_space<vmem>>
        %dma_wait3A_156 = arith.constant 0 : i32
        %dma_wait3A_157 = arith.constant 0 : i32
        %dma_wait3A_158 = tpu.memref_slice %arg14[%dma_wait3A_156, %dma_wait3A_157] : memref<10008x64xf32, #tpu.memory_space<vmem_shared>> -> memref<10008x64xf32, #tpu.memory_space<vmem_shared>>
        tpu.wait_indirect_dma semaphore(%arg20 : memref<!tpu.dma_semaphore, #tpu.memory_space<semaphore_mem>>) src(%arg9 : memref<128x64xf32, #tpu.memory_space<vmem>>) dst(%dma_wait3A_158 : memref<10008x64xf32, #tpu.memory_space<vmem_shared>>)
        %lt3A_159 = arith.constant 31 : i32
        %lt3A_160 = arith.cmpi slt, %scan3A_70, %lt3A_159 : i32
        %convert_element_type3A_161 = arith.extui %lt3A_160 : i1 to i32
        %cond3A_162 = arith.constant 0 : i32
        %cond3A_163 = arith.cmpi ne, %convert_element_type3A_161, %cond3A_162 : i32
        scf.if %cond3A_163 {
          %add3A_216 = arith.constant 5 : i32
          %add3A_217 = arith.addi %mul3A_72, %add3A_216 : i32
          %add3A_218 = arith.constant 0 : i32
          %add3A_219 = arith.addi %add3A_217, %add3A_218 : i32
          %dma_start3A_220 = arith.constant 0 : i32
          %dma_start3A_221 = tpu.memref_slice %arg7[%add3A_219, %dma_start3A_220] : memref<160x128xi32, #tpu.memory_space<vmem>> -> memref<1x128xi32, #tpu.memory_space<vmem>>
          %dma_start3A_222 = tpu.memref_squeeze %dma_start3A_221 : memref<1x128xi32, #tpu.memory_space<vmem>> -> memref<128xi32, #tpu.memory_space<vmem>>
          %dma_start3A_223 = arith.constant 0 : i32
          %dma_start3A_224 = arith.constant 0 : i32
          %dma_start3A_225 = tpu.memref_slice %arg2[%dma_start3A_223, %dma_start3A_224] : memref<10000x64xf32, #tpu.memory_space<hbm>> -> memref<10000x64xf32, #tpu.memory_space<hbm>>
          tpu.enqueue_indirect_dma source(%dma_start3A_225 : memref<10000x64xf32, #tpu.memory_space<hbm>>) target(%arg9 : memref<128x64xf32, #tpu.memory_space<vmem>>) offsets(%dma_start3A_222 : memref<128xi32, #tpu.memory_space<vmem>>) semaphore(%arg15 : memref<!tpu.dma_semaphore, #tpu.memory_space<semaphore_mem>>)
        } else {
        }
        %add3A_164 = arith.constant 1 : i32
        %add3A_165 = arith.addi %mul3A_72, %add3A_164 : i32
        %dma_wait3A_166 = arith.constant 0 : i32
        %dma_wait3A_167 = tpu.memref_slice %arg8[%add3A_165, %dma_wait3A_166] : memref<160x128xi32, #tpu.memory_space<vmem>> -> memref<1x128xi32, #tpu.memory_space<vmem>>
        %dma_wait3A_168 = tpu.memref_squeeze %dma_wait3A_167 : memref<1x128xi32, #tpu.memory_space<vmem>> -> memref<128xi32, #tpu.memory_space<vmem>>
        %dma_wait3A_169 = arith.constant 0 : i32
        %dma_wait3A_170 = arith.constant 0 : i32
        %dma_wait3A_171 = tpu.memref_slice %arg14[%dma_wait3A_169, %dma_wait3A_170] : memref<10008x64xf32, #tpu.memory_space<vmem_shared>> -> memref<10008x64xf32, #tpu.memory_space<vmem_shared>>
        tpu.wait_indirect_dma semaphore(%arg21 : memref<!tpu.dma_semaphore, #tpu.memory_space<semaphore_mem>>) src(%arg10 : memref<128x64xf32, #tpu.memory_space<vmem>>) dst(%dma_wait3A_171 : memref<10008x64xf32, #tpu.memory_space<vmem_shared>>)
        %lt3A_172 = arith.constant 31 : i32
        %lt3A_173 = arith.cmpi slt, %scan3A_70, %lt3A_172 : i32
        %convert_element_type3A_174 = arith.extui %lt3A_173 : i1 to i32
        %cond3A_175 = arith.constant 0 : i32
        %cond3A_176 = arith.cmpi ne, %convert_element_type3A_174, %cond3A_175 : i32
        scf.if %cond3A_176 {
          %add3A_216 = arith.constant 5 : i32
          %add3A_217 = arith.addi %mul3A_72, %add3A_216 : i32
          %add3A_218 = arith.constant 1 : i32
          %add3A_219 = arith.addi %add3A_217, %add3A_218 : i32
          %dma_start3A_220 = arith.constant 0 : i32
          %dma_start3A_221 = tpu.memref_slice %arg7[%add3A_219, %dma_start3A_220] : memref<160x128xi32, #tpu.memory_space<vmem>> -> memref<1x128xi32, #tpu.memory_space<vmem>>
          %dma_start3A_222 = tpu.memref_squeeze %dma_start3A_221 : memref<1x128xi32, #tpu.memory_space<vmem>> -> memref<128xi32, #tpu.memory_space<vmem>>
          %dma_start3A_223 = arith.constant 0 : i32
          %dma_start3A_224 = arith.constant 0 : i32
          %dma_start3A_225 = tpu.memref_slice %arg2[%dma_start3A_223, %dma_start3A_224] : memref<10000x64xf32, #tpu.memory_space<hbm>> -> memref<10000x64xf32, #tpu.memory_space<hbm>>
          tpu.enqueue_indirect_dma source(%dma_start3A_225 : memref<10000x64xf32, #tpu.memory_space<hbm>>) target(%arg10 : memref<128x64xf32, #tpu.memory_space<vmem>>) offsets(%dma_start3A_222 : memref<128xi32, #tpu.memory_space<vmem>>) semaphore(%arg16 : memref<!tpu.dma_semaphore, #tpu.memory_space<semaphore_mem>>)
        } else {
        }
        %add3A_177 = arith.constant 2 : i32
        %add3A_178 = arith.addi %mul3A_72, %add3A_177 : i32
        %dma_wait3A_179 = arith.constant 0 : i32
        %dma_wait3A_180 = tpu.memref_slice %arg8[%add3A_178, %dma_wait3A_179] : memref<160x128xi32, #tpu.memory_space<vmem>> -> memref<1x128xi32, #tpu.memory_space<vmem>>
        %dma_wait3A_181 = tpu.memref_squeeze %dma_wait3A_180 : memref<1x128xi32, #tpu.memory_space<vmem>> -> memref<128xi32, #tpu.memory_space<vmem>>
        %dma_wait3A_182 = arith.constant 0 : i32
        %dma_wait3A_183 = arith.constant 0 : i32
        %dma_wait3A_184 = tpu.memref_slice %arg14[%dma_wait3A_182, %dma_wait3A_183] : memref<10008x64xf32, #tpu.memory_space<vmem_shared>> -> memref<10008x64xf32, #tpu.memory_space<vmem_shared>>
        tpu.wait_indirect_dma semaphore(%arg22 : memref<!tpu.dma_semaphore, #tpu.memory_space<semaphore_mem>>) src(%arg11 : memref<128x64xf32, #tpu.memory_space<vmem>>) dst(%dma_wait3A_184 : memref<10008x64xf32, #tpu.memory_space<vmem_shared>>)
        %lt3A_185 = arith.constant 31 : i32
        %lt3A_186 = arith.cmpi slt, %scan3A_70, %lt3A_185 : i32
        %convert_element_type3A_187 = arith.extui %lt3A_186 : i1 to i32
        %cond3A_188 = arith.constant 0 : i32
        %cond3A_189 = arith.cmpi ne, %convert_element_type3A_187, %cond3A_188 : i32
        scf.if %cond3A_189 {
          %add3A_216 = arith.constant 5 : i32
          %add3A_217 = arith.addi %mul3A_72, %add3A_216 : i32
          %add3A_218 = arith.constant 2 : i32
          %add3A_219 = arith.addi %add3A_217, %add3A_218 : i32
          %dma_start3A_220 = arith.constant 0 : i32
          %dma_start3A_221 = tpu.memref_slice %arg7[%add3A_219, %dma_start3A_220] : memref<160x128xi32, #tpu.memory_space<vmem>> -> memref<1x128xi32, #tpu.memory_space<vmem>>
          %dma_start3A_222 = tpu.memref_squeeze %dma_start3A_221 : memref<1x128xi32, #tpu.memory_space<vmem>> -> memref<128xi32, #tpu.memory_space<vmem>>
          %dma_start3A_223 = arith.constant 0 : i32
          %dma_start3A_224 = arith.constant 0 : i32
          %dma_start3A_225 = tpu.memref_slice %arg2[%dma_start3A_223, %dma_start3A_224] : memref<10000x64xf32, #tpu.memory_space<hbm>> -> memref<10000x64xf32, #tpu.memory_space<hbm>>
          tpu.enqueue_indirect_dma source(%dma_start3A_225 : memref<10000x64xf32, #tpu.memory_space<hbm>>) target(%arg11 : memref<128x64xf32, #tpu.memory_space<vmem>>) offsets(%dma_start3A_222 : memref<128xi32, #tpu.memory_space<vmem>>) semaphore(%arg17 : memref<!tpu.dma_semaphore, #tpu.memory_space<semaphore_mem>>)
        } else {
        }
        %add3A_190 = arith.constant 3 : i32
        %add3A_191 = arith.addi %mul3A_72, %add3A_190 : i32
        %dma_wait3A_192 = arith.constant 0 : i32
        %dma_wait3A_193 = tpu.memref_slice %arg8[%add3A_191, %dma_wait3A_192] : memref<160x128xi32, #tpu.memory_space<vmem>> -> memref<1x128xi32, #tpu.memory_space<vmem>>
        %dma_wait3A_194 = tpu.memref_squeeze %dma_wait3A_193 : memref<1x128xi32, #tpu.memory_space<vmem>> -> memref<128xi32, #tpu.memory_space<vmem>>
        %dma_wait3A_195 = arith.constant 0 : i32
        %dma_wait3A_196 = arith.constant 0 : i32
        %dma_wait3A_197 = tpu.memref_slice %arg14[%dma_wait3A_195, %dma_wait3A_196] : memref<10008x64xf32, #tpu.memory_space<vmem_shared>> -> memref<10008x64xf32, #tpu.memory_space<vmem_shared>>
        tpu.wait_indirect_dma semaphore(%arg23 : memref<!tpu.dma_semaphore, #tpu.memory_space<semaphore_mem>>) src(%arg12 : memref<128x64xf32, #tpu.memory_space<vmem>>) dst(%dma_wait3A_197 : memref<10008x64xf32, #tpu.memory_space<vmem_shared>>)
        %lt3A_198 = arith.constant 31 : i32
        %lt3A_199 = arith.cmpi slt, %scan3A_70, %lt3A_198 : i32
        %convert_element_type3A_200 = arith.extui %lt3A_199 : i1 to i32
        %cond3A_201 = arith.constant 0 : i32
        %cond3A_202 = arith.cmpi ne, %convert_element_type3A_200, %cond3A_201 : i32
        scf.if %cond3A_202 {
          %add3A_216 = arith.constant 5 : i32
          %add3A_217 = arith.addi %mul3A_72, %add3A_216 : i32
          %add3A_218 = arith.constant 3 : i32
          %add3A_219 = arith.addi %add3A_217, %add3A_218 : i32
          %dma_start3A_220 = arith.constant 0 : i32
          %dma_start3A_221 = tpu.memref_slice %arg7[%add3A_219, %dma_start3A_220] : memref<160x128xi32, #tpu.memory_space<vmem>> -> memref<1x128xi32, #tpu.memory_space<vmem>>
          %dma_start3A_222 = tpu.memref_squeeze %dma_start3A_221 : memref<1x128xi32, #tpu.memory_space<vmem>> -> memref<128xi32, #tpu.memory_space<vmem>>
          %dma_start3A_223 = arith.constant 0 : i32
          %dma_start3A_224 = arith.constant 0 : i32
          %dma_start3A_225 = tpu.memref_slice %arg2[%dma_start3A_223, %dma_start3A_224] : memref<10000x64xf32, #tpu.memory_space<hbm>> -> memref<10000x64xf32, #tpu.memory_space<hbm>>
          tpu.enqueue_indirect_dma source(%dma_start3A_225 : memref<10000x64xf32, #tpu.memory_space<hbm>>) target(%arg12 : memref<128x64xf32, #tpu.memory_space<vmem>>) offsets(%dma_start3A_222 : memref<128xi32, #tpu.memory_space<vmem>>) semaphore(%arg18 : memref<!tpu.dma_semaphore, #tpu.memory_space<semaphore_mem>>)
        } else {
        }
        %add3A_203 = arith.constant 4 : i32
        %add3A_204 = arith.addi %mul3A_72, %add3A_203 : i32
        %dma_wait3A_205 = arith.constant 0 : i32
        %dma_wait3A_206 = tpu.memref_slice %arg8[%add3A_204, %dma_wait3A_205] : memref<160x128xi32, #tpu.memory_space<vmem>> -> memref<1x128xi32, #tpu.memory_space<vmem>>
        %dma_wait3A_207 = tpu.memref_squeeze %dma_wait3A_206 : memref<1x128xi32, #tpu.memory_space<vmem>> -> memref<128xi32, #tpu.memory_space<vmem>>
        %dma_wait3A_208 = arith.constant 0 : i32
        %dma_wait3A_209 = arith.constant 0 : i32
        %dma_wait3A_210 = tpu.memref_slice %arg14[%dma_wait3A_208, %dma_wait3A_209] : memref<10008x64xf32, #tpu.memory_space<vmem_shared>> -> memref<10008x64xf32, #tpu.memory_space<vmem_shared>>
        tpu.wait_indirect_dma semaphore(%arg24 : memref<!tpu.dma_semaphore, #tpu.memory_space<semaphore_mem>>) src(%arg13 : memref<128x64xf32, #tpu.memory_space<vmem>>) dst(%dma_wait3A_210 : memref<10008x64xf32, #tpu.memory_space<vmem_shared>>)
        %lt3A_211 = arith.constant 31 : i32
        %lt3A_212 = arith.cmpi slt, %scan3A_70, %lt3A_211 : i32
        %convert_element_type3A_213 = arith.extui %lt3A_212 : i1 to i32
        %cond3A_214 = arith.constant 0 : i32
        %cond3A_215 = arith.cmpi ne, %convert_element_type3A_213, %cond3A_214 : i32
        scf.if %cond3A_215 {
          %add3A_216 = arith.constant 5 : i32
          %add3A_217 = arith.addi %mul3A_72, %add3A_216 : i32
          %add3A_218 = arith.constant 4 : i32
          %add3A_219 = arith.addi %add3A_217, %add3A_218 : i32
          %dma_start3A_220 = arith.constant 0 : i32
          %dma_start3A_221 = tpu.memref_slice %arg7[%add3A_219, %dma_start3A_220] : memref<160x128xi32, #tpu.memory_space<vmem>> -> memref<1x128xi32, #tpu.memory_space<vmem>>
          %dma_start3A_222 = tpu.memref_squeeze %dma_start3A_221 : memref<1x128xi32, #tpu.memory_space<vmem>> -> memref<128xi32, #tpu.memory_space<vmem>>
          %dma_start3A_223 = arith.constant 0 : i32
          %dma_start3A_224 = arith.constant 0 : i32
          %dma_start3A_225 = tpu.memref_slice %arg2[%dma_start3A_223, %dma_start3A_224] : memref<10000x64xf32, #tpu.memory_space<hbm>> -> memref<10000x64xf32, #tpu.memory_space<hbm>>
          tpu.enqueue_indirect_dma source(%dma_start3A_225 : memref<10000x64xf32, #tpu.memory_space<hbm>>) target(%arg13 : memref<128x64xf32, #tpu.memory_space<vmem>>) offsets(%dma_start3A_222 : memref<128xi32, #tpu.memory_space<vmem>>) semaphore(%arg19 : memref<!tpu.dma_semaphore, #tpu.memory_space<semaphore_mem>>)
        } else {
        }
      }
      %scan3A_69 = arith.constant 32 : i32
    } else {
    }
    %eq3A_15 = arith.constant 1 : i32
    %eq3A_16 = arith.cmpi eq, %arg0, %eq3A_15 : i32
    %convert_element_type3A_17 = arith.extui %eq3A_16 : i1 to i32
    %cond3A_18 = arith.constant 0 : i32
    %cond3A_19 = arith.cmpi ne, %convert_element_type3A_17, %cond3A_18 : i32
    scf.if %cond3A_19 {
      %dma_start3A = arith.constant 0 : i32
      %dma_start3A_32 = arith.constant 0 : i32
      %dma_start3A_33 = tpu.memref_slice %arg7[%dma_start3A, %dma_start3A_32] : memref<160x128xi32, #tpu.memory_space<vmem>> -> memref<1x128xi32, #tpu.memory_space<vmem>>
      %dma_start3A_34 = tpu.memref_squeeze %dma_start3A_33 : memref<1x128xi32, #tpu.memory_space<vmem>> -> memref<128xi32, #tpu.memory_space<vmem>>
      %dma_start3A_35 = arith.constant 0 : i32
      %dma_start3A_36 = arith.constant 0 : i32
      %dma_start3A_37 = tpu.memref_slice %arg3[%dma_start3A_35, %dma_start3A_36] : memref<10000x64xf32, #tpu.memory_space<hbm>> -> memref<10000x64xf32, #tpu.memory_space<hbm>>
      tpu.enqueue_indirect_dma source(%dma_start3A_37 : memref<10000x64xf32, #tpu.memory_space<hbm>>) target(%arg9 : memref<128x64xf32, #tpu.memory_space<vmem>>) offsets(%dma_start3A_34 : memref<128xi32, #tpu.memory_space<vmem>>) semaphore(%arg15 : memref<!tpu.dma_semaphore, #tpu.memory_space<semaphore_mem>>)
      %dma_start3A_38 = arith.constant 1 : i32
      %dma_start3A_39 = arith.constant 0 : i32
      %dma_start3A_40 = tpu.memref_slice %arg7[%dma_start3A_38, %dma_start3A_39] : memref<160x128xi32, #tpu.memory_space<vmem>> -> memref<1x128xi32, #tpu.memory_space<vmem>>
      %dma_start3A_41 = tpu.memref_squeeze %dma_start3A_40 : memref<1x128xi32, #tpu.memory_space<vmem>> -> memref<128xi32, #tpu.memory_space<vmem>>
      %dma_start3A_42 = arith.constant 0 : i32
      %dma_start3A_43 = arith.constant 0 : i32
      %dma_start3A_44 = tpu.memref_slice %arg3[%dma_start3A_42, %dma_start3A_43] : memref<10000x64xf32, #tpu.memory_space<hbm>> -> memref<10000x64xf32, #tpu.memory_space<hbm>>
      tpu.enqueue_indirect_dma source(%dma_start3A_44 : memref<10000x64xf32, #tpu.memory_space<hbm>>) target(%arg10 : memref<128x64xf32, #tpu.memory_space<vmem>>) offsets(%dma_start3A_41 : memref<128xi32, #tpu.memory_space<vmem>>) semaphore(%arg16 : memref<!tpu.dma_semaphore, #tpu.memory_space<semaphore_mem>>)
      %dma_start3A_45 = arith.constant 2 : i32
      %dma_start3A_46 = arith.constant 0 : i32
      %dma_start3A_47 = tpu.memref_slice %arg7[%dma_start3A_45, %dma_start3A_46] : memref<160x128xi32, #tpu.memory_space<vmem>> -> memref<1x128xi32, #tpu.memory_space<vmem>>
      %dma_start3A_48 = tpu.memref_squeeze %dma_start3A_47 : memref<1x128xi32, #tpu.memory_space<vmem>> -> memref<128xi32, #tpu.memory_space<vmem>>
      %dma_start3A_49 = arith.constant 0 : i32
      %dma_start3A_50 = arith.constant 0 : i32
      %dma_start3A_51 = tpu.memref_slice %arg3[%dma_start3A_49, %dma_start3A_50] : memref<10000x64xf32, #tpu.memory_space<hbm>> -> memref<10000x64xf32, #tpu.memory_space<hbm>>
      tpu.enqueue_indirect_dma source(%dma_start3A_51 : memref<10000x64xf32, #tpu.memory_space<hbm>>) target(%arg11 : memref<128x64xf32, #tpu.memory_space<vmem>>) offsets(%dma_start3A_48 : memref<128xi32, #tpu.memory_space<vmem>>) semaphore(%arg17 : memref<!tpu.dma_semaphore, #tpu.memory_space<semaphore_mem>>)
      %dma_start3A_52 = arith.constant 3 : i32
      %dma_start3A_53 = arith.constant 0 : i32
      %dma_start3A_54 = tpu.memref_slice %arg7[%dma_start3A_52, %dma_start3A_53] : memref<160x128xi32, #tpu.memory_space<vmem>> -> memref<1x128xi32, #tpu.memory_space<vmem>>
      %dma_start3A_55 = tpu.memref_squeeze %dma_start3A_54 : memref<1x128xi32, #tpu.memory_space<vmem>> -> memref<128xi32, #tpu.memory_space<vmem>>
      %dma_start3A_56 = arith.constant 0 : i32
      %dma_start3A_57 = arith.constant 0 : i32
      %dma_start3A_58 = tpu.memref_slice %arg3[%dma_start3A_56, %dma_start3A_57] : memref<10000x64xf32, #tpu.memory_space<hbm>> -> memref<10000x64xf32, #tpu.memory_space<hbm>>
      tpu.enqueue_indirect_dma source(%dma_start3A_58 : memref<10000x64xf32, #tpu.memory_space<hbm>>) target(%arg12 : memref<128x64xf32, #tpu.memory_space<vmem>>) offsets(%dma_start3A_55 : memref<128xi32, #tpu.memory_space<vmem>>) semaphore(%arg18 : memref<!tpu.dma_semaphore, #tpu.memory_space<semaphore_mem>>)
      %dma_start3A_59 = arith.constant 4 : i32
      %dma_start3A_60 = arith.constant 0 : i32
      %dma_start3A_61 = tpu.memref_slice %arg7[%dma_start3A_59, %dma_start3A_60] : memref<160x128xi32, #tpu.memory_space<vmem>> -> memref<1x128xi32, #tpu.memory_space<vmem>>
      %dma_start3A_62 = tpu.memref_squeeze %dma_start3A_61 : memref<1x128xi32, #tpu.memory_space<vmem>> -> memref<128xi32, #tpu.memory_space<vmem>>
      %dma_start3A_63 = arith.constant 0 : i32
      %dma_start3A_64 = arith.constant 0 : i32
      %dma_start3A_65 = tpu.memref_slice %arg3[%dma_start3A_63, %dma_start3A_64] : memref<10000x64xf32, #tpu.memory_space<hbm>> -> memref<10000x64xf32, #tpu.memory_space<hbm>>
      tpu.enqueue_indirect_dma source(%dma_start3A_65 : memref<10000x64xf32, #tpu.memory_space<hbm>>) target(%arg13 : memref<128x64xf32, #tpu.memory_space<vmem>>) offsets(%dma_start3A_62 : memref<128xi32, #tpu.memory_space<vmem>>) semaphore(%arg19 : memref<!tpu.dma_semaphore, #tpu.memory_space<semaphore_mem>>)
      %scan3A = arith.constant 0 : i32
      %scan3A_66 = arith.constant 32 : i32
      %scan3A_67 = arith.addi %scan3A, %scan3A_66 : i32
      %scan3A_68 = arith.constant 1 : i32
      scf.for %scan3A_70 = %scan3A to %scan3A_67 step %scan3A_68  : i32 {
        %mul3A_71 = arith.constant 5 : i32
        %mul3A_72 = arith.muli %scan3A_70, %mul3A_71 : i32
        %add3A = arith.constant 0 : i32
        %add3A_73 = arith.addi %mul3A_72, %add3A : i32
        %dma_wait3A = arith.constant 0 : i32
        %dma_wait3A_74 = tpu.memref_slice %arg7[%add3A_73, %dma_wait3A] : memref<160x128xi32, #tpu.memory_space<vmem>> -> memref<1x128xi32, #tpu.memory_space<vmem>>
        %dma_wait3A_75 = tpu.memref_squeeze %dma_wait3A_74 : memref<1x128xi32, #tpu.memory_space<vmem>> -> memref<128xi32, #tpu.memory_space<vmem>>
        %dma_wait3A_76 = arith.constant 0 : i32
        %dma_wait3A_77 = arith.constant 0 : i32
        %dma_wait3A_78 = tpu.memref_slice %arg3[%dma_wait3A_76, %dma_wait3A_77] : memref<10000x64xf32, #tpu.memory_space<hbm>> -> memref<10000x64xf32, #tpu.memory_space<hbm>>
        tpu.wait_indirect_dma semaphore(%arg15 : memref<!tpu.dma_semaphore, #tpu.memory_space<semaphore_mem>>) src(%dma_wait3A_78 : memref<10000x64xf32, #tpu.memory_space<hbm>>) dst(%arg9 : memref<128x64xf32, #tpu.memory_space<vmem>>)
        %add3A_79 = arith.constant 0 : i32
        %add3A_80 = arith.addi %mul3A_72, %add3A_79 : i32
        %dma_start3A_81 = arith.constant 0 : i32
        %dma_start3A_82 = tpu.memref_slice %arg8[%add3A_80, %dma_start3A_81] : memref<160x128xi32, #tpu.memory_space<vmem>> -> memref<1x128xi32, #tpu.memory_space<vmem>>
        %dma_start3A_83 = tpu.memref_squeeze %dma_start3A_82 : memref<1x128xi32, #tpu.memory_space<vmem>> -> memref<128xi32, #tpu.memory_space<vmem>>
        %dma_start3A_84 = arith.constant 0 : i32
        %dma_start3A_85 = arith.constant 0 : i32
        %dma_start3A_86 = tpu.memref_slice %arg14[%dma_start3A_84, %dma_start3A_85] : memref<10008x64xf32, #tpu.memory_space<vmem_shared>> -> memref<10008x64xf32, #tpu.memory_space<vmem_shared>>
        tpu.enqueue_indirect_dma source(%arg9 : memref<128x64xf32, #tpu.memory_space<vmem>>) target(%dma_start3A_86 : memref<10008x64xf32, #tpu.memory_space<vmem_shared>>) offsets(%dma_start3A_83 : memref<128xi32, #tpu.memory_space<vmem>>) semaphore(%arg20 : memref<!tpu.dma_semaphore, #tpu.memory_space<semaphore_mem>>) {add = true}
        %add3A_87 = arith.constant 1 : i32
        %add3A_88 = arith.addi %mul3A_72, %add3A_87 : i32
        %dma_wait3A_89 = arith.constant 0 : i32
        %dma_wait3A_90 = tpu.memref_slice %arg7[%add3A_88, %dma_wait3A_89] : memref<160x128xi32, #tpu.memory_space<vmem>> -> memref<1x128xi32, #tpu.memory_space<vmem>>
        %dma_wait3A_91 = tpu.memref_squeeze %dma_wait3A_90 : memref<1x128xi32, #tpu.memory_space<vmem>> -> memref<128xi32, #tpu.memory_space<vmem>>
        %dma_wait3A_92 = arith.constant 0 : i32
        %dma_wait3A_93 = arith.constant 0 : i32
        %dma_wait3A_94 = tpu.memref_slice %arg3[%dma_wait3A_92, %dma_wait3A_93] : memref<10000x64xf32, #tpu.memory_space<hbm>> -> memref<10000x64xf32, #tpu.memory_space<hbm>>
        tpu.wait_indirect_dma semaphore(%arg16 : memref<!tpu.dma_semaphore, #tpu.memory_space<semaphore_mem>>) src(%dma_wait3A_94 : memref<10000x64xf32, #tpu.memory_space<hbm>>) dst(%arg10 : memref<128x64xf32, #tpu.memory_space<vmem>>)
        %add3A_95 = arith.constant 1 : i32
        %add3A_96 = arith.addi %mul3A_72, %add3A_95 : i32
        %dma_start3A_97 = arith.constant 0 : i32
        %dma_start3A_98 = tpu.memref_slice %arg8[%add3A_96, %dma_start3A_97] : memref<160x128xi32, #tpu.memory_space<vmem>> -> memref<1x128xi32, #tpu.memory_space<vmem>>
        %dma_start3A_99 = tpu.memref_squeeze %dma_start3A_98 : memref<1x128xi32, #tpu.memory_space<vmem>> -> memref<128xi32, #tpu.memory_space<vmem>>
        %dma_start3A_100 = arith.constant 0 : i32
        %dma_start3A_101 = arith.constant 0 : i32
        %dma_start3A_102 = tpu.memref_slice %arg14[%dma_start3A_100, %dma_start3A_101] : memref<10008x64xf32, #tpu.memory_space<vmem_shared>> -> memref<10008x64xf32, #tpu.memory_space<vmem_shared>>
        tpu.enqueue_indirect_dma source(%arg10 : memref<128x64xf32, #tpu.memory_space<vmem>>) target(%dma_start3A_102 : memref<10008x64xf32, #tpu.memory_space<vmem_shared>>) offsets(%dma_start3A_99 : memref<128xi32, #tpu.memory_space<vmem>>) semaphore(%arg21 : memref<!tpu.dma_semaphore, #tpu.memory_space<semaphore_mem>>) {add = true}
        %add3A_103 = arith.constant 2 : i32
        %add3A_104 = arith.addi %mul3A_72, %add3A_103 : i32
        %dma_wait3A_105 = arith.constant 0 : i32
        %dma_wait3A_106 = tpu.memref_slice %arg7[%add3A_104, %dma_wait3A_105] : memref<160x128xi32, #tpu.memory_space<vmem>> -> memref<1x128xi32, #tpu.memory_space<vmem>>
        %dma_wait3A_107 = tpu.memref_squeeze %dma_wait3A_106 : memref<1x128xi32, #tpu.memory_space<vmem>> -> memref<128xi32, #tpu.memory_space<vmem>>
        %dma_wait3A_108 = arith.constant 0 : i32
        %dma_wait3A_109 = arith.constant 0 : i32
        %dma_wait3A_110 = tpu.memref_slice %arg3[%dma_wait3A_108, %dma_wait3A_109] : memref<10000x64xf32, #tpu.memory_space<hbm>> -> memref<10000x64xf32, #tpu.memory_space<hbm>>
        tpu.wait_indirect_dma semaphore(%arg17 : memref<!tpu.dma_semaphore, #tpu.memory_space<semaphore_mem>>) src(%dma_wait3A_110 : memref<10000x64xf32, #tpu.memory_space<hbm>>) dst(%arg11 : memref<128x64xf32, #tpu.memory_space<vmem>>)
        %add3A_111 = arith.constant 2 : i32
        %add3A_112 = arith.addi %mul3A_72, %add3A_111 : i32
        %dma_start3A_113 = arith.constant 0 : i32
        %dma_start3A_114 = tpu.memref_slice %arg8[%add3A_112, %dma_start3A_113] : memref<160x128xi32, #tpu.memory_space<vmem>> -> memref<1x128xi32, #tpu.memory_space<vmem>>
        %dma_start3A_115 = tpu.memref_squeeze %dma_start3A_114 : memref<1x128xi32, #tpu.memory_space<vmem>> -> memref<128xi32, #tpu.memory_space<vmem>>
        %dma_start3A_116 = arith.constant 0 : i32
        %dma_start3A_117 = arith.constant 0 : i32
        %dma_start3A_118 = tpu.memref_slice %arg14[%dma_start3A_116, %dma_start3A_117] : memref<10008x64xf32, #tpu.memory_space<vmem_shared>> -> memref<10008x64xf32, #tpu.memory_space<vmem_shared>>
        tpu.enqueue_indirect_dma source(%arg11 : memref<128x64xf32, #tpu.memory_space<vmem>>) target(%dma_start3A_118 : memref<10008x64xf32, #tpu.memory_space<vmem_shared>>) offsets(%dma_start3A_115 : memref<128xi32, #tpu.memory_space<vmem>>) semaphore(%arg22 : memref<!tpu.dma_semaphore, #tpu.memory_space<semaphore_mem>>) {add = true}
        %add3A_119 = arith.constant 3 : i32
        %add3A_120 = arith.addi %mul3A_72, %add3A_119 : i32
        %dma_wait3A_121 = arith.constant 0 : i32
        %dma_wait3A_122 = tpu.memref_slice %arg7[%add3A_120, %dma_wait3A_121] : memref<160x128xi32, #tpu.memory_space<vmem>> -> memref<1x128xi32, #tpu.memory_space<vmem>>
        %dma_wait3A_123 = tpu.memref_squeeze %dma_wait3A_122 : memref<1x128xi32, #tpu.memory_space<vmem>> -> memref<128xi32, #tpu.memory_space<vmem>>
        %dma_wait3A_124 = arith.constant 0 : i32
        %dma_wait3A_125 = arith.constant 0 : i32
        %dma_wait3A_126 = tpu.memref_slice %arg3[%dma_wait3A_124, %dma_wait3A_125] : memref<10000x64xf32, #tpu.memory_space<hbm>> -> memref<10000x64xf32, #tpu.memory_space<hbm>>
        tpu.wait_indirect_dma semaphore(%arg18 : memref<!tpu.dma_semaphore, #tpu.memory_space<semaphore_mem>>) src(%dma_wait3A_126 : memref<10000x64xf32, #tpu.memory_space<hbm>>) dst(%arg12 : memref<128x64xf32, #tpu.memory_space<vmem>>)
        %add3A_127 = arith.constant 3 : i32
        %add3A_128 = arith.addi %mul3A_72, %add3A_127 : i32
        %dma_start3A_129 = arith.constant 0 : i32
        %dma_start3A_130 = tpu.memref_slice %arg8[%add3A_128, %dma_start3A_129] : memref<160x128xi32, #tpu.memory_space<vmem>> -> memref<1x128xi32, #tpu.memory_space<vmem>>
        %dma_start3A_131 = tpu.memref_squeeze %dma_start3A_130 : memref<1x128xi32, #tpu.memory_space<vmem>> -> memref<128xi32, #tpu.memory_space<vmem>>
        %dma_start3A_132 = arith.constant 0 : i32
        %dma_start3A_133 = arith.constant 0 : i32
        %dma_start3A_134 = tpu.memref_slice %arg14[%dma_start3A_132, %dma_start3A_133] : memref<10008x64xf32, #tpu.memory_space<vmem_shared>> -> memref<10008x64xf32, #tpu.memory_space<vmem_shared>>
        tpu.enqueue_indirect_dma source(%arg12 : memref<128x64xf32, #tpu.memory_space<vmem>>) target(%dma_start3A_134 : memref<10008x64xf32, #tpu.memory_space<vmem_shared>>) offsets(%dma_start3A_131 : memref<128xi32, #tpu.memory_space<vmem>>) semaphore(%arg23 : memref<!tpu.dma_semaphore, #tpu.memory_space<semaphore_mem>>) {add = true}
        %add3A_135 = arith.constant 4 : i32
        %add3A_136 = arith.addi %mul3A_72, %add3A_135 : i32
        %dma_wait3A_137 = arith.constant 0 : i32
        %dma_wait3A_138 = tpu.memref_slice %arg7[%add3A_136, %dma_wait3A_137] : memref<160x128xi32, #tpu.memory_space<vmem>> -> memref<1x128xi32, #tpu.memory_space<vmem>>
        %dma_wait3A_139 = tpu.memref_squeeze %dma_wait3A_138 : memref<1x128xi32, #tpu.memory_space<vmem>> -> memref<128xi32, #tpu.memory_space<vmem>>
        %dma_wait3A_140 = arith.constant 0 : i32
        %dma_wait3A_141 = arith.constant 0 : i32
        %dma_wait3A_142 = tpu.memref_slice %arg3[%dma_wait3A_140, %dma_wait3A_141] : memref<10000x64xf32, #tpu.memory_space<hbm>> -> memref<10000x64xf32, #tpu.memory_space<hbm>>
        tpu.wait_indirect_dma semaphore(%arg19 : memref<!tpu.dma_semaphore, #tpu.memory_space<semaphore_mem>>) src(%dma_wait3A_142 : memref<10000x64xf32, #tpu.memory_space<hbm>>) dst(%arg13 : memref<128x64xf32, #tpu.memory_space<vmem>>)
        %add3A_143 = arith.constant 4 : i32
        %add3A_144 = arith.addi %mul3A_72, %add3A_143 : i32
        %dma_start3A_145 = arith.constant 0 : i32
        %dma_start3A_146 = tpu.memref_slice %arg8[%add3A_144, %dma_start3A_145] : memref<160x128xi32, #tpu.memory_space<vmem>> -> memref<1x128xi32, #tpu.memory_space<vmem>>
        %dma_start3A_147 = tpu.memref_squeeze %dma_start3A_146 : memref<1x128xi32, #tpu.memory_space<vmem>> -> memref<128xi32, #tpu.memory_space<vmem>>
        %dma_start3A_148 = arith.constant 0 : i32
        %dma_start3A_149 = arith.constant 0 : i32
        %dma_start3A_150 = tpu.memref_slice %arg14[%dma_start3A_148, %dma_start3A_149] : memref<10008x64xf32, #tpu.memory_space<vmem_shared>> -> memref<10008x64xf32, #tpu.memory_space<vmem_shared>>
        tpu.enqueue_indirect_dma source(%arg13 : memref<128x64xf32, #tpu.memory_space<vmem>>) target(%dma_start3A_150 : memref<10008x64xf32, #tpu.memory_space<vmem_shared>>) offsets(%dma_start3A_147 : memref<128xi32, #tpu.memory_space<vmem>>) semaphore(%arg24 : memref<!tpu.dma_semaphore, #tpu.memory_space<semaphore_mem>>) {add = true}
        %add3A_151 = arith.constant 0 : i32
        %add3A_152 = arith.addi %mul3A_72, %add3A_151 : i32
        %dma_wait3A_153 = arith.constant 0 : i32
        %dma_wait3A_154 = tpu.memref_slice %arg8[%add3A_152, %dma_wait3A_153] : memref<160x128xi32, #tpu.memory_space<vmem>> -> memref<1x128xi32, #tpu.memory_space<vmem>>
        %dma_wait3A_155 = tpu.memref_squeeze %dma_wait3A_154 : memref<1x128xi32, #tpu.memory_space<vmem>> -> memref<128xi32, #tpu.memory_space<vmem>>
        %dma_wait3A_156 = arith.constant 0 : i32
        %dma_wait3A_157 = arith.constant 0 : i32
        %dma_wait3A_158 = tpu.memref_slice %arg14[%dma_wait3A_156, %dma_wait3A_157] : memref<10008x64xf32, #tpu.memory_space<vmem_shared>> -> memref<10008x64xf32, #tpu.memory_space<vmem_shared>>
        tpu.wait_indirect_dma semaphore(%arg20 : memref<!tpu.dma_semaphore, #tpu.memory_space<semaphore_mem>>) src(%arg9 : memref<128x64xf32, #tpu.memory_space<vmem>>) dst(%dma_wait3A_158 : memref<10008x64xf32, #tpu.memory_space<vmem_shared>>)
        %lt3A_159 = arith.constant 31 : i32
        %lt3A_160 = arith.cmpi slt, %scan3A_70, %lt3A_159 : i32
        %convert_element_type3A_161 = arith.extui %lt3A_160 : i1 to i32
        %cond3A_162 = arith.constant 0 : i32
        %cond3A_163 = arith.cmpi ne, %convert_element_type3A_161, %cond3A_162 : i32
        scf.if %cond3A_163 {
          %add3A_216 = arith.constant 5 : i32
          %add3A_217 = arith.addi %mul3A_72, %add3A_216 : i32
          %add3A_218 = arith.constant 0 : i32
          %add3A_219 = arith.addi %add3A_217, %add3A_218 : i32
          %dma_start3A_220 = arith.constant 0 : i32
          %dma_start3A_221 = tpu.memref_slice %arg7[%add3A_219, %dma_start3A_220] : memref<160x128xi32, #tpu.memory_space<vmem>> -> memref<1x128xi32, #tpu.memory_space<vmem>>
          %dma_start3A_222 = tpu.memref_squeeze %dma_start3A_221 : memref<1x128xi32, #tpu.memory_space<vmem>> -> memref<128xi32, #tpu.memory_space<vmem>>
          %dma_start3A_223 = arith.constant 0 : i32
          %dma_start3A_224 = arith.constant 0 : i32
          %dma_start3A_225 = tpu.memref_slice %arg3[%dma_start3A_223, %dma_start3A_224] : memref<10000x64xf32, #tpu.memory_space<hbm>> -> memref<10000x64xf32, #tpu.memory_space<hbm>>
          tpu.enqueue_indirect_dma source(%dma_start3A_225 : memref<10000x64xf32, #tpu.memory_space<hbm>>) target(%arg9 : memref<128x64xf32, #tpu.memory_space<vmem>>) offsets(%dma_start3A_222 : memref<128xi32, #tpu.memory_space<vmem>>) semaphore(%arg15 : memref<!tpu.dma_semaphore, #tpu.memory_space<semaphore_mem>>)
        } else {
        }
        %add3A_164 = arith.constant 1 : i32
        %add3A_165 = arith.addi %mul3A_72, %add3A_164 : i32
        %dma_wait3A_166 = arith.constant 0 : i32
        %dma_wait3A_167 = tpu.memref_slice %arg8[%add3A_165, %dma_wait3A_166] : memref<160x128xi32, #tpu.memory_space<vmem>> -> memref<1x128xi32, #tpu.memory_space<vmem>>
        %dma_wait3A_168 = tpu.memref_squeeze %dma_wait3A_167 : memref<1x128xi32, #tpu.memory_space<vmem>> -> memref<128xi32, #tpu.memory_space<vmem>>
        %dma_wait3A_169 = arith.constant 0 : i32
        %dma_wait3A_170 = arith.constant 0 : i32
        %dma_wait3A_171 = tpu.memref_slice %arg14[%dma_wait3A_169, %dma_wait3A_170] : memref<10008x64xf32, #tpu.memory_space<vmem_shared>> -> memref<10008x64xf32, #tpu.memory_space<vmem_shared>>
        tpu.wait_indirect_dma semaphore(%arg21 : memref<!tpu.dma_semaphore, #tpu.memory_space<semaphore_mem>>) src(%arg10 : memref<128x64xf32, #tpu.memory_space<vmem>>) dst(%dma_wait3A_171 : memref<10008x64xf32, #tpu.memory_space<vmem_shared>>)
        %lt3A_172 = arith.constant 31 : i32
        %lt3A_173 = arith.cmpi slt, %scan3A_70, %lt3A_172 : i32
        %convert_element_type3A_174 = arith.extui %lt3A_173 : i1 to i32
        %cond3A_175 = arith.constant 0 : i32
        %cond3A_176 = arith.cmpi ne, %convert_element_type3A_174, %cond3A_175 : i32
        scf.if %cond3A_176 {
          %add3A_216 = arith.constant 5 : i32
          %add3A_217 = arith.addi %mul3A_72, %add3A_216 : i32
          %add3A_218 = arith.constant 1 : i32
          %add3A_219 = arith.addi %add3A_217, %add3A_218 : i32
          %dma_start3A_220 = arith.constant 0 : i32
          %dma_start3A_221 = tpu.memref_slice %arg7[%add3A_219, %dma_start3A_220] : memref<160x128xi32, #tpu.memory_space<vmem>> -> memref<1x128xi32, #tpu.memory_space<vmem>>
          %dma_start3A_222 = tpu.memref_squeeze %dma_start3A_221 : memref<1x128xi32, #tpu.memory_space<vmem>> -> memref<128xi32, #tpu.memory_space<vmem>>
          %dma_start3A_223 = arith.constant 0 : i32
          %dma_start3A_224 = arith.constant 0 : i32
          %dma_start3A_225 = tpu.memref_slice %arg3[%dma_start3A_223, %dma_start3A_224] : memref<10000x64xf32, #tpu.memory_space<hbm>> -> memref<10000x64xf32, #tpu.memory_space<hbm>>
          tpu.enqueue_indirect_dma source(%dma_start3A_225 : memref<10000x64xf32, #tpu.memory_space<hbm>>) target(%arg10 : memref<128x64xf32, #tpu.memory_space<vmem>>) offsets(%dma_start3A_222 : memref<128xi32, #tpu.memory_space<vmem>>) semaphore(%arg16 : memref<!tpu.dma_semaphore, #tpu.memory_space<semaphore_mem>>)
        } else {
        }
        %add3A_177 = arith.constant 2 : i32
        %add3A_178 = arith.addi %mul3A_72, %add3A_177 : i32
        %dma_wait3A_179 = arith.constant 0 : i32
        %dma_wait3A_180 = tpu.memref_slice %arg8[%add3A_178, %dma_wait3A_179] : memref<160x128xi32, #tpu.memory_space<vmem>> -> memref<1x128xi32, #tpu.memory_space<vmem>>
        %dma_wait3A_181 = tpu.memref_squeeze %dma_wait3A_180 : memref<1x128xi32, #tpu.memory_space<vmem>> -> memref<128xi32, #tpu.memory_space<vmem>>
        %dma_wait3A_182 = arith.constant 0 : i32
        %dma_wait3A_183 = arith.constant 0 : i32
        %dma_wait3A_184 = tpu.memref_slice %arg14[%dma_wait3A_182, %dma_wait3A_183] : memref<10008x64xf32, #tpu.memory_space<vmem_shared>> -> memref<10008x64xf32, #tpu.memory_space<vmem_shared>>
        tpu.wait_indirect_dma semaphore(%arg22 : memref<!tpu.dma_semaphore, #tpu.memory_space<semaphore_mem>>) src(%arg11 : memref<128x64xf32, #tpu.memory_space<vmem>>) dst(%dma_wait3A_184 : memref<10008x64xf32, #tpu.memory_space<vmem_shared>>)
        %lt3A_185 = arith.constant 31 : i32
        %lt3A_186 = arith.cmpi slt, %scan3A_70, %lt3A_185 : i32
        %convert_element_type3A_187 = arith.extui %lt3A_186 : i1 to i32
        %cond3A_188 = arith.constant 0 : i32
        %cond3A_189 = arith.cmpi ne, %convert_element_type3A_187, %cond3A_188 : i32
        scf.if %cond3A_189 {
          %add3A_216 = arith.constant 5 : i32
          %add3A_217 = arith.addi %mul3A_72, %add3A_216 : i32
          %add3A_218 = arith.constant 2 : i32
          %add3A_219 = arith.addi %add3A_217, %add3A_218 : i32
          %dma_start3A_220 = arith.constant 0 : i32
          %dma_start3A_221 = tpu.memref_slice %arg7[%add3A_219, %dma_start3A_220] : memref<160x128xi32, #tpu.memory_space<vmem>> -> memref<1x128xi32, #tpu.memory_space<vmem>>
          %dma_start3A_222 = tpu.memref_squeeze %dma_start3A_221 : memref<1x128xi32, #tpu.memory_space<vmem>> -> memref<128xi32, #tpu.memory_space<vmem>>
          %dma_start3A_223 = arith.constant 0 : i32
          %dma_start3A_224 = arith.constant 0 : i32
          %dma_start3A_225 = tpu.memref_slice %arg3[%dma_start3A_223, %dma_start3A_224] : memref<10000x64xf32, #tpu.memory_space<hbm>> -> memref<10000x64xf32, #tpu.memory_space<hbm>>
          tpu.enqueue_indirect_dma source(%dma_start3A_225 : memref<10000x64xf32, #tpu.memory_space<hbm>>) target(%arg11 : memref<128x64xf32, #tpu.memory_space<vmem>>) offsets(%dma_start3A_222 : memref<128xi32, #tpu.memory_space<vmem>>) semaphore(%arg17 : memref<!tpu.dma_semaphore, #tpu.memory_space<semaphore_mem>>)
        } else {
        }
        %add3A_190 = arith.constant 3 : i32
        %add3A_191 = arith.addi %mul3A_72, %add3A_190 : i32
        %dma_wait3A_192 = arith.constant 0 : i32
        %dma_wait3A_193 = tpu.memref_slice %arg8[%add3A_191, %dma_wait3A_192] : memref<160x128xi32, #tpu.memory_space<vmem>> -> memref<1x128xi32, #tpu.memory_space<vmem>>
        %dma_wait3A_194 = tpu.memref_squeeze %dma_wait3A_193 : memref<1x128xi32, #tpu.memory_space<vmem>> -> memref<128xi32, #tpu.memory_space<vmem>>
        %dma_wait3A_195 = arith.constant 0 : i32
        %dma_wait3A_196 = arith.constant 0 : i32
        %dma_wait3A_197 = tpu.memref_slice %arg14[%dma_wait3A_195, %dma_wait3A_196] : memref<10008x64xf32, #tpu.memory_space<vmem_shared>> -> memref<10008x64xf32, #tpu.memory_space<vmem_shared>>
        tpu.wait_indirect_dma semaphore(%arg23 : memref<!tpu.dma_semaphore, #tpu.memory_space<semaphore_mem>>) src(%arg12 : memref<128x64xf32, #tpu.memory_space<vmem>>) dst(%dma_wait3A_197 : memref<10008x64xf32, #tpu.memory_space<vmem_shared>>)
        %lt3A_198 = arith.constant 31 : i32
        %lt3A_199 = arith.cmpi slt, %scan3A_70, %lt3A_198 : i32
        %convert_element_type3A_200 = arith.extui %lt3A_199 : i1 to i32
        %cond3A_201 = arith.constant 0 : i32
        %cond3A_202 = arith.cmpi ne, %convert_element_type3A_200, %cond3A_201 : i32
        scf.if %cond3A_202 {
          %add3A_216 = arith.constant 5 : i32
          %add3A_217 = arith.addi %mul3A_72, %add3A_216 : i32
          %add3A_218 = arith.constant 3 : i32
          %add3A_219 = arith.addi %add3A_217, %add3A_218 : i32
          %dma_start3A_220 = arith.constant 0 : i32
          %dma_start3A_221 = tpu.memref_slice %arg7[%add3A_219, %dma_start3A_220] : memref<160x128xi32, #tpu.memory_space<vmem>> -> memref<1x128xi32, #tpu.memory_space<vmem>>
          %dma_start3A_222 = tpu.memref_squeeze %dma_start3A_221 : memref<1x128xi32, #tpu.memory_space<vmem>> -> memref<128xi32, #tpu.memory_space<vmem>>
          %dma_start3A_223 = arith.constant 0 : i32
          %dma_start3A_224 = arith.constant 0 : i32
          %dma_start3A_225 = tpu.memref_slice %arg3[%dma_start3A_223, %dma_start3A_224] : memref<10000x64xf32, #tpu.memory_space<hbm>> -> memref<10000x64xf32, #tpu.memory_space<hbm>>
          tpu.enqueue_indirect_dma source(%dma_start3A_225 : memref<10000x64xf32, #tpu.memory_space<hbm>>) target(%arg12 : memref<128x64xf32, #tpu.memory_space<vmem>>) offsets(%dma_start3A_222 : memref<128xi32, #tpu.memory_space<vmem>>) semaphore(%arg18 : memref<!tpu.dma_semaphore, #tpu.memory_space<semaphore_mem>>)
        } else {
        }
        %add3A_203 = arith.constant 4 : i32
        %add3A_204 = arith.addi %mul3A_72, %add3A_203 : i32
        %dma_wait3A_205 = arith.constant 0 : i32
        %dma_wait3A_206 = tpu.memref_slice %arg8[%add3A_204, %dma_wait3A_205] : memref<160x128xi32, #tpu.memory_space<vmem>> -> memref<1x128xi32, #tpu.memory_space<vmem>>
        %dma_wait3A_207 = tpu.memref_squeeze %dma_wait3A_206 : memref<1x128xi32, #tpu.memory_space<vmem>> -> memref<128xi32, #tpu.memory_space<vmem>>
        %dma_wait3A_208 = arith.constant 0 : i32
        %dma_wait3A_209 = arith.constant 0 : i32
        %dma_wait3A_210 = tpu.memref_slice %arg14[%dma_wait3A_208, %dma_wait3A_209] : memref<10008x64xf32, #tpu.memory_space<vmem_shared>> -> memref<10008x64xf32, #tpu.memory_space<vmem_shared>>
        tpu.wait_indirect_dma semaphore(%arg24 : memref<!tpu.dma_semaphore, #tpu.memory_space<semaphore_mem>>) src(%arg13 : memref<128x64xf32, #tpu.memory_space<vmem>>) dst(%dma_wait3A_210 : memref<10008x64xf32, #tpu.memory_space<vmem_shared>>)
        %lt3A_211 = arith.constant 31 : i32
        %lt3A_212 = arith.cmpi slt, %scan3A_70, %lt3A_211 : i32
        %convert_element_type3A_213 = arith.extui %lt3A_212 : i1 to i32
        %cond3A_214 = arith.constant 0 : i32
        %cond3A_215 = arith.cmpi ne, %convert_element_type3A_213, %cond3A_214 : i32
        scf.if %cond3A_215 {
          %add3A_216 = arith.constant 5 : i32
          %add3A_217 = arith.addi %mul3A_72, %add3A_216 : i32
          %add3A_218 = arith.constant 4 : i32
          %add3A_219 = arith.addi %add3A_217, %add3A_218 : i32
          %dma_start3A_220 = arith.constant 0 : i32
          %dma_start3A_221 = tpu.memref_slice %arg7[%add3A_219, %dma_start3A_220] : memref<160x128xi32, #tpu.memory_space<vmem>> -> memref<1x128xi32, #tpu.memory_space<vmem>>
          %dma_start3A_222 = tpu.memref_squeeze %dma_start3A_221 : memref<1x128xi32, #tpu.memory_space<vmem>> -> memref<128xi32, #tpu.memory_space<vmem>>
          %dma_start3A_223 = arith.constant 0 : i32
          %dma_start3A_224 = arith.constant 0 : i32
          %dma_start3A_225 = tpu.memref_slice %arg3[%dma_start3A_223, %dma_start3A_224] : memref<10000x64xf32, #tpu.memory_space<hbm>> -> memref<10000x64xf32, #tpu.memory_space<hbm>>
          tpu.enqueue_indirect_dma source(%dma_start3A_225 : memref<10000x64xf32, #tpu.memory_space<hbm>>) target(%arg13 : memref<128x64xf32, #tpu.memory_space<vmem>>) offsets(%dma_start3A_222 : memref<128xi32, #tpu.memory_space<vmem>>) semaphore(%arg19 : memref<!tpu.dma_semaphore, #tpu.memory_space<semaphore_mem>>)
        } else {
        }
      }
      %scan3A_69 = arith.constant 32 : i32
    } else {
    }
    %barrier3A_20 = arith.constant 0 : index
    tpu.barrier barrier_id(%barrier3A_20)
    %mul3A_21 = arith.constant 624 : i32
    %mul3A_22 = arith.muli %arg1, %mul3A_21 : i32
    %lt3A = arith.constant 15 : i32
    %lt3A_23 = arith.cmpi slt, %arg1, %lt3A : i32
    %convert_element_type3A_24 = arith.extui %lt3A_23 : i1 to i32
    %cond3A_25 = arith.constant 0 : i32
    %cond3A_26 = arith.cmpi ne, %convert_element_type3A_24, %cond3A_25 : i32
    scf.if %cond3A_26 {
      "tpu.region"() ({
        %run_scoped3A = tpu.sem_alloc : memref<!tpu.dma_semaphore, #tpu.memory_space<semaphore_mem>>
        %dma_start3A = arith.constant 0 : i32
        %dma_start3A_32 = arith.constant 0 : i32
        %dma_start3A_33 = tpu.memref_slice %arg6[%arg0, %dma_start3A, %dma_start3A_32] : memref<2x10000x64xf32, #tpu.memory_space<hbm>> -> memref<1x10000x64xf32, #tpu.memory_space<hbm>>
        %dma_start3A_34 = tpu.memref_squeeze %dma_start3A_33 : memref<1x10000x64xf32, #tpu.memory_space<hbm>> -> memref<10000x64xf32, #tpu.memory_space<hbm>>
        %dma_start3A_35 = arith.constant 0 : i32
        %dma_start3A_36 = tpu.memref_slice %dma_start3A_34[%mul3A_22, %dma_start3A_35] : memref<10000x64xf32, #tpu.memory_space<hbm>> -> memref<624x64xf32, #tpu.memory_space<hbm>>
        %dma_start3A_37 = arith.constant 0 : i32
        %dma_start3A_38 = tpu.memref_slice %arg14[%mul3A_22, %dma_start3A_37] : memref<10008x64xf32, #tpu.memory_space<vmem_shared>> -> memref<624x64xf32, #tpu.memory_space<vmem_shared>>
        tpu.enqueue_dma source(%dma_start3A_38 : memref<624x64xf32, #tpu.memory_space<vmem_shared>>) target(%dma_start3A_36 : memref<624x64xf32, #tpu.memory_space<hbm>>) target_semaphore(%run_scoped3A : memref<!tpu.dma_semaphore, #tpu.memory_space<semaphore_mem>>)
        %dma_wait3A = arith.constant 0 : i32
        %dma_wait3A_39 = arith.constant 0 : i32
        %dma_wait3A_40 = tpu.memref_slice %arg6[%arg0, %dma_wait3A, %dma_wait3A_39] : memref<2x10000x64xf32, #tpu.memory_space<hbm>> -> memref<1x10000x64xf32, #tpu.memory_space<hbm>>
        %dma_wait3A_41 = tpu.memref_squeeze %dma_wait3A_40 : memref<1x10000x64xf32, #tpu.memory_space<hbm>> -> memref<10000x64xf32, #tpu.memory_space<hbm>>
        %dma_wait3A_42 = arith.constant 0 : i32
        %dma_wait3A_43 = tpu.memref_slice %dma_wait3A_41[%mul3A_22, %dma_wait3A_42] : memref<10000x64xf32, #tpu.memory_space<hbm>> -> memref<624x64xf32, #tpu.memory_space<hbm>>
        %dma_wait3A_44 = arith.constant 0 : i32
        %dma_wait3A_45 = tpu.memref_slice %arg14[%mul3A_22, %dma_wait3A_44] : memref<10008x64xf32, #tpu.memory_space<vmem_shared>> -> memref<624x64xf32, #tpu.memory_space<vmem_shared>>
        tpu.wait_dma2 semaphore(%run_scoped3A : memref<!tpu.dma_semaphore, #tpu.memory_space<semaphore_mem>>) src(%dma_wait3A_45 : memref<624x64xf32, #tpu.memory_space<vmem_shared>>) dst(%dma_wait3A_43 : memref<624x64xf32, #tpu.memory_space<hbm>>)
        tpu.yield
      }) : () -> ()
    } else {
    }
    %eq3A_27 = arith.constant 15 : i32
    %eq3A_28 = arith.cmpi eq, %arg1, %eq3A_27 : i32
    %convert_element_type3A_29 = arith.extui %eq3A_28 : i1 to i32
    %cond3A_30 = arith.constant 0 : i32
    %cond3A_31 = arith.cmpi ne, %convert_element_type3A_29, %cond3A_30 : i32
    scf.if %cond3A_31 {
      "tpu.region"() ({
        %run_scoped3A = tpu.sem_alloc : memref<!tpu.dma_semaphore, #tpu.memory_space<semaphore_mem>>
        %dma_start3A = arith.constant 0 : i32
        %dma_start3A_32 = arith.constant 0 : i32
        %dma_start3A_33 = tpu.memref_slice %arg6[%arg0, %dma_start3A, %dma_start3A_32] : memref<2x10000x64xf32, #tpu.memory_space<hbm>> -> memref<1x10000x64xf32, #tpu.memory_space<hbm>>
        %dma_start3A_34 = tpu.memref_squeeze %dma_start3A_33 : memref<1x10000x64xf32, #tpu.memory_space<hbm>> -> memref<10000x64xf32, #tpu.memory_space<hbm>>
        %dma_start3A_35 = arith.constant 9360 : i32
        %dma_start3A_36 = arith.constant 0 : i32
        %dma_start3A_37 = tpu.memref_slice %dma_start3A_34[%dma_start3A_35, %dma_start3A_36] : memref<10000x64xf32, #tpu.memory_space<hbm>> -> memref<640x64xf32, #tpu.memory_space<hbm>>
        %dma_start3A_38 = arith.constant 9360 : i32
        %dma_start3A_39 = arith.constant 0 : i32
        %dma_start3A_40 = tpu.memref_slice %arg14[%dma_start3A_38, %dma_start3A_39] : memref<10008x64xf32, #tpu.memory_space<vmem_shared>> -> memref<640x64xf32, #tpu.memory_space<vmem_shared>>
        tpu.enqueue_dma source(%dma_start3A_40 : memref<640x64xf32, #tpu.memory_space<vmem_shared>>) target(%dma_start3A_37 : memref<640x64xf32, #tpu.memory_space<hbm>>) target_semaphore(%run_scoped3A : memref<!tpu.dma_semaphore, #tpu.memory_space<semaphore_mem>>)
        %dma_wait3A = arith.constant 0 : i32
        %dma_wait3A_41 = arith.constant 0 : i32
        %dma_wait3A_42 = tpu.memref_slice %arg6[%arg0, %dma_wait3A, %dma_wait3A_41] : memref<2x10000x64xf32, #tpu.memory_space<hbm>> -> memref<1x10000x64xf32, #tpu.memory_space<hbm>>
        %dma_wait3A_43 = tpu.memref_squeeze %dma_wait3A_42 : memref<1x10000x64xf32, #tpu.memory_space<hbm>> -> memref<10000x64xf32, #tpu.memory_space<hbm>>
        %dma_wait3A_44 = arith.constant 9360 : i32
        %dma_wait3A_45 = arith.constant 0 : i32
        %dma_wait3A_46 = tpu.memref_slice %dma_wait3A_43[%dma_wait3A_44, %dma_wait3A_45] : memref<10000x64xf32, #tpu.memory_space<hbm>> -> memref<640x64xf32, #tpu.memory_space<hbm>>
        %dma_wait3A_47 = arith.constant 9360 : i32
        %dma_wait3A_48 = arith.constant 0 : i32
        %dma_wait3A_49 = tpu.memref_slice %arg14[%dma_wait3A_47, %dma_wait3A_48] : memref<10008x64xf32, #tpu.memory_space<vmem_shared>> -> memref<640x64xf32, #tpu.memory_space<vmem_shared>>
        tpu.wait_dma2 semaphore(%run_scoped3A : memref<!tpu.dma_semaphore, #tpu.memory_space<semaphore_mem>>) src(%dma_wait3A_49 : memref<640x64xf32, #tpu.memory_space<vmem_shared>>) dst(%dma_wait3A_46 : memref<640x64xf32, #tpu.memory_space<hbm>>)
        tpu.yield
      }) : () -> ()
    } else {
    }
    return
  }
}

#map = affine_map<(d0, d1) -> (0, 0)>
#map1 = affine_map<(d0, d1) -> (0, 0, 0)>
module attributes {stable_mosaic.version = 14 : i64} {
  func.func @aggr(%arg0: i32, %arg1: i32, %arg2: memref<10000x64xf32, #tpu.memory_space<hbm>>, %arg3: memref<2560x128xi32, #tpu.memory_space<hbm>>, %arg4: memref<2560x128xi32, #tpu.memory_space<hbm>>, %arg5: memref<2x10000x64xf32, #tpu.memory_space<hbm>>, %arg6: memref<80x128xi32, #tpu.memory_space<vmem>>, %arg7: memref<80x128xi32, #tpu.memory_space<vmem>>, %arg8: memref<128x64xf32, #tpu.memory_space<vmem>>, %arg9: memref<128x64xf32, #tpu.memory_space<vmem>>, %arg10: memref<128x64xf32, #tpu.memory_space<vmem>>, %arg11: memref<128x64xf32, #tpu.memory_space<vmem>>, %arg12: memref<128x64xf32, #tpu.memory_space<vmem>>, %arg13: memref<128x64xf32, #tpu.memory_space<vmem>>, %arg14: memref<128x64xf32, #tpu.memory_space<vmem>>, %arg15: memref<128x64xf32, #tpu.memory_space<vmem>>, %arg16: memref<10008x64xf32, #tpu.memory_space<vmem_shared>>, %arg17: memref<!tpu.dma_semaphore, #tpu.memory_space<semaphore_mem>>, %arg18: memref<!tpu.dma_semaphore, #tpu.memory_space<semaphore_mem>>, %arg19: memref<!tpu.dma_semaphore, #tpu.memory_space<semaphore_mem>>, %arg20: memref<!tpu.dma_semaphore, #tpu.memory_space<semaphore_mem>>, %arg21: memref<!tpu.dma_semaphore, #tpu.memory_space<semaphore_mem>>, %arg22: memref<!tpu.dma_semaphore, #tpu.memory_space<semaphore_mem>>, %arg23: memref<!tpu.dma_semaphore, #tpu.memory_space<semaphore_mem>>, %arg24: memref<!tpu.dma_semaphore, #tpu.memory_space<semaphore_mem>>, %arg25: memref<!tpu.dma_semaphore, #tpu.memory_space<semaphore_mem>>, %arg26: memref<!tpu.dma_semaphore, #tpu.memory_space<semaphore_mem>>, %arg27: memref<!tpu.dma_semaphore, #tpu.memory_space<semaphore_mem>>, %arg28: memref<!tpu.dma_semaphore, #tpu.memory_space<semaphore_mem>>, %arg29: memref<!tpu.dma_semaphore, #tpu.memory_space<semaphore_mem>>, %arg30: memref<!tpu.dma_semaphore, #tpu.memory_space<semaphore_mem>>, %arg31: memref<!tpu.dma_semaphore, #tpu.memory_space<semaphore_mem>>, %arg32: memref<!tpu.dma_semaphore, #tpu.memory_space<semaphore_mem>>) attributes {dimension_semantics = [#tpu.dimension_semantics<core_parallel>, #tpu.dimension_semantics<subcore_parallel>], iteration_bounds = array<i64: 2, 16>, scalar_prefetch = 0 : i64, scratch_operands = 27 : i64, tpu.core_type = #tpu.core_type<sc_vector_subcore>, window_params = [{transform_indices = #map}, {transform_indices = #map}, {transform_indices = #map}, {transform_indices = #map1}]} {
    %mul3A = arith.constant 16 : i32
    %mul3A_0 = arith.muli %arg0, %mul3A : i32
    %add3A = arith.addi %mul3A_0, %arg1 : i32
    %mul3A_1 = arith.constant 80 : i32
    %mul3A_2 = arith.muli %add3A, %mul3A_1 : i32
    "tpu.region"() ({
      %run_scoped3A = tpu.sem_alloc : memref<!tpu.dma_semaphore, #tpu.memory_space<semaphore_mem>>
      %dma_start3A_85 = arith.constant 0 : i32
      %dma_start3A_86 = tpu.memref_slice %arg3[%mul3A_2, %dma_start3A_85] : memref<2560x128xi32, #tpu.memory_space<hbm>> -> memref<80x128xi32, #tpu.memory_space<hbm>>
      %dma_start3A_87 = arith.constant 0 : i32
      %dma_start3A_88 = tpu.memref_slice %arg3[%mul3A_2, %dma_start3A_87] : memref<2560x128xi32, #tpu.memory_space<hbm>> -> memref<80x128xi32, #tpu.memory_space<hbm>>
      tpu.enqueue_dma source(%dma_start3A_88 : memref<80x128xi32, #tpu.memory_space<hbm>>) target(%arg6 : memref<80x128xi32, #tpu.memory_space<vmem>>) target_semaphore(%run_scoped3A : memref<!tpu.dma_semaphore, #tpu.memory_space<semaphore_mem>>)
      %dma_wait3A = arith.constant 0 : i32
      %dma_wait3A_89 = tpu.memref_slice %arg3[%mul3A_2, %dma_wait3A] : memref<2560x128xi32, #tpu.memory_space<hbm>> -> memref<80x128xi32, #tpu.memory_space<hbm>>
      %dma_wait3A_90 = arith.constant 0 : i32
      %dma_wait3A_91 = tpu.memref_slice %arg3[%mul3A_2, %dma_wait3A_90] : memref<2560x128xi32, #tpu.memory_space<hbm>> -> memref<80x128xi32, #tpu.memory_space<hbm>>
      tpu.wait_dma2 semaphore(%run_scoped3A : memref<!tpu.dma_semaphore, #tpu.memory_space<semaphore_mem>>) src(%dma_wait3A_91 : memref<80x128xi32, #tpu.memory_space<hbm>>) dst(%arg6 : memref<80x128xi32, #tpu.memory_space<vmem>>)
      tpu.yield
    }) : () -> ()
    %mul3A_3 = arith.constant 80 : i32
    %mul3A_4 = arith.muli %add3A, %mul3A_3 : i32
    "tpu.region"() ({
      %run_scoped3A = tpu.sem_alloc : memref<!tpu.dma_semaphore, #tpu.memory_space<semaphore_mem>>
      %dma_start3A_85 = arith.constant 0 : i32
      %dma_start3A_86 = tpu.memref_slice %arg4[%mul3A_4, %dma_start3A_85] : memref<2560x128xi32, #tpu.memory_space<hbm>> -> memref<80x128xi32, #tpu.memory_space<hbm>>
      %dma_start3A_87 = arith.constant 0 : i32
      %dma_start3A_88 = tpu.memref_slice %arg4[%mul3A_4, %dma_start3A_87] : memref<2560x128xi32, #tpu.memory_space<hbm>> -> memref<80x128xi32, #tpu.memory_space<hbm>>
      tpu.enqueue_dma source(%dma_start3A_88 : memref<80x128xi32, #tpu.memory_space<hbm>>) target(%arg7 : memref<80x128xi32, #tpu.memory_space<vmem>>) target_semaphore(%run_scoped3A : memref<!tpu.dma_semaphore, #tpu.memory_space<semaphore_mem>>)
      %dma_wait3A = arith.constant 0 : i32
      %dma_wait3A_89 = tpu.memref_slice %arg4[%mul3A_4, %dma_wait3A] : memref<2560x128xi32, #tpu.memory_space<hbm>> -> memref<80x128xi32, #tpu.memory_space<hbm>>
      %dma_wait3A_90 = arith.constant 0 : i32
      %dma_wait3A_91 = tpu.memref_slice %arg4[%mul3A_4, %dma_wait3A_90] : memref<2560x128xi32, #tpu.memory_space<hbm>> -> memref<80x128xi32, #tpu.memory_space<hbm>>
      tpu.wait_dma2 semaphore(%run_scoped3A : memref<!tpu.dma_semaphore, #tpu.memory_space<semaphore_mem>>) src(%dma_wait3A_91 : memref<80x128xi32, #tpu.memory_space<hbm>>) dst(%arg7 : memref<80x128xi32, #tpu.memory_space<vmem>>)
      tpu.yield
    }) : () -> ()
    %mul3A_5 = arith.constant 624 : i32
    %mul3A_6 = arith.muli %arg1, %mul3A_5 : i32
    %lt3A = arith.constant 15 : i32
    %lt3A_7 = arith.cmpi slt, %arg1, %lt3A : i32
    %convert_element_type3A = arith.extui %lt3A_7 : i1 to i32
    %cond3A = arith.constant 0 : i32
    %cond3A_8 = arith.cmpi ne, %convert_element_type3A, %cond3A : i32
    scf.if %cond3A_8 {
      "tpu.region"() ({
        %run_scoped3A = tpu.sem_alloc : memref<!tpu.dma_semaphore, #tpu.memory_space<semaphore_mem>>
        %dma_start3A_85 = arith.constant 0 : i32
        %dma_start3A_86 = tpu.memref_slice %arg16[%mul3A_6, %dma_start3A_85] : memref<10008x64xf32, #tpu.memory_space<vmem_shared>> -> memref<624x64xf32, #tpu.memory_space<vmem_shared>>
        %dma_start3A_87 = arith.constant 0 : i32
        %dma_start3A_88 = tpu.memref_slice %arg2[%mul3A_6, %dma_start3A_87] : memref<10000x64xf32, #tpu.memory_space<hbm>> -> memref<624x64xf32, #tpu.memory_space<hbm>>
        tpu.enqueue_dma source(%dma_start3A_88 : memref<624x64xf32, #tpu.memory_space<hbm>>) target(%dma_start3A_86 : memref<624x64xf32, #tpu.memory_space<vmem_shared>>) target_semaphore(%run_scoped3A : memref<!tpu.dma_semaphore, #tpu.memory_space<semaphore_mem>>)
        %dma_wait3A = arith.constant 0 : i32
        %dma_wait3A_89 = tpu.memref_slice %arg16[%mul3A_6, %dma_wait3A] : memref<10008x64xf32, #tpu.memory_space<vmem_shared>> -> memref<624x64xf32, #tpu.memory_space<vmem_shared>>
        %dma_wait3A_90 = arith.constant 0 : i32
        %dma_wait3A_91 = tpu.memref_slice %arg2[%mul3A_6, %dma_wait3A_90] : memref<10000x64xf32, #tpu.memory_space<hbm>> -> memref<624x64xf32, #tpu.memory_space<hbm>>
        tpu.wait_dma2 semaphore(%run_scoped3A : memref<!tpu.dma_semaphore, #tpu.memory_space<semaphore_mem>>) src(%dma_wait3A_91 : memref<624x64xf32, #tpu.memory_space<hbm>>) dst(%dma_wait3A_89 : memref<624x64xf32, #tpu.memory_space<vmem_shared>>)
        tpu.yield
      }) : () -> ()
    } else {
    }
    %eq3A = arith.constant 15 : i32
    %eq3A_9 = arith.cmpi eq, %arg1, %eq3A : i32
    %convert_element_type3A_10 = arith.extui %eq3A_9 : i1 to i32
    %cond3A_11 = arith.constant 0 : i32
    %cond3A_12 = arith.cmpi ne, %convert_element_type3A_10, %cond3A_11 : i32
    scf.if %cond3A_12 {
      "tpu.region"() ({
        %run_scoped3A = tpu.sem_alloc : memref<!tpu.dma_semaphore, #tpu.memory_space<semaphore_mem>>
        %dma_start3A_85 = arith.constant 9360 : i32
        %dma_start3A_86 = arith.constant 0 : i32
        %dma_start3A_87 = tpu.memref_slice %arg16[%dma_start3A_85, %dma_start3A_86] : memref<10008x64xf32, #tpu.memory_space<vmem_shared>> -> memref<640x64xf32, #tpu.memory_space<vmem_shared>>
        %dma_start3A_88 = arith.constant 9360 : i32
        %dma_start3A_89 = arith.constant 0 : i32
        %dma_start3A_90 = tpu.memref_slice %arg2[%dma_start3A_88, %dma_start3A_89] : memref<10000x64xf32, #tpu.memory_space<hbm>> -> memref<640x64xf32, #tpu.memory_space<hbm>>
        tpu.enqueue_dma source(%dma_start3A_90 : memref<640x64xf32, #tpu.memory_space<hbm>>) target(%dma_start3A_87 : memref<640x64xf32, #tpu.memory_space<vmem_shared>>) target_semaphore(%run_scoped3A : memref<!tpu.dma_semaphore, #tpu.memory_space<semaphore_mem>>)
        %dma_wait3A = arith.constant 9360 : i32
        %dma_wait3A_91 = arith.constant 0 : i32
        %dma_wait3A_92 = tpu.memref_slice %arg16[%dma_wait3A, %dma_wait3A_91] : memref<10008x64xf32, #tpu.memory_space<vmem_shared>> -> memref<640x64xf32, #tpu.memory_space<vmem_shared>>
        %dma_wait3A_93 = arith.constant 9360 : i32
        %dma_wait3A_94 = arith.constant 0 : i32
        %dma_wait3A_95 = tpu.memref_slice %arg2[%dma_wait3A_93, %dma_wait3A_94] : memref<10000x64xf32, #tpu.memory_space<hbm>> -> memref<640x64xf32, #tpu.memory_space<hbm>>
        tpu.wait_dma2 semaphore(%run_scoped3A : memref<!tpu.dma_semaphore, #tpu.memory_space<semaphore_mem>>) src(%dma_wait3A_95 : memref<640x64xf32, #tpu.memory_space<hbm>>) dst(%dma_wait3A_92 : memref<640x64xf32, #tpu.memory_space<vmem_shared>>)
        tpu.yield
      }) : () -> ()
    } else {
    }
    %barrier3A = arith.constant 0 : index
    tpu.barrier barrier_id(%barrier3A)
    %dma_start3A = arith.constant 0 : i32
    %dma_start3A_13 = arith.constant 0 : i32
    %dma_start3A_14 = tpu.memref_slice %arg6[%dma_start3A, %dma_start3A_13] : memref<80x128xi32, #tpu.memory_space<vmem>> -> memref<1x128xi32, #tpu.memory_space<vmem>>
    %dma_start3A_15 = tpu.memref_squeeze %dma_start3A_14 : memref<1x128xi32, #tpu.memory_space<vmem>> -> memref<128xi32, #tpu.memory_space<vmem>>
    %dma_start3A_16 = arith.constant 0 : i32
    %dma_start3A_17 = arith.constant 0 : i32
    %dma_start3A_18 = tpu.memref_slice %arg2[%dma_start3A_16, %dma_start3A_17] : memref<10000x64xf32, #tpu.memory_space<hbm>> -> memref<10000x64xf32, #tpu.memory_space<hbm>>
    tpu.enqueue_indirect_dma source(%dma_start3A_18 : memref<10000x64xf32, #tpu.memory_space<hbm>>) target(%arg8 : memref<128x64xf32, #tpu.memory_space<vmem>>) offsets(%dma_start3A_15 : memref<128xi32, #tpu.memory_space<vmem>>) semaphore(%arg17 : memref<!tpu.dma_semaphore, #tpu.memory_space<semaphore_mem>>)
    %dma_start3A_19 = arith.constant 1 : i32
    %dma_start3A_20 = arith.constant 0 : i32
    %dma_start3A_21 = tpu.memref_slice %arg6[%dma_start3A_19, %dma_start3A_20] : memref<80x128xi32, #tpu.memory_space<vmem>> -> memref<1x128xi32, #tpu.memory_space<vmem>>
    %dma_start3A_22 = tpu.memref_squeeze %dma_start3A_21 : memref<1x128xi32, #tpu.memory_space<vmem>> -> memref<128xi32, #tpu.memory_space<vmem>>
    %dma_start3A_23 = arith.constant 0 : i32
    %dma_start3A_24 = arith.constant 0 : i32
    %dma_start3A_25 = tpu.memref_slice %arg2[%dma_start3A_23, %dma_start3A_24] : memref<10000x64xf32, #tpu.memory_space<hbm>> -> memref<10000x64xf32, #tpu.memory_space<hbm>>
    tpu.enqueue_indirect_dma source(%dma_start3A_25 : memref<10000x64xf32, #tpu.memory_space<hbm>>) target(%arg9 : memref<128x64xf32, #tpu.memory_space<vmem>>) offsets(%dma_start3A_22 : memref<128xi32, #tpu.memory_space<vmem>>) semaphore(%arg18 : memref<!tpu.dma_semaphore, #tpu.memory_space<semaphore_mem>>)
    %dma_start3A_26 = arith.constant 2 : i32
    %dma_start3A_27 = arith.constant 0 : i32
    %dma_start3A_28 = tpu.memref_slice %arg6[%dma_start3A_26, %dma_start3A_27] : memref<80x128xi32, #tpu.memory_space<vmem>> -> memref<1x128xi32, #tpu.memory_space<vmem>>
    %dma_start3A_29 = tpu.memref_squeeze %dma_start3A_28 : memref<1x128xi32, #tpu.memory_space<vmem>> -> memref<128xi32, #tpu.memory_space<vmem>>
    %dma_start3A_30 = arith.constant 0 : i32
    %dma_start3A_31 = arith.constant 0 : i32
    %dma_start3A_32 = tpu.memref_slice %arg2[%dma_start3A_30, %dma_start3A_31] : memref<10000x64xf32, #tpu.memory_space<hbm>> -> memref<10000x64xf32, #tpu.memory_space<hbm>>
    tpu.enqueue_indirect_dma source(%dma_start3A_32 : memref<10000x64xf32, #tpu.memory_space<hbm>>) target(%arg10 : memref<128x64xf32, #tpu.memory_space<vmem>>) offsets(%dma_start3A_29 : memref<128xi32, #tpu.memory_space<vmem>>) semaphore(%arg19 : memref<!tpu.dma_semaphore, #tpu.memory_space<semaphore_mem>>)
    %dma_start3A_33 = arith.constant 3 : i32
    %dma_start3A_34 = arith.constant 0 : i32
    %dma_start3A_35 = tpu.memref_slice %arg6[%dma_start3A_33, %dma_start3A_34] : memref<80x128xi32, #tpu.memory_space<vmem>> -> memref<1x128xi32, #tpu.memory_space<vmem>>
    %dma_start3A_36 = tpu.memref_squeeze %dma_start3A_35 : memref<1x128xi32, #tpu.memory_space<vmem>> -> memref<128xi32, #tpu.memory_space<vmem>>
    %dma_start3A_37 = arith.constant 0 : i32
    %dma_start3A_38 = arith.constant 0 : i32
    %dma_start3A_39 = tpu.memref_slice %arg2[%dma_start3A_37, %dma_start3A_38] : memref<10000x64xf32, #tpu.memory_space<hbm>> -> memref<10000x64xf32, #tpu.memory_space<hbm>>
    tpu.enqueue_indirect_dma source(%dma_start3A_39 : memref<10000x64xf32, #tpu.memory_space<hbm>>) target(%arg11 : memref<128x64xf32, #tpu.memory_space<vmem>>) offsets(%dma_start3A_36 : memref<128xi32, #tpu.memory_space<vmem>>) semaphore(%arg20 : memref<!tpu.dma_semaphore, #tpu.memory_space<semaphore_mem>>)
    %dma_start3A_40 = arith.constant 4 : i32
    %dma_start3A_41 = arith.constant 0 : i32
    %dma_start3A_42 = tpu.memref_slice %arg6[%dma_start3A_40, %dma_start3A_41] : memref<80x128xi32, #tpu.memory_space<vmem>> -> memref<1x128xi32, #tpu.memory_space<vmem>>
    %dma_start3A_43 = tpu.memref_squeeze %dma_start3A_42 : memref<1x128xi32, #tpu.memory_space<vmem>> -> memref<128xi32, #tpu.memory_space<vmem>>
    %dma_start3A_44 = arith.constant 0 : i32
    %dma_start3A_45 = arith.constant 0 : i32
    %dma_start3A_46 = tpu.memref_slice %arg2[%dma_start3A_44, %dma_start3A_45] : memref<10000x64xf32, #tpu.memory_space<hbm>> -> memref<10000x64xf32, #tpu.memory_space<hbm>>
    tpu.enqueue_indirect_dma source(%dma_start3A_46 : memref<10000x64xf32, #tpu.memory_space<hbm>>) target(%arg12 : memref<128x64xf32, #tpu.memory_space<vmem>>) offsets(%dma_start3A_43 : memref<128xi32, #tpu.memory_space<vmem>>) semaphore(%arg21 : memref<!tpu.dma_semaphore, #tpu.memory_space<semaphore_mem>>)
    %dma_start3A_47 = arith.constant 5 : i32
    %dma_start3A_48 = arith.constant 0 : i32
    %dma_start3A_49 = tpu.memref_slice %arg6[%dma_start3A_47, %dma_start3A_48] : memref<80x128xi32, #tpu.memory_space<vmem>> -> memref<1x128xi32, #tpu.memory_space<vmem>>
    %dma_start3A_50 = tpu.memref_squeeze %dma_start3A_49 : memref<1x128xi32, #tpu.memory_space<vmem>> -> memref<128xi32, #tpu.memory_space<vmem>>
    %dma_start3A_51 = arith.constant 0 : i32
    %dma_start3A_52 = arith.constant 0 : i32
    %dma_start3A_53 = tpu.memref_slice %arg2[%dma_start3A_51, %dma_start3A_52] : memref<10000x64xf32, #tpu.memory_space<hbm>> -> memref<10000x64xf32, #tpu.memory_space<hbm>>
    tpu.enqueue_indirect_dma source(%dma_start3A_53 : memref<10000x64xf32, #tpu.memory_space<hbm>>) target(%arg13 : memref<128x64xf32, #tpu.memory_space<vmem>>) offsets(%dma_start3A_50 : memref<128xi32, #tpu.memory_space<vmem>>) semaphore(%arg22 : memref<!tpu.dma_semaphore, #tpu.memory_space<semaphore_mem>>)
    %dma_start3A_54 = arith.constant 6 : i32
    %dma_start3A_55 = arith.constant 0 : i32
    %dma_start3A_56 = tpu.memref_slice %arg6[%dma_start3A_54, %dma_start3A_55] : memref<80x128xi32, #tpu.memory_space<vmem>> -> memref<1x128xi32, #tpu.memory_space<vmem>>
    %dma_start3A_57 = tpu.memref_squeeze %dma_start3A_56 : memref<1x128xi32, #tpu.memory_space<vmem>> -> memref<128xi32, #tpu.memory_space<vmem>>
    %dma_start3A_58 = arith.constant 0 : i32
    %dma_start3A_59 = arith.constant 0 : i32
    %dma_start3A_60 = tpu.memref_slice %arg2[%dma_start3A_58, %dma_start3A_59] : memref<10000x64xf32, #tpu.memory_space<hbm>> -> memref<10000x64xf32, #tpu.memory_space<hbm>>
    tpu.enqueue_indirect_dma source(%dma_start3A_60 : memref<10000x64xf32, #tpu.memory_space<hbm>>) target(%arg14 : memref<128x64xf32, #tpu.memory_space<vmem>>) offsets(%dma_start3A_57 : memref<128xi32, #tpu.memory_space<vmem>>) semaphore(%arg23 : memref<!tpu.dma_semaphore, #tpu.memory_space<semaphore_mem>>)
    %dma_start3A_61 = arith.constant 7 : i32
    %dma_start3A_62 = arith.constant 0 : i32
    %dma_start3A_63 = tpu.memref_slice %arg6[%dma_start3A_61, %dma_start3A_62] : memref<80x128xi32, #tpu.memory_space<vmem>> -> memref<1x128xi32, #tpu.memory_space<vmem>>
    %dma_start3A_64 = tpu.memref_squeeze %dma_start3A_63 : memref<1x128xi32, #tpu.memory_space<vmem>> -> memref<128xi32, #tpu.memory_space<vmem>>
    %dma_start3A_65 = arith.constant 0 : i32
    %dma_start3A_66 = arith.constant 0 : i32
    %dma_start3A_67 = tpu.memref_slice %arg2[%dma_start3A_65, %dma_start3A_66] : memref<10000x64xf32, #tpu.memory_space<hbm>> -> memref<10000x64xf32, #tpu.memory_space<hbm>>
    tpu.enqueue_indirect_dma source(%dma_start3A_67 : memref<10000x64xf32, #tpu.memory_space<hbm>>) target(%arg15 : memref<128x64xf32, #tpu.memory_space<vmem>>) offsets(%dma_start3A_64 : memref<128xi32, #tpu.memory_space<vmem>>) semaphore(%arg24 : memref<!tpu.dma_semaphore, #tpu.memory_space<semaphore_mem>>)
    %scan3A = arith.constant 0 : i32
    %scan3A_68 = arith.constant 10 : i32
    %scan3A_69 = arith.addi %scan3A, %scan3A_68 : i32
    %scan3A_70 = arith.constant 1 : i32
    scf.for %scan3A_85 = %scan3A to %scan3A_69 step %scan3A_70  : i32 {
      %mul3A_86 = arith.constant 8 : i32
      %mul3A_87 = arith.muli %scan3A_85, %mul3A_86 : i32
      %add3A_88 = arith.constant 0 : i32
      %add3A_89 = arith.addi %mul3A_87, %add3A_88 : i32
      %dma_wait3A = arith.constant 0 : i32
      %dma_wait3A_90 = tpu.memref_slice %arg6[%add3A_89, %dma_wait3A] : memref<80x128xi32, #tpu.memory_space<vmem>> -> memref<1x128xi32, #tpu.memory_space<vmem>>
      %dma_wait3A_91 = tpu.memref_squeeze %dma_wait3A_90 : memref<1x128xi32, #tpu.memory_space<vmem>> -> memref<128xi32, #tpu.memory_space<vmem>>
      %dma_wait3A_92 = arith.constant 0 : i32
      %dma_wait3A_93 = arith.constant 0 : i32
      %dma_wait3A_94 = tpu.memref_slice %arg2[%dma_wait3A_92, %dma_wait3A_93] : memref<10000x64xf32, #tpu.memory_space<hbm>> -> memref<10000x64xf32, #tpu.memory_space<hbm>>
      tpu.wait_indirect_dma semaphore(%arg17 : memref<!tpu.dma_semaphore, #tpu.memory_space<semaphore_mem>>) src(%dma_wait3A_94 : memref<10000x64xf32, #tpu.memory_space<hbm>>) dst(%arg8 : memref<128x64xf32, #tpu.memory_space<vmem>>)
      %add3A_95 = arith.constant 0 : i32
      %add3A_96 = arith.addi %mul3A_87, %add3A_95 : i32
      %dma_start3A_97 = arith.constant 0 : i32
      %dma_start3A_98 = tpu.memref_slice %arg7[%add3A_96, %dma_start3A_97] : memref<80x128xi32, #tpu.memory_space<vmem>> -> memref<1x128xi32, #tpu.memory_space<vmem>>
      %dma_start3A_99 = tpu.memref_squeeze %dma_start3A_98 : memref<1x128xi32, #tpu.memory_space<vmem>> -> memref<128xi32, #tpu.memory_space<vmem>>
      %dma_start3A_100 = arith.constant 0 : i32
      %dma_start3A_101 = arith.constant 0 : i32
      %dma_start3A_102 = tpu.memref_slice %arg16[%dma_start3A_100, %dma_start3A_101] : memref<10008x64xf32, #tpu.memory_space<vmem_shared>> -> memref<10008x64xf32, #tpu.memory_space<vmem_shared>>
      tpu.enqueue_indirect_dma source(%arg8 : memref<128x64xf32, #tpu.memory_space<vmem>>) target(%dma_start3A_102 : memref<10008x64xf32, #tpu.memory_space<vmem_shared>>) offsets(%dma_start3A_99 : memref<128xi32, #tpu.memory_space<vmem>>) semaphore(%arg25 : memref<!tpu.dma_semaphore, #tpu.memory_space<semaphore_mem>>) {add = true}
      %add3A_103 = arith.constant 1 : i32
      %add3A_104 = arith.addi %mul3A_87, %add3A_103 : i32
      %dma_wait3A_105 = arith.constant 0 : i32
      %dma_wait3A_106 = tpu.memref_slice %arg6[%add3A_104, %dma_wait3A_105] : memref<80x128xi32, #tpu.memory_space<vmem>> -> memref<1x128xi32, #tpu.memory_space<vmem>>
      %dma_wait3A_107 = tpu.memref_squeeze %dma_wait3A_106 : memref<1x128xi32, #tpu.memory_space<vmem>> -> memref<128xi32, #tpu.memory_space<vmem>>
      %dma_wait3A_108 = arith.constant 0 : i32
      %dma_wait3A_109 = arith.constant 0 : i32
      %dma_wait3A_110 = tpu.memref_slice %arg2[%dma_wait3A_108, %dma_wait3A_109] : memref<10000x64xf32, #tpu.memory_space<hbm>> -> memref<10000x64xf32, #tpu.memory_space<hbm>>
      tpu.wait_indirect_dma semaphore(%arg18 : memref<!tpu.dma_semaphore, #tpu.memory_space<semaphore_mem>>) src(%dma_wait3A_110 : memref<10000x64xf32, #tpu.memory_space<hbm>>) dst(%arg9 : memref<128x64xf32, #tpu.memory_space<vmem>>)
      %add3A_111 = arith.constant 1 : i32
      %add3A_112 = arith.addi %mul3A_87, %add3A_111 : i32
      %dma_start3A_113 = arith.constant 0 : i32
      %dma_start3A_114 = tpu.memref_slice %arg7[%add3A_112, %dma_start3A_113] : memref<80x128xi32, #tpu.memory_space<vmem>> -> memref<1x128xi32, #tpu.memory_space<vmem>>
      %dma_start3A_115 = tpu.memref_squeeze %dma_start3A_114 : memref<1x128xi32, #tpu.memory_space<vmem>> -> memref<128xi32, #tpu.memory_space<vmem>>
      %dma_start3A_116 = arith.constant 0 : i32
      %dma_start3A_117 = arith.constant 0 : i32
      %dma_start3A_118 = tpu.memref_slice %arg16[%dma_start3A_116, %dma_start3A_117] : memref<10008x64xf32, #tpu.memory_space<vmem_shared>> -> memref<10008x64xf32, #tpu.memory_space<vmem_shared>>
      tpu.enqueue_indirect_dma source(%arg9 : memref<128x64xf32, #tpu.memory_space<vmem>>) target(%dma_start3A_118 : memref<10008x64xf32, #tpu.memory_space<vmem_shared>>) offsets(%dma_start3A_115 : memref<128xi32, #tpu.memory_space<vmem>>) semaphore(%arg26 : memref<!tpu.dma_semaphore, #tpu.memory_space<semaphore_mem>>) {add = true}
      %add3A_119 = arith.constant 2 : i32
      %add3A_120 = arith.addi %mul3A_87, %add3A_119 : i32
      %dma_wait3A_121 = arith.constant 0 : i32
      %dma_wait3A_122 = tpu.memref_slice %arg6[%add3A_120, %dma_wait3A_121] : memref<80x128xi32, #tpu.memory_space<vmem>> -> memref<1x128xi32, #tpu.memory_space<vmem>>
      %dma_wait3A_123 = tpu.memref_squeeze %dma_wait3A_122 : memref<1x128xi32, #tpu.memory_space<vmem>> -> memref<128xi32, #tpu.memory_space<vmem>>
      %dma_wait3A_124 = arith.constant 0 : i32
      %dma_wait3A_125 = arith.constant 0 : i32
      %dma_wait3A_126 = tpu.memref_slice %arg2[%dma_wait3A_124, %dma_wait3A_125] : memref<10000x64xf32, #tpu.memory_space<hbm>> -> memref<10000x64xf32, #tpu.memory_space<hbm>>
      tpu.wait_indirect_dma semaphore(%arg19 : memref<!tpu.dma_semaphore, #tpu.memory_space<semaphore_mem>>) src(%dma_wait3A_126 : memref<10000x64xf32, #tpu.memory_space<hbm>>) dst(%arg10 : memref<128x64xf32, #tpu.memory_space<vmem>>)
      %add3A_127 = arith.constant 2 : i32
      %add3A_128 = arith.addi %mul3A_87, %add3A_127 : i32
      %dma_start3A_129 = arith.constant 0 : i32
      %dma_start3A_130 = tpu.memref_slice %arg7[%add3A_128, %dma_start3A_129] : memref<80x128xi32, #tpu.memory_space<vmem>> -> memref<1x128xi32, #tpu.memory_space<vmem>>
      %dma_start3A_131 = tpu.memref_squeeze %dma_start3A_130 : memref<1x128xi32, #tpu.memory_space<vmem>> -> memref<128xi32, #tpu.memory_space<vmem>>
      %dma_start3A_132 = arith.constant 0 : i32
      %dma_start3A_133 = arith.constant 0 : i32
      %dma_start3A_134 = tpu.memref_slice %arg16[%dma_start3A_132, %dma_start3A_133] : memref<10008x64xf32, #tpu.memory_space<vmem_shared>> -> memref<10008x64xf32, #tpu.memory_space<vmem_shared>>
      tpu.enqueue_indirect_dma source(%arg10 : memref<128x64xf32, #tpu.memory_space<vmem>>) target(%dma_start3A_134 : memref<10008x64xf32, #tpu.memory_space<vmem_shared>>) offsets(%dma_start3A_131 : memref<128xi32, #tpu.memory_space<vmem>>) semaphore(%arg27 : memref<!tpu.dma_semaphore, #tpu.memory_space<semaphore_mem>>) {add = true}
      %add3A_135 = arith.constant 3 : i32
      %add3A_136 = arith.addi %mul3A_87, %add3A_135 : i32
      %dma_wait3A_137 = arith.constant 0 : i32
      %dma_wait3A_138 = tpu.memref_slice %arg6[%add3A_136, %dma_wait3A_137] : memref<80x128xi32, #tpu.memory_space<vmem>> -> memref<1x128xi32, #tpu.memory_space<vmem>>
      %dma_wait3A_139 = tpu.memref_squeeze %dma_wait3A_138 : memref<1x128xi32, #tpu.memory_space<vmem>> -> memref<128xi32, #tpu.memory_space<vmem>>
      %dma_wait3A_140 = arith.constant 0 : i32
      %dma_wait3A_141 = arith.constant 0 : i32
      %dma_wait3A_142 = tpu.memref_slice %arg2[%dma_wait3A_140, %dma_wait3A_141] : memref<10000x64xf32, #tpu.memory_space<hbm>> -> memref<10000x64xf32, #tpu.memory_space<hbm>>
      tpu.wait_indirect_dma semaphore(%arg20 : memref<!tpu.dma_semaphore, #tpu.memory_space<semaphore_mem>>) src(%dma_wait3A_142 : memref<10000x64xf32, #tpu.memory_space<hbm>>) dst(%arg11 : memref<128x64xf32, #tpu.memory_space<vmem>>)
      %add3A_143 = arith.constant 3 : i32
      %add3A_144 = arith.addi %mul3A_87, %add3A_143 : i32
      %dma_start3A_145 = arith.constant 0 : i32
      %dma_start3A_146 = tpu.memref_slice %arg7[%add3A_144, %dma_start3A_145] : memref<80x128xi32, #tpu.memory_space<vmem>> -> memref<1x128xi32, #tpu.memory_space<vmem>>
      %dma_start3A_147 = tpu.memref_squeeze %dma_start3A_146 : memref<1x128xi32, #tpu.memory_space<vmem>> -> memref<128xi32, #tpu.memory_space<vmem>>
      %dma_start3A_148 = arith.constant 0 : i32
      %dma_start3A_149 = arith.constant 0 : i32
      %dma_start3A_150 = tpu.memref_slice %arg16[%dma_start3A_148, %dma_start3A_149] : memref<10008x64xf32, #tpu.memory_space<vmem_shared>> -> memref<10008x64xf32, #tpu.memory_space<vmem_shared>>
      tpu.enqueue_indirect_dma source(%arg11 : memref<128x64xf32, #tpu.memory_space<vmem>>) target(%dma_start3A_150 : memref<10008x64xf32, #tpu.memory_space<vmem_shared>>) offsets(%dma_start3A_147 : memref<128xi32, #tpu.memory_space<vmem>>) semaphore(%arg28 : memref<!tpu.dma_semaphore, #tpu.memory_space<semaphore_mem>>) {add = true}
      %add3A_151 = arith.constant 4 : i32
      %add3A_152 = arith.addi %mul3A_87, %add3A_151 : i32
      %dma_wait3A_153 = arith.constant 0 : i32
      %dma_wait3A_154 = tpu.memref_slice %arg6[%add3A_152, %dma_wait3A_153] : memref<80x128xi32, #tpu.memory_space<vmem>> -> memref<1x128xi32, #tpu.memory_space<vmem>>
      %dma_wait3A_155 = tpu.memref_squeeze %dma_wait3A_154 : memref<1x128xi32, #tpu.memory_space<vmem>> -> memref<128xi32, #tpu.memory_space<vmem>>
      %dma_wait3A_156 = arith.constant 0 : i32
      %dma_wait3A_157 = arith.constant 0 : i32
      %dma_wait3A_158 = tpu.memref_slice %arg2[%dma_wait3A_156, %dma_wait3A_157] : memref<10000x64xf32, #tpu.memory_space<hbm>> -> memref<10000x64xf32, #tpu.memory_space<hbm>>
      tpu.wait_indirect_dma semaphore(%arg21 : memref<!tpu.dma_semaphore, #tpu.memory_space<semaphore_mem>>) src(%dma_wait3A_158 : memref<10000x64xf32, #tpu.memory_space<hbm>>) dst(%arg12 : memref<128x64xf32, #tpu.memory_space<vmem>>)
      %add3A_159 = arith.constant 4 : i32
      %add3A_160 = arith.addi %mul3A_87, %add3A_159 : i32
      %dma_start3A_161 = arith.constant 0 : i32
      %dma_start3A_162 = tpu.memref_slice %arg7[%add3A_160, %dma_start3A_161] : memref<80x128xi32, #tpu.memory_space<vmem>> -> memref<1x128xi32, #tpu.memory_space<vmem>>
      %dma_start3A_163 = tpu.memref_squeeze %dma_start3A_162 : memref<1x128xi32, #tpu.memory_space<vmem>> -> memref<128xi32, #tpu.memory_space<vmem>>
      %dma_start3A_164 = arith.constant 0 : i32
      %dma_start3A_165 = arith.constant 0 : i32
      %dma_start3A_166 = tpu.memref_slice %arg16[%dma_start3A_164, %dma_start3A_165] : memref<10008x64xf32, #tpu.memory_space<vmem_shared>> -> memref<10008x64xf32, #tpu.memory_space<vmem_shared>>
      tpu.enqueue_indirect_dma source(%arg12 : memref<128x64xf32, #tpu.memory_space<vmem>>) target(%dma_start3A_166 : memref<10008x64xf32, #tpu.memory_space<vmem_shared>>) offsets(%dma_start3A_163 : memref<128xi32, #tpu.memory_space<vmem>>) semaphore(%arg29 : memref<!tpu.dma_semaphore, #tpu.memory_space<semaphore_mem>>) {add = true}
      %add3A_167 = arith.constant 5 : i32
      %add3A_168 = arith.addi %mul3A_87, %add3A_167 : i32
      %dma_wait3A_169 = arith.constant 0 : i32
      %dma_wait3A_170 = tpu.memref_slice %arg6[%add3A_168, %dma_wait3A_169] : memref<80x128xi32, #tpu.memory_space<vmem>> -> memref<1x128xi32, #tpu.memory_space<vmem>>
      %dma_wait3A_171 = tpu.memref_squeeze %dma_wait3A_170 : memref<1x128xi32, #tpu.memory_space<vmem>> -> memref<128xi32, #tpu.memory_space<vmem>>
      %dma_wait3A_172 = arith.constant 0 : i32
      %dma_wait3A_173 = arith.constant 0 : i32
      %dma_wait3A_174 = tpu.memref_slice %arg2[%dma_wait3A_172, %dma_wait3A_173] : memref<10000x64xf32, #tpu.memory_space<hbm>> -> memref<10000x64xf32, #tpu.memory_space<hbm>>
      tpu.wait_indirect_dma semaphore(%arg22 : memref<!tpu.dma_semaphore, #tpu.memory_space<semaphore_mem>>) src(%dma_wait3A_174 : memref<10000x64xf32, #tpu.memory_space<hbm>>) dst(%arg13 : memref<128x64xf32, #tpu.memory_space<vmem>>)
      %add3A_175 = arith.constant 5 : i32
      %add3A_176 = arith.addi %mul3A_87, %add3A_175 : i32
      %dma_start3A_177 = arith.constant 0 : i32
      %dma_start3A_178 = tpu.memref_slice %arg7[%add3A_176, %dma_start3A_177] : memref<80x128xi32, #tpu.memory_space<vmem>> -> memref<1x128xi32, #tpu.memory_space<vmem>>
      %dma_start3A_179 = tpu.memref_squeeze %dma_start3A_178 : memref<1x128xi32, #tpu.memory_space<vmem>> -> memref<128xi32, #tpu.memory_space<vmem>>
      %dma_start3A_180 = arith.constant 0 : i32
      %dma_start3A_181 = arith.constant 0 : i32
      %dma_start3A_182 = tpu.memref_slice %arg16[%dma_start3A_180, %dma_start3A_181] : memref<10008x64xf32, #tpu.memory_space<vmem_shared>> -> memref<10008x64xf32, #tpu.memory_space<vmem_shared>>
      tpu.enqueue_indirect_dma source(%arg13 : memref<128x64xf32, #tpu.memory_space<vmem>>) target(%dma_start3A_182 : memref<10008x64xf32, #tpu.memory_space<vmem_shared>>) offsets(%dma_start3A_179 : memref<128xi32, #tpu.memory_space<vmem>>) semaphore(%arg30 : memref<!tpu.dma_semaphore, #tpu.memory_space<semaphore_mem>>) {add = true}
      %add3A_183 = arith.constant 6 : i32
      %add3A_184 = arith.addi %mul3A_87, %add3A_183 : i32
      %dma_wait3A_185 = arith.constant 0 : i32
      %dma_wait3A_186 = tpu.memref_slice %arg6[%add3A_184, %dma_wait3A_185] : memref<80x128xi32, #tpu.memory_space<vmem>> -> memref<1x128xi32, #tpu.memory_space<vmem>>
      %dma_wait3A_187 = tpu.memref_squeeze %dma_wait3A_186 : memref<1x128xi32, #tpu.memory_space<vmem>> -> memref<128xi32, #tpu.memory_space<vmem>>
      %dma_wait3A_188 = arith.constant 0 : i32
      %dma_wait3A_189 = arith.constant 0 : i32
      %dma_wait3A_190 = tpu.memref_slice %arg2[%dma_wait3A_188, %dma_wait3A_189] : memref<10000x64xf32, #tpu.memory_space<hbm>> -> memref<10000x64xf32, #tpu.memory_space<hbm>>
      tpu.wait_indirect_dma semaphore(%arg23 : memref<!tpu.dma_semaphore, #tpu.memory_space<semaphore_mem>>) src(%dma_wait3A_190 : memref<10000x64xf32, #tpu.memory_space<hbm>>) dst(%arg14 : memref<128x64xf32, #tpu.memory_space<vmem>>)
      %add3A_191 = arith.constant 6 : i32
      %add3A_192 = arith.addi %mul3A_87, %add3A_191 : i32
      %dma_start3A_193 = arith.constant 0 : i32
      %dma_start3A_194 = tpu.memref_slice %arg7[%add3A_192, %dma_start3A_193] : memref<80x128xi32, #tpu.memory_space<vmem>> -> memref<1x128xi32, #tpu.memory_space<vmem>>
      %dma_start3A_195 = tpu.memref_squeeze %dma_start3A_194 : memref<1x128xi32, #tpu.memory_space<vmem>> -> memref<128xi32, #tpu.memory_space<vmem>>
      %dma_start3A_196 = arith.constant 0 : i32
      %dma_start3A_197 = arith.constant 0 : i32
      %dma_start3A_198 = tpu.memref_slice %arg16[%dma_start3A_196, %dma_start3A_197] : memref<10008x64xf32, #tpu.memory_space<vmem_shared>> -> memref<10008x64xf32, #tpu.memory_space<vmem_shared>>
      tpu.enqueue_indirect_dma source(%arg14 : memref<128x64xf32, #tpu.memory_space<vmem>>) target(%dma_start3A_198 : memref<10008x64xf32, #tpu.memory_space<vmem_shared>>) offsets(%dma_start3A_195 : memref<128xi32, #tpu.memory_space<vmem>>) semaphore(%arg31 : memref<!tpu.dma_semaphore, #tpu.memory_space<semaphore_mem>>) {add = true}
      %add3A_199 = arith.constant 7 : i32
      %add3A_200 = arith.addi %mul3A_87, %add3A_199 : i32
      %dma_wait3A_201 = arith.constant 0 : i32
      %dma_wait3A_202 = tpu.memref_slice %arg6[%add3A_200, %dma_wait3A_201] : memref<80x128xi32, #tpu.memory_space<vmem>> -> memref<1x128xi32, #tpu.memory_space<vmem>>
      %dma_wait3A_203 = tpu.memref_squeeze %dma_wait3A_202 : memref<1x128xi32, #tpu.memory_space<vmem>> -> memref<128xi32, #tpu.memory_space<vmem>>
      %dma_wait3A_204 = arith.constant 0 : i32
      %dma_wait3A_205 = arith.constant 0 : i32
      %dma_wait3A_206 = tpu.memref_slice %arg2[%dma_wait3A_204, %dma_wait3A_205] : memref<10000x64xf32, #tpu.memory_space<hbm>> -> memref<10000x64xf32, #tpu.memory_space<hbm>>
      tpu.wait_indirect_dma semaphore(%arg24 : memref<!tpu.dma_semaphore, #tpu.memory_space<semaphore_mem>>) src(%dma_wait3A_206 : memref<10000x64xf32, #tpu.memory_space<hbm>>) dst(%arg15 : memref<128x64xf32, #tpu.memory_space<vmem>>)
      %add3A_207 = arith.constant 7 : i32
      %add3A_208 = arith.addi %mul3A_87, %add3A_207 : i32
      %dma_start3A_209 = arith.constant 0 : i32
      %dma_start3A_210 = tpu.memref_slice %arg7[%add3A_208, %dma_start3A_209] : memref<80x128xi32, #tpu.memory_space<vmem>> -> memref<1x128xi32, #tpu.memory_space<vmem>>
      %dma_start3A_211 = tpu.memref_squeeze %dma_start3A_210 : memref<1x128xi32, #tpu.memory_space<vmem>> -> memref<128xi32, #tpu.memory_space<vmem>>
      %dma_start3A_212 = arith.constant 0 : i32
      %dma_start3A_213 = arith.constant 0 : i32
      %dma_start3A_214 = tpu.memref_slice %arg16[%dma_start3A_212, %dma_start3A_213] : memref<10008x64xf32, #tpu.memory_space<vmem_shared>> -> memref<10008x64xf32, #tpu.memory_space<vmem_shared>>
      tpu.enqueue_indirect_dma source(%arg15 : memref<128x64xf32, #tpu.memory_space<vmem>>) target(%dma_start3A_214 : memref<10008x64xf32, #tpu.memory_space<vmem_shared>>) offsets(%dma_start3A_211 : memref<128xi32, #tpu.memory_space<vmem>>) semaphore(%arg32 : memref<!tpu.dma_semaphore, #tpu.memory_space<semaphore_mem>>) {add = true}
      %add3A_215 = arith.constant 0 : i32
      %add3A_216 = arith.addi %mul3A_87, %add3A_215 : i32
      %dma_wait3A_217 = arith.constant 0 : i32
      %dma_wait3A_218 = tpu.memref_slice %arg7[%add3A_216, %dma_wait3A_217] : memref<80x128xi32, #tpu.memory_space<vmem>> -> memref<1x128xi32, #tpu.memory_space<vmem>>
      %dma_wait3A_219 = tpu.memref_squeeze %dma_wait3A_218 : memref<1x128xi32, #tpu.memory_space<vmem>> -> memref<128xi32, #tpu.memory_space<vmem>>
      %dma_wait3A_220 = arith.constant 0 : i32
      %dma_wait3A_221 = arith.constant 0 : i32
      %dma_wait3A_222 = tpu.memref_slice %arg16[%dma_wait3A_220, %dma_wait3A_221] : memref<10008x64xf32, #tpu.memory_space<vmem_shared>> -> memref<10008x64xf32, #tpu.memory_space<vmem_shared>>
      tpu.wait_indirect_dma semaphore(%arg25 : memref<!tpu.dma_semaphore, #tpu.memory_space<semaphore_mem>>) src(%arg8 : memref<128x64xf32, #tpu.memory_space<vmem>>) dst(%dma_wait3A_222 : memref<10008x64xf32, #tpu.memory_space<vmem_shared>>)
      %lt3A_223 = arith.constant 9 : i32
      %lt3A_224 = arith.cmpi slt, %scan3A_85, %lt3A_223 : i32
      %convert_element_type3A_225 = arith.extui %lt3A_224 : i1 to i32
      %cond3A_226 = arith.constant 0 : i32
      %cond3A_227 = arith.cmpi ne, %convert_element_type3A_225, %cond3A_226 : i32
      scf.if %cond3A_227 {
        %add3A_319 = arith.constant 8 : i32
        %add3A_320 = arith.addi %mul3A_87, %add3A_319 : i32
        %add3A_321 = arith.constant 0 : i32
        %add3A_322 = arith.addi %add3A_320, %add3A_321 : i32
        %dma_start3A_323 = arith.constant 0 : i32
        %dma_start3A_324 = tpu.memref_slice %arg6[%add3A_322, %dma_start3A_323] : memref<80x128xi32, #tpu.memory_space<vmem>> -> memref<1x128xi32, #tpu.memory_space<vmem>>
        %dma_start3A_325 = tpu.memref_squeeze %dma_start3A_324 : memref<1x128xi32, #tpu.memory_space<vmem>> -> memref<128xi32, #tpu.memory_space<vmem>>
        %dma_start3A_326 = arith.constant 0 : i32
        %dma_start3A_327 = arith.constant 0 : i32
        %dma_start3A_328 = tpu.memref_slice %arg2[%dma_start3A_326, %dma_start3A_327] : memref<10000x64xf32, #tpu.memory_space<hbm>> -> memref<10000x64xf32, #tpu.memory_space<hbm>>
        tpu.enqueue_indirect_dma source(%dma_start3A_328 : memref<10000x64xf32, #tpu.memory_space<hbm>>) target(%arg8 : memref<128x64xf32, #tpu.memory_space<vmem>>) offsets(%dma_start3A_325 : memref<128xi32, #tpu.memory_space<vmem>>) semaphore(%arg17 : memref<!tpu.dma_semaphore, #tpu.memory_space<semaphore_mem>>)
      } else {
      }
      %add3A_228 = arith.constant 1 : i32
      %add3A_229 = arith.addi %mul3A_87, %add3A_228 : i32
      %dma_wait3A_230 = arith.constant 0 : i32
      %dma_wait3A_231 = tpu.memref_slice %arg7[%add3A_229, %dma_wait3A_230] : memref<80x128xi32, #tpu.memory_space<vmem>> -> memref<1x128xi32, #tpu.memory_space<vmem>>
      %dma_wait3A_232 = tpu.memref_squeeze %dma_wait3A_231 : memref<1x128xi32, #tpu.memory_space<vmem>> -> memref<128xi32, #tpu.memory_space<vmem>>
      %dma_wait3A_233 = arith.constant 0 : i32
      %dma_wait3A_234 = arith.constant 0 : i32
      %dma_wait3A_235 = tpu.memref_slice %arg16[%dma_wait3A_233, %dma_wait3A_234] : memref<10008x64xf32, #tpu.memory_space<vmem_shared>> -> memref<10008x64xf32, #tpu.memory_space<vmem_shared>>
      tpu.wait_indirect_dma semaphore(%arg26 : memref<!tpu.dma_semaphore, #tpu.memory_space<semaphore_mem>>) src(%arg9 : memref<128x64xf32, #tpu.memory_space<vmem>>) dst(%dma_wait3A_235 : memref<10008x64xf32, #tpu.memory_space<vmem_shared>>)
      %lt3A_236 = arith.constant 9 : i32
      %lt3A_237 = arith.cmpi slt, %scan3A_85, %lt3A_236 : i32
      %convert_element_type3A_238 = arith.extui %lt3A_237 : i1 to i32
      %cond3A_239 = arith.constant 0 : i32
      %cond3A_240 = arith.cmpi ne, %convert_element_type3A_238, %cond3A_239 : i32
      scf.if %cond3A_240 {
        %add3A_319 = arith.constant 8 : i32
        %add3A_320 = arith.addi %mul3A_87, %add3A_319 : i32
        %add3A_321 = arith.constant 1 : i32
        %add3A_322 = arith.addi %add3A_320, %add3A_321 : i32
        %dma_start3A_323 = arith.constant 0 : i32
        %dma_start3A_324 = tpu.memref_slice %arg6[%add3A_322, %dma_start3A_323] : memref<80x128xi32, #tpu.memory_space<vmem>> -> memref<1x128xi32, #tpu.memory_space<vmem>>
        %dma_start3A_325 = tpu.memref_squeeze %dma_start3A_324 : memref<1x128xi32, #tpu.memory_space<vmem>> -> memref<128xi32, #tpu.memory_space<vmem>>
        %dma_start3A_326 = arith.constant 0 : i32
        %dma_start3A_327 = arith.constant 0 : i32
        %dma_start3A_328 = tpu.memref_slice %arg2[%dma_start3A_326, %dma_start3A_327] : memref<10000x64xf32, #tpu.memory_space<hbm>> -> memref<10000x64xf32, #tpu.memory_space<hbm>>
        tpu.enqueue_indirect_dma source(%dma_start3A_328 : memref<10000x64xf32, #tpu.memory_space<hbm>>) target(%arg9 : memref<128x64xf32, #tpu.memory_space<vmem>>) offsets(%dma_start3A_325 : memref<128xi32, #tpu.memory_space<vmem>>) semaphore(%arg18 : memref<!tpu.dma_semaphore, #tpu.memory_space<semaphore_mem>>)
      } else {
      }
      %add3A_241 = arith.constant 2 : i32
      %add3A_242 = arith.addi %mul3A_87, %add3A_241 : i32
      %dma_wait3A_243 = arith.constant 0 : i32
      %dma_wait3A_244 = tpu.memref_slice %arg7[%add3A_242, %dma_wait3A_243] : memref<80x128xi32, #tpu.memory_space<vmem>> -> memref<1x128xi32, #tpu.memory_space<vmem>>
      %dma_wait3A_245 = tpu.memref_squeeze %dma_wait3A_244 : memref<1x128xi32, #tpu.memory_space<vmem>> -> memref<128xi32, #tpu.memory_space<vmem>>
      %dma_wait3A_246 = arith.constant 0 : i32
      %dma_wait3A_247 = arith.constant 0 : i32
      %dma_wait3A_248 = tpu.memref_slice %arg16[%dma_wait3A_246, %dma_wait3A_247] : memref<10008x64xf32, #tpu.memory_space<vmem_shared>> -> memref<10008x64xf32, #tpu.memory_space<vmem_shared>>
      tpu.wait_indirect_dma semaphore(%arg27 : memref<!tpu.dma_semaphore, #tpu.memory_space<semaphore_mem>>) src(%arg10 : memref<128x64xf32, #tpu.memory_space<vmem>>) dst(%dma_wait3A_248 : memref<10008x64xf32, #tpu.memory_space<vmem_shared>>)
      %lt3A_249 = arith.constant 9 : i32
      %lt3A_250 = arith.cmpi slt, %scan3A_85, %lt3A_249 : i32
      %convert_element_type3A_251 = arith.extui %lt3A_250 : i1 to i32
      %cond3A_252 = arith.constant 0 : i32
      %cond3A_253 = arith.cmpi ne, %convert_element_type3A_251, %cond3A_252 : i32
      scf.if %cond3A_253 {
        %add3A_319 = arith.constant 8 : i32
        %add3A_320 = arith.addi %mul3A_87, %add3A_319 : i32
        %add3A_321 = arith.constant 2 : i32
        %add3A_322 = arith.addi %add3A_320, %add3A_321 : i32
        %dma_start3A_323 = arith.constant 0 : i32
        %dma_start3A_324 = tpu.memref_slice %arg6[%add3A_322, %dma_start3A_323] : memref<80x128xi32, #tpu.memory_space<vmem>> -> memref<1x128xi32, #tpu.memory_space<vmem>>
        %dma_start3A_325 = tpu.memref_squeeze %dma_start3A_324 : memref<1x128xi32, #tpu.memory_space<vmem>> -> memref<128xi32, #tpu.memory_space<vmem>>
        %dma_start3A_326 = arith.constant 0 : i32
        %dma_start3A_327 = arith.constant 0 : i32
        %dma_start3A_328 = tpu.memref_slice %arg2[%dma_start3A_326, %dma_start3A_327] : memref<10000x64xf32, #tpu.memory_space<hbm>> -> memref<10000x64xf32, #tpu.memory_space<hbm>>
        tpu.enqueue_indirect_dma source(%dma_start3A_328 : memref<10000x64xf32, #tpu.memory_space<hbm>>) target(%arg10 : memref<128x64xf32, #tpu.memory_space<vmem>>) offsets(%dma_start3A_325 : memref<128xi32, #tpu.memory_space<vmem>>) semaphore(%arg19 : memref<!tpu.dma_semaphore, #tpu.memory_space<semaphore_mem>>)
      } else {
      }
      %add3A_254 = arith.constant 3 : i32
      %add3A_255 = arith.addi %mul3A_87, %add3A_254 : i32
      %dma_wait3A_256 = arith.constant 0 : i32
      %dma_wait3A_257 = tpu.memref_slice %arg7[%add3A_255, %dma_wait3A_256] : memref<80x128xi32, #tpu.memory_space<vmem>> -> memref<1x128xi32, #tpu.memory_space<vmem>>
      %dma_wait3A_258 = tpu.memref_squeeze %dma_wait3A_257 : memref<1x128xi32, #tpu.memory_space<vmem>> -> memref<128xi32, #tpu.memory_space<vmem>>
      %dma_wait3A_259 = arith.constant 0 : i32
      %dma_wait3A_260 = arith.constant 0 : i32
      %dma_wait3A_261 = tpu.memref_slice %arg16[%dma_wait3A_259, %dma_wait3A_260] : memref<10008x64xf32, #tpu.memory_space<vmem_shared>> -> memref<10008x64xf32, #tpu.memory_space<vmem_shared>>
      tpu.wait_indirect_dma semaphore(%arg28 : memref<!tpu.dma_semaphore, #tpu.memory_space<semaphore_mem>>) src(%arg11 : memref<128x64xf32, #tpu.memory_space<vmem>>) dst(%dma_wait3A_261 : memref<10008x64xf32, #tpu.memory_space<vmem_shared>>)
      %lt3A_262 = arith.constant 9 : i32
      %lt3A_263 = arith.cmpi slt, %scan3A_85, %lt3A_262 : i32
      %convert_element_type3A_264 = arith.extui %lt3A_263 : i1 to i32
      %cond3A_265 = arith.constant 0 : i32
      %cond3A_266 = arith.cmpi ne, %convert_element_type3A_264, %cond3A_265 : i32
      scf.if %cond3A_266 {
        %add3A_319 = arith.constant 8 : i32
        %add3A_320 = arith.addi %mul3A_87, %add3A_319 : i32
        %add3A_321 = arith.constant 3 : i32
        %add3A_322 = arith.addi %add3A_320, %add3A_321 : i32
        %dma_start3A_323 = arith.constant 0 : i32
        %dma_start3A_324 = tpu.memref_slice %arg6[%add3A_322, %dma_start3A_323] : memref<80x128xi32, #tpu.memory_space<vmem>> -> memref<1x128xi32, #tpu.memory_space<vmem>>
        %dma_start3A_325 = tpu.memref_squeeze %dma_start3A_324 : memref<1x128xi32, #tpu.memory_space<vmem>> -> memref<128xi32, #tpu.memory_space<vmem>>
        %dma_start3A_326 = arith.constant 0 : i32
        %dma_start3A_327 = arith.constant 0 : i32
        %dma_start3A_328 = tpu.memref_slice %arg2[%dma_start3A_326, %dma_start3A_327] : memref<10000x64xf32, #tpu.memory_space<hbm>> -> memref<10000x64xf32, #tpu.memory_space<hbm>>
        tpu.enqueue_indirect_dma source(%dma_start3A_328 : memref<10000x64xf32, #tpu.memory_space<hbm>>) target(%arg11 : memref<128x64xf32, #tpu.memory_space<vmem>>) offsets(%dma_start3A_325 : memref<128xi32, #tpu.memory_space<vmem>>) semaphore(%arg20 : memref<!tpu.dma_semaphore, #tpu.memory_space<semaphore_mem>>)
      } else {
      }
      %add3A_267 = arith.constant 4 : i32
      %add3A_268 = arith.addi %mul3A_87, %add3A_267 : i32
      %dma_wait3A_269 = arith.constant 0 : i32
      %dma_wait3A_270 = tpu.memref_slice %arg7[%add3A_268, %dma_wait3A_269] : memref<80x128xi32, #tpu.memory_space<vmem>> -> memref<1x128xi32, #tpu.memory_space<vmem>>
      %dma_wait3A_271 = tpu.memref_squeeze %dma_wait3A_270 : memref<1x128xi32, #tpu.memory_space<vmem>> -> memref<128xi32, #tpu.memory_space<vmem>>
      %dma_wait3A_272 = arith.constant 0 : i32
      %dma_wait3A_273 = arith.constant 0 : i32
      %dma_wait3A_274 = tpu.memref_slice %arg16[%dma_wait3A_272, %dma_wait3A_273] : memref<10008x64xf32, #tpu.memory_space<vmem_shared>> -> memref<10008x64xf32, #tpu.memory_space<vmem_shared>>
      tpu.wait_indirect_dma semaphore(%arg29 : memref<!tpu.dma_semaphore, #tpu.memory_space<semaphore_mem>>) src(%arg12 : memref<128x64xf32, #tpu.memory_space<vmem>>) dst(%dma_wait3A_274 : memref<10008x64xf32, #tpu.memory_space<vmem_shared>>)
      %lt3A_275 = arith.constant 9 : i32
      %lt3A_276 = arith.cmpi slt, %scan3A_85, %lt3A_275 : i32
      %convert_element_type3A_277 = arith.extui %lt3A_276 : i1 to i32
      %cond3A_278 = arith.constant 0 : i32
      %cond3A_279 = arith.cmpi ne, %convert_element_type3A_277, %cond3A_278 : i32
      scf.if %cond3A_279 {
        %add3A_319 = arith.constant 8 : i32
        %add3A_320 = arith.addi %mul3A_87, %add3A_319 : i32
        %add3A_321 = arith.constant 4 : i32
        %add3A_322 = arith.addi %add3A_320, %add3A_321 : i32
        %dma_start3A_323 = arith.constant 0 : i32
        %dma_start3A_324 = tpu.memref_slice %arg6[%add3A_322, %dma_start3A_323] : memref<80x128xi32, #tpu.memory_space<vmem>> -> memref<1x128xi32, #tpu.memory_space<vmem>>
        %dma_start3A_325 = tpu.memref_squeeze %dma_start3A_324 : memref<1x128xi32, #tpu.memory_space<vmem>> -> memref<128xi32, #tpu.memory_space<vmem>>
        %dma_start3A_326 = arith.constant 0 : i32
        %dma_start3A_327 = arith.constant 0 : i32
        %dma_start3A_328 = tpu.memref_slice %arg2[%dma_start3A_326, %dma_start3A_327] : memref<10000x64xf32, #tpu.memory_space<hbm>> -> memref<10000x64xf32, #tpu.memory_space<hbm>>
        tpu.enqueue_indirect_dma source(%dma_start3A_328 : memref<10000x64xf32, #tpu.memory_space<hbm>>) target(%arg12 : memref<128x64xf32, #tpu.memory_space<vmem>>) offsets(%dma_start3A_325 : memref<128xi32, #tpu.memory_space<vmem>>) semaphore(%arg21 : memref<!tpu.dma_semaphore, #tpu.memory_space<semaphore_mem>>)
      } else {
      }
      %add3A_280 = arith.constant 5 : i32
      %add3A_281 = arith.addi %mul3A_87, %add3A_280 : i32
      %dma_wait3A_282 = arith.constant 0 : i32
      %dma_wait3A_283 = tpu.memref_slice %arg7[%add3A_281, %dma_wait3A_282] : memref<80x128xi32, #tpu.memory_space<vmem>> -> memref<1x128xi32, #tpu.memory_space<vmem>>
      %dma_wait3A_284 = tpu.memref_squeeze %dma_wait3A_283 : memref<1x128xi32, #tpu.memory_space<vmem>> -> memref<128xi32, #tpu.memory_space<vmem>>
      %dma_wait3A_285 = arith.constant 0 : i32
      %dma_wait3A_286 = arith.constant 0 : i32
      %dma_wait3A_287 = tpu.memref_slice %arg16[%dma_wait3A_285, %dma_wait3A_286] : memref<10008x64xf32, #tpu.memory_space<vmem_shared>> -> memref<10008x64xf32, #tpu.memory_space<vmem_shared>>
      tpu.wait_indirect_dma semaphore(%arg30 : memref<!tpu.dma_semaphore, #tpu.memory_space<semaphore_mem>>) src(%arg13 : memref<128x64xf32, #tpu.memory_space<vmem>>) dst(%dma_wait3A_287 : memref<10008x64xf32, #tpu.memory_space<vmem_shared>>)
      %lt3A_288 = arith.constant 9 : i32
      %lt3A_289 = arith.cmpi slt, %scan3A_85, %lt3A_288 : i32
      %convert_element_type3A_290 = arith.extui %lt3A_289 : i1 to i32
      %cond3A_291 = arith.constant 0 : i32
      %cond3A_292 = arith.cmpi ne, %convert_element_type3A_290, %cond3A_291 : i32
      scf.if %cond3A_292 {
        %add3A_319 = arith.constant 8 : i32
        %add3A_320 = arith.addi %mul3A_87, %add3A_319 : i32
        %add3A_321 = arith.constant 5 : i32
        %add3A_322 = arith.addi %add3A_320, %add3A_321 : i32
        %dma_start3A_323 = arith.constant 0 : i32
        %dma_start3A_324 = tpu.memref_slice %arg6[%add3A_322, %dma_start3A_323] : memref<80x128xi32, #tpu.memory_space<vmem>> -> memref<1x128xi32, #tpu.memory_space<vmem>>
        %dma_start3A_325 = tpu.memref_squeeze %dma_start3A_324 : memref<1x128xi32, #tpu.memory_space<vmem>> -> memref<128xi32, #tpu.memory_space<vmem>>
        %dma_start3A_326 = arith.constant 0 : i32
        %dma_start3A_327 = arith.constant 0 : i32
        %dma_start3A_328 = tpu.memref_slice %arg2[%dma_start3A_326, %dma_start3A_327] : memref<10000x64xf32, #tpu.memory_space<hbm>> -> memref<10000x64xf32, #tpu.memory_space<hbm>>
        tpu.enqueue_indirect_dma source(%dma_start3A_328 : memref<10000x64xf32, #tpu.memory_space<hbm>>) target(%arg13 : memref<128x64xf32, #tpu.memory_space<vmem>>) offsets(%dma_start3A_325 : memref<128xi32, #tpu.memory_space<vmem>>) semaphore(%arg22 : memref<!tpu.dma_semaphore, #tpu.memory_space<semaphore_mem>>)
      } else {
      }
      %add3A_293 = arith.constant 6 : i32
      %add3A_294 = arith.addi %mul3A_87, %add3A_293 : i32
      %dma_wait3A_295 = arith.constant 0 : i32
      %dma_wait3A_296 = tpu.memref_slice %arg7[%add3A_294, %dma_wait3A_295] : memref<80x128xi32, #tpu.memory_space<vmem>> -> memref<1x128xi32, #tpu.memory_space<vmem>>
      %dma_wait3A_297 = tpu.memref_squeeze %dma_wait3A_296 : memref<1x128xi32, #tpu.memory_space<vmem>> -> memref<128xi32, #tpu.memory_space<vmem>>
      %dma_wait3A_298 = arith.constant 0 : i32
      %dma_wait3A_299 = arith.constant 0 : i32
      %dma_wait3A_300 = tpu.memref_slice %arg16[%dma_wait3A_298, %dma_wait3A_299] : memref<10008x64xf32, #tpu.memory_space<vmem_shared>> -> memref<10008x64xf32, #tpu.memory_space<vmem_shared>>
      tpu.wait_indirect_dma semaphore(%arg31 : memref<!tpu.dma_semaphore, #tpu.memory_space<semaphore_mem>>) src(%arg14 : memref<128x64xf32, #tpu.memory_space<vmem>>) dst(%dma_wait3A_300 : memref<10008x64xf32, #tpu.memory_space<vmem_shared>>)
      %lt3A_301 = arith.constant 9 : i32
      %lt3A_302 = arith.cmpi slt, %scan3A_85, %lt3A_301 : i32
      %convert_element_type3A_303 = arith.extui %lt3A_302 : i1 to i32
      %cond3A_304 = arith.constant 0 : i32
      %cond3A_305 = arith.cmpi ne, %convert_element_type3A_303, %cond3A_304 : i32
      scf.if %cond3A_305 {
        %add3A_319 = arith.constant 8 : i32
        %add3A_320 = arith.addi %mul3A_87, %add3A_319 : i32
        %add3A_321 = arith.constant 6 : i32
        %add3A_322 = arith.addi %add3A_320, %add3A_321 : i32
        %dma_start3A_323 = arith.constant 0 : i32
        %dma_start3A_324 = tpu.memref_slice %arg6[%add3A_322, %dma_start3A_323] : memref<80x128xi32, #tpu.memory_space<vmem>> -> memref<1x128xi32, #tpu.memory_space<vmem>>
        %dma_start3A_325 = tpu.memref_squeeze %dma_start3A_324 : memref<1x128xi32, #tpu.memory_space<vmem>> -> memref<128xi32, #tpu.memory_space<vmem>>
        %dma_start3A_326 = arith.constant 0 : i32
        %dma_start3A_327 = arith.constant 0 : i32
        %dma_start3A_328 = tpu.memref_slice %arg2[%dma_start3A_326, %dma_start3A_327] : memref<10000x64xf32, #tpu.memory_space<hbm>> -> memref<10000x64xf32, #tpu.memory_space<hbm>>
        tpu.enqueue_indirect_dma source(%dma_start3A_328 : memref<10000x64xf32, #tpu.memory_space<hbm>>) target(%arg14 : memref<128x64xf32, #tpu.memory_space<vmem>>) offsets(%dma_start3A_325 : memref<128xi32, #tpu.memory_space<vmem>>) semaphore(%arg23 : memref<!tpu.dma_semaphore, #tpu.memory_space<semaphore_mem>>)
      } else {
      }
      %add3A_306 = arith.constant 7 : i32
      %add3A_307 = arith.addi %mul3A_87, %add3A_306 : i32
      %dma_wait3A_308 = arith.constant 0 : i32
      %dma_wait3A_309 = tpu.memref_slice %arg7[%add3A_307, %dma_wait3A_308] : memref<80x128xi32, #tpu.memory_space<vmem>> -> memref<1x128xi32, #tpu.memory_space<vmem>>
      %dma_wait3A_310 = tpu.memref_squeeze %dma_wait3A_309 : memref<1x128xi32, #tpu.memory_space<vmem>> -> memref<128xi32, #tpu.memory_space<vmem>>
      %dma_wait3A_311 = arith.constant 0 : i32
      %dma_wait3A_312 = arith.constant 0 : i32
      %dma_wait3A_313 = tpu.memref_slice %arg16[%dma_wait3A_311, %dma_wait3A_312] : memref<10008x64xf32, #tpu.memory_space<vmem_shared>> -> memref<10008x64xf32, #tpu.memory_space<vmem_shared>>
      tpu.wait_indirect_dma semaphore(%arg32 : memref<!tpu.dma_semaphore, #tpu.memory_space<semaphore_mem>>) src(%arg15 : memref<128x64xf32, #tpu.memory_space<vmem>>) dst(%dma_wait3A_313 : memref<10008x64xf32, #tpu.memory_space<vmem_shared>>)
      %lt3A_314 = arith.constant 9 : i32
      %lt3A_315 = arith.cmpi slt, %scan3A_85, %lt3A_314 : i32
      %convert_element_type3A_316 = arith.extui %lt3A_315 : i1 to i32
      %cond3A_317 = arith.constant 0 : i32
      %cond3A_318 = arith.cmpi ne, %convert_element_type3A_316, %cond3A_317 : i32
      scf.if %cond3A_318 {
        %add3A_319 = arith.constant 8 : i32
        %add3A_320 = arith.addi %mul3A_87, %add3A_319 : i32
        %add3A_321 = arith.constant 7 : i32
        %add3A_322 = arith.addi %add3A_320, %add3A_321 : i32
        %dma_start3A_323 = arith.constant 0 : i32
        %dma_start3A_324 = tpu.memref_slice %arg6[%add3A_322, %dma_start3A_323] : memref<80x128xi32, #tpu.memory_space<vmem>> -> memref<1x128xi32, #tpu.memory_space<vmem>>
        %dma_start3A_325 = tpu.memref_squeeze %dma_start3A_324 : memref<1x128xi32, #tpu.memory_space<vmem>> -> memref<128xi32, #tpu.memory_space<vmem>>
        %dma_start3A_326 = arith.constant 0 : i32
        %dma_start3A_327 = arith.constant 0 : i32
        %dma_start3A_328 = tpu.memref_slice %arg2[%dma_start3A_326, %dma_start3A_327] : memref<10000x64xf32, #tpu.memory_space<hbm>> -> memref<10000x64xf32, #tpu.memory_space<hbm>>
        tpu.enqueue_indirect_dma source(%dma_start3A_328 : memref<10000x64xf32, #tpu.memory_space<hbm>>) target(%arg15 : memref<128x64xf32, #tpu.memory_space<vmem>>) offsets(%dma_start3A_325 : memref<128xi32, #tpu.memory_space<vmem>>) semaphore(%arg24 : memref<!tpu.dma_semaphore, #tpu.memory_space<semaphore_mem>>)
      } else {
      }
    }
    %scan3A_71 = arith.constant 10 : i32
    %barrier3A_72 = arith.constant 0 : index
    tpu.barrier barrier_id(%barrier3A_72)
    %mul3A_73 = arith.constant 624 : i32
    %mul3A_74 = arith.muli %arg1, %mul3A_73 : i32
    %lt3A_75 = arith.constant 15 : i32
    %lt3A_76 = arith.cmpi slt, %arg1, %lt3A_75 : i32
    %convert_element_type3A_77 = arith.extui %lt3A_76 : i1 to i32
    %cond3A_78 = arith.constant 0 : i32
    %cond3A_79 = arith.cmpi ne, %convert_element_type3A_77, %cond3A_78 : i32
    scf.if %cond3A_79 {
      "tpu.region"() ({
        %run_scoped3A = tpu.sem_alloc : memref<!tpu.dma_semaphore, #tpu.memory_space<semaphore_mem>>
        %dma_start3A_85 = arith.constant 0 : i32
        %dma_start3A_86 = arith.constant 0 : i32
        %dma_start3A_87 = tpu.memref_slice %arg5[%arg0, %dma_start3A_85, %dma_start3A_86] : memref<2x10000x64xf32, #tpu.memory_space<hbm>> -> memref<1x10000x64xf32, #tpu.memory_space<hbm>>
        %dma_start3A_88 = tpu.memref_squeeze %dma_start3A_87 : memref<1x10000x64xf32, #tpu.memory_space<hbm>> -> memref<10000x64xf32, #tpu.memory_space<hbm>>
        %dma_start3A_89 = arith.constant 0 : i32
        %dma_start3A_90 = tpu.memref_slice %dma_start3A_88[%mul3A_74, %dma_start3A_89] : memref<10000x64xf32, #tpu.memory_space<hbm>> -> memref<624x64xf32, #tpu.memory_space<hbm>>
        %dma_start3A_91 = arith.constant 0 : i32
        %dma_start3A_92 = tpu.memref_slice %arg16[%mul3A_74, %dma_start3A_91] : memref<10008x64xf32, #tpu.memory_space<vmem_shared>> -> memref<624x64xf32, #tpu.memory_space<vmem_shared>>
        tpu.enqueue_dma source(%dma_start3A_92 : memref<624x64xf32, #tpu.memory_space<vmem_shared>>) target(%dma_start3A_90 : memref<624x64xf32, #tpu.memory_space<hbm>>) target_semaphore(%run_scoped3A : memref<!tpu.dma_semaphore, #tpu.memory_space<semaphore_mem>>)
        %dma_wait3A = arith.constant 0 : i32
        %dma_wait3A_93 = arith.constant 0 : i32
        %dma_wait3A_94 = tpu.memref_slice %arg5[%arg0, %dma_wait3A, %dma_wait3A_93] : memref<2x10000x64xf32, #tpu.memory_space<hbm>> -> memref<1x10000x64xf32, #tpu.memory_space<hbm>>
        %dma_wait3A_95 = tpu.memref_squeeze %dma_wait3A_94 : memref<1x10000x64xf32, #tpu.memory_space<hbm>> -> memref<10000x64xf32, #tpu.memory_space<hbm>>
        %dma_wait3A_96 = arith.constant 0 : i32
        %dma_wait3A_97 = tpu.memref_slice %dma_wait3A_95[%mul3A_74, %dma_wait3A_96] : memref<10000x64xf32, #tpu.memory_space<hbm>> -> memref<624x64xf32, #tpu.memory_space<hbm>>
        %dma_wait3A_98 = arith.constant 0 : i32
        %dma_wait3A_99 = tpu.memref_slice %arg16[%mul3A_74, %dma_wait3A_98] : memref<10008x64xf32, #tpu.memory_space<vmem_shared>> -> memref<624x64xf32, #tpu.memory_space<vmem_shared>>
        tpu.wait_dma2 semaphore(%run_scoped3A : memref<!tpu.dma_semaphore, #tpu.memory_space<semaphore_mem>>) src(%dma_wait3A_99 : memref<624x64xf32, #tpu.memory_space<vmem_shared>>) dst(%dma_wait3A_97 : memref<624x64xf32, #tpu.memory_space<hbm>>)
        tpu.yield
      }) : () -> ()
    } else {
    }
    %eq3A_80 = arith.constant 15 : i32
    %eq3A_81 = arith.cmpi eq, %arg1, %eq3A_80 : i32
    %convert_element_type3A_82 = arith.extui %eq3A_81 : i1 to i32
    %cond3A_83 = arith.constant 0 : i32
    %cond3A_84 = arith.cmpi ne, %convert_element_type3A_82, %cond3A_83 : i32
    scf.if %cond3A_84 {
      "tpu.region"() ({
        %run_scoped3A = tpu.sem_alloc : memref<!tpu.dma_semaphore, #tpu.memory_space<semaphore_mem>>
        %dma_start3A_85 = arith.constant 0 : i32
        %dma_start3A_86 = arith.constant 0 : i32
        %dma_start3A_87 = tpu.memref_slice %arg5[%arg0, %dma_start3A_85, %dma_start3A_86] : memref<2x10000x64xf32, #tpu.memory_space<hbm>> -> memref<1x10000x64xf32, #tpu.memory_space<hbm>>
        %dma_start3A_88 = tpu.memref_squeeze %dma_start3A_87 : memref<1x10000x64xf32, #tpu.memory_space<hbm>> -> memref<10000x64xf32, #tpu.memory_space<hbm>>
        %dma_start3A_89 = arith.constant 9360 : i32
        %dma_start3A_90 = arith.constant 0 : i32
        %dma_start3A_91 = tpu.memref_slice %dma_start3A_88[%dma_start3A_89, %dma_start3A_90] : memref<10000x64xf32, #tpu.memory_space<hbm>> -> memref<640x64xf32, #tpu.memory_space<hbm>>
        %dma_start3A_92 = arith.constant 9360 : i32
        %dma_start3A_93 = arith.constant 0 : i32
        %dma_start3A_94 = tpu.memref_slice %arg16[%dma_start3A_92, %dma_start3A_93] : memref<10008x64xf32, #tpu.memory_space<vmem_shared>> -> memref<640x64xf32, #tpu.memory_space<vmem_shared>>
        tpu.enqueue_dma source(%dma_start3A_94 : memref<640x64xf32, #tpu.memory_space<vmem_shared>>) target(%dma_start3A_91 : memref<640x64xf32, #tpu.memory_space<hbm>>) target_semaphore(%run_scoped3A : memref<!tpu.dma_semaphore, #tpu.memory_space<semaphore_mem>>)
        %dma_wait3A = arith.constant 0 : i32
        %dma_wait3A_95 = arith.constant 0 : i32
        %dma_wait3A_96 = tpu.memref_slice %arg5[%arg0, %dma_wait3A, %dma_wait3A_95] : memref<2x10000x64xf32, #tpu.memory_space<hbm>> -> memref<1x10000x64xf32, #tpu.memory_space<hbm>>
        %dma_wait3A_97 = tpu.memref_squeeze %dma_wait3A_96 : memref<1x10000x64xf32, #tpu.memory_space<hbm>> -> memref<10000x64xf32, #tpu.memory_space<hbm>>
        %dma_wait3A_98 = arith.constant 9360 : i32
        %dma_wait3A_99 = arith.constant 0 : i32
        %dma_wait3A_100 = tpu.memref_slice %dma_wait3A_97[%dma_wait3A_98, %dma_wait3A_99] : memref<10000x64xf32, #tpu.memory_space<hbm>> -> memref<640x64xf32, #tpu.memory_space<hbm>>
        %dma_wait3A_101 = arith.constant 9360 : i32
        %dma_wait3A_102 = arith.constant 0 : i32
        %dma_wait3A_103 = tpu.memref_slice %arg16[%dma_wait3A_101, %dma_wait3A_102] : memref<10008x64xf32, #tpu.memory_space<vmem_shared>> -> memref<640x64xf32, #tpu.memory_space<vmem_shared>>
        tpu.wait_dma2 semaphore(%run_scoped3A : memref<!tpu.dma_semaphore, #tpu.memory_space<semaphore_mem>>) src(%dma_wait3A_103 : memref<640x64xf32, #tpu.memory_space<vmem_shared>>) dst(%dma_wait3A_100 : memref<640x64xf32, #tpu.memory_space<hbm>>)
        tpu.yield
      }) : () -> ()
    } else {
    }
    return
  }
}

#map = affine_map<(d0, d1) -> (0, 0)>
#map1 = affine_map<(d0, d1) -> (0, 0, 0)>
module attributes {stable_mosaic.version = 14 : i64} {
  func.func @aggr(%arg0: i32, %arg1: i32, %arg2: memref<10000x64xf32, #tpu.memory_space<hbm>>, %arg3: memref<2560x128xi32, #tpu.memory_space<hbm>>, %arg4: memref<2560x128xi32, #tpu.memory_space<hbm>>, %arg5: memref<2x10000x64xf32, #tpu.memory_space<hbm>>, %arg6: memref<80x128xi32, #tpu.memory_space<vmem>>, %arg7: memref<80x128xi32, #tpu.memory_space<vmem>>, %arg8: memref<128x64xf32, #tpu.memory_space<vmem>>, %arg9: memref<128x64xf32, #tpu.memory_space<vmem>>, %arg10: memref<128x64xf32, #tpu.memory_space<vmem>>, %arg11: memref<128x64xf32, #tpu.memory_space<vmem>>, %arg12: memref<128x64xf32, #tpu.memory_space<vmem>>, %arg13: memref<128x64xf32, #tpu.memory_space<vmem>>, %arg14: memref<128x64xf32, #tpu.memory_space<vmem>>, %arg15: memref<128x64xf32, #tpu.memory_space<vmem>>, %arg16: memref<10008x64xf32, #tpu.memory_space<vmem_shared>>, %arg17: memref<!tpu.dma_semaphore, #tpu.memory_space<semaphore_mem>>, %arg18: memref<!tpu.dma_semaphore, #tpu.memory_space<semaphore_mem>>, %arg19: memref<!tpu.dma_semaphore, #tpu.memory_space<semaphore_mem>>, %arg20: memref<!tpu.dma_semaphore, #tpu.memory_space<semaphore_mem>>, %arg21: memref<!tpu.dma_semaphore, #tpu.memory_space<semaphore_mem>>, %arg22: memref<!tpu.dma_semaphore, #tpu.memory_space<semaphore_mem>>, %arg23: memref<!tpu.dma_semaphore, #tpu.memory_space<semaphore_mem>>, %arg24: memref<!tpu.dma_semaphore, #tpu.memory_space<semaphore_mem>>, %arg25: memref<!tpu.dma_semaphore, #tpu.memory_space<semaphore_mem>>, %arg26: memref<!tpu.dma_semaphore, #tpu.memory_space<semaphore_mem>>, %arg27: memref<!tpu.dma_semaphore, #tpu.memory_space<semaphore_mem>>, %arg28: memref<!tpu.dma_semaphore, #tpu.memory_space<semaphore_mem>>, %arg29: memref<!tpu.dma_semaphore, #tpu.memory_space<semaphore_mem>>, %arg30: memref<!tpu.dma_semaphore, #tpu.memory_space<semaphore_mem>>, %arg31: memref<!tpu.dma_semaphore, #tpu.memory_space<semaphore_mem>>, %arg32: memref<!tpu.dma_semaphore, #tpu.memory_space<semaphore_mem>>) attributes {dimension_semantics = [#tpu.dimension_semantics<core_parallel>, #tpu.dimension_semantics<subcore_parallel>], iteration_bounds = array<i64: 2, 16>, scalar_prefetch = 0 : i64, scratch_operands = 27 : i64, tpu.core_type = #tpu.core_type<sc_vector_subcore>, window_params = [{transform_indices = #map}, {transform_indices = #map}, {transform_indices = #map}, {transform_indices = #map1}]} {
    %mul3A = arith.constant 16 : i32
    %mul3A_0 = arith.muli %arg0, %mul3A : i32
    %add3A = arith.addi %mul3A_0, %arg1 : i32
    %mul3A_1 = arith.constant 80 : i32
    %mul3A_2 = arith.muli %add3A, %mul3A_1 : i32
    "tpu.region"() ({
      %run_scoped3A = tpu.sem_alloc : memref<!tpu.dma_semaphore, #tpu.memory_space<semaphore_mem>>
      %dma_start3A_85 = arith.constant 0 : i32
      %dma_start3A_86 = tpu.memref_slice %arg3[%mul3A_2, %dma_start3A_85] : memref<2560x128xi32, #tpu.memory_space<hbm>> -> memref<80x128xi32, #tpu.memory_space<hbm>>
      %dma_start3A_87 = arith.constant 0 : i32
      %dma_start3A_88 = tpu.memref_slice %arg3[%mul3A_2, %dma_start3A_87] : memref<2560x128xi32, #tpu.memory_space<hbm>> -> memref<80x128xi32, #tpu.memory_space<hbm>>
      tpu.enqueue_dma source(%dma_start3A_88 : memref<80x128xi32, #tpu.memory_space<hbm>>) target(%arg6 : memref<80x128xi32, #tpu.memory_space<vmem>>) target_semaphore(%run_scoped3A : memref<!tpu.dma_semaphore, #tpu.memory_space<semaphore_mem>>)
      %dma_wait3A = arith.constant 0 : i32
      %dma_wait3A_89 = tpu.memref_slice %arg3[%mul3A_2, %dma_wait3A] : memref<2560x128xi32, #tpu.memory_space<hbm>> -> memref<80x128xi32, #tpu.memory_space<hbm>>
      %dma_wait3A_90 = arith.constant 0 : i32
      %dma_wait3A_91 = tpu.memref_slice %arg3[%mul3A_2, %dma_wait3A_90] : memref<2560x128xi32, #tpu.memory_space<hbm>> -> memref<80x128xi32, #tpu.memory_space<hbm>>
      tpu.wait_dma2 semaphore(%run_scoped3A : memref<!tpu.dma_semaphore, #tpu.memory_space<semaphore_mem>>) src(%dma_wait3A_91 : memref<80x128xi32, #tpu.memory_space<hbm>>) dst(%arg6 : memref<80x128xi32, #tpu.memory_space<vmem>>)
      tpu.yield
    }) : () -> ()
    %mul3A_3 = arith.constant 80 : i32
    %mul3A_4 = arith.muli %add3A, %mul3A_3 : i32
    "tpu.region"() ({
      %run_scoped3A = tpu.sem_alloc : memref<!tpu.dma_semaphore, #tpu.memory_space<semaphore_mem>>
      %dma_start3A_85 = arith.constant 0 : i32
      %dma_start3A_86 = tpu.memref_slice %arg4[%mul3A_4, %dma_start3A_85] : memref<2560x128xi32, #tpu.memory_space<hbm>> -> memref<80x128xi32, #tpu.memory_space<hbm>>
      %dma_start3A_87 = arith.constant 0 : i32
      %dma_start3A_88 = tpu.memref_slice %arg4[%mul3A_4, %dma_start3A_87] : memref<2560x128xi32, #tpu.memory_space<hbm>> -> memref<80x128xi32, #tpu.memory_space<hbm>>
      tpu.enqueue_dma source(%dma_start3A_88 : memref<80x128xi32, #tpu.memory_space<hbm>>) target(%arg7 : memref<80x128xi32, #tpu.memory_space<vmem>>) target_semaphore(%run_scoped3A : memref<!tpu.dma_semaphore, #tpu.memory_space<semaphore_mem>>)
      %dma_wait3A = arith.constant 0 : i32
      %dma_wait3A_89 = tpu.memref_slice %arg4[%mul3A_4, %dma_wait3A] : memref<2560x128xi32, #tpu.memory_space<hbm>> -> memref<80x128xi32, #tpu.memory_space<hbm>>
      %dma_wait3A_90 = arith.constant 0 : i32
      %dma_wait3A_91 = tpu.memref_slice %arg4[%mul3A_4, %dma_wait3A_90] : memref<2560x128xi32, #tpu.memory_space<hbm>> -> memref<80x128xi32, #tpu.memory_space<hbm>>
      tpu.wait_dma2 semaphore(%run_scoped3A : memref<!tpu.dma_semaphore, #tpu.memory_space<semaphore_mem>>) src(%dma_wait3A_91 : memref<80x128xi32, #tpu.memory_space<hbm>>) dst(%arg7 : memref<80x128xi32, #tpu.memory_space<vmem>>)
      tpu.yield
    }) : () -> ()
    %mul3A_5 = arith.constant 624 : i32
    %mul3A_6 = arith.muli %arg1, %mul3A_5 : i32
    %lt3A = arith.constant 15 : i32
    %lt3A_7 = arith.cmpi slt, %arg1, %lt3A : i32
    %convert_element_type3A = arith.extui %lt3A_7 : i1 to i32
    %cond3A = arith.constant 0 : i32
    %cond3A_8 = arith.cmpi ne, %convert_element_type3A, %cond3A : i32
    scf.if %cond3A_8 {
      "tpu.region"() ({
        %run_scoped3A = tpu.sem_alloc : memref<!tpu.dma_semaphore, #tpu.memory_space<semaphore_mem>>
        %dma_start3A_85 = arith.constant 0 : i32
        %dma_start3A_86 = tpu.memref_slice %arg16[%mul3A_6, %dma_start3A_85] : memref<10008x64xf32, #tpu.memory_space<vmem_shared>> -> memref<624x64xf32, #tpu.memory_space<vmem_shared>>
        %dma_start3A_87 = arith.constant 0 : i32
        %dma_start3A_88 = tpu.memref_slice %arg2[%mul3A_6, %dma_start3A_87] : memref<10000x64xf32, #tpu.memory_space<hbm>> -> memref<624x64xf32, #tpu.memory_space<hbm>>
        tpu.enqueue_dma source(%dma_start3A_88 : memref<624x64xf32, #tpu.memory_space<hbm>>) target(%dma_start3A_86 : memref<624x64xf32, #tpu.memory_space<vmem_shared>>) target_semaphore(%run_scoped3A : memref<!tpu.dma_semaphore, #tpu.memory_space<semaphore_mem>>)
        %dma_wait3A = arith.constant 0 : i32
        %dma_wait3A_89 = tpu.memref_slice %arg16[%mul3A_6, %dma_wait3A] : memref<10008x64xf32, #tpu.memory_space<vmem_shared>> -> memref<624x64xf32, #tpu.memory_space<vmem_shared>>
        %dma_wait3A_90 = arith.constant 0 : i32
        %dma_wait3A_91 = tpu.memref_slice %arg2[%mul3A_6, %dma_wait3A_90] : memref<10000x64xf32, #tpu.memory_space<hbm>> -> memref<624x64xf32, #tpu.memory_space<hbm>>
        tpu.wait_dma2 semaphore(%run_scoped3A : memref<!tpu.dma_semaphore, #tpu.memory_space<semaphore_mem>>) src(%dma_wait3A_91 : memref<624x64xf32, #tpu.memory_space<hbm>>) dst(%dma_wait3A_89 : memref<624x64xf32, #tpu.memory_space<vmem_shared>>)
        tpu.yield
      }) : () -> ()
    } else {
    }
    %eq3A = arith.constant 15 : i32
    %eq3A_9 = arith.cmpi eq, %arg1, %eq3A : i32
    %convert_element_type3A_10 = arith.extui %eq3A_9 : i1 to i32
    %cond3A_11 = arith.constant 0 : i32
    %cond3A_12 = arith.cmpi ne, %convert_element_type3A_10, %cond3A_11 : i32
    scf.if %cond3A_12 {
      "tpu.region"() ({
        %run_scoped3A = tpu.sem_alloc : memref<!tpu.dma_semaphore, #tpu.memory_space<semaphore_mem>>
        %dma_start3A_85 = arith.constant 9360 : i32
        %dma_start3A_86 = arith.constant 0 : i32
        %dma_start3A_87 = tpu.memref_slice %arg16[%dma_start3A_85, %dma_start3A_86] : memref<10008x64xf32, #tpu.memory_space<vmem_shared>> -> memref<640x64xf32, #tpu.memory_space<vmem_shared>>
        %dma_start3A_88 = arith.constant 9360 : i32
        %dma_start3A_89 = arith.constant 0 : i32
        %dma_start3A_90 = tpu.memref_slice %arg2[%dma_start3A_88, %dma_start3A_89] : memref<10000x64xf32, #tpu.memory_space<hbm>> -> memref<640x64xf32, #tpu.memory_space<hbm>>
        tpu.enqueue_dma source(%dma_start3A_90 : memref<640x64xf32, #tpu.memory_space<hbm>>) target(%dma_start3A_87 : memref<640x64xf32, #tpu.memory_space<vmem_shared>>) target_semaphore(%run_scoped3A : memref<!tpu.dma_semaphore, #tpu.memory_space<semaphore_mem>>)
        %dma_wait3A = arith.constant 9360 : i32
        %dma_wait3A_91 = arith.constant 0 : i32
        %dma_wait3A_92 = tpu.memref_slice %arg16[%dma_wait3A, %dma_wait3A_91] : memref<10008x64xf32, #tpu.memory_space<vmem_shared>> -> memref<640x64xf32, #tpu.memory_space<vmem_shared>>
        %dma_wait3A_93 = arith.constant 9360 : i32
        %dma_wait3A_94 = arith.constant 0 : i32
        %dma_wait3A_95 = tpu.memref_slice %arg2[%dma_wait3A_93, %dma_wait3A_94] : memref<10000x64xf32, #tpu.memory_space<hbm>> -> memref<640x64xf32, #tpu.memory_space<hbm>>
        tpu.wait_dma2 semaphore(%run_scoped3A : memref<!tpu.dma_semaphore, #tpu.memory_space<semaphore_mem>>) src(%dma_wait3A_95 : memref<640x64xf32, #tpu.memory_space<hbm>>) dst(%dma_wait3A_92 : memref<640x64xf32, #tpu.memory_space<vmem_shared>>)
        tpu.yield
      }) : () -> ()
    } else {
    }
    %barrier3A = arith.constant 0 : index
    tpu.barrier barrier_id(%barrier3A)
    %dma_start3A = arith.constant 0 : i32
    %dma_start3A_13 = arith.constant 0 : i32
    %dma_start3A_14 = tpu.memref_slice %arg6[%dma_start3A, %dma_start3A_13] : memref<80x128xi32, #tpu.memory_space<vmem>> -> memref<1x128xi32, #tpu.memory_space<vmem>>
    %dma_start3A_15 = tpu.memref_squeeze %dma_start3A_14 : memref<1x128xi32, #tpu.memory_space<vmem>> -> memref<128xi32, #tpu.memory_space<vmem>>
    %dma_start3A_16 = arith.constant 0 : i32
    %dma_start3A_17 = arith.constant 0 : i32
    %dma_start3A_18 = tpu.memref_slice %arg2[%dma_start3A_16, %dma_start3A_17] : memref<10000x64xf32, #tpu.memory_space<hbm>> -> memref<10000x64xf32, #tpu.memory_space<hbm>>
    tpu.enqueue_indirect_dma source(%dma_start3A_18 : memref<10000x64xf32, #tpu.memory_space<hbm>>) target(%arg8 : memref<128x64xf32, #tpu.memory_space<vmem>>) offsets(%dma_start3A_15 : memref<128xi32, #tpu.memory_space<vmem>>) semaphore(%arg17 : memref<!tpu.dma_semaphore, #tpu.memory_space<semaphore_mem>>)
    %dma_start3A_19 = arith.constant 1 : i32
    %dma_start3A_20 = arith.constant 0 : i32
    %dma_start3A_21 = tpu.memref_slice %arg6[%dma_start3A_19, %dma_start3A_20] : memref<80x128xi32, #tpu.memory_space<vmem>> -> memref<1x128xi32, #tpu.memory_space<vmem>>
    %dma_start3A_22 = tpu.memref_squeeze %dma_start3A_21 : memref<1x128xi32, #tpu.memory_space<vmem>> -> memref<128xi32, #tpu.memory_space<vmem>>
    %dma_start3A_23 = arith.constant 0 : i32
    %dma_start3A_24 = arith.constant 0 : i32
    %dma_start3A_25 = tpu.memref_slice %arg2[%dma_start3A_23, %dma_start3A_24] : memref<10000x64xf32, #tpu.memory_space<hbm>> -> memref<10000x64xf32, #tpu.memory_space<hbm>>
    tpu.enqueue_indirect_dma source(%dma_start3A_25 : memref<10000x64xf32, #tpu.memory_space<hbm>>) target(%arg9 : memref<128x64xf32, #tpu.memory_space<vmem>>) offsets(%dma_start3A_22 : memref<128xi32, #tpu.memory_space<vmem>>) semaphore(%arg18 : memref<!tpu.dma_semaphore, #tpu.memory_space<semaphore_mem>>)
    %dma_start3A_26 = arith.constant 2 : i32
    %dma_start3A_27 = arith.constant 0 : i32
    %dma_start3A_28 = tpu.memref_slice %arg6[%dma_start3A_26, %dma_start3A_27] : memref<80x128xi32, #tpu.memory_space<vmem>> -> memref<1x128xi32, #tpu.memory_space<vmem>>
    %dma_start3A_29 = tpu.memref_squeeze %dma_start3A_28 : memref<1x128xi32, #tpu.memory_space<vmem>> -> memref<128xi32, #tpu.memory_space<vmem>>
    %dma_start3A_30 = arith.constant 0 : i32
    %dma_start3A_31 = arith.constant 0 : i32
    %dma_start3A_32 = tpu.memref_slice %arg2[%dma_start3A_30, %dma_start3A_31] : memref<10000x64xf32, #tpu.memory_space<hbm>> -> memref<10000x64xf32, #tpu.memory_space<hbm>>
    tpu.enqueue_indirect_dma source(%dma_start3A_32 : memref<10000x64xf32, #tpu.memory_space<hbm>>) target(%arg10 : memref<128x64xf32, #tpu.memory_space<vmem>>) offsets(%dma_start3A_29 : memref<128xi32, #tpu.memory_space<vmem>>) semaphore(%arg19 : memref<!tpu.dma_semaphore, #tpu.memory_space<semaphore_mem>>)
    %dma_start3A_33 = arith.constant 3 : i32
    %dma_start3A_34 = arith.constant 0 : i32
    %dma_start3A_35 = tpu.memref_slice %arg6[%dma_start3A_33, %dma_start3A_34] : memref<80x128xi32, #tpu.memory_space<vmem>> -> memref<1x128xi32, #tpu.memory_space<vmem>>
    %dma_start3A_36 = tpu.memref_squeeze %dma_start3A_35 : memref<1x128xi32, #tpu.memory_space<vmem>> -> memref<128xi32, #tpu.memory_space<vmem>>
    %dma_start3A_37 = arith.constant 0 : i32
    %dma_start3A_38 = arith.constant 0 : i32
    %dma_start3A_39 = tpu.memref_slice %arg2[%dma_start3A_37, %dma_start3A_38] : memref<10000x64xf32, #tpu.memory_space<hbm>> -> memref<10000x64xf32, #tpu.memory_space<hbm>>
    tpu.enqueue_indirect_dma source(%dma_start3A_39 : memref<10000x64xf32, #tpu.memory_space<hbm>>) target(%arg11 : memref<128x64xf32, #tpu.memory_space<vmem>>) offsets(%dma_start3A_36 : memref<128xi32, #tpu.memory_space<vmem>>) semaphore(%arg20 : memref<!tpu.dma_semaphore, #tpu.memory_space<semaphore_mem>>)
    %dma_start3A_40 = arith.constant 4 : i32
    %dma_start3A_41 = arith.constant 0 : i32
    %dma_start3A_42 = tpu.memref_slice %arg6[%dma_start3A_40, %dma_start3A_41] : memref<80x128xi32, #tpu.memory_space<vmem>> -> memref<1x128xi32, #tpu.memory_space<vmem>>
    %dma_start3A_43 = tpu.memref_squeeze %dma_start3A_42 : memref<1x128xi32, #tpu.memory_space<vmem>> -> memref<128xi32, #tpu.memory_space<vmem>>
    %dma_start3A_44 = arith.constant 0 : i32
    %dma_start3A_45 = arith.constant 0 : i32
    %dma_start3A_46 = tpu.memref_slice %arg2[%dma_start3A_44, %dma_start3A_45] : memref<10000x64xf32, #tpu.memory_space<hbm>> -> memref<10000x64xf32, #tpu.memory_space<hbm>>
    tpu.enqueue_indirect_dma source(%dma_start3A_46 : memref<10000x64xf32, #tpu.memory_space<hbm>>) target(%arg12 : memref<128x64xf32, #tpu.memory_space<vmem>>) offsets(%dma_start3A_43 : memref<128xi32, #tpu.memory_space<vmem>>) semaphore(%arg21 : memref<!tpu.dma_semaphore, #tpu.memory_space<semaphore_mem>>)
    %dma_start3A_47 = arith.constant 5 : i32
    %dma_start3A_48 = arith.constant 0 : i32
    %dma_start3A_49 = tpu.memref_slice %arg6[%dma_start3A_47, %dma_start3A_48] : memref<80x128xi32, #tpu.memory_space<vmem>> -> memref<1x128xi32, #tpu.memory_space<vmem>>
    %dma_start3A_50 = tpu.memref_squeeze %dma_start3A_49 : memref<1x128xi32, #tpu.memory_space<vmem>> -> memref<128xi32, #tpu.memory_space<vmem>>
    %dma_start3A_51 = arith.constant 0 : i32
    %dma_start3A_52 = arith.constant 0 : i32
    %dma_start3A_53 = tpu.memref_slice %arg2[%dma_start3A_51, %dma_start3A_52] : memref<10000x64xf32, #tpu.memory_space<hbm>> -> memref<10000x64xf32, #tpu.memory_space<hbm>>
    tpu.enqueue_indirect_dma source(%dma_start3A_53 : memref<10000x64xf32, #tpu.memory_space<hbm>>) target(%arg13 : memref<128x64xf32, #tpu.memory_space<vmem>>) offsets(%dma_start3A_50 : memref<128xi32, #tpu.memory_space<vmem>>) semaphore(%arg22 : memref<!tpu.dma_semaphore, #tpu.memory_space<semaphore_mem>>)
    %dma_start3A_54 = arith.constant 6 : i32
    %dma_start3A_55 = arith.constant 0 : i32
    %dma_start3A_56 = tpu.memref_slice %arg6[%dma_start3A_54, %dma_start3A_55] : memref<80x128xi32, #tpu.memory_space<vmem>> -> memref<1x128xi32, #tpu.memory_space<vmem>>
    %dma_start3A_57 = tpu.memref_squeeze %dma_start3A_56 : memref<1x128xi32, #tpu.memory_space<vmem>> -> memref<128xi32, #tpu.memory_space<vmem>>
    %dma_start3A_58 = arith.constant 0 : i32
    %dma_start3A_59 = arith.constant 0 : i32
    %dma_start3A_60 = tpu.memref_slice %arg2[%dma_start3A_58, %dma_start3A_59] : memref<10000x64xf32, #tpu.memory_space<hbm>> -> memref<10000x64xf32, #tpu.memory_space<hbm>>
    tpu.enqueue_indirect_dma source(%dma_start3A_60 : memref<10000x64xf32, #tpu.memory_space<hbm>>) target(%arg14 : memref<128x64xf32, #tpu.memory_space<vmem>>) offsets(%dma_start3A_57 : memref<128xi32, #tpu.memory_space<vmem>>) semaphore(%arg23 : memref<!tpu.dma_semaphore, #tpu.memory_space<semaphore_mem>>)
    %dma_start3A_61 = arith.constant 7 : i32
    %dma_start3A_62 = arith.constant 0 : i32
    %dma_start3A_63 = tpu.memref_slice %arg6[%dma_start3A_61, %dma_start3A_62] : memref<80x128xi32, #tpu.memory_space<vmem>> -> memref<1x128xi32, #tpu.memory_space<vmem>>
    %dma_start3A_64 = tpu.memref_squeeze %dma_start3A_63 : memref<1x128xi32, #tpu.memory_space<vmem>> -> memref<128xi32, #tpu.memory_space<vmem>>
    %dma_start3A_65 = arith.constant 0 : i32
    %dma_start3A_66 = arith.constant 0 : i32
    %dma_start3A_67 = tpu.memref_slice %arg2[%dma_start3A_65, %dma_start3A_66] : memref<10000x64xf32, #tpu.memory_space<hbm>> -> memref<10000x64xf32, #tpu.memory_space<hbm>>
    tpu.enqueue_indirect_dma source(%dma_start3A_67 : memref<10000x64xf32, #tpu.memory_space<hbm>>) target(%arg15 : memref<128x64xf32, #tpu.memory_space<vmem>>) offsets(%dma_start3A_64 : memref<128xi32, #tpu.memory_space<vmem>>) semaphore(%arg24 : memref<!tpu.dma_semaphore, #tpu.memory_space<semaphore_mem>>)
    %scan3A = arith.constant 0 : i32
    %scan3A_68 = arith.constant 10 : i32
    %scan3A_69 = arith.addi %scan3A, %scan3A_68 : i32
    %scan3A_70 = arith.constant 1 : i32
    scf.for %scan3A_85 = %scan3A to %scan3A_69 step %scan3A_70  : i32 {
      %mul3A_86 = arith.constant 8 : i32
      %mul3A_87 = arith.muli %scan3A_85, %mul3A_86 : i32
      %add3A_88 = arith.constant 0 : i32
      %add3A_89 = arith.addi %mul3A_87, %add3A_88 : i32
      %dma_wait3A = arith.constant 0 : i32
      %dma_wait3A_90 = tpu.memref_slice %arg6[%add3A_89, %dma_wait3A] : memref<80x128xi32, #tpu.memory_space<vmem>> -> memref<1x128xi32, #tpu.memory_space<vmem>>
      %dma_wait3A_91 = tpu.memref_squeeze %dma_wait3A_90 : memref<1x128xi32, #tpu.memory_space<vmem>> -> memref<128xi32, #tpu.memory_space<vmem>>
      %dma_wait3A_92 = arith.constant 0 : i32
      %dma_wait3A_93 = arith.constant 0 : i32
      %dma_wait3A_94 = tpu.memref_slice %arg2[%dma_wait3A_92, %dma_wait3A_93] : memref<10000x64xf32, #tpu.memory_space<hbm>> -> memref<10000x64xf32, #tpu.memory_space<hbm>>
      tpu.wait_indirect_dma semaphore(%arg17 : memref<!tpu.dma_semaphore, #tpu.memory_space<semaphore_mem>>) src(%dma_wait3A_94 : memref<10000x64xf32, #tpu.memory_space<hbm>>) dst(%arg8 : memref<128x64xf32, #tpu.memory_space<vmem>>)
      %add3A_95 = arith.constant 0 : i32
      %add3A_96 = arith.addi %mul3A_87, %add3A_95 : i32
      %dma_start3A_97 = arith.constant 0 : i32
      %dma_start3A_98 = tpu.memref_slice %arg7[%add3A_96, %dma_start3A_97] : memref<80x128xi32, #tpu.memory_space<vmem>> -> memref<1x128xi32, #tpu.memory_space<vmem>>
      %dma_start3A_99 = tpu.memref_squeeze %dma_start3A_98 : memref<1x128xi32, #tpu.memory_space<vmem>> -> memref<128xi32, #tpu.memory_space<vmem>>
      %dma_start3A_100 = arith.constant 0 : i32
      %dma_start3A_101 = arith.constant 0 : i32
      %dma_start3A_102 = tpu.memref_slice %arg16[%dma_start3A_100, %dma_start3A_101] : memref<10008x64xf32, #tpu.memory_space<vmem_shared>> -> memref<10008x64xf32, #tpu.memory_space<vmem_shared>>
      tpu.enqueue_indirect_dma source(%arg8 : memref<128x64xf32, #tpu.memory_space<vmem>>) target(%dma_start3A_102 : memref<10008x64xf32, #tpu.memory_space<vmem_shared>>) offsets(%dma_start3A_99 : memref<128xi32, #tpu.memory_space<vmem>>) semaphore(%arg25 : memref<!tpu.dma_semaphore, #tpu.memory_space<semaphore_mem>>) {add = true}
      %add3A_103 = arith.constant 1 : i32
      %add3A_104 = arith.addi %mul3A_87, %add3A_103 : i32
      %dma_wait3A_105 = arith.constant 0 : i32
      %dma_wait3A_106 = tpu.memref_slice %arg6[%add3A_104, %dma_wait3A_105] : memref<80x128xi32, #tpu.memory_space<vmem>> -> memref<1x128xi32, #tpu.memory_space<vmem>>
      %dma_wait3A_107 = tpu.memref_squeeze %dma_wait3A_106 : memref<1x128xi32, #tpu.memory_space<vmem>> -> memref<128xi32, #tpu.memory_space<vmem>>
      %dma_wait3A_108 = arith.constant 0 : i32
      %dma_wait3A_109 = arith.constant 0 : i32
      %dma_wait3A_110 = tpu.memref_slice %arg2[%dma_wait3A_108, %dma_wait3A_109] : memref<10000x64xf32, #tpu.memory_space<hbm>> -> memref<10000x64xf32, #tpu.memory_space<hbm>>
      tpu.wait_indirect_dma semaphore(%arg18 : memref<!tpu.dma_semaphore, #tpu.memory_space<semaphore_mem>>) src(%dma_wait3A_110 : memref<10000x64xf32, #tpu.memory_space<hbm>>) dst(%arg9 : memref<128x64xf32, #tpu.memory_space<vmem>>)
      %add3A_111 = arith.constant 1 : i32
      %add3A_112 = arith.addi %mul3A_87, %add3A_111 : i32
      %dma_start3A_113 = arith.constant 0 : i32
      %dma_start3A_114 = tpu.memref_slice %arg7[%add3A_112, %dma_start3A_113] : memref<80x128xi32, #tpu.memory_space<vmem>> -> memref<1x128xi32, #tpu.memory_space<vmem>>
      %dma_start3A_115 = tpu.memref_squeeze %dma_start3A_114 : memref<1x128xi32, #tpu.memory_space<vmem>> -> memref<128xi32, #tpu.memory_space<vmem>>
      %dma_start3A_116 = arith.constant 0 : i32
      %dma_start3A_117 = arith.constant 0 : i32
      %dma_start3A_118 = tpu.memref_slice %arg16[%dma_start3A_116, %dma_start3A_117] : memref<10008x64xf32, #tpu.memory_space<vmem_shared>> -> memref<10008x64xf32, #tpu.memory_space<vmem_shared>>
      tpu.enqueue_indirect_dma source(%arg9 : memref<128x64xf32, #tpu.memory_space<vmem>>) target(%dma_start3A_118 : memref<10008x64xf32, #tpu.memory_space<vmem_shared>>) offsets(%dma_start3A_115 : memref<128xi32, #tpu.memory_space<vmem>>) semaphore(%arg26 : memref<!tpu.dma_semaphore, #tpu.memory_space<semaphore_mem>>) {add = true}
      %add3A_119 = arith.constant 2 : i32
      %add3A_120 = arith.addi %mul3A_87, %add3A_119 : i32
      %dma_wait3A_121 = arith.constant 0 : i32
      %dma_wait3A_122 = tpu.memref_slice %arg6[%add3A_120, %dma_wait3A_121] : memref<80x128xi32, #tpu.memory_space<vmem>> -> memref<1x128xi32, #tpu.memory_space<vmem>>
      %dma_wait3A_123 = tpu.memref_squeeze %dma_wait3A_122 : memref<1x128xi32, #tpu.memory_space<vmem>> -> memref<128xi32, #tpu.memory_space<vmem>>
      %dma_wait3A_124 = arith.constant 0 : i32
      %dma_wait3A_125 = arith.constant 0 : i32
      %dma_wait3A_126 = tpu.memref_slice %arg2[%dma_wait3A_124, %dma_wait3A_125] : memref<10000x64xf32, #tpu.memory_space<hbm>> -> memref<10000x64xf32, #tpu.memory_space<hbm>>
      tpu.wait_indirect_dma semaphore(%arg19 : memref<!tpu.dma_semaphore, #tpu.memory_space<semaphore_mem>>) src(%dma_wait3A_126 : memref<10000x64xf32, #tpu.memory_space<hbm>>) dst(%arg10 : memref<128x64xf32, #tpu.memory_space<vmem>>)
      %add3A_127 = arith.constant 2 : i32
      %add3A_128 = arith.addi %mul3A_87, %add3A_127 : i32
      %dma_start3A_129 = arith.constant 0 : i32
      %dma_start3A_130 = tpu.memref_slice %arg7[%add3A_128, %dma_start3A_129] : memref<80x128xi32, #tpu.memory_space<vmem>> -> memref<1x128xi32, #tpu.memory_space<vmem>>
      %dma_start3A_131 = tpu.memref_squeeze %dma_start3A_130 : memref<1x128xi32, #tpu.memory_space<vmem>> -> memref<128xi32, #tpu.memory_space<vmem>>
      %dma_start3A_132 = arith.constant 0 : i32
      %dma_start3A_133 = arith.constant 0 : i32
      %dma_start3A_134 = tpu.memref_slice %arg16[%dma_start3A_132, %dma_start3A_133] : memref<10008x64xf32, #tpu.memory_space<vmem_shared>> -> memref<10008x64xf32, #tpu.memory_space<vmem_shared>>
      tpu.enqueue_indirect_dma source(%arg10 : memref<128x64xf32, #tpu.memory_space<vmem>>) target(%dma_start3A_134 : memref<10008x64xf32, #tpu.memory_space<vmem_shared>>) offsets(%dma_start3A_131 : memref<128xi32, #tpu.memory_space<vmem>>) semaphore(%arg27 : memref<!tpu.dma_semaphore, #tpu.memory_space<semaphore_mem>>) {add = true}
      %add3A_135 = arith.constant 3 : i32
      %add3A_136 = arith.addi %mul3A_87, %add3A_135 : i32
      %dma_wait3A_137 = arith.constant 0 : i32
      %dma_wait3A_138 = tpu.memref_slice %arg6[%add3A_136, %dma_wait3A_137] : memref<80x128xi32, #tpu.memory_space<vmem>> -> memref<1x128xi32, #tpu.memory_space<vmem>>
      %dma_wait3A_139 = tpu.memref_squeeze %dma_wait3A_138 : memref<1x128xi32, #tpu.memory_space<vmem>> -> memref<128xi32, #tpu.memory_space<vmem>>
      %dma_wait3A_140 = arith.constant 0 : i32
      %dma_wait3A_141 = arith.constant 0 : i32
      %dma_wait3A_142 = tpu.memref_slice %arg2[%dma_wait3A_140, %dma_wait3A_141] : memref<10000x64xf32, #tpu.memory_space<hbm>> -> memref<10000x64xf32, #tpu.memory_space<hbm>>
      tpu.wait_indirect_dma semaphore(%arg20 : memref<!tpu.dma_semaphore, #tpu.memory_space<semaphore_mem>>) src(%dma_wait3A_142 : memref<10000x64xf32, #tpu.memory_space<hbm>>) dst(%arg11 : memref<128x64xf32, #tpu.memory_space<vmem>>)
      %add3A_143 = arith.constant 3 : i32
      %add3A_144 = arith.addi %mul3A_87, %add3A_143 : i32
      %dma_start3A_145 = arith.constant 0 : i32
      %dma_start3A_146 = tpu.memref_slice %arg7[%add3A_144, %dma_start3A_145] : memref<80x128xi32, #tpu.memory_space<vmem>> -> memref<1x128xi32, #tpu.memory_space<vmem>>
      %dma_start3A_147 = tpu.memref_squeeze %dma_start3A_146 : memref<1x128xi32, #tpu.memory_space<vmem>> -> memref<128xi32, #tpu.memory_space<vmem>>
      %dma_start3A_148 = arith.constant 0 : i32
      %dma_start3A_149 = arith.constant 0 : i32
      %dma_start3A_150 = tpu.memref_slice %arg16[%dma_start3A_148, %dma_start3A_149] : memref<10008x64xf32, #tpu.memory_space<vmem_shared>> -> memref<10008x64xf32, #tpu.memory_space<vmem_shared>>
      tpu.enqueue_indirect_dma source(%arg11 : memref<128x64xf32, #tpu.memory_space<vmem>>) target(%dma_start3A_150 : memref<10008x64xf32, #tpu.memory_space<vmem_shared>>) offsets(%dma_start3A_147 : memref<128xi32, #tpu.memory_space<vmem>>) semaphore(%arg28 : memref<!tpu.dma_semaphore, #tpu.memory_space<semaphore_mem>>) {add = true}
      %add3A_151 = arith.constant 4 : i32
      %add3A_152 = arith.addi %mul3A_87, %add3A_151 : i32
      %dma_wait3A_153 = arith.constant 0 : i32
      %dma_wait3A_154 = tpu.memref_slice %arg6[%add3A_152, %dma_wait3A_153] : memref<80x128xi32, #tpu.memory_space<vmem>> -> memref<1x128xi32, #tpu.memory_space<vmem>>
      %dma_wait3A_155 = tpu.memref_squeeze %dma_wait3A_154 : memref<1x128xi32, #tpu.memory_space<vmem>> -> memref<128xi32, #tpu.memory_space<vmem>>
      %dma_wait3A_156 = arith.constant 0 : i32
      %dma_wait3A_157 = arith.constant 0 : i32
      %dma_wait3A_158 = tpu.memref_slice %arg2[%dma_wait3A_156, %dma_wait3A_157] : memref<10000x64xf32, #tpu.memory_space<hbm>> -> memref<10000x64xf32, #tpu.memory_space<hbm>>
      tpu.wait_indirect_dma semaphore(%arg21 : memref<!tpu.dma_semaphore, #tpu.memory_space<semaphore_mem>>) src(%dma_wait3A_158 : memref<10000x64xf32, #tpu.memory_space<hbm>>) dst(%arg12 : memref<128x64xf32, #tpu.memory_space<vmem>>)
      %add3A_159 = arith.constant 4 : i32
      %add3A_160 = arith.addi %mul3A_87, %add3A_159 : i32
      %dma_start3A_161 = arith.constant 0 : i32
      %dma_start3A_162 = tpu.memref_slice %arg7[%add3A_160, %dma_start3A_161] : memref<80x128xi32, #tpu.memory_space<vmem>> -> memref<1x128xi32, #tpu.memory_space<vmem>>
      %dma_start3A_163 = tpu.memref_squeeze %dma_start3A_162 : memref<1x128xi32, #tpu.memory_space<vmem>> -> memref<128xi32, #tpu.memory_space<vmem>>
      %dma_start3A_164 = arith.constant 0 : i32
      %dma_start3A_165 = arith.constant 0 : i32
      %dma_start3A_166 = tpu.memref_slice %arg16[%dma_start3A_164, %dma_start3A_165] : memref<10008x64xf32, #tpu.memory_space<vmem_shared>> -> memref<10008x64xf32, #tpu.memory_space<vmem_shared>>
      tpu.enqueue_indirect_dma source(%arg12 : memref<128x64xf32, #tpu.memory_space<vmem>>) target(%dma_start3A_166 : memref<10008x64xf32, #tpu.memory_space<vmem_shared>>) offsets(%dma_start3A_163 : memref<128xi32, #tpu.memory_space<vmem>>) semaphore(%arg29 : memref<!tpu.dma_semaphore, #tpu.memory_space<semaphore_mem>>) {add = true}
      %add3A_167 = arith.constant 5 : i32
      %add3A_168 = arith.addi %mul3A_87, %add3A_167 : i32
      %dma_wait3A_169 = arith.constant 0 : i32
      %dma_wait3A_170 = tpu.memref_slice %arg6[%add3A_168, %dma_wait3A_169] : memref<80x128xi32, #tpu.memory_space<vmem>> -> memref<1x128xi32, #tpu.memory_space<vmem>>
      %dma_wait3A_171 = tpu.memref_squeeze %dma_wait3A_170 : memref<1x128xi32, #tpu.memory_space<vmem>> -> memref<128xi32, #tpu.memory_space<vmem>>
      %dma_wait3A_172 = arith.constant 0 : i32
      %dma_wait3A_173 = arith.constant 0 : i32
      %dma_wait3A_174 = tpu.memref_slice %arg2[%dma_wait3A_172, %dma_wait3A_173] : memref<10000x64xf32, #tpu.memory_space<hbm>> -> memref<10000x64xf32, #tpu.memory_space<hbm>>
      tpu.wait_indirect_dma semaphore(%arg22 : memref<!tpu.dma_semaphore, #tpu.memory_space<semaphore_mem>>) src(%dma_wait3A_174 : memref<10000x64xf32, #tpu.memory_space<hbm>>) dst(%arg13 : memref<128x64xf32, #tpu.memory_space<vmem>>)
      %add3A_175 = arith.constant 5 : i32
      %add3A_176 = arith.addi %mul3A_87, %add3A_175 : i32
      %dma_start3A_177 = arith.constant 0 : i32
      %dma_start3A_178 = tpu.memref_slice %arg7[%add3A_176, %dma_start3A_177] : memref<80x128xi32, #tpu.memory_space<vmem>> -> memref<1x128xi32, #tpu.memory_space<vmem>>
      %dma_start3A_179 = tpu.memref_squeeze %dma_start3A_178 : memref<1x128xi32, #tpu.memory_space<vmem>> -> memref<128xi32, #tpu.memory_space<vmem>>
      %dma_start3A_180 = arith.constant 0 : i32
      %dma_start3A_181 = arith.constant 0 : i32
      %dma_start3A_182 = tpu.memref_slice %arg16[%dma_start3A_180, %dma_start3A_181] : memref<10008x64xf32, #tpu.memory_space<vmem_shared>> -> memref<10008x64xf32, #tpu.memory_space<vmem_shared>>
      tpu.enqueue_indirect_dma source(%arg13 : memref<128x64xf32, #tpu.memory_space<vmem>>) target(%dma_start3A_182 : memref<10008x64xf32, #tpu.memory_space<vmem_shared>>) offsets(%dma_start3A_179 : memref<128xi32, #tpu.memory_space<vmem>>) semaphore(%arg30 : memref<!tpu.dma_semaphore, #tpu.memory_space<semaphore_mem>>) {add = true}
      %add3A_183 = arith.constant 6 : i32
      %add3A_184 = arith.addi %mul3A_87, %add3A_183 : i32
      %dma_wait3A_185 = arith.constant 0 : i32
      %dma_wait3A_186 = tpu.memref_slice %arg6[%add3A_184, %dma_wait3A_185] : memref<80x128xi32, #tpu.memory_space<vmem>> -> memref<1x128xi32, #tpu.memory_space<vmem>>
      %dma_wait3A_187 = tpu.memref_squeeze %dma_wait3A_186 : memref<1x128xi32, #tpu.memory_space<vmem>> -> memref<128xi32, #tpu.memory_space<vmem>>
      %dma_wait3A_188 = arith.constant 0 : i32
      %dma_wait3A_189 = arith.constant 0 : i32
      %dma_wait3A_190 = tpu.memref_slice %arg2[%dma_wait3A_188, %dma_wait3A_189] : memref<10000x64xf32, #tpu.memory_space<hbm>> -> memref<10000x64xf32, #tpu.memory_space<hbm>>
      tpu.wait_indirect_dma semaphore(%arg23 : memref<!tpu.dma_semaphore, #tpu.memory_space<semaphore_mem>>) src(%dma_wait3A_190 : memref<10000x64xf32, #tpu.memory_space<hbm>>) dst(%arg14 : memref<128x64xf32, #tpu.memory_space<vmem>>)
      %add3A_191 = arith.constant 6 : i32
      %add3A_192 = arith.addi %mul3A_87, %add3A_191 : i32
      %dma_start3A_193 = arith.constant 0 : i32
      %dma_start3A_194 = tpu.memref_slice %arg7[%add3A_192, %dma_start3A_193] : memref<80x128xi32, #tpu.memory_space<vmem>> -> memref<1x128xi32, #tpu.memory_space<vmem>>
      %dma_start3A_195 = tpu.memref_squeeze %dma_start3A_194 : memref<1x128xi32, #tpu.memory_space<vmem>> -> memref<128xi32, #tpu.memory_space<vmem>>
      %dma_start3A_196 = arith.constant 0 : i32
      %dma_start3A_197 = arith.constant 0 : i32
      %dma_start3A_198 = tpu.memref_slice %arg16[%dma_start3A_196, %dma_start3A_197] : memref<10008x64xf32, #tpu.memory_space<vmem_shared>> -> memref<10008x64xf32, #tpu.memory_space<vmem_shared>>
      tpu.enqueue_indirect_dma source(%arg14 : memref<128x64xf32, #tpu.memory_space<vmem>>) target(%dma_start3A_198 : memref<10008x64xf32, #tpu.memory_space<vmem_shared>>) offsets(%dma_start3A_195 : memref<128xi32, #tpu.memory_space<vmem>>) semaphore(%arg31 : memref<!tpu.dma_semaphore, #tpu.memory_space<semaphore_mem>>) {add = true}
      %add3A_199 = arith.constant 7 : i32
      %add3A_200 = arith.addi %mul3A_87, %add3A_199 : i32
      %dma_wait3A_201 = arith.constant 0 : i32
      %dma_wait3A_202 = tpu.memref_slice %arg6[%add3A_200, %dma_wait3A_201] : memref<80x128xi32, #tpu.memory_space<vmem>> -> memref<1x128xi32, #tpu.memory_space<vmem>>
      %dma_wait3A_203 = tpu.memref_squeeze %dma_wait3A_202 : memref<1x128xi32, #tpu.memory_space<vmem>> -> memref<128xi32, #tpu.memory_space<vmem>>
      %dma_wait3A_204 = arith.constant 0 : i32
      %dma_wait3A_205 = arith.constant 0 : i32
      %dma_wait3A_206 = tpu.memref_slice %arg2[%dma_wait3A_204, %dma_wait3A_205] : memref<10000x64xf32, #tpu.memory_space<hbm>> -> memref<10000x64xf32, #tpu.memory_space<hbm>>
      tpu.wait_indirect_dma semaphore(%arg24 : memref<!tpu.dma_semaphore, #tpu.memory_space<semaphore_mem>>) src(%dma_wait3A_206 : memref<10000x64xf32, #tpu.memory_space<hbm>>) dst(%arg15 : memref<128x64xf32, #tpu.memory_space<vmem>>)
      %add3A_207 = arith.constant 7 : i32
      %add3A_208 = arith.addi %mul3A_87, %add3A_207 : i32
      %dma_start3A_209 = arith.constant 0 : i32
      %dma_start3A_210 = tpu.memref_slice %arg7[%add3A_208, %dma_start3A_209] : memref<80x128xi32, #tpu.memory_space<vmem>> -> memref<1x128xi32, #tpu.memory_space<vmem>>
      %dma_start3A_211 = tpu.memref_squeeze %dma_start3A_210 : memref<1x128xi32, #tpu.memory_space<vmem>> -> memref<128xi32, #tpu.memory_space<vmem>>
      %dma_start3A_212 = arith.constant 0 : i32
      %dma_start3A_213 = arith.constant 0 : i32
      %dma_start3A_214 = tpu.memref_slice %arg16[%dma_start3A_212, %dma_start3A_213] : memref<10008x64xf32, #tpu.memory_space<vmem_shared>> -> memref<10008x64xf32, #tpu.memory_space<vmem_shared>>
      tpu.enqueue_indirect_dma source(%arg15 : memref<128x64xf32, #tpu.memory_space<vmem>>) target(%dma_start3A_214 : memref<10008x64xf32, #tpu.memory_space<vmem_shared>>) offsets(%dma_start3A_211 : memref<128xi32, #tpu.memory_space<vmem>>) semaphore(%arg32 : memref<!tpu.dma_semaphore, #tpu.memory_space<semaphore_mem>>) {add = true}
      %add3A_215 = arith.constant 0 : i32
      %add3A_216 = arith.addi %mul3A_87, %add3A_215 : i32
      %dma_wait3A_217 = arith.constant 0 : i32
      %dma_wait3A_218 = tpu.memref_slice %arg7[%add3A_216, %dma_wait3A_217] : memref<80x128xi32, #tpu.memory_space<vmem>> -> memref<1x128xi32, #tpu.memory_space<vmem>>
      %dma_wait3A_219 = tpu.memref_squeeze %dma_wait3A_218 : memref<1x128xi32, #tpu.memory_space<vmem>> -> memref<128xi32, #tpu.memory_space<vmem>>
      %dma_wait3A_220 = arith.constant 0 : i32
      %dma_wait3A_221 = arith.constant 0 : i32
      %dma_wait3A_222 = tpu.memref_slice %arg16[%dma_wait3A_220, %dma_wait3A_221] : memref<10008x64xf32, #tpu.memory_space<vmem_shared>> -> memref<10008x64xf32, #tpu.memory_space<vmem_shared>>
      tpu.wait_indirect_dma semaphore(%arg25 : memref<!tpu.dma_semaphore, #tpu.memory_space<semaphore_mem>>) src(%arg8 : memref<128x64xf32, #tpu.memory_space<vmem>>) dst(%dma_wait3A_222 : memref<10008x64xf32, #tpu.memory_space<vmem_shared>>)
      %lt3A_223 = arith.constant 9 : i32
      %lt3A_224 = arith.cmpi slt, %scan3A_85, %lt3A_223 : i32
      %convert_element_type3A_225 = arith.extui %lt3A_224 : i1 to i32
      %cond3A_226 = arith.constant 0 : i32
      %cond3A_227 = arith.cmpi ne, %convert_element_type3A_225, %cond3A_226 : i32
      scf.if %cond3A_227 {
        %add3A_319 = arith.constant 8 : i32
        %add3A_320 = arith.addi %mul3A_87, %add3A_319 : i32
        %add3A_321 = arith.constant 0 : i32
        %add3A_322 = arith.addi %add3A_320, %add3A_321 : i32
        %dma_start3A_323 = arith.constant 0 : i32
        %dma_start3A_324 = tpu.memref_slice %arg6[%add3A_322, %dma_start3A_323] : memref<80x128xi32, #tpu.memory_space<vmem>> -> memref<1x128xi32, #tpu.memory_space<vmem>>
        %dma_start3A_325 = tpu.memref_squeeze %dma_start3A_324 : memref<1x128xi32, #tpu.memory_space<vmem>> -> memref<128xi32, #tpu.memory_space<vmem>>
        %dma_start3A_326 = arith.constant 0 : i32
        %dma_start3A_327 = arith.constant 0 : i32
        %dma_start3A_328 = tpu.memref_slice %arg2[%dma_start3A_326, %dma_start3A_327] : memref<10000x64xf32, #tpu.memory_space<hbm>> -> memref<10000x64xf32, #tpu.memory_space<hbm>>
        tpu.enqueue_indirect_dma source(%dma_start3A_328 : memref<10000x64xf32, #tpu.memory_space<hbm>>) target(%arg8 : memref<128x64xf32, #tpu.memory_space<vmem>>) offsets(%dma_start3A_325 : memref<128xi32, #tpu.memory_space<vmem>>) semaphore(%arg17 : memref<!tpu.dma_semaphore, #tpu.memory_space<semaphore_mem>>)
      } else {
      }
      %add3A_228 = arith.constant 1 : i32
      %add3A_229 = arith.addi %mul3A_87, %add3A_228 : i32
      %dma_wait3A_230 = arith.constant 0 : i32
      %dma_wait3A_231 = tpu.memref_slice %arg7[%add3A_229, %dma_wait3A_230] : memref<80x128xi32, #tpu.memory_space<vmem>> -> memref<1x128xi32, #tpu.memory_space<vmem>>
      %dma_wait3A_232 = tpu.memref_squeeze %dma_wait3A_231 : memref<1x128xi32, #tpu.memory_space<vmem>> -> memref<128xi32, #tpu.memory_space<vmem>>
      %dma_wait3A_233 = arith.constant 0 : i32
      %dma_wait3A_234 = arith.constant 0 : i32
      %dma_wait3A_235 = tpu.memref_slice %arg16[%dma_wait3A_233, %dma_wait3A_234] : memref<10008x64xf32, #tpu.memory_space<vmem_shared>> -> memref<10008x64xf32, #tpu.memory_space<vmem_shared>>
      tpu.wait_indirect_dma semaphore(%arg26 : memref<!tpu.dma_semaphore, #tpu.memory_space<semaphore_mem>>) src(%arg9 : memref<128x64xf32, #tpu.memory_space<vmem>>) dst(%dma_wait3A_235 : memref<10008x64xf32, #tpu.memory_space<vmem_shared>>)
      %lt3A_236 = arith.constant 9 : i32
      %lt3A_237 = arith.cmpi slt, %scan3A_85, %lt3A_236 : i32
      %convert_element_type3A_238 = arith.extui %lt3A_237 : i1 to i32
      %cond3A_239 = arith.constant 0 : i32
      %cond3A_240 = arith.cmpi ne, %convert_element_type3A_238, %cond3A_239 : i32
      scf.if %cond3A_240 {
        %add3A_319 = arith.constant 8 : i32
        %add3A_320 = arith.addi %mul3A_87, %add3A_319 : i32
        %add3A_321 = arith.constant 1 : i32
        %add3A_322 = arith.addi %add3A_320, %add3A_321 : i32
        %dma_start3A_323 = arith.constant 0 : i32
        %dma_start3A_324 = tpu.memref_slice %arg6[%add3A_322, %dma_start3A_323] : memref<80x128xi32, #tpu.memory_space<vmem>> -> memref<1x128xi32, #tpu.memory_space<vmem>>
        %dma_start3A_325 = tpu.memref_squeeze %dma_start3A_324 : memref<1x128xi32, #tpu.memory_space<vmem>> -> memref<128xi32, #tpu.memory_space<vmem>>
        %dma_start3A_326 = arith.constant 0 : i32
        %dma_start3A_327 = arith.constant 0 : i32
        %dma_start3A_328 = tpu.memref_slice %arg2[%dma_start3A_326, %dma_start3A_327] : memref<10000x64xf32, #tpu.memory_space<hbm>> -> memref<10000x64xf32, #tpu.memory_space<hbm>>
        tpu.enqueue_indirect_dma source(%dma_start3A_328 : memref<10000x64xf32, #tpu.memory_space<hbm>>) target(%arg9 : memref<128x64xf32, #tpu.memory_space<vmem>>) offsets(%dma_start3A_325 : memref<128xi32, #tpu.memory_space<vmem>>) semaphore(%arg18 : memref<!tpu.dma_semaphore, #tpu.memory_space<semaphore_mem>>)
      } else {
      }
      %add3A_241 = arith.constant 2 : i32
      %add3A_242 = arith.addi %mul3A_87, %add3A_241 : i32
      %dma_wait3A_243 = arith.constant 0 : i32
      %dma_wait3A_244 = tpu.memref_slice %arg7[%add3A_242, %dma_wait3A_243] : memref<80x128xi32, #tpu.memory_space<vmem>> -> memref<1x128xi32, #tpu.memory_space<vmem>>
      %dma_wait3A_245 = tpu.memref_squeeze %dma_wait3A_244 : memref<1x128xi32, #tpu.memory_space<vmem>> -> memref<128xi32, #tpu.memory_space<vmem>>
      %dma_wait3A_246 = arith.constant 0 : i32
      %dma_wait3A_247 = arith.constant 0 : i32
      %dma_wait3A_248 = tpu.memref_slice %arg16[%dma_wait3A_246, %dma_wait3A_247] : memref<10008x64xf32, #tpu.memory_space<vmem_shared>> -> memref<10008x64xf32, #tpu.memory_space<vmem_shared>>
      tpu.wait_indirect_dma semaphore(%arg27 : memref<!tpu.dma_semaphore, #tpu.memory_space<semaphore_mem>>) src(%arg10 : memref<128x64xf32, #tpu.memory_space<vmem>>) dst(%dma_wait3A_248 : memref<10008x64xf32, #tpu.memory_space<vmem_shared>>)
      %lt3A_249 = arith.constant 9 : i32
      %lt3A_250 = arith.cmpi slt, %scan3A_85, %lt3A_249 : i32
      %convert_element_type3A_251 = arith.extui %lt3A_250 : i1 to i32
      %cond3A_252 = arith.constant 0 : i32
      %cond3A_253 = arith.cmpi ne, %convert_element_type3A_251, %cond3A_252 : i32
      scf.if %cond3A_253 {
        %add3A_319 = arith.constant 8 : i32
        %add3A_320 = arith.addi %mul3A_87, %add3A_319 : i32
        %add3A_321 = arith.constant 2 : i32
        %add3A_322 = arith.addi %add3A_320, %add3A_321 : i32
        %dma_start3A_323 = arith.constant 0 : i32
        %dma_start3A_324 = tpu.memref_slice %arg6[%add3A_322, %dma_start3A_323] : memref<80x128xi32, #tpu.memory_space<vmem>> -> memref<1x128xi32, #tpu.memory_space<vmem>>
        %dma_start3A_325 = tpu.memref_squeeze %dma_start3A_324 : memref<1x128xi32, #tpu.memory_space<vmem>> -> memref<128xi32, #tpu.memory_space<vmem>>
        %dma_start3A_326 = arith.constant 0 : i32
        %dma_start3A_327 = arith.constant 0 : i32
        %dma_start3A_328 = tpu.memref_slice %arg2[%dma_start3A_326, %dma_start3A_327] : memref<10000x64xf32, #tpu.memory_space<hbm>> -> memref<10000x64xf32, #tpu.memory_space<hbm>>
        tpu.enqueue_indirect_dma source(%dma_start3A_328 : memref<10000x64xf32, #tpu.memory_space<hbm>>) target(%arg10 : memref<128x64xf32, #tpu.memory_space<vmem>>) offsets(%dma_start3A_325 : memref<128xi32, #tpu.memory_space<vmem>>) semaphore(%arg19 : memref<!tpu.dma_semaphore, #tpu.memory_space<semaphore_mem>>)
      } else {
      }
      %add3A_254 = arith.constant 3 : i32
      %add3A_255 = arith.addi %mul3A_87, %add3A_254 : i32
      %dma_wait3A_256 = arith.constant 0 : i32
      %dma_wait3A_257 = tpu.memref_slice %arg7[%add3A_255, %dma_wait3A_256] : memref<80x128xi32, #tpu.memory_space<vmem>> -> memref<1x128xi32, #tpu.memory_space<vmem>>
      %dma_wait3A_258 = tpu.memref_squeeze %dma_wait3A_257 : memref<1x128xi32, #tpu.memory_space<vmem>> -> memref<128xi32, #tpu.memory_space<vmem>>
      %dma_wait3A_259 = arith.constant 0 : i32
      %dma_wait3A_260 = arith.constant 0 : i32
      %dma_wait3A_261 = tpu.memref_slice %arg16[%dma_wait3A_259, %dma_wait3A_260] : memref<10008x64xf32, #tpu.memory_space<vmem_shared>> -> memref<10008x64xf32, #tpu.memory_space<vmem_shared>>
      tpu.wait_indirect_dma semaphore(%arg28 : memref<!tpu.dma_semaphore, #tpu.memory_space<semaphore_mem>>) src(%arg11 : memref<128x64xf32, #tpu.memory_space<vmem>>) dst(%dma_wait3A_261 : memref<10008x64xf32, #tpu.memory_space<vmem_shared>>)
      %lt3A_262 = arith.constant 9 : i32
      %lt3A_263 = arith.cmpi slt, %scan3A_85, %lt3A_262 : i32
      %convert_element_type3A_264 = arith.extui %lt3A_263 : i1 to i32
      %cond3A_265 = arith.constant 0 : i32
      %cond3A_266 = arith.cmpi ne, %convert_element_type3A_264, %cond3A_265 : i32
      scf.if %cond3A_266 {
        %add3A_319 = arith.constant 8 : i32
        %add3A_320 = arith.addi %mul3A_87, %add3A_319 : i32
        %add3A_321 = arith.constant 3 : i32
        %add3A_322 = arith.addi %add3A_320, %add3A_321 : i32
        %dma_start3A_323 = arith.constant 0 : i32
        %dma_start3A_324 = tpu.memref_slice %arg6[%add3A_322, %dma_start3A_323] : memref<80x128xi32, #tpu.memory_space<vmem>> -> memref<1x128xi32, #tpu.memory_space<vmem>>
        %dma_start3A_325 = tpu.memref_squeeze %dma_start3A_324 : memref<1x128xi32, #tpu.memory_space<vmem>> -> memref<128xi32, #tpu.memory_space<vmem>>
        %dma_start3A_326 = arith.constant 0 : i32
        %dma_start3A_327 = arith.constant 0 : i32
        %dma_start3A_328 = tpu.memref_slice %arg2[%dma_start3A_326, %dma_start3A_327] : memref<10000x64xf32, #tpu.memory_space<hbm>> -> memref<10000x64xf32, #tpu.memory_space<hbm>>
        tpu.enqueue_indirect_dma source(%dma_start3A_328 : memref<10000x64xf32, #tpu.memory_space<hbm>>) target(%arg11 : memref<128x64xf32, #tpu.memory_space<vmem>>) offsets(%dma_start3A_325 : memref<128xi32, #tpu.memory_space<vmem>>) semaphore(%arg20 : memref<!tpu.dma_semaphore, #tpu.memory_space<semaphore_mem>>)
      } else {
      }
      %add3A_267 = arith.constant 4 : i32
      %add3A_268 = arith.addi %mul3A_87, %add3A_267 : i32
      %dma_wait3A_269 = arith.constant 0 : i32
      %dma_wait3A_270 = tpu.memref_slice %arg7[%add3A_268, %dma_wait3A_269] : memref<80x128xi32, #tpu.memory_space<vmem>> -> memref<1x128xi32, #tpu.memory_space<vmem>>
      %dma_wait3A_271 = tpu.memref_squeeze %dma_wait3A_270 : memref<1x128xi32, #tpu.memory_space<vmem>> -> memref<128xi32, #tpu.memory_space<vmem>>
      %dma_wait3A_272 = arith.constant 0 : i32
      %dma_wait3A_273 = arith.constant 0 : i32
      %dma_wait3A_274 = tpu.memref_slice %arg16[%dma_wait3A_272, %dma_wait3A_273] : memref<10008x64xf32, #tpu.memory_space<vmem_shared>> -> memref<10008x64xf32, #tpu.memory_space<vmem_shared>>
      tpu.wait_indirect_dma semaphore(%arg29 : memref<!tpu.dma_semaphore, #tpu.memory_space<semaphore_mem>>) src(%arg12 : memref<128x64xf32, #tpu.memory_space<vmem>>) dst(%dma_wait3A_274 : memref<10008x64xf32, #tpu.memory_space<vmem_shared>>)
      %lt3A_275 = arith.constant 9 : i32
      %lt3A_276 = arith.cmpi slt, %scan3A_85, %lt3A_275 : i32
      %convert_element_type3A_277 = arith.extui %lt3A_276 : i1 to i32
      %cond3A_278 = arith.constant 0 : i32
      %cond3A_279 = arith.cmpi ne, %convert_element_type3A_277, %cond3A_278 : i32
      scf.if %cond3A_279 {
        %add3A_319 = arith.constant 8 : i32
        %add3A_320 = arith.addi %mul3A_87, %add3A_319 : i32
        %add3A_321 = arith.constant 4 : i32
        %add3A_322 = arith.addi %add3A_320, %add3A_321 : i32
        %dma_start3A_323 = arith.constant 0 : i32
        %dma_start3A_324 = tpu.memref_slice %arg6[%add3A_322, %dma_start3A_323] : memref<80x128xi32, #tpu.memory_space<vmem>> -> memref<1x128xi32, #tpu.memory_space<vmem>>
        %dma_start3A_325 = tpu.memref_squeeze %dma_start3A_324 : memref<1x128xi32, #tpu.memory_space<vmem>> -> memref<128xi32, #tpu.memory_space<vmem>>
        %dma_start3A_326 = arith.constant 0 : i32
        %dma_start3A_327 = arith.constant 0 : i32
        %dma_start3A_328 = tpu.memref_slice %arg2[%dma_start3A_326, %dma_start3A_327] : memref<10000x64xf32, #tpu.memory_space<hbm>> -> memref<10000x64xf32, #tpu.memory_space<hbm>>
        tpu.enqueue_indirect_dma source(%dma_start3A_328 : memref<10000x64xf32, #tpu.memory_space<hbm>>) target(%arg12 : memref<128x64xf32, #tpu.memory_space<vmem>>) offsets(%dma_start3A_325 : memref<128xi32, #tpu.memory_space<vmem>>) semaphore(%arg21 : memref<!tpu.dma_semaphore, #tpu.memory_space<semaphore_mem>>)
      } else {
      }
      %add3A_280 = arith.constant 5 : i32
      %add3A_281 = arith.addi %mul3A_87, %add3A_280 : i32
      %dma_wait3A_282 = arith.constant 0 : i32
      %dma_wait3A_283 = tpu.memref_slice %arg7[%add3A_281, %dma_wait3A_282] : memref<80x128xi32, #tpu.memory_space<vmem>> -> memref<1x128xi32, #tpu.memory_space<vmem>>
      %dma_wait3A_284 = tpu.memref_squeeze %dma_wait3A_283 : memref<1x128xi32, #tpu.memory_space<vmem>> -> memref<128xi32, #tpu.memory_space<vmem>>
      %dma_wait3A_285 = arith.constant 0 : i32
      %dma_wait3A_286 = arith.constant 0 : i32
      %dma_wait3A_287 = tpu.memref_slice %arg16[%dma_wait3A_285, %dma_wait3A_286] : memref<10008x64xf32, #tpu.memory_space<vmem_shared>> -> memref<10008x64xf32, #tpu.memory_space<vmem_shared>>
      tpu.wait_indirect_dma semaphore(%arg30 : memref<!tpu.dma_semaphore, #tpu.memory_space<semaphore_mem>>) src(%arg13 : memref<128x64xf32, #tpu.memory_space<vmem>>) dst(%dma_wait3A_287 : memref<10008x64xf32, #tpu.memory_space<vmem_shared>>)
      %lt3A_288 = arith.constant 9 : i32
      %lt3A_289 = arith.cmpi slt, %scan3A_85, %lt3A_288 : i32
      %convert_element_type3A_290 = arith.extui %lt3A_289 : i1 to i32
      %cond3A_291 = arith.constant 0 : i32
      %cond3A_292 = arith.cmpi ne, %convert_element_type3A_290, %cond3A_291 : i32
      scf.if %cond3A_292 {
        %add3A_319 = arith.constant 8 : i32
        %add3A_320 = arith.addi %mul3A_87, %add3A_319 : i32
        %add3A_321 = arith.constant 5 : i32
        %add3A_322 = arith.addi %add3A_320, %add3A_321 : i32
        %dma_start3A_323 = arith.constant 0 : i32
        %dma_start3A_324 = tpu.memref_slice %arg6[%add3A_322, %dma_start3A_323] : memref<80x128xi32, #tpu.memory_space<vmem>> -> memref<1x128xi32, #tpu.memory_space<vmem>>
        %dma_start3A_325 = tpu.memref_squeeze %dma_start3A_324 : memref<1x128xi32, #tpu.memory_space<vmem>> -> memref<128xi32, #tpu.memory_space<vmem>>
        %dma_start3A_326 = arith.constant 0 : i32
        %dma_start3A_327 = arith.constant 0 : i32
        %dma_start3A_328 = tpu.memref_slice %arg2[%dma_start3A_326, %dma_start3A_327] : memref<10000x64xf32, #tpu.memory_space<hbm>> -> memref<10000x64xf32, #tpu.memory_space<hbm>>
        tpu.enqueue_indirect_dma source(%dma_start3A_328 : memref<10000x64xf32, #tpu.memory_space<hbm>>) target(%arg13 : memref<128x64xf32, #tpu.memory_space<vmem>>) offsets(%dma_start3A_325 : memref<128xi32, #tpu.memory_space<vmem>>) semaphore(%arg22 : memref<!tpu.dma_semaphore, #tpu.memory_space<semaphore_mem>>)
      } else {
      }
      %add3A_293 = arith.constant 6 : i32
      %add3A_294 = arith.addi %mul3A_87, %add3A_293 : i32
      %dma_wait3A_295 = arith.constant 0 : i32
      %dma_wait3A_296 = tpu.memref_slice %arg7[%add3A_294, %dma_wait3A_295] : memref<80x128xi32, #tpu.memory_space<vmem>> -> memref<1x128xi32, #tpu.memory_space<vmem>>
      %dma_wait3A_297 = tpu.memref_squeeze %dma_wait3A_296 : memref<1x128xi32, #tpu.memory_space<vmem>> -> memref<128xi32, #tpu.memory_space<vmem>>
      %dma_wait3A_298 = arith.constant 0 : i32
      %dma_wait3A_299 = arith.constant 0 : i32
      %dma_wait3A_300 = tpu.memref_slice %arg16[%dma_wait3A_298, %dma_wait3A_299] : memref<10008x64xf32, #tpu.memory_space<vmem_shared>> -> memref<10008x64xf32, #tpu.memory_space<vmem_shared>>
      tpu.wait_indirect_dma semaphore(%arg31 : memref<!tpu.dma_semaphore, #tpu.memory_space<semaphore_mem>>) src(%arg14 : memref<128x64xf32, #tpu.memory_space<vmem>>) dst(%dma_wait3A_300 : memref<10008x64xf32, #tpu.memory_space<vmem_shared>>)
      %lt3A_301 = arith.constant 9 : i32
      %lt3A_302 = arith.cmpi slt, %scan3A_85, %lt3A_301 : i32
      %convert_element_type3A_303 = arith.extui %lt3A_302 : i1 to i32
      %cond3A_304 = arith.constant 0 : i32
      %cond3A_305 = arith.cmpi ne, %convert_element_type3A_303, %cond3A_304 : i32
      scf.if %cond3A_305 {
        %add3A_319 = arith.constant 8 : i32
        %add3A_320 = arith.addi %mul3A_87, %add3A_319 : i32
        %add3A_321 = arith.constant 6 : i32
        %add3A_322 = arith.addi %add3A_320, %add3A_321 : i32
        %dma_start3A_323 = arith.constant 0 : i32
        %dma_start3A_324 = tpu.memref_slice %arg6[%add3A_322, %dma_start3A_323] : memref<80x128xi32, #tpu.memory_space<vmem>> -> memref<1x128xi32, #tpu.memory_space<vmem>>
        %dma_start3A_325 = tpu.memref_squeeze %dma_start3A_324 : memref<1x128xi32, #tpu.memory_space<vmem>> -> memref<128xi32, #tpu.memory_space<vmem>>
        %dma_start3A_326 = arith.constant 0 : i32
        %dma_start3A_327 = arith.constant 0 : i32
        %dma_start3A_328 = tpu.memref_slice %arg2[%dma_start3A_326, %dma_start3A_327] : memref<10000x64xf32, #tpu.memory_space<hbm>> -> memref<10000x64xf32, #tpu.memory_space<hbm>>
        tpu.enqueue_indirect_dma source(%dma_start3A_328 : memref<10000x64xf32, #tpu.memory_space<hbm>>) target(%arg14 : memref<128x64xf32, #tpu.memory_space<vmem>>) offsets(%dma_start3A_325 : memref<128xi32, #tpu.memory_space<vmem>>) semaphore(%arg23 : memref<!tpu.dma_semaphore, #tpu.memory_space<semaphore_mem>>)
      } else {
      }
      %add3A_306 = arith.constant 7 : i32
      %add3A_307 = arith.addi %mul3A_87, %add3A_306 : i32
      %dma_wait3A_308 = arith.constant 0 : i32
      %dma_wait3A_309 = tpu.memref_slice %arg7[%add3A_307, %dma_wait3A_308] : memref<80x128xi32, #tpu.memory_space<vmem>> -> memref<1x128xi32, #tpu.memory_space<vmem>>
      %dma_wait3A_310 = tpu.memref_squeeze %dma_wait3A_309 : memref<1x128xi32, #tpu.memory_space<vmem>> -> memref<128xi32, #tpu.memory_space<vmem>>
      %dma_wait3A_311 = arith.constant 0 : i32
      %dma_wait3A_312 = arith.constant 0 : i32
      %dma_wait3A_313 = tpu.memref_slice %arg16[%dma_wait3A_311, %dma_wait3A_312] : memref<10008x64xf32, #tpu.memory_space<vmem_shared>> -> memref<10008x64xf32, #tpu.memory_space<vmem_shared>>
      tpu.wait_indirect_dma semaphore(%arg32 : memref<!tpu.dma_semaphore, #tpu.memory_space<semaphore_mem>>) src(%arg15 : memref<128x64xf32, #tpu.memory_space<vmem>>) dst(%dma_wait3A_313 : memref<10008x64xf32, #tpu.memory_space<vmem_shared>>)
      %lt3A_314 = arith.constant 9 : i32
      %lt3A_315 = arith.cmpi slt, %scan3A_85, %lt3A_314 : i32
      %convert_element_type3A_316 = arith.extui %lt3A_315 : i1 to i32
      %cond3A_317 = arith.constant 0 : i32
      %cond3A_318 = arith.cmpi ne, %convert_element_type3A_316, %cond3A_317 : i32
      scf.if %cond3A_318 {
        %add3A_319 = arith.constant 8 : i32
        %add3A_320 = arith.addi %mul3A_87, %add3A_319 : i32
        %add3A_321 = arith.constant 7 : i32
        %add3A_322 = arith.addi %add3A_320, %add3A_321 : i32
        %dma_start3A_323 = arith.constant 0 : i32
        %dma_start3A_324 = tpu.memref_slice %arg6[%add3A_322, %dma_start3A_323] : memref<80x128xi32, #tpu.memory_space<vmem>> -> memref<1x128xi32, #tpu.memory_space<vmem>>
        %dma_start3A_325 = tpu.memref_squeeze %dma_start3A_324 : memref<1x128xi32, #tpu.memory_space<vmem>> -> memref<128xi32, #tpu.memory_space<vmem>>
        %dma_start3A_326 = arith.constant 0 : i32
        %dma_start3A_327 = arith.constant 0 : i32
        %dma_start3A_328 = tpu.memref_slice %arg2[%dma_start3A_326, %dma_start3A_327] : memref<10000x64xf32, #tpu.memory_space<hbm>> -> memref<10000x64xf32, #tpu.memory_space<hbm>>
        tpu.enqueue_indirect_dma source(%dma_start3A_328 : memref<10000x64xf32, #tpu.memory_space<hbm>>) target(%arg15 : memref<128x64xf32, #tpu.memory_space<vmem>>) offsets(%dma_start3A_325 : memref<128xi32, #tpu.memory_space<vmem>>) semaphore(%arg24 : memref<!tpu.dma_semaphore, #tpu.memory_space<semaphore_mem>>)
      } else {
      }
    }
    %scan3A_71 = arith.constant 10 : i32
    %barrier3A_72 = arith.constant 0 : index
    tpu.barrier barrier_id(%barrier3A_72)
    %mul3A_73 = arith.constant 624 : i32
    %mul3A_74 = arith.muli %arg1, %mul3A_73 : i32
    %lt3A_75 = arith.constant 15 : i32
    %lt3A_76 = arith.cmpi slt, %arg1, %lt3A_75 : i32
    %convert_element_type3A_77 = arith.extui %lt3A_76 : i1 to i32
    %cond3A_78 = arith.constant 0 : i32
    %cond3A_79 = arith.cmpi ne, %convert_element_type3A_77, %cond3A_78 : i32
    scf.if %cond3A_79 {
      "tpu.region"() ({
        %run_scoped3A = tpu.sem_alloc : memref<!tpu.dma_semaphore, #tpu.memory_space<semaphore_mem>>
        %dma_start3A_85 = arith.constant 0 : i32
        %dma_start3A_86 = arith.constant 0 : i32
        %dma_start3A_87 = tpu.memref_slice %arg5[%arg0, %dma_start3A_85, %dma_start3A_86] : memref<2x10000x64xf32, #tpu.memory_space<hbm>> -> memref<1x10000x64xf32, #tpu.memory_space<hbm>>
        %dma_start3A_88 = tpu.memref_squeeze %dma_start3A_87 : memref<1x10000x64xf32, #tpu.memory_space<hbm>> -> memref<10000x64xf32, #tpu.memory_space<hbm>>
        %dma_start3A_89 = arith.constant 0 : i32
        %dma_start3A_90 = tpu.memref_slice %dma_start3A_88[%mul3A_74, %dma_start3A_89] : memref<10000x64xf32, #tpu.memory_space<hbm>> -> memref<624x64xf32, #tpu.memory_space<hbm>>
        %dma_start3A_91 = arith.constant 0 : i32
        %dma_start3A_92 = tpu.memref_slice %arg16[%mul3A_74, %dma_start3A_91] : memref<10008x64xf32, #tpu.memory_space<vmem_shared>> -> memref<624x64xf32, #tpu.memory_space<vmem_shared>>
        tpu.enqueue_dma source(%dma_start3A_92 : memref<624x64xf32, #tpu.memory_space<vmem_shared>>) target(%dma_start3A_90 : memref<624x64xf32, #tpu.memory_space<hbm>>) target_semaphore(%run_scoped3A : memref<!tpu.dma_semaphore, #tpu.memory_space<semaphore_mem>>)
        %dma_wait3A = arith.constant 0 : i32
        %dma_wait3A_93 = arith.constant 0 : i32
        %dma_wait3A_94 = tpu.memref_slice %arg5[%arg0, %dma_wait3A, %dma_wait3A_93] : memref<2x10000x64xf32, #tpu.memory_space<hbm>> -> memref<1x10000x64xf32, #tpu.memory_space<hbm>>
        %dma_wait3A_95 = tpu.memref_squeeze %dma_wait3A_94 : memref<1x10000x64xf32, #tpu.memory_space<hbm>> -> memref<10000x64xf32, #tpu.memory_space<hbm>>
        %dma_wait3A_96 = arith.constant 0 : i32
        %dma_wait3A_97 = tpu.memref_slice %dma_wait3A_95[%mul3A_74, %dma_wait3A_96] : memref<10000x64xf32, #tpu.memory_space<hbm>> -> memref<624x64xf32, #tpu.memory_space<hbm>>
        %dma_wait3A_98 = arith.constant 0 : i32
        %dma_wait3A_99 = tpu.memref_slice %arg16[%mul3A_74, %dma_wait3A_98] : memref<10008x64xf32, #tpu.memory_space<vmem_shared>> -> memref<624x64xf32, #tpu.memory_space<vmem_shared>>
        tpu.wait_dma2 semaphore(%run_scoped3A : memref<!tpu.dma_semaphore, #tpu.memory_space<semaphore_mem>>) src(%dma_wait3A_99 : memref<624x64xf32, #tpu.memory_space<vmem_shared>>) dst(%dma_wait3A_97 : memref<624x64xf32, #tpu.memory_space<hbm>>)
        tpu.yield
      }) : () -> ()
    } else {
    }
    %eq3A_80 = arith.constant 15 : i32
    %eq3A_81 = arith.cmpi eq, %arg1, %eq3A_80 : i32
    %convert_element_type3A_82 = arith.extui %eq3A_81 : i1 to i32
    %cond3A_83 = arith.constant 0 : i32
    %cond3A_84 = arith.cmpi ne, %convert_element_type3A_82, %cond3A_83 : i32
    scf.if %cond3A_84 {
      "tpu.region"() ({
        %run_scoped3A = tpu.sem_alloc : memref<!tpu.dma_semaphore, #tpu.memory_space<semaphore_mem>>
        %dma_start3A_85 = arith.constant 0 : i32
        %dma_start3A_86 = arith.constant 0 : i32
        %dma_start3A_87 = tpu.memref_slice %arg5[%arg0, %dma_start3A_85, %dma_start3A_86] : memref<2x10000x64xf32, #tpu.memory_space<hbm>> -> memref<1x10000x64xf32, #tpu.memory_space<hbm>>
        %dma_start3A_88 = tpu.memref_squeeze %dma_start3A_87 : memref<1x10000x64xf32, #tpu.memory_space<hbm>> -> memref<10000x64xf32, #tpu.memory_space<hbm>>
        %dma_start3A_89 = arith.constant 9360 : i32
        %dma_start3A_90 = arith.constant 0 : i32
        %dma_start3A_91 = tpu.memref_slice %dma_start3A_88[%dma_start3A_89, %dma_start3A_90] : memref<10000x64xf32, #tpu.memory_space<hbm>> -> memref<640x64xf32, #tpu.memory_space<hbm>>
        %dma_start3A_92 = arith.constant 9360 : i32
        %dma_start3A_93 = arith.constant 0 : i32
        %dma_start3A_94 = tpu.memref_slice %arg16[%dma_start3A_92, %dma_start3A_93] : memref<10008x64xf32, #tpu.memory_space<vmem_shared>> -> memref<640x64xf32, #tpu.memory_space<vmem_shared>>
        tpu.enqueue_dma source(%dma_start3A_94 : memref<640x64xf32, #tpu.memory_space<vmem_shared>>) target(%dma_start3A_91 : memref<640x64xf32, #tpu.memory_space<hbm>>) target_semaphore(%run_scoped3A : memref<!tpu.dma_semaphore, #tpu.memory_space<semaphore_mem>>)
        %dma_wait3A = arith.constant 0 : i32
        %dma_wait3A_95 = arith.constant 0 : i32
        %dma_wait3A_96 = tpu.memref_slice %arg5[%arg0, %dma_wait3A, %dma_wait3A_95] : memref<2x10000x64xf32, #tpu.memory_space<hbm>> -> memref<1x10000x64xf32, #tpu.memory_space<hbm>>
        %dma_wait3A_97 = tpu.memref_squeeze %dma_wait3A_96 : memref<1x10000x64xf32, #tpu.memory_space<hbm>> -> memref<10000x64xf32, #tpu.memory_space<hbm>>
        %dma_wait3A_98 = arith.constant 9360 : i32
        %dma_wait3A_99 = arith.constant 0 : i32
        %dma_wait3A_100 = tpu.memref_slice %dma_wait3A_97[%dma_wait3A_98, %dma_wait3A_99] : memref<10000x64xf32, #tpu.memory_space<hbm>> -> memref<640x64xf32, #tpu.memory_space<hbm>>
        %dma_wait3A_101 = arith.constant 9360 : i32
        %dma_wait3A_102 = arith.constant 0 : i32
        %dma_wait3A_103 = tpu.memref_slice %arg16[%dma_wait3A_101, %dma_wait3A_102] : memref<10008x64xf32, #tpu.memory_space<vmem_shared>> -> memref<640x64xf32, #tpu.memory_space<vmem_shared>>
        tpu.wait_dma2 semaphore(%run_scoped3A : memref<!tpu.dma_semaphore, #tpu.memory_space<semaphore_mem>>) src(%dma_wait3A_103 : memref<640x64xf32, #tpu.memory_space<vmem_shared>>) dst(%dma_wait3A_100 : memref<640x64xf32, #tpu.memory_space<hbm>>)
        tpu.yield
      }) : () -> ()
    } else {
    }
    return
  }
}

module attributes {stable_mosaic.version = 14 : i64} {
  func.func @_mlp0_body(%arg0: i32, %arg1: memref<2x1000x128xf32, #tpu.memory_space<vmem>>, %arg2: memref<128x64xf32, #tpu.memory_space<vmem>>, %arg3: memref<1x64xf32, #tpu.memory_space<vmem>>, %arg4: memref<64x64xf32, #tpu.memory_space<vmem>>, %arg5: memref<1x64xf32, #tpu.memory_space<vmem>>, %arg6: memref<1000x128xf32, #tpu.memory_space<vmem>>) attributes {dimension_semantics = [#tpu.dimension_semantics<arbitrary>], iteration_bounds = array<i64: 5>, scalar_prefetch = 0 : i64, scratch_operands = 0 : i64, tpu.core_type = #tpu.core_type<tc>, window_params = [{transform_indices = @transform_0, window_bounds = array<i64: 2, 1000, 128>}, {pipeline_mode = #tpu.pipeline_mode<synchronous>, transform_indices = @transform_1, window_bounds = array<i64: 128, 64>}, {pipeline_mode = #tpu.pipeline_mode<synchronous>, transform_indices = @transform_2, window_bounds = array<i64: 1, 64>}, {pipeline_mode = #tpu.pipeline_mode<synchronous>, transform_indices = @transform_3, window_bounds = array<i64: 64, 64>}, {pipeline_mode = #tpu.pipeline_mode<synchronous>, transform_indices = @transform_4, window_bounds = array<i64: 1, 64>}, {transform_indices = @transform_5, window_bounds = array<i64: 1000, 128>}]} {
    %get3A = arith.constant 0 : index
    %get3A_0 = arith.constant 0 : index
    %get3A_1 = arith.constant 0 : index
    %get3A_2 = vector.load %arg1[%get3A, %get3A_0, %get3A_1] : memref<2x1000x128xf32, #tpu.memory_space<vmem>>, vector<1x1000x128xf32>
    %get3A_3 = vector.shape_cast %get3A_2 : vector<1x1000x128xf32> to vector<1000x128xf32>
    %get3A_4 = arith.constant 1 : index
    %get3A_5 = arith.constant 0 : index
    %get3A_6 = arith.constant 0 : index
    %get3A_7 = vector.load %arg1[%get3A_4, %get3A_5, %get3A_6] : memref<2x1000x128xf32, #tpu.memory_space<vmem>>, vector<1x1000x128xf32>
    %get3A_8 = vector.shape_cast %get3A_7 : vector<1x1000x128xf32> to vector<1000x128xf32>
    %slice3A = vector.extract_strided_slice %get3A_3 {offsets = [0, 0], sizes = [1000, 64], strides = [1, 1]} : vector<1000x128xf32> to vector<1000x64xf32>
    %slice3A_9 = vector.extract_strided_slice %get3A_3 {offsets = [0, 64], sizes = [1000, 64], strides = [1, 1]} : vector<1000x128xf32> to vector<1000x64xf32>
    %slice3A_10 = vector.extract_strided_slice %get3A_8 {offsets = [0, 0], sizes = [1000, 64], strides = [1, 1]} : vector<1000x128xf32> to vector<1000x64xf32>
    %slice3A_11 = vector.extract_strided_slice %get3A_8 {offsets = [0, 64], sizes = [1000, 64], strides = [1, 1]} : vector<1000x128xf32> to vector<1000x64xf32>
    %get3A_12 = arith.constant 0 : index
    %get3A_13 = arith.constant 0 : index
    %get3A_14 = vector.load %arg2[%get3A_12, %get3A_13] : memref<128x64xf32, #tpu.memory_space<vmem>>, vector<64x64xf32>
    %get3A_15 = arith.constant 64 : index
    %get3A_16 = arith.constant 0 : index
    %get3A_17 = vector.load %arg2[%get3A_15, %get3A_16] : memref<128x64xf32, #tpu.memory_space<vmem>>, vector<64x64xf32>
    %dot_general3A = arith.constant dense<0.000000e+00> : vector<1000x64xf32>
    %dot_general3A_18 = tpu.matmul %slice3A, %get3A_14, %dot_general3A {dimension_numbers = #tpu.dot_dimension_numbers<[1], [0], [0], [1], [0, 0, 1, 1], [], []>, transpose_lhs_hint = false} : vector<1000x64xf32>, vector<64x64xf32>, vector<1000x64xf32> -> vector<1000x64xf32>
    %dot_general3A_19 = arith.constant dense<0.000000e+00> : vector<1000x64xf32>
    %dot_general3A_20 = tpu.matmul %slice3A_10, %get3A_17, %dot_general3A_19 {dimension_numbers = #tpu.dot_dimension_numbers<[1], [0], [0], [1], [0, 0, 1, 1], [], []>, transpose_lhs_hint = false} : vector<1000x64xf32>, vector<64x64xf32>, vector<1000x64xf32> -> vector<1000x64xf32>
    %add3A = arith.addf %dot_general3A_18, %dot_general3A_20 : vector<1000x64xf32>
    %get3A_21 = arith.constant 0 : index
    %get3A_22 = arith.constant 0 : index
    %get3A_23 = vector.load %arg3[%get3A_21, %get3A_22] : memref<1x64xf32, #tpu.memory_space<vmem>>, vector<1x64xf32>
    %add3A_24 = vector.broadcast %get3A_23 : vector<1x64xf32> to vector<1000x64xf32>
    %add3A_25 = arith.addf %add3A, %add3A_24 : vector<1000x64xf32>
    %max3A = arith.constant 0.000000e+00 : f32
    %max3A_26 = vector.broadcast %max3A : f32 to vector<1000x64xf32>
    %max3A_27 = arith.maximumf %add3A_25, %max3A_26 : vector<1000x64xf32>
    %get3A_28 = arith.constant 0 : index
    %get3A_29 = arith.constant 0 : index
    %get3A_30 = vector.load %arg4[%get3A_28, %get3A_29] : memref<64x64xf32, #tpu.memory_space<vmem>>, vector<64x64xf32>
    %dot_general3A_31 = arith.constant dense<0.000000e+00> : vector<1000x64xf32>
    %dot_general3A_32 = tpu.matmul %max3A_27, %get3A_30, %dot_general3A_31 {dimension_numbers = #tpu.dot_dimension_numbers<[1], [0], [0], [1], [0, 0, 1, 1], [], []>, transpose_lhs_hint = false} : vector<1000x64xf32>, vector<64x64xf32>, vector<1000x64xf32> -> vector<1000x64xf32>
    %get3A_33 = arith.constant 0 : index
    %get3A_34 = arith.constant 0 : index
    %get3A_35 = vector.load %arg5[%get3A_33, %get3A_34] : memref<1x64xf32, #tpu.memory_space<vmem>>, vector<1x64xf32>
    %add3A_36 = vector.broadcast %get3A_35 : vector<1x64xf32> to vector<1000x64xf32>
    %add3A_37 = arith.addf %dot_general3A_32, %add3A_36 : vector<1000x64xf32>
    %max3A_38 = arith.constant 0.000000e+00 : f32
    %max3A_39 = vector.broadcast %max3A_38 : f32 to vector<1000x64xf32>
    %max3A_40 = arith.maximumf %add3A_37, %max3A_39 : vector<1000x64xf32>
    %dot_general3A_41 = arith.constant dense<0.000000e+00> : vector<1000x64xf32>
    %dot_general3A_42 = tpu.matmul %slice3A_9, %get3A_14, %dot_general3A_41 {dimension_numbers = #tpu.dot_dimension_numbers<[1], [0], [0], [1], [0, 0, 1, 1], [], []>, transpose_lhs_hint = false} : vector<1000x64xf32>, vector<64x64xf32>, vector<1000x64xf32> -> vector<1000x64xf32>
    %dot_general3A_43 = arith.constant dense<0.000000e+00> : vector<1000x64xf32>
    %dot_general3A_44 = tpu.matmul %slice3A_11, %get3A_17, %dot_general3A_43 {dimension_numbers = #tpu.dot_dimension_numbers<[1], [0], [0], [1], [0, 0, 1, 1], [], []>, transpose_lhs_hint = false} : vector<1000x64xf32>, vector<64x64xf32>, vector<1000x64xf32> -> vector<1000x64xf32>
    %add3A_45 = arith.addf %dot_general3A_42, %dot_general3A_44 : vector<1000x64xf32>
    %get3A_46 = arith.constant 0 : index
    %get3A_47 = arith.constant 0 : index
    %get3A_48 = vector.load %arg3[%get3A_46, %get3A_47] : memref<1x64xf32, #tpu.memory_space<vmem>>, vector<1x64xf32>
    %add3A_49 = vector.broadcast %get3A_48 : vector<1x64xf32> to vector<1000x64xf32>
    %add3A_50 = arith.addf %add3A_45, %add3A_49 : vector<1000x64xf32>
    %max3A_51 = arith.constant 0.000000e+00 : f32
    %max3A_52 = vector.broadcast %max3A_51 : f32 to vector<1000x64xf32>
    %max3A_53 = arith.maximumf %add3A_50, %max3A_52 : vector<1000x64xf32>
    %get3A_54 = arith.constant 0 : index
    %get3A_55 = arith.constant 0 : index
    %get3A_56 = vector.load %arg4[%get3A_54, %get3A_55] : memref<64x64xf32, #tpu.memory_space<vmem>>, vector<64x64xf32>
    %dot_general3A_57 = arith.constant dense<0.000000e+00> : vector<1000x64xf32>
    %dot_general3A_58 = tpu.matmul %max3A_53, %get3A_56, %dot_general3A_57 {dimension_numbers = #tpu.dot_dimension_numbers<[1], [0], [0], [1], [0, 0, 1, 1], [], []>, transpose_lhs_hint = false} : vector<1000x64xf32>, vector<64x64xf32>, vector<1000x64xf32> -> vector<1000x64xf32>
    %get3A_59 = arith.constant 0 : index
    %get3A_60 = arith.constant 0 : index
    %get3A_61 = vector.load %arg5[%get3A_59, %get3A_60] : memref<1x64xf32, #tpu.memory_space<vmem>>, vector<1x64xf32>
    %add3A_62 = vector.broadcast %get3A_61 : vector<1x64xf32> to vector<1000x64xf32>
    %add3A_63 = arith.addf %dot_general3A_58, %add3A_62 : vector<1000x64xf32>
    %max3A_64 = arith.constant 0.000000e+00 : f32
    %max3A_65 = vector.broadcast %max3A_64 : f32 to vector<1000x64xf32>
    %max3A_66 = arith.maximumf %add3A_63, %max3A_65 : vector<1000x64xf32>
    %concatenate3A = tpu.concatenate %max3A_40, %max3A_66 in 1 : vector<1000x64xf32>, vector<1000x64xf32> -> vector<1000x128xf32>
    %swap3A = arith.constant 0 : index
    %swap3A_67 = arith.constant 0 : index
    %swap3A_68 = vector.load %arg6[%swap3A, %swap3A_67] : memref<1000x128xf32, #tpu.memory_space<vmem>>, vector<1000x128xf32>
    tpu.vector_store %arg6[%swap3A, %swap3A_67], %concatenate3A {strides = array<i32>} : memref<1000x128xf32, #tpu.memory_space<vmem>>, vector<1000x128xf32>,
    return
  }
  func.func @transform_0(%arg0: i32) -> (i32, i32, i32) {
    %c0_i32 = arith.constant 0 : i32
    %c0_i32_0 = arith.constant 0 : i32
    %c0_i32_1 = arith.constant 0 : i32
    return %c0_i32, %arg0, %c0_i32_0 : i32, i32, i32
  }
  func.func @transform_1(%arg0: i32) -> (i32, i32) {
    %c0_i32 = arith.constant 0 : i32
    %c0_i32_0 = arith.constant 0 : i32
    %c0_i32_1 = arith.constant 0 : i32
    return %c0_i32, %c0_i32_0 : i32, i32
  }
  func.func @transform_2(%arg0: i32) -> (i32, i32) {
    %c0_i32 = arith.constant 0 : i32
    %c0_i32_0 = arith.constant 0 : i32
    %c0_i32_1 = arith.constant 0 : i32
    return %c0_i32, %c0_i32_0 : i32, i32
  }
  func.func @transform_3(%arg0: i32) -> (i32, i32) {
    %c0_i32 = arith.constant 0 : i32
    %c0_i32_0 = arith.constant 0 : i32
    %c0_i32_1 = arith.constant 0 : i32
    return %c0_i32, %c0_i32_0 : i32, i32
  }
  func.func @transform_4(%arg0: i32) -> (i32, i32) {
    %c0_i32 = arith.constant 0 : i32
    %c0_i32_0 = arith.constant 0 : i32
    %c0_i32_1 = arith.constant 0 : i32
    return %c0_i32, %c0_i32_0 : i32, i32
  }
  func.func @transform_5(%arg0: i32) -> (i32, i32) {
    %c0_i32 = arith.constant 0 : i32
    %c0_i32_0 = arith.constant 0 : i32
    return %arg0, %c0_i32 : i32, i32
  }
}

module attributes {stable_mosaic.version = 14 : i64} {
  func.func @_mlp_body(%arg0: i32, %arg1: memref<1000x128xf32, #tpu.memory_space<vmem>>, %arg2: memref<2x1000x128xf32, #tpu.memory_space<vmem>>, %arg3: memref<64x64xf32, #tpu.memory_space<vmem>>, %arg4: memref<1x64xf32, #tpu.memory_space<vmem>>, %arg5: memref<64x64xf32, #tpu.memory_space<vmem>>, %arg6: memref<1x64xf32, #tpu.memory_space<vmem>>, %arg7: memref<1000x128xf32, #tpu.memory_space<vmem>>) attributes {dimension_semantics = [#tpu.dimension_semantics<arbitrary>], iteration_bounds = array<i64: 5>, scalar_prefetch = 0 : i64, scratch_operands = 0 : i64, tpu.core_type = #tpu.core_type<tc>, window_params = [{transform_indices = @transform_0, window_bounds = array<i64: 1000, 128>}, {transform_indices = @transform_1, window_bounds = array<i64: 2, 1000, 128>}, {pipeline_mode = #tpu.pipeline_mode<synchronous>, transform_indices = @transform_2, window_bounds = array<i64: 64, 64>}, {pipeline_mode = #tpu.pipeline_mode<synchronous>, transform_indices = @transform_3, window_bounds = array<i64: 1, 64>}, {pipeline_mode = #tpu.pipeline_mode<synchronous>, transform_indices = @transform_4, window_bounds = array<i64: 64, 64>}, {pipeline_mode = #tpu.pipeline_mode<synchronous>, transform_indices = @transform_5, window_bounds = array<i64: 1, 64>}, {transform_indices = @transform_6, window_bounds = array<i64: 1000, 128>}]} {
    %get3A = arith.constant 0 : index
    %get3A_0 = arith.constant 0 : index
    %get3A_1 = arith.constant 0 : index
    %get3A_2 = vector.load %arg2[%get3A, %get3A_0, %get3A_1] : memref<2x1000x128xf32, #tpu.memory_space<vmem>>, vector<1x1000x128xf32>
    %get3A_3 = vector.shape_cast %get3A_2 : vector<1x1000x128xf32> to vector<1000x128xf32>
    %get3A_4 = arith.constant 1 : index
    %get3A_5 = arith.constant 0 : index
    %get3A_6 = arith.constant 0 : index
    %get3A_7 = vector.load %arg2[%get3A_4, %get3A_5, %get3A_6] : memref<2x1000x128xf32, #tpu.memory_space<vmem>>, vector<1x1000x128xf32>
    %get3A_8 = vector.shape_cast %get3A_7 : vector<1x1000x128xf32> to vector<1000x128xf32>
    %add3A = arith.addf %get3A_3, %get3A_8 : vector<1000x128xf32>
    %get3A_9 = arith.constant 0 : index
    %get3A_10 = arith.constant 0 : index
    %get3A_11 = vector.load %arg1[%get3A_9, %get3A_10] : memref<1000x128xf32, #tpu.memory_space<vmem>>, vector<1000x128xf32>
    %sub3A = arith.subf %add3A, %get3A_11 : vector<1000x128xf32>
    %slice3A = vector.extract_strided_slice %sub3A {offsets = [0, 0], sizes = [1000, 64], strides = [1, 1]} : vector<1000x128xf32> to vector<1000x64xf32>
    %slice3A_12 = vector.extract_strided_slice %sub3A {offsets = [0, 64], sizes = [1000, 64], strides = [1, 1]} : vector<1000x128xf32> to vector<1000x64xf32>
    %get3A_13 = arith.constant 0 : index
    %get3A_14 = arith.constant 0 : index
    %get3A_15 = vector.load %arg3[%get3A_13, %get3A_14] : memref<64x64xf32, #tpu.memory_space<vmem>>, vector<64x64xf32>
    %dot_general3A = arith.constant dense<0.000000e+00> : vector<1000x64xf32>
    %dot_general3A_16 = tpu.matmul %slice3A, %get3A_15, %dot_general3A {dimension_numbers = #tpu.dot_dimension_numbers<[1], [0], [0], [1], [0, 0, 1, 1], [], []>, transpose_lhs_hint = false} : vector<1000x64xf32>, vector<64x64xf32>, vector<1000x64xf32> -> vector<1000x64xf32>
    %get3A_17 = arith.constant 0 : index
    %get3A_18 = arith.constant 0 : index
    %get3A_19 = vector.load %arg4[%get3A_17, %get3A_18] : memref<1x64xf32, #tpu.memory_space<vmem>>, vector<1x64xf32>
    %add3A_20 = vector.broadcast %get3A_19 : vector<1x64xf32> to vector<1000x64xf32>
    %add3A_21 = arith.addf %dot_general3A_16, %add3A_20 : vector<1000x64xf32>
    %max3A = arith.constant 0.000000e+00 : f32
    %max3A_22 = vector.broadcast %max3A : f32 to vector<1000x64xf32>
    %max3A_23 = arith.maximumf %add3A_21, %max3A_22 : vector<1000x64xf32>
    %get3A_24 = arith.constant 0 : index
    %get3A_25 = arith.constant 0 : index
    %get3A_26 = vector.load %arg5[%get3A_24, %get3A_25] : memref<64x64xf32, #tpu.memory_space<vmem>>, vector<64x64xf32>
    %dot_general3A_27 = arith.constant dense<0.000000e+00> : vector<1000x64xf32>
    %dot_general3A_28 = tpu.matmul %max3A_23, %get3A_26, %dot_general3A_27 {dimension_numbers = #tpu.dot_dimension_numbers<[1], [0], [0], [1], [0, 0, 1, 1], [], []>, transpose_lhs_hint = false} : vector<1000x64xf32>, vector<64x64xf32>, vector<1000x64xf32> -> vector<1000x64xf32>
    %get3A_29 = arith.constant 0 : index
    %get3A_30 = arith.constant 0 : index
    %get3A_31 = vector.load %arg6[%get3A_29, %get3A_30] : memref<1x64xf32, #tpu.memory_space<vmem>>, vector<1x64xf32>
    %add3A_32 = vector.broadcast %get3A_31 : vector<1x64xf32> to vector<1000x64xf32>
    %add3A_33 = arith.addf %dot_general3A_28, %add3A_32 : vector<1000x64xf32>
    %max3A_34 = arith.constant 0.000000e+00 : f32
    %max3A_35 = vector.broadcast %max3A_34 : f32 to vector<1000x64xf32>
    %max3A_36 = arith.maximumf %add3A_33, %max3A_35 : vector<1000x64xf32>
    %get3A_37 = arith.constant 0 : index
    %get3A_38 = arith.constant 0 : index
    %get3A_39 = vector.load %arg3[%get3A_37, %get3A_38] : memref<64x64xf32, #tpu.memory_space<vmem>>, vector<64x64xf32>
    %dot_general3A_40 = arith.constant dense<0.000000e+00> : vector<1000x64xf32>
    %dot_general3A_41 = tpu.matmul %slice3A_12, %get3A_39, %dot_general3A_40 {dimension_numbers = #tpu.dot_dimension_numbers<[1], [0], [0], [1], [0, 0, 1, 1], [], []>, transpose_lhs_hint = false} : vector<1000x64xf32>, vector<64x64xf32>, vector<1000x64xf32> -> vector<1000x64xf32>
    %get3A_42 = arith.constant 0 : index
    %get3A_43 = arith.constant 0 : index
    %get3A_44 = vector.load %arg4[%get3A_42, %get3A_43] : memref<1x64xf32, #tpu.memory_space<vmem>>, vector<1x64xf32>
    %add3A_45 = vector.broadcast %get3A_44 : vector<1x64xf32> to vector<1000x64xf32>
    %add3A_46 = arith.addf %dot_general3A_41, %add3A_45 : vector<1000x64xf32>
    %max3A_47 = arith.constant 0.000000e+00 : f32
    %max3A_48 = vector.broadcast %max3A_47 : f32 to vector<1000x64xf32>
    %max3A_49 = arith.maximumf %add3A_46, %max3A_48 : vector<1000x64xf32>
    %get3A_50 = arith.constant 0 : index
    %get3A_51 = arith.constant 0 : index
    %get3A_52 = vector.load %arg5[%get3A_50, %get3A_51] : memref<64x64xf32, #tpu.memory_space<vmem>>, vector<64x64xf32>
    %dot_general3A_53 = arith.constant dense<0.000000e+00> : vector<1000x64xf32>
    %dot_general3A_54 = tpu.matmul %max3A_49, %get3A_52, %dot_general3A_53 {dimension_numbers = #tpu.dot_dimension_numbers<[1], [0], [0], [1], [0, 0, 1, 1], [], []>, transpose_lhs_hint = false} : vector<1000x64xf32>, vector<64x64xf32>, vector<1000x64xf32> -> vector<1000x64xf32>
    %get3A_55 = arith.constant 0 : index
    %get3A_56 = arith.constant 0 : index
    %get3A_57 = vector.load %arg6[%get3A_55, %get3A_56] : memref<1x64xf32, #tpu.memory_space<vmem>>, vector<1x64xf32>
    %add3A_58 = vector.broadcast %get3A_57 : vector<1x64xf32> to vector<1000x64xf32>
    %add3A_59 = arith.addf %dot_general3A_54, %add3A_58 : vector<1000x64xf32>
    %max3A_60 = arith.constant 0.000000e+00 : f32
    %max3A_61 = vector.broadcast %max3A_60 : f32 to vector<1000x64xf32>
    %max3A_62 = arith.maximumf %add3A_59, %max3A_61 : vector<1000x64xf32>
    %concatenate3A = tpu.concatenate %max3A_36, %max3A_62 in 1 : vector<1000x64xf32>, vector<1000x64xf32> -> vector<1000x128xf32>
    %swap3A = arith.constant 0 : index
    %swap3A_63 = arith.constant 0 : index
    %swap3A_64 = vector.load %arg7[%swap3A, %swap3A_63] : memref<1000x128xf32, #tpu.memory_space<vmem>>, vector<1000x128xf32>
    tpu.vector_store %arg7[%swap3A, %swap3A_63], %concatenate3A {strides = array<i32>} : memref<1000x128xf32, #tpu.memory_space<vmem>>, vector<1000x128xf32>,
    return
  }
  func.func @transform_0(%arg0: i32) -> (i32, i32) {
    %c0_i32 = arith.constant 0 : i32
    %c0_i32_0 = arith.constant 0 : i32
    return %arg0, %c0_i32 : i32, i32
  }
  func.func @transform_1(%arg0: i32) -> (i32, i32, i32) {
    %c0_i32 = arith.constant 0 : i32
    %c0_i32_0 = arith.constant 0 : i32
    %c0_i32_1 = arith.constant 0 : i32
    return %c0_i32, %arg0, %c0_i32_0 : i32, i32, i32
  }
  func.func @transform_2(%arg0: i32) -> (i32, i32) {
    %c0_i32 = arith.constant 0 : i32
    %c0_i32_0 = arith.constant 0 : i32
    %c0_i32_1 = arith.constant 0 : i32
    return %c0_i32, %c0_i32_0 : i32, i32
  }
  func.func @transform_3(%arg0: i32) -> (i32, i32) {
    %c0_i32 = arith.constant 0 : i32
    %c0_i32_0 = arith.constant 0 : i32
    %c0_i32_1 = arith.constant 0 : i32
    return %c0_i32, %c0_i32_0 : i32, i32
  }
  func.func @transform_4(%arg0: i32) -> (i32, i32) {
    %c0_i32 = arith.constant 0 : i32
    %c0_i32_0 = arith.constant 0 : i32
    %c0_i32_1 = arith.constant 0 : i32
    return %c0_i32, %c0_i32_0 : i32, i32
  }
  func.func @transform_5(%arg0: i32) -> (i32, i32) {
    %c0_i32 = arith.constant 0 : i32
    %c0_i32_0 = arith.constant 0 : i32
    %c0_i32_1 = arith.constant 0 : i32
    return %c0_i32, %c0_i32_0 : i32, i32
  }
  func.func @transform_6(%arg0: i32) -> (i32, i32) {
    %c0_i32 = arith.constant 0 : i32
    %c0_i32_0 = arith.constant 0 : i32
    return %arg0, %c0_i32 : i32, i32
  }
}

module attributes {stable_mosaic.version = 14 : i64} {
  func.func @_final_body(%arg0: i32, %arg1: memref<1000x128xf32, #tpu.memory_space<vmem>>, %arg2: memref<2x1000x128xf32, #tpu.memory_space<vmem>>, %arg3: memref<1x1x1000xi32, #tpu.memory_space<vmem>>, %arg4: memref<1x1x1000xi32, #tpu.memory_space<vmem>>, %arg5: memref<64x64xf32, #tpu.memory_space<vmem>>, %arg6: memref<1x64xf32, #tpu.memory_space<vmem>>, %arg7: memref<64x64xf32, #tpu.memory_space<vmem>>, %arg8: memref<1x64xf32, #tpu.memory_space<vmem>>, %arg9: memref<64x64xf32, #tpu.memory_space<vmem>>, %arg10: memref<1x64xf32, #tpu.memory_space<vmem>>, %arg11: memref<64x2xf32, #tpu.memory_space<vmem>>, %arg12: memref<1x2xf32, #tpu.memory_space<vmem>>, %arg13: memref<64x2xf32, #tpu.memory_space<vmem>>, %arg14: memref<64x64xf32, #tpu.memory_space<vmem>>, %arg15: memref<64x1xf32, #tpu.memory_space<vmem>>) attributes {dimension_semantics = [#tpu.dimension_semantics<arbitrary>], iteration_bounds = array<i64: 5>, scalar_prefetch = 0 : i64, scratch_operands = 2 : i64, tpu.core_type = #tpu.core_type<tc>, window_params = [{transform_indices = @transform_0, window_bounds = array<i64: 1000, 128>}, {transform_indices = @transform_1, window_bounds = array<i64: 2, 1000, 128>}, {transform_indices = @transform_2, window_bounds = array<i64: 1, 1, 1000>}, {transform_indices = @transform_3, window_bounds = array<i64: 1, 1, 1000>}, {pipeline_mode = #tpu.pipeline_mode<synchronous>, transform_indices = @transform_4, window_bounds = array<i64: 64, 64>}, {pipeline_mode = #tpu.pipeline_mode<synchronous>, transform_indices = @transform_5, window_bounds = array<i64: 1, 64>}, {pipeline_mode = #tpu.pipeline_mode<synchronous>, transform_indices = @transform_6, window_bounds = array<i64: 64, 64>}, {pipeline_mode = #tpu.pipeline_mode<synchronous>, transform_indices = @transform_7, window_bounds = array<i64: 1, 64>}, {pipeline_mode = #tpu.pipeline_mode<synchronous>, transform_indices = @transform_8, window_bounds = array<i64: 64, 64>}, {pipeline_mode = #tpu.pipeline_mode<synchronous>, transform_indices = @transform_9, window_bounds = array<i64: 1, 64>}, {pipeline_mode = #tpu.pipeline_mode<synchronous>, transform_indices = @transform_10, window_bounds = array<i64: 64, 2>}, {pipeline_mode = #tpu.pipeline_mode<synchronous>, transform_indices = @transform_11, window_bounds = array<i64: 1, 2>}, {pipeline_mode = #tpu.pipeline_mode<synchronous>, transform_indices = @transform_12, window_bounds = array<i64: 64, 2>}]} {
    %eq3A = arith.constant 0 : i32
    %eq3A_0 = arith.cmpi eq, %arg0, %eq3A : i32
    %convert_element_type3A = arith.extui %eq3A_0 : i1 to i32
    %cond3A = arith.constant 0 : i32
    %cond3A_1 = arith.cmpi ne, %convert_element_type3A, %cond3A : i32
    scf.if %cond3A_1 {
      %broadcast_in_dim3A_127 = arith.constant 0.000000e+00 : f32
      %broadcast_in_dim3A_128 = vector.broadcast %broadcast_in_dim3A_127 : f32 to vector<64x64xf32>
      %swap3A_129 = arith.constant 0 : index
      %swap3A_130 = arith.constant 0 : index
      %swap3A_131 = vector.load %arg14[%swap3A_129, %swap3A_130] : memref<64x64xf32, #tpu.memory_space<vmem>>, vector<64x64xf32>
      tpu.vector_store %arg14[%swap3A_129, %swap3A_130], %broadcast_in_dim3A_128 {strides = array<i32>} : memref<64x64xf32, #tpu.memory_space<vmem>>, vector<64x64xf32>,
      %broadcast_in_dim3A_132 = arith.constant 0.000000e+00 : f32
      %broadcast_in_dim3A_133 = vector.broadcast %broadcast_in_dim3A_132 : f32 to vector<64x1xf32>
      %swap3A_134 = arith.constant 0 : index
      %swap3A_135 = arith.constant 0 : index
      %swap3A_136 = vector.load %arg15[%swap3A_134, %swap3A_135] : memref<64x1xf32, #tpu.memory_space<vmem>>, vector<64x1xf32>
      tpu.vector_store %arg15[%swap3A_134, %swap3A_135], %broadcast_in_dim3A_133 {strides = array<i32>} : memref<64x1xf32, #tpu.memory_space<vmem>>, vector<64x1xf32>,
    } else {
    }
    %get3A = arith.constant 0 : index
    %get3A_2 = arith.constant 0 : index
    %get3A_3 = arith.constant 0 : index
    %get3A_4 = vector.load %arg2[%get3A, %get3A_2, %get3A_3] : memref<2x1000x128xf32, #tpu.memory_space<vmem>>, vector<1x1000x128xf32>
    %get3A_5 = vector.shape_cast %get3A_4 : vector<1x1000x128xf32> to vector<1000x128xf32>
    %get3A_6 = arith.constant 1 : index
    %get3A_7 = arith.constant 0 : index
    %get3A_8 = arith.constant 0 : index
    %get3A_9 = vector.load %arg2[%get3A_6, %get3A_7, %get3A_8] : memref<2x1000x128xf32, #tpu.memory_space<vmem>>, vector<1x1000x128xf32>
    %get3A_10 = vector.shape_cast %get3A_9 : vector<1x1000x128xf32> to vector<1000x128xf32>
    %add3A = arith.addf %get3A_5, %get3A_10 : vector<1000x128xf32>
    %get3A_11 = arith.constant 0 : index
    %get3A_12 = arith.constant 0 : index
    %get3A_13 = vector.load %arg1[%get3A_11, %get3A_12] : memref<1000x128xf32, #tpu.memory_space<vmem>>, vector<1000x128xf32>
    %sub3A = arith.subf %add3A, %get3A_13 : vector<1000x128xf32>
    %slice3A = vector.extract_strided_slice %sub3A {offsets = [0, 0], sizes = [1000, 64], strides = [1, 1]} : vector<1000x128xf32> to vector<1000x64xf32>
    %slice3A_14 = vector.extract_strided_slice %sub3A {offsets = [0, 64], sizes = [1000, 64], strides = [1, 1]} : vector<1000x128xf32> to vector<1000x64xf32>
    %get3A_15 = arith.constant 0 : index
    %get3A_16 = arith.constant 0 : index
    %get3A_17 = vector.load %arg5[%get3A_15, %get3A_16] : memref<64x64xf32, #tpu.memory_space<vmem>>, vector<64x64xf32>
    %dot_general3A = arith.constant dense<0.000000e+00> : vector<1000x64xf32>
    %dot_general3A_18 = tpu.matmul %slice3A, %get3A_17, %dot_general3A {dimension_numbers = #tpu.dot_dimension_numbers<[1], [0], [0], [1], [0, 0, 1, 1], [], []>, transpose_lhs_hint = false} : vector<1000x64xf32>, vector<64x64xf32>, vector<1000x64xf32> -> vector<1000x64xf32>
    %get3A_19 = arith.constant 0 : index
    %get3A_20 = arith.constant 0 : index
    %get3A_21 = vector.load %arg6[%get3A_19, %get3A_20] : memref<1x64xf32, #tpu.memory_space<vmem>>, vector<1x64xf32>
    %add3A_22 = vector.broadcast %get3A_21 : vector<1x64xf32> to vector<1000x64xf32>
    %add3A_23 = arith.addf %dot_general3A_18, %add3A_22 : vector<1000x64xf32>
    %max3A = arith.constant 0.000000e+00 : f32
    %max3A_24 = vector.broadcast %max3A : f32 to vector<1000x64xf32>
    %max3A_25 = arith.maximumf %add3A_23, %max3A_24 : vector<1000x64xf32>
    %get3A_26 = arith.constant 0 : index
    %get3A_27 = arith.constant 0 : index
    %get3A_28 = vector.load %arg7[%get3A_26, %get3A_27] : memref<64x64xf32, #tpu.memory_space<vmem>>, vector<64x64xf32>
    %dot_general3A_29 = arith.constant dense<0.000000e+00> : vector<1000x64xf32>
    %dot_general3A_30 = tpu.matmul %max3A_25, %get3A_28, %dot_general3A_29 {dimension_numbers = #tpu.dot_dimension_numbers<[1], [0], [0], [1], [0, 0, 1, 1], [], []>, transpose_lhs_hint = false} : vector<1000x64xf32>, vector<64x64xf32>, vector<1000x64xf32> -> vector<1000x64xf32>
    %get3A_31 = arith.constant 0 : index
    %get3A_32 = arith.constant 0 : index
    %get3A_33 = vector.load %arg8[%get3A_31, %get3A_32] : memref<1x64xf32, #tpu.memory_space<vmem>>, vector<1x64xf32>
    %add3A_34 = vector.broadcast %get3A_33 : vector<1x64xf32> to vector<1000x64xf32>
    %add3A_35 = arith.addf %dot_general3A_30, %add3A_34 : vector<1000x64xf32>
    %max3A_36 = arith.constant 0.000000e+00 : f32
    %max3A_37 = vector.broadcast %max3A_36 : f32 to vector<1000x64xf32>
    %max3A_38 = arith.maximumf %add3A_35, %max3A_37 : vector<1000x64xf32>
    %get3A_39 = arith.constant 0 : index
    %get3A_40 = arith.constant 0 : index
    %get3A_41 = vector.load %arg5[%get3A_39, %get3A_40] : memref<64x64xf32, #tpu.memory_space<vmem>>, vector<64x64xf32>
    %dot_general3A_42 = arith.constant dense<0.000000e+00> : vector<1000x64xf32>
    %dot_general3A_43 = tpu.matmul %slice3A_14, %get3A_41, %dot_general3A_42 {dimension_numbers = #tpu.dot_dimension_numbers<[1], [0], [0], [1], [0, 0, 1, 1], [], []>, transpose_lhs_hint = false} : vector<1000x64xf32>, vector<64x64xf32>, vector<1000x64xf32> -> vector<1000x64xf32>
    %get3A_44 = arith.constant 0 : index
    %get3A_45 = arith.constant 0 : index
    %get3A_46 = vector.load %arg6[%get3A_44, %get3A_45] : memref<1x64xf32, #tpu.memory_space<vmem>>, vector<1x64xf32>
    %add3A_47 = vector.broadcast %get3A_46 : vector<1x64xf32> to vector<1000x64xf32>
    %add3A_48 = arith.addf %dot_general3A_43, %add3A_47 : vector<1000x64xf32>
    %max3A_49 = arith.constant 0.000000e+00 : f32
    %max3A_50 = vector.broadcast %max3A_49 : f32 to vector<1000x64xf32>
    %max3A_51 = arith.maximumf %add3A_48, %max3A_50 : vector<1000x64xf32>
    %get3A_52 = arith.constant 0 : index
    %get3A_53 = arith.constant 0 : index
    %get3A_54 = vector.load %arg7[%get3A_52, %get3A_53] : memref<64x64xf32, #tpu.memory_space<vmem>>, vector<64x64xf32>
    %dot_general3A_55 = arith.constant dense<0.000000e+00> : vector<1000x64xf32>
    %dot_general3A_56 = tpu.matmul %max3A_51, %get3A_54, %dot_general3A_55 {dimension_numbers = #tpu.dot_dimension_numbers<[1], [0], [0], [1], [0, 0, 1, 1], [], []>, transpose_lhs_hint = false} : vector<1000x64xf32>, vector<64x64xf32>, vector<1000x64xf32> -> vector<1000x64xf32>
    %get3A_57 = arith.constant 0 : index
    %get3A_58 = arith.constant 0 : index
    %get3A_59 = vector.load %arg8[%get3A_57, %get3A_58] : memref<1x64xf32, #tpu.memory_space<vmem>>, vector<1x64xf32>
    %add3A_60 = vector.broadcast %get3A_59 : vector<1x64xf32> to vector<1000x64xf32>
    %add3A_61 = arith.addf %dot_general3A_56, %add3A_60 : vector<1000x64xf32>
    %max3A_62 = arith.constant 0.000000e+00 : f32
    %max3A_63 = vector.broadcast %max3A_62 : f32 to vector<1000x64xf32>
    %max3A_64 = arith.maximumf %add3A_61, %max3A_63 : vector<1000x64xf32>
    %broadcast_in_dim3A = arith.constant 1.000000e+00 : f32
    %broadcast_in_dim3A_65 = vector.broadcast %broadcast_in_dim3A : f32 to vector<1000x1xf32>
    %get3A_66 = arith.constant 0 : index
    %get3A_67 = arith.constant 0 : index
    %get3A_68 = arith.constant 0 : index
    %get3A_69 = vector.load %arg3[%get3A_66, %get3A_67, %get3A_68] : memref<1x1x1000xi32, #tpu.memory_space<vmem>>, vector<1x1x1000xi32>
    %get3A_70 = vector.shape_cast %get3A_69 : vector<1x1x1000xi32> to vector<1000xi32>
    %broadcast_in_dim3A_71 = vector.shape_cast %get3A_70 : vector<1000xi32> to vector<1000x1xi32>
    %iota3A = tpu.iota {dimensions = array<i32: 1>} : vector<1000x64xi32>
    %eq3A_72 = vector.broadcast %broadcast_in_dim3A_71 : vector<1000x1xi32> to vector<1000x64xi32>
    %eq3A_73 = arith.cmpi eq, %eq3A_72, %iota3A : vector<1000x64xi32>
    %convert_element_type3A_74 = arith.extui %eq3A_73 : vector<1000x64xi1> to vector<1000x64xi32>
    %convert_element_type3A_75 = arith.sitofp %convert_element_type3A_74 : vector<1000x64xi32> to vector<1000x64xf32>
    %get3A_76 = arith.constant 0 : index
    %get3A_77 = arith.constant 0 : index
    %get3A_78 = vector.load %arg14[%get3A_76, %get3A_77] : memref<64x64xf32, #tpu.memory_space<vmem>>, vector<64x64xf32>
    %dot_general3A_79 = arith.constant dense<0.000000e+00> : vector<64x64xf32>
    %dot_general3A_80 = tpu.matmul %convert_element_type3A_75, %max3A_38, %dot_general3A_79 {dimension_numbers = #tpu.dot_dimension_numbers<[0], [0], [1], [1], [0, 1, 1, 1], [], []>, transpose_lhs_hint = false} : vector<1000x64xf32>, vector<1000x64xf32>, vector<64x64xf32> -> vector<64x64xf32>
    %add3A_81 = arith.addf %get3A_78, %dot_general3A_80 : vector<64x64xf32>
    %swap3A = arith.constant 0 : index
    %swap3A_82 = arith.constant 0 : index
    %swap3A_83 = vector.load %arg14[%swap3A, %swap3A_82] : memref<64x64xf32, #tpu.memory_space<vmem>>, vector<64x64xf32>
    tpu.vector_store %arg14[%swap3A, %swap3A_82], %add3A_81 {strides = array<i32>} : memref<64x64xf32, #tpu.memory_space<vmem>>, vector<64x64xf32>,
    %get3A_84 = arith.constant 0 : index
    %get3A_85 = arith.constant 0 : index
    %get3A_86 = vector.load %arg15[%get3A_84, %get3A_85] : memref<64x1xf32, #tpu.memory_space<vmem>>, vector<64x1xf32>
    %dot_general3A_87 = arith.constant dense<0.000000e+00> : vector<64x1xf32>
    %dot_general3A_88 = tpu.matmul %convert_element_type3A_75, %broadcast_in_dim3A_65, %dot_general3A_87 {dimension_numbers = #tpu.dot_dimension_numbers<[0], [0], [1], [1], [0, 1, 1, 1], [], []>, transpose_lhs_hint = false} : vector<1000x64xf32>, vector<1000x1xf32>, vector<64x1xf32> -> vector<64x1xf32>
    %add3A_89 = arith.addf %get3A_86, %dot_general3A_88 : vector<64x1xf32>
    %swap3A_90 = arith.constant 0 : index
    %swap3A_91 = arith.constant 0 : index
    %swap3A_92 = vector.load %arg15[%swap3A_90, %swap3A_91] : memref<64x1xf32, #tpu.memory_space<vmem>>, vector<64x1xf32>
    tpu.vector_store %arg15[%swap3A_90, %swap3A_91], %add3A_89 {strides = array<i32>} : memref<64x1xf32, #tpu.memory_space<vmem>>, vector<64x1xf32>,
    %get3A_93 = arith.constant 0 : index
    %get3A_94 = arith.constant 0 : index
    %get3A_95 = arith.constant 0 : index
    %get3A_96 = vector.load %arg4[%get3A_93, %get3A_94, %get3A_95] : memref<1x1x1000xi32, #tpu.memory_space<vmem>>, vector<1x1x1000xi32>
    %get3A_97 = vector.shape_cast %get3A_96 : vector<1x1x1000xi32> to vector<1000xi32>
    %broadcast_in_dim3A_98 = vector.shape_cast %get3A_97 : vector<1000xi32> to vector<1000x1xi32>
    %iota3A_99 = tpu.iota {dimensions = array<i32: 1>} : vector<1000x64xi32>
    %eq3A_100 = vector.broadcast %broadcast_in_dim3A_98 : vector<1000x1xi32> to vector<1000x64xi32>
    %eq3A_101 = arith.cmpi eq, %eq3A_100, %iota3A_99 : vector<1000x64xi32>
    %convert_element_type3A_102 = arith.extui %eq3A_101 : vector<1000x64xi1> to vector<1000x64xi32>
    %convert_element_type3A_103 = arith.sitofp %convert_element_type3A_102 : vector<1000x64xi32> to vector<1000x64xf32>
    %get3A_104 = arith.constant 0 : index
    %get3A_105 = arith.constant 0 : index
    %get3A_106 = vector.load %arg14[%get3A_104, %get3A_105] : memref<64x64xf32, #tpu.memory_space<vmem>>, vector<64x64xf32>
    %dot_general3A_107 = arith.constant dense<0.000000e+00> : vector<64x64xf32>
    %dot_general3A_108 = tpu.matmul %convert_element_type3A_103, %max3A_64, %dot_general3A_107 {dimension_numbers = #tpu.dot_dimension_numbers<[0], [0], [1], [1], [0, 1, 1, 1], [], []>, transpose_lhs_hint = false} : vector<1000x64xf32>, vector<1000x64xf32>, vector<64x64xf32> -> vector<64x64xf32>
    %add3A_109 = arith.addf %get3A_106, %dot_general3A_108 : vector<64x64xf32>
    %swap3A_110 = arith.constant 0 : index
    %swap3A_111 = arith.constant 0 : index
    %swap3A_112 = vector.load %arg14[%swap3A_110, %swap3A_111] : memref<64x64xf32, #tpu.memory_space<vmem>>, vector<64x64xf32>
    tpu.vector_store %arg14[%swap3A_110, %swap3A_111], %add3A_109 {strides = array<i32>} : memref<64x64xf32, #tpu.memory_space<vmem>>, vector<64x64xf32>,
    %get3A_113 = arith.constant 0 : index
    %get3A_114 = arith.constant 0 : index
    %get3A_115 = vector.load %arg15[%get3A_113, %get3A_114] : memref<64x1xf32, #tpu.memory_space<vmem>>, vector<64x1xf32>
    %dot_general3A_116 = arith.constant dense<0.000000e+00> : vector<64x1xf32>
    %dot_general3A_117 = tpu.matmul %convert_element_type3A_103, %broadcast_in_dim3A_65, %dot_general3A_116 {dimension_numbers = #tpu.dot_dimension_numbers<[0], [0], [1], [1], [0, 1, 1, 1], [], []>, transpose_lhs_hint = false} : vector<1000x64xf32>, vector<1000x1xf32>, vector<64x1xf32> -> vector<64x1xf32>
    %add3A_118 = arith.addf %get3A_115, %dot_general3A_117 : vector<64x1xf32>
    %swap3A_119 = arith.constant 0 : index
    %swap3A_120 = arith.constant 0 : index
    %swap3A_121 = vector.load %arg15[%swap3A_119, %swap3A_120] : memref<64x1xf32, #tpu.memory_space<vmem>>, vector<64x1xf32>
    tpu.vector_store %arg15[%swap3A_119, %swap3A_120], %add3A_118 {strides = array<i32>} : memref<64x1xf32, #tpu.memory_space<vmem>>, vector<64x1xf32>,
    %eq3A_122 = arith.constant 4 : i32
    %eq3A_123 = arith.cmpi eq, %arg0, %eq3A_122 : i32
    %convert_element_type3A_124 = arith.extui %eq3A_123 : i1 to i32
    %cond3A_125 = arith.constant 0 : i32
    %cond3A_126 = arith.cmpi ne, %convert_element_type3A_124, %cond3A_125 : i32
    scf.if %cond3A_126 {
      %get3A_127 = arith.constant 0 : index
      %get3A_128 = arith.constant 0 : index
      %get3A_129 = vector.load %arg14[%get3A_127, %get3A_128] : memref<64x64xf32, #tpu.memory_space<vmem>>, vector<64x64xf32>
      %get3A_130 = arith.constant 0 : index
      %get3A_131 = arith.constant 0 : index
      %get3A_132 = vector.load %arg15[%get3A_130, %get3A_131] : memref<64x1xf32, #tpu.memory_space<vmem>>, vector<64x1xf32>
      %max3A_133 = arith.constant 1.000000e+00 : f32
      %max3A_134 = vector.broadcast %max3A_133 : f32 to vector<64x1xf32>
      %max3A_135 = arith.maximumf %get3A_132, %max3A_134 : vector<64x1xf32>
      %div3A = vector.broadcast %max3A_135 : vector<64x1xf32> to vector<64x64xf32>
      %div3A_136 = arith.divf %get3A_129, %div3A : vector<64x64xf32>
      %get3A_137 = arith.constant 0 : index
      %get3A_138 = arith.constant 0 : index
      %get3A_139 = vector.load %arg9[%get3A_137, %get3A_138] : memref<64x64xf32, #tpu.memory_space<vmem>>, vector<64x64xf32>
      %dot_general3A_140 = arith.constant dense<0.000000e+00> : vector<64x64xf32>
      %dot_general3A_141 = tpu.matmul %div3A_136, %get3A_139, %dot_general3A_140 {dimension_numbers = #tpu.dot_dimension_numbers<[1], [0], [0], [1], [0, 0, 1, 1], [], []>, transpose_lhs_hint = false} : vector<64x64xf32>, vector<64x64xf32>, vector<64x64xf32> -> vector<64x64xf32>
      %get3A_142 = arith.constant 0 : index
      %get3A_143 = arith.constant 0 : index
      %get3A_144 = vector.load %arg10[%get3A_142, %get3A_143] : memref<1x64xf32, #tpu.memory_space<vmem>>, vector<1x64xf32>
      %add3A_145 = vector.broadcast %get3A_144 : vector<1x64xf32> to vector<64x64xf32>
      %add3A_146 = arith.addf %dot_general3A_141, %add3A_145 : vector<64x64xf32>
      %max3A_147 = arith.constant 0.000000e+00 : f32
      %max3A_148 = vector.broadcast %max3A_147 : f32 to vector<64x64xf32>
      %max3A_149 = arith.maximumf %add3A_146, %max3A_148 : vector<64x64xf32>
      %get3A_150 = arith.constant 0 : index
      %get3A_151 = arith.constant 0 : index
      %get3A_152 = vector.load %arg11[%get3A_150, %get3A_151] : memref<64x2xf32, #tpu.memory_space<vmem>>, vector<64x2xf32>
      %dot_general3A_153 = arith.constant dense<0.000000e+00> : vector<64x2xf32>
      %dot_general3A_154 = tpu.matmul %max3A_149, %get3A_152, %dot_general3A_153 {dimension_numbers = #tpu.dot_dimension_numbers<[1], [0], [0], [1], [0, 0, 1, 1], [], []>, transpose_lhs_hint = false} : vector<64x64xf32>, vector<64x2xf32>, vector<64x2xf32> -> vector<64x2xf32>
      %get3A_155 = arith.constant 0 : index
      %get3A_156 = arith.constant 0 : index
      %get3A_157 = vector.load %arg12[%get3A_155, %get3A_156] : memref<1x2xf32, #tpu.memory_space<vmem>>, vector<1x2xf32>
      %add3A_158 = vector.broadcast %get3A_157 : vector<1x2xf32> to vector<64x2xf32>
      %add3A_159 = arith.addf %dot_general3A_154, %add3A_158 : vector<64x2xf32>
      %swap3A_160 = arith.constant 0 : index
      %swap3A_161 = arith.constant 0 : index
      %swap3A_162 = vector.load %arg13[%swap3A_160, %swap3A_161] : memref<64x2xf32, #tpu.memory_space<vmem>>, vector<64x2xf32>
      tpu.vector_store %arg13[%swap3A_160, %swap3A_161], %add3A_159 {strides = array<i32>} : memref<64x2xf32, #tpu.memory_space<vmem>>, vector<64x2xf32>,
    } else {
    }
    return
  }
  func.func @transform_0(%arg0: i32) -> (i32, i32) {
    %c0_i32 = arith.constant 0 : i32
    %c0_i32_0 = arith.constant 0 : i32
    return %arg0, %c0_i32 : i32, i32
  }
  func.func @transform_1(%arg0: i32) -> (i32, i32, i32) {
    %c0_i32 = arith.constant 0 : i32
    %c0_i32_0 = arith.constant 0 : i32
    %c0_i32_1 = arith.constant 0 : i32
    return %c0_i32, %arg0, %c0_i32_0 : i32, i32, i32
  }
  func.func @transform_2(%arg0: i32) -> (i32, i32, i32) {
    %c0_i32 = arith.constant 0 : i32
    %c0_i32_0 = arith.constant 0 : i32
    %c0_i32_1 = arith.constant 0 : i32
    return %arg0, %c0_i32, %c0_i32_0 : i32, i32, i32
  }
  func.func @transform_3(%arg0: i32) -> (i32, i32, i32) {
    %c0_i32 = arith.constant 0 : i32
    %c0_i32_0 = arith.constant 0 : i32
    %c0_i32_1 = arith.constant 0 : i32
    return %arg0, %c0_i32, %c0_i32_0 : i32, i32, i32
  }
  func.func @transform_4(%arg0: i32) -> (i32, i32) {
    %c0_i32 = arith.constant 0 : i32
    %c0_i32_0 = arith.constant 0 : i32
    %c0_i32_1 = arith.constant 0 : i32
    return %c0_i32, %c0_i32_0 : i32, i32
  }
  func.func @transform_5(%arg0: i32) -> (i32, i32) {
    %c0_i32 = arith.constant 0 : i32
    %c0_i32_0 = arith.constant 0 : i32
    %c0_i32_1 = arith.constant 0 : i32
    return %c0_i32, %c0_i32_0 : i32, i32
  }
  func.func @transform_6(%arg0: i32) -> (i32, i32) {
    %c0_i32 = arith.constant 0 : i32
    %c0_i32_0 = arith.constant 0 : i32
    %c0_i32_1 = arith.constant 0 : i32
    return %c0_i32, %c0_i32_0 : i32, i32
  }
  func.func @transform_7(%arg0: i32) -> (i32, i32) {
    %c0_i32 = arith.constant 0 : i32
    %c0_i32_0 = arith.constant 0 : i32
    %c0_i32_1 = arith.constant 0 : i32
    return %c0_i32, %c0_i32_0 : i32, i32
  }
  func.func @transform_8(%arg0: i32) -> (i32, i32) {
    %c0_i32 = arith.constant 0 : i32
    %c0_i32_0 = arith.constant 0 : i32
    %c0_i32_1 = arith.constant 0 : i32
    return %c0_i32, %c0_i32_0 : i32, i32
  }
  func.func @transform_9(%arg0: i32) -> (i32, i32) {
    %c0_i32 = arith.constant 0 : i32
    %c0_i32_0 = arith.constant 0 : i32
    %c0_i32_1 = arith.constant 0 : i32
    return %c0_i32, %c0_i32_0 : i32, i32
  }
  func.func @transform_10(%arg0: i32) -> (i32, i32) {
    %c0_i32 = arith.constant 0 : i32
    %c0_i32_0 = arith.constant 0 : i32
    %c0_i32_1 = arith.constant 0 : i32
    return %c0_i32, %c0_i32_0 : i32, i32
  }
  func.func @transform_11(%arg0: i32) -> (i32, i32) {
    %c0_i32 = arith.constant 0 : i32
    %c0_i32_0 = arith.constant 0 : i32
    %c0_i32_1 = arith.constant 0 : i32
    return %c0_i32, %c0_i32_0 : i32, i32
  }
  func.func @transform_12(%arg0: i32) -> (i32, i32) {
    %c0_i32 = arith.constant 0 : i32
    %c0_i32_0 = arith.constant 0 : i32
    %c0_i32_1 = arith.constant 0 : i32
    return %c0_i32, %c0_i32_0 : i32, i32
  }
}

</mosaic_0001>

<sc_bundles>
// kernel: kernel.11.cloned.1.call-start
scs
__scs_entry_jumppad:
0x0: {  	(pc) =	sbr.rel $0x88, $3  }
0x1: {  	(tag) =	ssettag $0x0;
	lr =	simm.s32 $0x1  }
0x2: {  	[smem:$0x3F8E] =	sst lr;
	_ =	strace $0xD0000000  }
0x3: {  	_ = 	snop  }
0x4: {  	_ = 	snop  }
0x5: {  	_ = 	snop  }
0x6: {  	_ = 	snop  }
0x7: {  	_ = 	snop  }
__scs_overlays_trampoline_lowered:
0x8: {  	[smem:$0x3F9D] =	sst s0  }
0x9: {  	[smem:$0x3F9E] =	sst s1  }
0xa: {  	[smem:$0x3F9F] =	sst s2  }
0xb: {  	[smem:$0x3FA0] =	sst s3  }
0xc: {  	[smem:$0x3FA1] =	sst s4  }
0xd: {  	[smem:$0x3FA2] =	sst s5  }
0xe: {  	[smem:$0x3FA3] =	sst s6  }
0xf: {  	[smem:$0x3FA4] =	sst s7  }
0x10: {  	[smem:$0x3FA5] =	sst s8  }
0x11: {  	[smem:$0x3FA6] =	sst s9;
	s0 =	simm.s32 @!p0 $0x0  }
0x12: {  	s1 =	sld [smem:$0x3F8C];
	s0 =	simm.s32 @p0 $0x1  }
0x13: {  	[smem:$0x3FA7] =	sst s0;
	s0 =	simm.s32 @!p1 $0x0  }
0x14: {  	s2 =	sld [smem:$0x3F8B];
	s0 =	simm.s32 @p1 $0x1  }
0x15: {  	[smem:$0x3FA8] =	sst s0;
	s0 =	simm.s32 @!p2 $0x0  }
0x16: {  	s3 =	sld [smem:$0x3FDB];
	s0 =	simm.s32 @p2 $0x1  }
0x17: {  	s4 =	simm.s32 $0x1BF5;
	[smem:$0x3FAA] =	sst s0  }
0x18: {  	s0 =	sld [smem:$0x3F8D];
	_ =	swait.ge [sflag:s4], $0x0  }
0x19: {  	s7 =	sld [smem:$0x3F8E]  }
0x1a: {  	s8 =	sadd.s32 $0xFFFFE003, lr  }
0x1b: {  	s9 =	sadd.s32 $0xFFFFFEF7, lr;
	s5 =	simm.s32 $0xFFFFFFFF;
	p2 =	slt.u32 s8, $0xFFFFF086  }
0x1c: {  	p1 =	slt.u32 s9, $0xF7A;
	s5 =	simm.s32 @!p2 $0x0  }
0x1d: {  	s5 =	simm.s32 @p1 $0x1;
	p0 =	seq.s32 s7, s2  }
0x1e: {  	s7 =	smul.u32 @!p0 $0xF7A, s2;
	p2 =	seq.s32 @!p0 s5, $0x0  }
0x1f: {  	s9 =	smul.u32 $0xF7A, s1;
	s8 =	simm.s32 @!p0 $0x1BF5;
	p2 =	por !p2, p0  }
0x20: {  	[sflag:s8] =	ssyncset.s32 @!p0 $0xFFFFF086;
	s6 =	sadd.s32 @!p0 s3, s7;
	s7 =	simm.s32 @!p0 $0x108  }
0x21: {  	s3 =	sadd.s32 s3, s9;
	s6 =	sadd.s32 @!p0 $0x88, s6;
	s7 =	simm.s32 @p2 $0x1082  }
0x22: {  	[simem:s7], [sflag:s8] =	dma.local @!p0 [hbm:s6], $0xF7A  }
0x23: {  	s9 =	sor.u32 $0xD0000000, s2;
	s6 =	simm.s32 $0x108;
	_ =	swait.ge @!p0 [sflag:s8], $0x0  }
0x24: {  	s3 =	sadd.s32 $0x88, s3;
	s6 =	simm.s32 @!p1 $0x1082;
	[sflag:s4] =	ssyncset.s32 $0xFFFFF086  }
0x25: {  	[simem:s6], [sflag:s4] =	dma.local [hbm:s3], $0xF7A  }
0x26: {  	[smem:$0x3F8E] =	sst s1;
	(tag) =	ssettag s2;
	_ =	strace s9  }
0x27: {  	s1 =	sld [smem:$0x3F9E]  }
0x28: {  	s2 =	sld [smem:$0x3F9F]  }
0x29: {  	s4 =	sld [smem:$0x3FA1]  }
0x2a: {  	p0 =	seq.s32 s5, $0x0;
	s5 =	sld [smem:$0x3FA2]  }
0x2b: {  	s6 =	sld [smem:$0x3FA3]  }
0x2c: {  	s7 =	sld [smem:$0x3FA4]  }
0x2d: {  	s3 =	simm.s32 $0x108;
	s8 =	sld [smem:$0x3FA5]  }
0x2e: {  	s3 =	simm.s32 @!p0 $0x1082;
	s9 =	sld [smem:$0x3FA6]  }
0x2f: {  	lr =	sadd.s32 s0, s3;
	s0 =	sld [smem:$0x3F9D]  }
0x30: {  	s3 =	sld [smem:$0x3FA0]  }
0x31: {  	[smem:$0x3FA9] =	sst s10  }
0x32: {  	s10 =	sld [smem:$0x3FA7];
	_ =	sdelay $0x3  }
0x33: {  	p0 =	seq.s32 s10, $0x1;
	s10 =	sld [smem:$0x3FA9];
	_ =	sdelay $0x3  }
0x34: {  	[smem:$0x3FA9] =	sst s10  }
0x35: {  	s10 =	sld [smem:$0x3FA8];
	_ =	sdelay $0x3  }
0x36: {  	p1 =	seq.s32 s10, $0x1;
	s10 =	sld [smem:$0x3FA9];
	_ =	sdelay $0x3  }
0x37: {  	[smem:$0x3FA9] =	sst s10  }
0x38: {  	s10 =	sld [smem:$0x3FAA]  }
0x39: {  	_ = 	snop;
	(pc) =	sbr.ind lr, $3  }
0x3a: {  	_ = 	snop  }
0x3b: {  	_ = 	snop  }
0x3c: {  	p2 =	seq.s32 s10, $0x1;
	s10 =	sld [smem:$0x3FA9]  }
0x3d: {  	_ =	shalt  }
0x3e: {  	_ =	shalt  }
0x3f: {  	_ =	shalt  }
0x40: {  	_ =	shalt  }
0x41: {  	_ =	shalt  }
0x42: {  	_ =	shalt  }
0x43: {  	_ =	shalt  }
0x44: {  	_ =	shalt  }
0x45: {  	_ =	shalt  }
0x46: {  	_ =	shalt  }
0x47: {  	_ =	shalt  }
0x48: {  	_ =	shalt  }
0x49: {  	_ =	shalt  }
0x4a: {  	_ =	shalt  }
0x4b: {  	_ =	shalt  }
0x4c: {  	_ =	shalt  }
0x4d: {  	_ =	shalt  }
0x4e: {  	_ =	shalt  }
0x4f: {  	_ =	shalt  }
0x50: {  	_ =	shalt  }
0x51: {  	_ =	shalt  }
0x52: {  	_ =	shalt  }
0x53: {  	_ =	shalt  }
0x54: {  	_ =	shalt  }
0x55: {  	_ =	shalt  }
0x56: {  	_ =	shalt  }
0x57: {  	_ =	shalt  }
0x58: {  	_ =	shalt  }
0x59: {  	_ =	shalt  }
0x5a: {  	_ =	shalt  }
0x5b: {  	_ =	shalt  }
0x5c: {  	_ =	shalt  }
0x5d: {  	_ =	shalt  }
0x5e: {  	_ =	shalt  }
0x5f: {  	_ =	shalt  }
0x60: {  	_ =	shalt  }
0x61: {  	_ =	shalt  }
0x62: {  	_ =	shalt  }
0x63: {  	_ =	shalt  }
0x64: {  	_ =	shalt  }
0x65: {  	_ =	shalt  }
0x66: {  	_ =	shalt  }
0x67: {  	_ =	shalt  }
0x68: {  	_ =	shalt  }
0x69: {  	_ =	shalt  }
0x6a: {  	_ =	shalt  }
0x6b: {  	_ =	shalt  }
0x6c: {  	_ =	shalt  }
0x6d: {  	_ =	shalt  }
0x6e: {  	_ =	shalt  }
0x6f: {  	_ =	shalt  }
0x70: {  	_ =	shalt  }
0x71: {  	_ =	shalt  }
0x72: {  	_ =	shalt  }
0x73: {  	_ =	shalt  }
0x74: {  	_ =	shalt  }
0x75: {  	_ =	shalt  }
0x76: {  	_ =	shalt  }
0x77: {  	_ =	shalt  }
0x78: {  	_ =	shalt  }
0x79: {  	_ =	shalt  }
0x7a: {  	_ =	shalt  }
0x7b: {  	_ =	shalt  }
0x7c: {  	_ =	shalt  }
0x7d: {  	_ =	shalt  }
0x7e: {  	_ =	shalt  }
0x7f: {  	_ =	shalt  }
0x80: {  	_ =	shalt  }
0x81: {  	_ =	shalt  }
0x82: {  	_ =	shalt  }
0x83: {  	_ =	shalt  }
0x84: {  	_ =	shalt  }
0x85: {  	_ =	shalt  }
0x86: {  	_ =	shalt  }
0x87: {  	_ =	shalt  }
.Lfunc_end0:
.L_simem_size_0:
called_computation.1_lowered:
.L_overlay_start_0:
0x88: {  	s2 =	sld [smem:$0x3FD9]  }
0x89: {  	s3 =	sld [smem:$0x3FFE];
	_ =	sdelay $0x1  }
0x8a: {  	s1 =	srdreg.scid  }
0x8b: {  	s0 =	sand.u32 $0x1, s1  }
0x8c: {  	s16 =	sshll.u32 s0, $0xA;
	s2 =	sadd.s32 s3, s2  }
0x8d: {  	s2 =	sadd.s32 s2, s16  }
0x8e: {  	[smem:$0x3FB5] =	sst s2  }
0x8f: {  	_ = 	snop  }
0x90: {  	(tm) =	ssettm $0x1  }
0x91: {  	s17 =	sld [smem:$0x3FFB];
	_ =	sdelay $0x3  }
0x92: {  	_ =	strace s17  }
0x93: {  	s2 =	sld [smem:$0x3FFC];
	_ =	sdelay $0x3  }
0x94: {  	_ =	strace s2  }
0x95: {  	s2 =	sld [smem:$0x3FFD];
	_ =	sdelay $0x3  }
0x96: {  	_ =	strace s2  }
0x97: {  	_ =	strace $0x8FFFFFFF  }
0x98: {  	s18 =	sld [smem:$0x3FDB];
	_ =	sdelay $0x1  }
0x99: {  	s19 =	simm.s32 $_scs_section_size  }
0x9a: {  	s4 =	simm.s32 $_size__tile_overlayer_lowered;
	s5 =	simm.s32 $_tile_overlayer_lowered  }
0x9b: {  	s22 =	simm.s32 $0x1BFF;
	s21 =	sshll.u32 s5, $0x1;
	s2 =	sadd.s32 s19, s18  }
0x9c: {  	s6 =	simm.s32 $0x0;
	s20 =	sshll.u32 s4, $0x1;
	s4 =	sadd.s32 s21, s2  }
0x9d: {  	[timem:s6], [sflag:s22] =	dma.local [hbm:s4], s20  }
0x9e: {  	_ =	swait.ge [sflag:s22], s20  }
0x9f: {  	s3 =	ssub.s32 $0x0, s20;
	[sflag:s22] =	ssyncset.done $0x0  }
0xa0: {  	[sflag:s22] =	ssyncadd.s32 s3;
	_ =	sdelay $0x1  }
0xa1: {  	s23 =	simm.s32 $0x1B8B  }
0xa2: {  	_ =	swait.ge [sflag:s23], $0x1  }
0xa3: {  	[sflag:s23] =	ssyncset.done $0x0  }
0xa4: {  	s25 =	simm.s32 $0x1B8E;
	s24 =	sld [smem:$0x3FFE];
	[sflag:s23] =	ssyncadd.s32 $0xFFFFFFFF  }
0xa5: {  	s26 =	simm.s32 $execute0_lowered;
	[smem:$0x3FD2] =	sst s25  }
0xa6: {  	s4 =	sshll.u32 s26, $0x1;
	_ =	strace $0x80000049;
	[dreg:$0x1] =	wrdreg $0xFFFFFFFF  }
0xa7: {  	s28 =	simm.s32 $_size_execute0_lowered;
	s2 =	sadd.s32 s2, s4;
	[dreg:$0x0] =	wrdreg $0x0  }
0xa8: {  	s4 =	sshll.u32 s28, $0x1;
	[dreg:$0x2] =	wrdreg s2  }
0xa9: {  	[dreg:$0x3] =	wrdreg s4  }
0xaa: {  	[dreg:$0x4] =	wrdreg $0xC0  }
0xab: {  	_ =	task [dreg:s6], $0x5FFFF  }
0xac: {  	[dreg:$0x1] =	wrdreg $0xFFFFFFFF  }
0xad: {  	[dreg:$0x0] =	wrdreg $0x60  }
0xae: {  	[dreg:$0x2] =	wrdreg s24  }
0xaf: {  	[dreg:$0x3] =	wrdreg $0x150000  }
0xb0: {  	[dreg:$0x4] =	wrdreg $0x9  }
0xb1: {  	_ =	task.clear_ibuf [dreg:s6], $0x5FFFF;
	_ =	strace $0x90000049  }
0xb2: {  	s29 =	simm.s32 $0x9;
	_ =	strace $0x8000004B  }
0xb3: {  	_ =	swait.ge [sflag:s29], $0x1  }
0xb4: {  	[sflag:s29] =	ssyncadd.s32 $0xFFFFFFFF  }
0xb5: {  	_ =	strace $0x9000004B  }
0xb6: {  	_ =	sfence  }
0xb7: {  	s30 =	sld [smem:$0x0];
	_ =	sdelay $0x2  }
0xb8: {  	s31 =	sshll.u32 s1, $0xD;
	s1 =	sshrl.u32 s1, $0x2  }
0xb9: {  	s3 =	sand.u32 $0x4000, s31;
	s1 =	sadd.s32 s1, s30  }
0xba: {  	s0 =	sor.u32 s3, s0;
	s1 =	sshll.u32 s1, $0x11  }
0xbb: {  	s0 =	sor.u32 s1, s0  }
0xbc: {  	s0 =	sadd.s32 $0x8F2B, s0  }
0xbd: {  	[sflag:s0] =	ssyncadd.remote.s32 $0x1  }
0xbe: {  	_ =	sfence.sel $0xFFFF  }
0xbf: {  	[dreg:$0x0] =	wrdreg $0xFFFFFFFF;
	(pc) =	sbr.abs _section_cstart, $3  }
0xc0: {  	[dreg:$0x1] =	wrdreg $0xFFFFFFFF  }
0xc1: {  	_ =	task.clear_ibuf [dreg:s6], $0x2FFFF;
	_ =	strace $0x9FFFFFFF  }
0xc2: {  	(tm) =	ssettm $0x7FFFFFFF  }
0xc3: {  	_ =	shalt  }
tec
execute0_lowered:
.L_overlay_start_1:
0x0: {  	(tag) =	ssettag $0x1  }
0x1: {  	s0 =	srdreg.scid;
	s1 =	rddreg [dreg:$0x0]  }
0x2: {  	s2 =	rddreg [dreg:$0x1];
	s8 =	stileid.u32;
	s4 =	simm.s32 $0x0  }
0x3: {  	s17 =	simm.s32 $0x80;
	s18 =	simm.s32 $0x5000;
	s19 =	simm.s32 $0x7000  }
0x4: {  	s21 =	simm.s32 $0x9000;
	s23 =	simm.s32 $0xB000;
	s28 =	simm.s32 $0xF000  }
0x5: {  	s30 =	simm.s32 $0x11000;
	s13 =	simm.s32 $0x2;
	s20 =	simm.s32 $0x3  }
0x6: {  	s22 =	simm.s32 $0x4;
	s29 =	simm.s32 $0x7;
	s31 =	simm.s32 $0x8  }
0x7: {  	s9 =	simm.s32 $0xC;
	s11 =	simm.s32 $0xE;
	s10 =	simm.s32 $0x10  }
0x8: {  	s12 =	simm.s32 $0x0;
	s0 =	sand.u32 $0x1, s0;
	[smem:$0x7FF] =	sst s4  }
0x9: {  	s4 =	sadd.s32 $0x3000, s1;
	s7 =	smul.u32 $0x9C00, s8;
	p0 =	seq.s32 s8, $0xF  }
0xa: {  	s3 =	sshll.u32 s0, $0x4;
	_ =	strace $0x8000004A;
	s5 =	smul.u32 $0x13880, s0  }
0xb: {  	s0 =	ssub.s32 $0x2, s0;
	[dreg:$0xd] =	wrdreg s12;
	s3 =	sor.u32 s8, s3  }
0xc: {  	s6 =	sshrl.u32 s0, $0x1;
	s25 =	sshrl.u32 s7, $0x3;
	s3 =	smul.u32 $0x500, s3  }
0xd: {  	s0 =	ssub.s32 s0, s6;
	[dreg:$0x5] =	wrdreg s25;
	s6 =	sadd.s32 s4, s25  }
0xe: {  	s5 =	sadd.s32 s5, s1;
	s25 =	simm.s32 $0xD000;
	[dreg:$0x6] =	wrdreg s6  }
0xf: {  	s6 =	sadd.s32 $0x92400, s2;
	s26 =	sadd.s32 $0x3E400, s5;
	s0 =	smax.u32 s0, $0x1  }
0x10: {  	s5 =	simm.s32 $0x9;
	s3 =	sadd.s32 s3, s1;
	[dreg:$0x8] =	wrdreg s26  }
0x11: {  	s1 =	sadd.s32 $0x15480, s1;
	[dreg:$0x9] =	wrdreg s0;
	s0 =	sshll.u32 @!p0 s8, $0x6  }
0x12: {  	s26 =	simm.s32 $0x6;
	s8 =	simm.s32 $0xB;
	s24 =	sadd.s32 $0x2A400, s3  }
0x13: {  	s3 =	sadd.s32 $0x34400, s3;
	[dreg:$0x7] =	wrdreg s1;
	s1 =	sshrl.u32 @p0 s6, $0x3  }
.Ltmp0:
0x14: {  	s16 =	sor.u32 @!p0 $0x1C11, s0;
	[dreg:$0x3] =	wrdreg s24;
	(pc) =	sbr.rel .LBB2_1-.Ltmp0, $4  }
0x15: {  	s6 =	simm.s32 $0xA;
	[dreg:$0x4] =	wrdreg s3;
	s3 =	sadd.s32 s7, s2  }
0x16: {  	[dreg:$0xb] =	wrdreg s1;
	s1 =	simm.s32 $0x1;
	s24 =	simm.s32 $0x5  }
0x17: {  	s7 =	simm.s32 $0xD;
	[dreg:$0xa] =	wrdreg s16;
	s0 =	sshrl.u32 @!p0 s3, $0x3  }
0x18: {  	s3 =	simm.s32 $0xF;
	[dreg:$0xc] =	wrdreg s0;
	s0 =	simm.s32 $0x13000  }
.LBB2_4:
0x19: {  	_ =	swait.ge [sflag:s6], $0x2000  }
0x1a: {  	[sflag:s6] =	ssyncset.done $0x0  }
0x1b: {  	[sflag:s6] =	ssyncadd.s32 $0xFFFFE000  }
0x1c: {  	_ =	swait.ge [sflag:s8], $0x2000  }
0x1d: {  	[sflag:s8] =	ssyncset.done $0x0  }
0x1e: {  	[sflag:s8] =	ssyncadd.s32 $0xFFFFE000  }
0x1f: {  	_ =	swait.ge [sflag:s9], $0x2000  }
0x20: {  	[sflag:s9] =	ssyncset.done $0x0  }
0x21: {  	[sflag:s9] =	ssyncadd.s32 $0xFFFFE000  }
0x22: {  	_ =	swait.ge [sflag:s7], $0x2000  }
0x23: {  	[sflag:s7] =	ssyncset.done $0x0  }
0x24: {  	[sflag:s7] =	ssyncadd.s32 $0xFFFFE000  }
0x25: {  	_ =	swait.ge [sflag:s11], $0x2000  }
0x26: {  	[sflag:s11] =	ssyncset.done $0x0  }
0x27: {  	[sflag:s11] =	ssyncadd.s32 $0xFFFFE000  }
0x28: {  	_ =	swait.ge [sflag:s3], $0x2000  }
0x29: {  	[sflag:s3] =	ssyncset.done $0x0  }
0x2a: {  	[sflag:s3] =	ssyncadd.s32 $0xFFFFE000  }
0x2b: {  	_ =	swait.ge [sflag:s10], $0x2000  }
0x2c: {  	[sflag:s10] =	ssyncset.done $0x0  }
0x2d: {  	[sflag:s10] =	ssyncadd.s32 $0xFFFFE000  }
0x2e: {  	[bflag:$0x0] =	sbarrier.arrive $0xFFFF  }
0x2f: {  	s16 =	rddreg [dreg:$0x8]  }
0x30: {  	s15 =	simm.s32 @p0 $0x1FD1;
	s14 =	rddreg [dreg:$0xb];
	s12 =	sadd.s32 @p0 $0x12480, s16  }
0x31: {  	[hbm:s12], [sflag:s15] =	dma.local @p0 [spmem:s14], $0x1400  }
0x32: {  	s12 =	simm.s32 @p0 $0x11  }
0x33: {  	_ =	swait.ge @p0 [sflag:s12], $0x1400  }
0x34: {  	[sflag:s12] =	ssyncset.done @p0 $0x0;
	s14 =	rddreg [dreg:$0xc]  }
0x35: {  	[sflag:s12] =	ssyncadd.s32 @p0 $0xFFFFEC00;
	s12 =	rddreg [dreg:$0x5]  }
0x36: {  	s12 =	sadd.s32 @!p0 s12, s16;
	s16 =	rddreg [dreg:$0xa]  }
0x37: {  	[hbm:s12], [sflag:s16] =	dma.local @!p0 [spmem:s14], $0x1380  }
0x38: {  	s12 =	simm.s32 @!p0 $0x11  }
0x39: {  	_ =	swait.ge @!p0 [sflag:s12], $0x1380  }
0x3a: {  	s15 =	rddreg [dreg:$0xd]  }
0x3b: {  	s16 =	rddreg [dreg:$0x9];
	s14 =	sadd.s32 $0x1, s15  }
0x3c: {  	p1 =	sne.s32 s14, s16  }
.Ltmp1:
0x3d: {  	_ = 	snop;
	(pc) =	sbr.rel @!p1 .LBB2_5-.Ltmp1, $3  }
0x3e: {  	_ =	sdelay $0x1  }
0x3f: {  	[sflag:s12] =	ssyncset.done @!p0 $0x0  }
0x40: {  	[sflag:s12] =	ssyncadd.s32 @!p0 $0xFFFFEC80;
	[dreg:$0xd] =	wrdreg s14  }
.LBB2_1:
0x41: {  	s12 =	simm.s32 $0x0;
	s15 =	rddreg [dreg:$0x3];
	s16 =	simm.s32 $0x11  }
0x42: {  	[tilespmem:s12], [sflag:$0x11] =	stream.linear.gather [hbm4b:s15+s12], $0x2800, $0x38;
	[tilespmem:$0x1EC60] =	vst v63  }
0x43: {  	_ =	swait.ge [sflag:s16], $0x2800  }
0x44: {  	s14 =	simm.s32 $0x2800;
	[sflag:s16] =	ssyncset.done $0x0  }
0x45: {  	s12 =	simm.s32 $0x0;
	s15 =	rddreg [dreg:$0x4];
	[sflag:s16] =	ssyncadd.s32 $0xFFFFD800  }
0x46: {  	[tilespmem:s14], [sflag:$0x11] =	stream.linear.gather [hbm4b:s15+s12], $0x2800, $0x38;
	[tilespmem:$0x1EC60] =	vst v63  }
0x47: {  	s14 =	rddreg [dreg:$0xb];
	_ =	swait.ge [sflag:s16], $0x2800  }
0x48: {  	[sflag:s16] =	ssyncset.done $0x0  }
0x49: {  	s15 =	simm.s32 @p0 $0x1FD1;
	[sflag:s16] =	ssyncadd.s32 $0xFFFFD800;
	s16 =	rddreg [dreg:$0x7]  }
0x4a: {  	[spmem:s14], [sflag:s15] =	dma.local @p0 [hbm:s16], $0x1400  }
0x4b: {  	s15 =	simm.s32 @p0 $0x11  }
0x4c: {  	_ =	swait.ge @p0 [sflag:s15], $0x1400  }
0x4d: {  	s16 =	rddreg [dreg:$0xa]  }
0x4e: {  	[sflag:s15] =	ssyncset.done @p0 $0x0;
	s14 =	rddreg [dreg:$0xc]  }
0x4f: {  	[sflag:s15] =	ssyncadd.s32 @p0 $0xFFFFEC00;
	s15 =	rddreg [dreg:$0x6]  }
0x50: {  	[spmem:s14], [sflag:s16] =	dma.local @!p0 [hbm:s15], $0x1380  }
0x51: {  	s15 =	simm.s32 @!p0 $0x11  }
0x52: {  	_ =	swait.ge @!p0 [sflag:s15], $0x1380  }
0x53: {  	[sflag:s15] =	ssyncset.done @!p0 $0x0  }
0x54: {  	[sflag:s15] =	ssyncadd.s32 @!p0 $0xFFFFEC80  }
0x55: {  	s12 =	simm.s32 $0x0;
	[bflag:$0x0] =	sbarrier.arrive $0xFFFF  }
0x56: {  	[tilespmem:s18], [sflag:$0x1] =	stream.indirect.gather [hbm4b:s4+s17], $0x40, s12, s17, $0xb8;
	[tilespmem:$0x1EC60] =	vst v63  }
0x57: {  	_ = 	snop  }
0x58: {  	[tilespmem:s19], [sflag:$0x2] =	stream.indirect.gather [hbm4b:s4+s17], $0x40, s17, s17, $0xb8;
	[tilespmem:$0x1EC60] =	vst v63  }
0x59: {  	s14 =	simm.s32 $0x100  }
0x5a: {  	[tilespmem:s21], [sflag:$0x3] =	stream.indirect.gather [hbm4b:s4+s17], $0x40, s14, s17, $0xb8;
	[tilespmem:$0x1EC60] =	vst v63  }
0x5b: {  	s15 =	simm.s32 $0x180  }
0x5c: {  	[tilespmem:s23], [sflag:$0x4] =	stream.indirect.gather [hbm4b:s4+s17], $0x40, s15, s17, $0xb8;
	[tilespmem:$0x1EC60] =	vst v63  }
0x5d: {  	s16 =	simm.s32 $0x200  }
0x5e: {  	[tilespmem:s25], [sflag:$0x5] =	stream.indirect.gather [hbm4b:s4+s17], $0x40, s16, s17, $0xb8;
	[tilespmem:$0x1EC60] =	vst v63  }
0x5f: {  	s14 =	simm.s32 $0x280  }
0x60: {  	[tilespmem:s28], [sflag:$0x6] =	stream.indirect.gather [hbm4b:s4+s17], $0x40, s14, s17, $0xb8;
	[tilespmem:$0x1EC60] =	vst v63  }
0x61: {  	s15 =	simm.s32 $0x300  }
0x62: {  	[tilespmem:s30], [sflag:$0x7] =	stream.indirect.gather [hbm4b:s4+s17], $0x40, s15, s17, $0xb8;
	[tilespmem:$0x1EC60] =	vst v63  }
0x63: {  	s16 =	simm.s32 $0x380;
	s15 =	simm.s32 $0x0  }
0x64: {  	[tilespmem:s0], [sflag:$0x8] =	stream.indirect.gather [hbm4b:s4+s17], $0x40, s16, s17, $0xb8;
	[tilespmem:$0x1EC60] =	vst v63  }
.LBB2_2:
0x65: {  	_ =	swait.ge [sflag:s1], $0x2000  }
0x66: {  	s16 =	sshra.s32 s15, $0x2;
	[sflag:s1] =	ssyncset.done $0x0  }
0x67: {  	s12 =	sadd.s32 $0x2800, s16;
	[sflag:s1] =	ssyncadd.s32 $0xFFFFE000  }
0x68: {  	[spmem:s2] =	stream.indirect.scatter.add.f32 [tilespmem:s18], [sflag:$0x9], $0x40, s12, s17, $0xb8;
	[tilespmem:$0x1EC60] =	vst v63  }
0x69: {  	_ =	swait.ge [sflag:s13], $0x2000  }
0x6a: {  	[sflag:s13] =	ssyncset.done $0x0  }
0x6b: {  	s14 =	sadd.s32 $0x2880, s16;
	[sflag:s13] =	ssyncadd.s32 $0xFFFFE000  }
0x6c: {  	[spmem:s2] =	stream.indirect.scatter.add.f32 [tilespmem:s19], [sflag:$0xA], $0x40, s14, s17, $0xb8;
	[tilespmem:$0x1EC60] =	vst v63  }
0x6d: {  	_ =	swait.ge [sflag:s20], $0x2000  }
0x6e: {  	[sflag:s20] =	ssyncset.done $0x0  }
0x6f: {  	s14 =	sadd.s32 $0x2900, s16;
	[sflag:s20] =	ssyncadd.s32 $0xFFFFE000  }
0x70: {  	[spmem:s2] =	stream.indirect.scatter.add.f32 [tilespmem:s21], [sflag:$0xB], $0x40, s14, s17, $0xb8;
	[tilespmem:$0x1EC60] =	vst v63  }
0x71: {  	_ =	swait.ge [sflag:s22], $0x2000  }
0x72: {  	[sflag:s22] =	ssyncset.done $0x0  }
0x73: {  	s14 =	sadd.s32 $0x2980, s16;
	[sflag:s22] =	ssyncadd.s32 $0xFFFFE000  }
0x74: {  	[spmem:s2] =	stream.indirect.scatter.add.f32 [tilespmem:s23], [sflag:$0xC], $0x40, s14, s17, $0xb8;
	[tilespmem:$0x1EC60] =	vst v63  }
0x75: {  	_ =	swait.ge [sflag:s24], $0x2000  }
0x76: {  	[sflag:s24] =	ssyncset.done $0x0  }
0x77: {  	s14 =	sadd.s32 $0x2A00, s16;
	[sflag:s24] =	ssyncadd.s32 $0xFFFFE000  }
0x78: {  	[spmem:s2] =	stream.indirect.scatter.add.f32 [tilespmem:s25], [sflag:$0xD], $0x40, s14, s17, $0xb8;
	[tilespmem:$0x1EC60] =	vst v63  }
0x79: {  	_ =	swait.ge [sflag:s26], $0x2000  }
0x7a: {  	[sflag:s26] =	ssyncset.done $0x0  }
0x7b: {  	s14 =	sadd.s32 $0x2A80, s16;
	[sflag:s26] =	ssyncadd.s32 $0xFFFFE000  }
0x7c: {  	[spmem:s2] =	stream.indirect.scatter.add.f32 [tilespmem:s28], [sflag:$0xE], $0x40, s14, s17, $0xb8;
	[tilespmem:$0x1EC60] =	vst v63  }
0x7d: {  	_ =	swait.ge [sflag:s29], $0x2000  }
0x7e: {  	[sflag:s29] =	ssyncset.done $0x0  }
0x7f: {  	s14 =	sadd.s32 $0x2B00, s16;
	[sflag:s29] =	ssyncadd.s32 $0xFFFFE000  }
0x80: {  	[spmem:s2] =	stream.indirect.scatter.add.f32 [tilespmem:s30], [sflag:$0xF], $0x40, s14, s17, $0xb8;
	[tilespmem:$0x1EC60] =	vst v63  }
0x81: {  	_ =	swait.ge [sflag:s31], $0x2000  }
0x82: {  	p1 =	seq.s32 s15, $0x9000;
	[sflag:s31] =	ssyncset.done $0x0  }
.Ltmp2:
0x83: {  	s14 =	sadd.s32 $0x2B80, s16;
	[sflag:s31] =	ssyncadd.s32 $0xFFFFE000;
	(pc) =	sbr.rel @p1 .LBB2_4-.Ltmp2, $4  }
0x84: {  	[spmem:s2] =	stream.indirect.scatter.add.f32 [tilespmem:s0], [sflag:$0x10], $0x40, s14, s17, $0xb8;
	[tilespmem:$0x1EC60] =	vst v63  }
0x85: {  	_ =	swait.ge [sflag:s5], $0x2000  }
0x86: {  	[sflag:s5] =	ssyncset.done $0x0  }
0x87: {  	[sflag:s5] =	ssyncadd.s32 $0xFFFFE000  }
0x88: {  	s12 =	sadd.s32 $0x400, s16  }
0x89: {  	[tilespmem:s18], [sflag:$0x1] =	stream.indirect.gather [hbm4b:s4+s17], $0x40, s12, s17, $0xb8;
	[tilespmem:$0x1EC60] =	vst v63  }
0x8a: {  	_ =	swait.ge [sflag:s6], $0x2000  }
0x8b: {  	[sflag:s6] =	ssyncset.done $0x0  }
0x8c: {  	s14 =	sadd.s32 $0x480, s16;
	[sflag:s6] =	ssyncadd.s32 $0xFFFFE000  }
0x8d: {  	[tilespmem:s19], [sflag:$0x2] =	stream.indirect.gather [hbm4b:s4+s17], $0x40, s14, s17, $0xb8;
	[tilespmem:$0x1EC60] =	vst v63  }
0x8e: {  	_ =	swait.ge [sflag:s8], $0x2000  }
0x8f: {  	[sflag:s8] =	ssyncset.done $0x0  }
0x90: {  	s14 =	sadd.s32 $0x500, s16;
	[sflag:s8] =	ssyncadd.s32 $0xFFFFE000  }
0x91: {  	[tilespmem:s21], [sflag:$0x3] =	stream.indirect.gather [hbm4b:s4+s17], $0x40, s14, s17, $0xb8;
	[tilespmem:$0x1EC60] =	vst v63  }
0x92: {  	_ =	swait.ge [sflag:s9], $0x2000  }
0x93: {  	[sflag:s9] =	ssyncset.done $0x0  }
0x94: {  	s14 =	sadd.s32 $0x580, s16;
	[sflag:s9] =	ssyncadd.s32 $0xFFFFE000  }
0x95: {  	[tilespmem:s23], [sflag:$0x4] =	stream.indirect.gather [hbm4b:s4+s17], $0x40, s14, s17, $0xb8;
	[tilespmem:$0x1EC60] =	vst v63  }
0x96: {  	_ =	swait.ge [sflag:s7], $0x2000  }
0x97: {  	[sflag:s7] =	ssyncset.done $0x0  }
0x98: {  	s14 =	sadd.s32 $0x600, s16;
	[sflag:s7] =	ssyncadd.s32 $0xFFFFE000  }
0x99: {  	[tilespmem:s25], [sflag:$0x5] =	stream.indirect.gather [hbm4b:s4+s17], $0x40, s14, s17, $0xb8;
	[tilespmem:$0x1EC60] =	vst v63  }
0x9a: {  	_ =	swait.ge [sflag:s11], $0x2000  }
0x9b: {  	[sflag:s11] =	ssyncset.done $0x0  }
0x9c: {  	s14 =	sadd.s32 $0x680, s16;
	[sflag:s11] =	ssyncadd.s32 $0xFFFFE000  }
0x9d: {  	[tilespmem:s28], [sflag:$0x6] =	stream.indirect.gather [hbm4b:s4+s17], $0x40, s14, s17, $0xb8;
	[tilespmem:$0x1EC60] =	vst v63  }
0x9e: {  	_ =	swait.ge [sflag:s3], $0x2000  }
0x9f: {  	[sflag:s3] =	ssyncset.done $0x0  }
0xa0: {  	s14 =	sadd.s32 $0x700, s16;
	[sflag:s3] =	ssyncadd.s32 $0xFFFFE000  }
0xa1: {  	[tilespmem:s30], [sflag:$0x7] =	stream.indirect.gather [hbm4b:s4+s17], $0x40, s14, s17, $0xb8;
	[tilespmem:$0x1EC60] =	vst v63  }
.Ltmp3:
0xa2: {  	_ = 	snop;
	(pc) =	sbr.rel .LBB2_2-.Ltmp3, $4  }
0xa3: {  	_ =	swait.ge [sflag:s10], $0x2000  }
0xa4: {  	[sflag:s10] =	ssyncset.done $0x0  }
0xa5: {  	s15 =	sadd.s32 $0x1000, s15;
	s16 =	sadd.s32 $0x780, s16;
	[sflag:s10] =	ssyncadd.s32 $0xFFFFE000  }
0xa6: {  	[tilespmem:s0], [sflag:$0x8] =	stream.indirect.gather [hbm4b:s4+s17], $0x40, s16, s17, $0xb8;
	[tilespmem:$0x1EC60] =	vst v63  }
.LBB2_5:
0xa7: {  	_ =	sfence.sel $0x180000  }
0xa8: {  	[bflag:$0x0] =	sbarrier.arrive $0xFFFF  }
0xa9: {  	_ =	strace $0x9000004A  }
0xaa: {  	s0 =	stileid.u32;
	[bflag:$0x2] =	sbarrier.arrive $0xFFFF  }
0xab: {  	p0 =	sne.s32 s0, $0x0;
	s0 =	rddreg [dreg:$0x2]  }
0xac: {  	s0 =	sadd.s32 @!p0 $0x100000, s0  }
0xad: {  	[sflag:s0] =	ssyncadd.tile.s32 @!p0 $0x1;
	_ =	shalt  }
.Lfunc_end2:
_tile_overlayer_lowered:
.L_overlay_start_2:
0xae: {  	(tag) =	ssettag $0x2  }
0xaf: {  	s0 =	rddreg [dreg:$0x0];
	s2 =	stileid.u32  }
0xb0: {  	s1 =	rddreg [dreg:$0x1];
	p0 =	sne.s32 s2, $0x0  }
0xb1: {  	s3 =	rddreg [dreg:$0x2];
	[bflag:$0x3] =	sbarrier.arrive $0xFFFF;
	s2 =	simm.s32 @!p0 $0x1C11  }
0xb2: {  	[timem:s3], [sflag:s2] =	dma.local @!p0 [hbm:s0], s1  }
0xb3: {  	s0 =	simm.s32 @!p0 $0x11  }
0xb4: {  	_ =	swait.ge @!p0 [sflag:s0], s1  }
0xb5: {  	s1 =	ssub.s32 @!p0 $0x0, s1;
	[sflag:s0] =	ssyncset.done @!p0 $0x0  }
0xb6: {  	[sflag:s0] =	ssyncadd.s32 @!p0 s1  }
0xb7: {  	[bflag:$0x3] =	sbarrier.arrive $0xFFFF  }
0xb8: {  	_ =	shalt  }

// kernel: kernel.14.cloned.1.call-start
scs
__scs_entry_jumppad:
0x0: {  	(pc) =	sbr.rel $0x88, $3  }
0x1: {  	(tag) =	ssettag $0x0;
	lr =	simm.s32 $0x1  }
0x2: {  	[smem:$0x3F8E] =	sst lr;
	_ =	strace $0xD0000000  }
0x3: {  	_ = 	snop  }
0x4: {  	_ = 	snop  }
0x5: {  	_ = 	snop  }
0x6: {  	_ = 	snop  }
0x7: {  	_ = 	snop  }
__scs_overlays_trampoline_lowered:
0x8: {  	[smem:$0x3F9D] =	sst s0  }
0x9: {  	[smem:$0x3F9E] =	sst s1  }
0xa: {  	[smem:$0x3F9F] =	sst s2  }
0xb: {  	[smem:$0x3FA0] =	sst s3  }
0xc: {  	[smem:$0x3FA1] =	sst s4  }
0xd: {  	[smem:$0x3FA2] =	sst s5  }
0xe: {  	[smem:$0x3FA3] =	sst s6  }
0xf: {  	[smem:$0x3FA4] =	sst s7  }
0x10: {  	[smem:$0x3FA5] =	sst s8  }
0x11: {  	[smem:$0x3FA6] =	sst s9;
	s0 =	simm.s32 @!p0 $0x0  }
0x12: {  	s1 =	sld [smem:$0x3F8C];
	s0 =	simm.s32 @p0 $0x1  }
0x13: {  	[smem:$0x3FA7] =	sst s0;
	s0 =	simm.s32 @!p1 $0x0  }
0x14: {  	s2 =	sld [smem:$0x3F8B];
	s0 =	simm.s32 @p1 $0x1  }
0x15: {  	[smem:$0x3FA8] =	sst s0;
	s0 =	simm.s32 @!p2 $0x0  }
0x16: {  	s3 =	sld [smem:$0x3FDB];
	s0 =	simm.s32 @p2 $0x1  }
0x17: {  	s4 =	simm.s32 $0x1BF5;
	[smem:$0x3FAA] =	sst s0  }
0x18: {  	s0 =	sld [smem:$0x3F8D];
	_ =	swait.ge [sflag:s4], $0x0  }
0x19: {  	s7 =	sld [smem:$0x3F8E]  }
0x1a: {  	s8 =	sadd.s32 $0xFFFFE003, lr  }
0x1b: {  	s9 =	sadd.s32 $0xFFFFFEF7, lr;
	s5 =	simm.s32 $0xFFFFFFFF;
	p2 =	slt.u32 s8, $0xFFFFF086  }
0x1c: {  	p1 =	slt.u32 s9, $0xF7A;
	s5 =	simm.s32 @!p2 $0x0  }
0x1d: {  	s5 =	simm.s32 @p1 $0x1;
	p0 =	seq.s32 s7, s2  }
0x1e: {  	s7 =	smul.u32 @!p0 $0xF7A, s2;
	p2 =	seq.s32 @!p0 s5, $0x0  }
0x1f: {  	s9 =	smul.u32 $0xF7A, s1;
	s8 =	simm.s32 @!p0 $0x1BF5;
	p2 =	por !p2, p0  }
0x20: {  	[sflag:s8] =	ssyncset.s32 @!p0 $0xFFFFF086;
	s6 =	sadd.s32 @!p0 s3, s7;
	s7 =	simm.s32 @!p0 $0x108  }
0x21: {  	s3 =	sadd.s32 s3, s9;
	s6 =	sadd.s32 @!p0 $0x88, s6;
	s7 =	simm.s32 @p2 $0x1082  }
0x22: {  	[simem:s7], [sflag:s8] =	dma.local @!p0 [hbm:s6], $0xF7A  }
0x23: {  	s9 =	sor.u32 $0xD0000000, s2;
	s6 =	simm.s32 $0x108;
	_ =	swait.ge @!p0 [sflag:s8], $0x0  }
0x24: {  	s3 =	sadd.s32 $0x88, s3;
	s6 =	simm.s32 @!p1 $0x1082;
	[sflag:s4] =	ssyncset.s32 $0xFFFFF086  }
0x25: {  	[simem:s6], [sflag:s4] =	dma.local [hbm:s3], $0xF7A  }
0x26: {  	[smem:$0x3F8E] =	sst s1;
	(tag) =	ssettag s2;
	_ =	strace s9  }
0x27: {  	s1 =	sld [smem:$0x3F9E]  }
0x28: {  	s2 =	sld [smem:$0x3F9F]  }
0x29: {  	s4 =	sld [smem:$0x3FA1]  }
0x2a: {  	p0 =	seq.s32 s5, $0x0;
	s5 =	sld [smem:$0x3FA2]  }
0x2b: {  	s6 =	sld [smem:$0x3FA3]  }
0x2c: {  	s7 =	sld [smem:$0x3FA4]  }
0x2d: {  	s3 =	simm.s32 $0x108;
	s8 =	sld [smem:$0x3FA5]  }
0x2e: {  	s3 =	simm.s32 @!p0 $0x1082;
	s9 =	sld [smem:$0x3FA6]  }
0x2f: {  	lr =	sadd.s32 s0, s3;
	s0 =	sld [smem:$0x3F9D]  }
0x30: {  	s3 =	sld [smem:$0x3FA0]  }
0x31: {  	[smem:$0x3FA9] =	sst s10  }
0x32: {  	s10 =	sld [smem:$0x3FA7];
	_ =	sdelay $0x3  }
0x33: {  	p0 =	seq.s32 s10, $0x1;
	s10 =	sld [smem:$0x3FA9];
	_ =	sdelay $0x3  }
0x34: {  	[smem:$0x3FA9] =	sst s10  }
0x35: {  	s10 =	sld [smem:$0x3FA8];
	_ =	sdelay $0x3  }
0x36: {  	p1 =	seq.s32 s10, $0x1;
	s10 =	sld [smem:$0x3FA9];
	_ =	sdelay $0x3  }
0x37: {  	[smem:$0x3FA9] =	sst s10  }
0x38: {  	s10 =	sld [smem:$0x3FAA]  }
0x39: {  	_ = 	snop;
	(pc) =	sbr.ind lr, $3  }
0x3a: {  	_ = 	snop  }
0x3b: {  	_ = 	snop  }
0x3c: {  	p2 =	seq.s32 s10, $0x1;
	s10 =	sld [smem:$0x3FA9]  }
0x3d: {  	_ =	shalt  }
0x3e: {  	_ =	shalt  }
0x3f: {  	_ =	shalt  }
0x40: {  	_ =	shalt  }
0x41: {  	_ =	shalt  }
0x42: {  	_ =	shalt  }
0x43: {  	_ =	shalt  }
0x44: {  	_ =	shalt  }
0x45: {  	_ =	shalt  }
0x46: {  	_ =	shalt  }
0x47: {  	_ =	shalt  }
0x48: {  	_ =	shalt  }
0x49: {  	_ =	shalt  }
0x4a: {  	_ =	shalt  }
0x4b: {  	_ =	shalt  }
0x4c: {  	_ =	shalt  }
0x4d: {  	_ =	shalt  }
0x4e: {  	_ =	shalt  }
0x4f: {  	_ =	shalt  }
0x50: {  	_ =	shalt  }
0x51: {  	_ =	shalt  }
0x52: {  	_ =	shalt  }
0x53: {  	_ =	shalt  }
0x54: {  	_ =	shalt  }
0x55: {  	_ =	shalt  }
0x56: {  	_ =	shalt  }
0x57: {  	_ =	shalt  }
0x58: {  	_ =	shalt  }
0x59: {  	_ =	shalt  }
0x5a: {  	_ =	shalt  }
0x5b: {  	_ =	shalt  }
0x5c: {  	_ =	shalt  }
0x5d: {  	_ =	shalt  }
0x5e: {  	_ =	shalt  }
0x5f: {  	_ =	shalt  }
0x60: {  	_ =	shalt  }
0x61: {  	_ =	shalt  }
0x62: {  	_ =	shalt  }
0x63: {  	_ =	shalt  }
0x64: {  	_ =	shalt  }
0x65: {  	_ =	shalt  }
0x66: {  	_ =	shalt  }
0x67: {  	_ =	shalt  }
0x68: {  	_ =	shalt  }
0x69: {  	_ =	shalt  }
0x6a: {  	_ =	shalt  }
0x6b: {  	_ =	shalt  }
0x6c: {  	_ =	shalt  }
0x6d: {  	_ =	shalt  }
0x6e: {  	_ =	shalt  }
0x6f: {  	_ =	shalt  }
0x70: {  	_ =	shalt  }
0x71: {  	_ =	shalt  }
0x72: {  	_ =	shalt  }
0x73: {  	_ =	shalt  }
0x74: {  	_ =	shalt  }
0x75: {  	_ =	shalt  }
0x76: {  	_ =	shalt  }
0x77: {  	_ =	shalt  }
0x78: {  	_ =	shalt  }
0x79: {  	_ =	shalt  }
0x7a: {  	_ =	shalt  }
0x7b: {  	_ =	shalt  }
0x7c: {  	_ =	shalt  }
0x7d: {  	_ =	shalt  }
0x7e: {  	_ =	shalt  }
0x7f: {  	_ =	shalt  }
0x80: {  	_ =	shalt  }
0x81: {  	_ =	shalt  }
0x82: {  	_ =	shalt  }
0x83: {  	_ =	shalt  }
0x84: {  	_ =	shalt  }
0x85: {  	_ =	shalt  }
0x86: {  	_ =	shalt  }
0x87: {  	_ =	shalt  }
.Lfunc_end0:
.L_simem_size_0:
called_computation.2_lowered:
.L_overlay_start_0:
0x88: {  	s2 =	sld [smem:$0x3FD9]  }
0x89: {  	s3 =	sld [smem:$0x3FFE];
	_ =	sdelay $0x1  }
0x8a: {  	s1 =	srdreg.scid  }
0x8b: {  	s0 =	sand.u32 $0x1, s1  }
0x8c: {  	s16 =	sshll.u32 s0, $0xA;
	s2 =	sadd.s32 s3, s2  }
0x8d: {  	s2 =	sadd.s32 s2, s16  }
0x8e: {  	[smem:$0x3FB5] =	sst s2  }
0x8f: {  	_ = 	snop  }
0x90: {  	(tm) =	ssettm $0x1  }
0x91: {  	s17 =	sld [smem:$0x3FFB];
	_ =	sdelay $0x3  }
0x92: {  	_ =	strace s17  }
0x93: {  	s2 =	sld [smem:$0x3FFC];
	_ =	sdelay $0x3  }
0x94: {  	_ =	strace s2  }
0x95: {  	s2 =	sld [smem:$0x3FFD];
	_ =	sdelay $0x3  }
0x96: {  	_ =	strace s2  }
0x97: {  	_ =	strace $0x8FFFFFFF  }
0x98: {  	s18 =	sld [smem:$0x3FDB];
	_ =	sdelay $0x1  }
0x99: {  	s19 =	simm.s32 $_scs_section_size  }
0x9a: {  	s4 =	simm.s32 $_size__tile_overlayer_lowered;
	s5 =	simm.s32 $_tile_overlayer_lowered  }
0x9b: {  	s22 =	simm.s32 $0x1BFF;
	s21 =	sshll.u32 s5, $0x1;
	s2 =	sadd.s32 s19, s18  }
0x9c: {  	s6 =	simm.s32 $0x0;
	s20 =	sshll.u32 s4, $0x1;
	s4 =	sadd.s32 s21, s2  }
0x9d: {  	[timem:s6], [sflag:s22] =	dma.local [hbm:s4], s20  }
0x9e: {  	_ =	swait.ge [sflag:s22], s20  }
0x9f: {  	s3 =	ssub.s32 $0x0, s20;
	[sflag:s22] =	ssyncset.done $0x0  }
0xa0: {  	[sflag:s22] =	ssyncadd.s32 s3;
	_ =	sdelay $0x1  }
0xa1: {  	s23 =	simm.s32 $0x1B8B  }
0xa2: {  	_ =	swait.ge [sflag:s23], $0x1  }
0xa3: {  	[sflag:s23] =	ssyncset.done $0x0  }
0xa4: {  	s25 =	simm.s32 $0x1B8E;
	s24 =	sld [smem:$0x3FFE];
	[sflag:s23] =	ssyncadd.s32 $0xFFFFFFFF  }
0xa5: {  	s26 =	simm.s32 $execute0_lowered;
	[smem:$0x3FD2] =	sst s25  }
0xa6: {  	s4 =	sshll.u32 s26, $0x1;
	_ =	strace $0x8000004C;
	[dreg:$0x1] =	wrdreg $0xFFFFFFFF  }
0xa7: {  	s28 =	simm.s32 $_size_execute0_lowered;
	s2 =	sadd.s32 s2, s4;
	[dreg:$0x0] =	wrdreg $0x0  }
0xa8: {  	s4 =	sshll.u32 s28, $0x1;
	[dreg:$0x2] =	wrdreg s2  }
0xa9: {  	[dreg:$0x3] =	wrdreg s4  }
0xaa: {  	[dreg:$0x4] =	wrdreg $0xC0  }
0xab: {  	_ =	task [dreg:s6], $0x5FFFF  }
0xac: {  	[dreg:$0x1] =	wrdreg $0xFFFFFFFF  }
0xad: {  	[dreg:$0x0] =	wrdreg $0x60  }
0xae: {  	[dreg:$0x2] =	wrdreg s24  }
0xaf: {  	[dreg:$0x3] =	wrdreg $0x150000  }
0xb0: {  	[dreg:$0x4] =	wrdreg $0x9  }
0xb1: {  	_ =	task.clear_ibuf [dreg:s6], $0x5FFFF;
	_ =	strace $0x9000004C  }
0xb2: {  	s29 =	simm.s32 $0x9;
	_ =	strace $0x8000004E  }
0xb3: {  	_ =	swait.ge [sflag:s29], $0x1  }
0xb4: {  	[sflag:s29] =	ssyncadd.s32 $0xFFFFFFFF  }
0xb5: {  	_ =	strace $0x9000004E  }
0xb6: {  	_ =	sfence  }
0xb7: {  	s30 =	sld [smem:$0x0];
	_ =	sdelay $0x2  }
0xb8: {  	s31 =	sshll.u32 s1, $0xD;
	s1 =	sshrl.u32 s1, $0x2  }
0xb9: {  	s3 =	sand.u32 $0x4000, s31;
	s1 =	sadd.s32 s1, s30  }
0xba: {  	s0 =	sor.u32 s3, s0;
	s1 =	sshll.u32 s1, $0x11  }
0xbb: {  	s0 =	sor.u32 s1, s0  }
0xbc: {  	s0 =	sadd.s32 $0x8F2B, s0  }
0xbd: {  	[sflag:s0] =	ssyncadd.remote.s32 $0x1  }
0xbe: {  	_ =	sfence.sel $0xFFFF  }
0xbf: {  	[dreg:$0x0] =	wrdreg $0xFFFFFFFF;
	(pc) =	sbr.abs _section_cstart, $3  }
0xc0: {  	[dreg:$0x1] =	wrdreg $0xFFFFFFFF  }
0xc1: {  	_ =	task.clear_ibuf [dreg:s6], $0x2FFFF;
	_ =	strace $0x9FFFFFFF  }
0xc2: {  	(tm) =	ssettm $0x7FFFFFFF  }
0xc3: {  	_ =	shalt  }
tec
execute0_lowered:
.L_overlay_start_1:
0x0: {  	(tag) =	ssettag $0x1  }
0x1: {  	s0 =	srdreg.scid;
	s1 =	rddreg [dreg:$0x0]  }
0x2: {  	s2 =	rddreg [dreg:$0x1];
	s8 =	stileid.u32;
	s4 =	simm.s32 $0x0  }
0x3: {  	s17 =	simm.s32 $0x80;
	s18 =	simm.s32 $0x5000;
	s19 =	simm.s32 $0x7000  }
0x4: {  	s21 =	simm.s32 $0x9000;
	s23 =	simm.s32 $0xB000;
	s28 =	simm.s32 $0xF000  }
0x5: {  	s30 =	simm.s32 $0x11000;
	s13 =	simm.s32 $0x2;
	s20 =	simm.s32 $0x3  }
0x6: {  	s22 =	simm.s32 $0x4;
	s29 =	simm.s32 $0x7;
	s31 =	simm.s32 $0x8  }
0x7: {  	s9 =	simm.s32 $0xC;
	s11 =	simm.s32 $0xE;
	s10 =	simm.s32 $0x10  }
0x8: {  	s12 =	simm.s32 $0x0;
	s0 =	sand.u32 $0x1, s0;
	[smem:$0x7FF] =	sst s4  }
0x9: {  	s4 =	sadd.s32 $0x3000, s1;
	s7 =	smul.u32 $0x9C00, s8;
	p0 =	seq.s32 s8, $0xF  }
0xa: {  	s3 =	sshll.u32 s0, $0x4;
	_ =	strace $0x8000004D;
	s5 =	smul.u32 $0x13880, s0  }
0xb: {  	s0 =	ssub.s32 $0x2, s0;
	[dreg:$0xd] =	wrdreg s12;
	s3 =	sor.u32 s8, s3  }
0xc: {  	s6 =	sshrl.u32 s0, $0x1;
	s25 =	sshrl.u32 s7, $0x3;
	s3 =	smul.u32 $0x500, s3  }
0xd: {  	s0 =	ssub.s32 s0, s6;
	[dreg:$0x5] =	wrdreg s25;
	s6 =	sadd.s32 s4, s25  }
0xe: {  	s5 =	sadd.s32 s5, s1;
	s25 =	simm.s32 $0xD000;
	[dreg:$0x6] =	wrdreg s6  }
0xf: {  	s6 =	sadd.s32 $0x92400, s2;
	s26 =	sadd.s32 $0x3E400, s5;
	s0 =	smax.u32 s0, $0x1  }
0x10: {  	s5 =	simm.s32 $0x9;
	s3 =	sadd.s32 s3, s1;
	[dreg:$0x8] =	wrdreg s26  }
0x11: {  	s1 =	sadd.s32 $0x15480, s1;
	[dreg:$0x9] =	wrdreg s0;
	s0 =	sshll.u32 @!p0 s8, $0x6  }
0x12: {  	s26 =	simm.s32 $0x6;
	s8 =	simm.s32 $0xB;
	s24 =	sadd.s32 $0x2A400, s3  }
0x13: {  	s3 =	sadd.s32 $0x34400, s3;
	[dreg:$0x7] =	wrdreg s1;
	s1 =	sshrl.u32 @p0 s6, $0x3  }
.Ltmp0:
0x14: {  	s16 =	sor.u32 @!p0 $0x1C11, s0;
	[dreg:$0x3] =	wrdreg s24;
	(pc) =	sbr.rel .LBB2_1-.Ltmp0, $4  }
0x15: {  	s6 =	simm.s32 $0xA;
	[dreg:$0x4] =	wrdreg s3;
	s3 =	sadd.s32 s7, s2  }
0x16: {  	[dreg:$0xb] =	wrdreg s1;
	s1 =	simm.s32 $0x1;
	s24 =	simm.s32 $0x5  }
0x17: {  	s7 =	simm.s32 $0xD;
	[dreg:$0xa] =	wrdreg s16;
	s0 =	sshrl.u32 @!p0 s3, $0x3  }
0x18: {  	s3 =	simm.s32 $0xF;
	[dreg:$0xc] =	wrdreg s0;
	s0 =	simm.s32 $0x13000  }
.LBB2_4:
0x19: {  	_ =	swait.ge [sflag:s6], $0x2000  }
0x1a: {  	[sflag:s6] =	ssyncset.done $0x0  }
0x1b: {  	[sflag:s6] =	ssyncadd.s32 $0xFFFFE000  }
0x1c: {  	_ =	swait.ge [sflag:s8], $0x2000  }
0x1d: {  	[sflag:s8] =	ssyncset.done $0x0  }
0x1e: {  	[sflag:s8] =	ssyncadd.s32 $0xFFFFE000  }
0x1f: {  	_ =	swait.ge [sflag:s9], $0x2000  }
0x20: {  	[sflag:s9] =	ssyncset.done $0x0  }
0x21: {  	[sflag:s9] =	ssyncadd.s32 $0xFFFFE000  }
0x22: {  	_ =	swait.ge [sflag:s7], $0x2000  }
0x23: {  	[sflag:s7] =	ssyncset.done $0x0  }
0x24: {  	[sflag:s7] =	ssyncadd.s32 $0xFFFFE000  }
0x25: {  	_ =	swait.ge [sflag:s11], $0x2000  }
0x26: {  	[sflag:s11] =	ssyncset.done $0x0  }
0x27: {  	[sflag:s11] =	ssyncadd.s32 $0xFFFFE000  }
0x28: {  	_ =	swait.ge [sflag:s3], $0x2000  }
0x29: {  	[sflag:s3] =	ssyncset.done $0x0  }
0x2a: {  	[sflag:s3] =	ssyncadd.s32 $0xFFFFE000  }
0x2b: {  	_ =	swait.ge [sflag:s10], $0x2000  }
0x2c: {  	[sflag:s10] =	ssyncset.done $0x0  }
0x2d: {  	[sflag:s10] =	ssyncadd.s32 $0xFFFFE000  }
0x2e: {  	[bflag:$0x0] =	sbarrier.arrive $0xFFFF  }
0x2f: {  	s16 =	rddreg [dreg:$0x8]  }
0x30: {  	s15 =	simm.s32 @p0 $0x1FD1;
	s14 =	rddreg [dreg:$0xb];
	s12 =	sadd.s32 @p0 $0x12480, s16  }
0x31: {  	[hbm:s12], [sflag:s15] =	dma.local @p0 [spmem:s14], $0x1400  }
0x32: {  	s12 =	simm.s32 @p0 $0x11  }
0x33: {  	_ =	swait.ge @p0 [sflag:s12], $0x1400  }
0x34: {  	[sflag:s12] =	ssyncset.done @p0 $0x0;
	s14 =	rddreg [dreg:$0xc]  }
0x35: {  	[sflag:s12] =	ssyncadd.s32 @p0 $0xFFFFEC00;
	s12 =	rddreg [dreg:$0x5]  }
0x36: {  	s12 =	sadd.s32 @!p0 s12, s16;
	s16 =	rddreg [dreg:$0xa]  }
0x37: {  	[hbm:s12], [sflag:s16] =	dma.local @!p0 [spmem:s14], $0x1380  }
0x38: {  	s12 =	simm.s32 @!p0 $0x11  }
0x39: {  	_ =	swait.ge @!p0 [sflag:s12], $0x1380  }
0x3a: {  	s15 =	rddreg [dreg:$0xd]  }
0x3b: {  	s16 =	rddreg [dreg:$0x9];
	s14 =	sadd.s32 $0x1, s15  }
0x3c: {  	p1 =	sne.s32 s14, s16  }
.Ltmp1:
0x3d: {  	_ = 	snop;
	(pc) =	sbr.rel @!p1 .LBB2_5-.Ltmp1, $3  }
0x3e: {  	_ =	sdelay $0x1  }
0x3f: {  	[sflag:s12] =	ssyncset.done @!p0 $0x0  }
0x40: {  	[sflag:s12] =	ssyncadd.s32 @!p0 $0xFFFFEC80;
	[dreg:$0xd] =	wrdreg s14  }
.LBB2_1:
0x41: {  	s12 =	simm.s32 $0x0;
	s15 =	rddreg [dreg:$0x3];
	s16 =	simm.s32 $0x11  }
0x42: {  	[tilespmem:s12], [sflag:$0x11] =	stream.linear.gather [hbm4b:s15+s12], $0x2800, $0x38;
	[tilespmem:$0x1EC60] =	vst v63  }
0x43: {  	_ =	swait.ge [sflag:s16], $0x2800  }
0x44: {  	s14 =	simm.s32 $0x2800;
	[sflag:s16] =	ssyncset.done $0x0  }
0x45: {  	s12 =	simm.s32 $0x0;
	s15 =	rddreg [dreg:$0x4];
	[sflag:s16] =	ssyncadd.s32 $0xFFFFD800  }
0x46: {  	[tilespmem:s14], [sflag:$0x11] =	stream.linear.gather [hbm4b:s15+s12], $0x2800, $0x38;
	[tilespmem:$0x1EC60] =	vst v63  }
0x47: {  	s14 =	rddreg [dreg:$0xb];
	_ =	swait.ge [sflag:s16], $0x2800  }
0x48: {  	[sflag:s16] =	ssyncset.done $0x0  }
0x49: {  	s15 =	simm.s32 @p0 $0x1FD1;
	[sflag:s16] =	ssyncadd.s32 $0xFFFFD800;
	s16 =	rddreg [dreg:$0x7]  }
0x4a: {  	[spmem:s14], [sflag:s15] =	dma.local @p0 [hbm:s16], $0x1400  }
0x4b: {  	s15 =	simm.s32 @p0 $0x11  }
0x4c: {  	_ =	swait.ge @p0 [sflag:s15], $0x1400  }
0x4d: {  	s16 =	rddreg [dreg:$0xa]  }
0x4e: {  	[sflag:s15] =	ssyncset.done @p0 $0x0;
	s14 =	rddreg [dreg:$0xc]  }
0x4f: {  	[sflag:s15] =	ssyncadd.s32 @p0 $0xFFFFEC00;
	s15 =	rddreg [dreg:$0x6]  }
0x50: {  	[spmem:s14], [sflag:s16] =	dma.local @!p0 [hbm:s15], $0x1380  }
0x51: {  	s15 =	simm.s32 @!p0 $0x11  }
0x52: {  	_ =	swait.ge @!p0 [sflag:s15], $0x1380  }
0x53: {  	[sflag:s15] =	ssyncset.done @!p0 $0x0  }
0x54: {  	[sflag:s15] =	ssyncadd.s32 @!p0 $0xFFFFEC80  }
0x55: {  	s12 =	simm.s32 $0x0;
	[bflag:$0x0] =	sbarrier.arrive $0xFFFF  }
0x56: {  	[tilespmem:s18], [sflag:$0x1] =	stream.indirect.gather [hbm4b:s4+s17], $0x40, s12, s17, $0xb8;
	[tilespmem:$0x1EC60] =	vst v63  }
0x57: {  	_ = 	snop  }
0x58: {  	[tilespmem:s19], [sflag:$0x2] =	stream.indirect.gather [hbm4b:s4+s17], $0x40, s17, s17, $0xb8;
	[tilespmem:$0x1EC60] =	vst v63  }
0x59: {  	s14 =	simm.s32 $0x100  }
0x5a: {  	[tilespmem:s21], [sflag:$0x3] =	stream.indirect.gather [hbm4b:s4+s17], $0x40, s14, s17, $0xb8;
	[tilespmem:$0x1EC60] =	vst v63  }
0x5b: {  	s15 =	simm.s32 $0x180  }
0x5c: {  	[tilespmem:s23], [sflag:$0x4] =	stream.indirect.gather [hbm4b:s4+s17], $0x40, s15, s17, $0xb8;
	[tilespmem:$0x1EC60] =	vst v63  }
0x5d: {  	s16 =	simm.s32 $0x200  }
0x5e: {  	[tilespmem:s25], [sflag:$0x5] =	stream.indirect.gather [hbm4b:s4+s17], $0x40, s16, s17, $0xb8;
	[tilespmem:$0x1EC60] =	vst v63  }
0x5f: {  	s14 =	simm.s32 $0x280  }
0x60: {  	[tilespmem:s28], [sflag:$0x6] =	stream.indirect.gather [hbm4b:s4+s17], $0x40, s14, s17, $0xb8;
	[tilespmem:$0x1EC60] =	vst v63  }
0x61: {  	s15 =	simm.s32 $0x300  }
0x62: {  	[tilespmem:s30], [sflag:$0x7] =	stream.indirect.gather [hbm4b:s4+s17], $0x40, s15, s17, $0xb8;
	[tilespmem:$0x1EC60] =	vst v63  }
0x63: {  	s16 =	simm.s32 $0x380;
	s15 =	simm.s32 $0x0  }
0x64: {  	[tilespmem:s0], [sflag:$0x8] =	stream.indirect.gather [hbm4b:s4+s17], $0x40, s16, s17, $0xb8;
	[tilespmem:$0x1EC60] =	vst v63  }
.LBB2_2:
0x65: {  	_ =	swait.ge [sflag:s1], $0x2000  }
0x66: {  	s16 =	sshra.s32 s15, $0x2;
	[sflag:s1] =	ssyncset.done $0x0  }
0x67: {  	s12 =	sadd.s32 $0x2800, s16;
	[sflag:s1] =	ssyncadd.s32 $0xFFFFE000  }
0x68: {  	[spmem:s2] =	stream.indirect.scatter.add.f32 [tilespmem:s18], [sflag:$0x9], $0x40, s12, s17, $0xb8;
	[tilespmem:$0x1EC60] =	vst v63  }
0x69: {  	_ =	swait.ge [sflag:s13], $0x2000  }
0x6a: {  	[sflag:s13] =	ssyncset.done $0x0  }
0x6b: {  	s14 =	sadd.s32 $0x2880, s16;
	[sflag:s13] =	ssyncadd.s32 $0xFFFFE000  }
0x6c: {  	[spmem:s2] =	stream.indirect.scatter.add.f32 [tilespmem:s19], [sflag:$0xA], $0x40, s14, s17, $0xb8;
	[tilespmem:$0x1EC60] =	vst v63  }
0x6d: {  	_ =	swait.ge [sflag:s20], $0x2000  }
0x6e: {  	[sflag:s20] =	ssyncset.done $0x0  }
0x6f: {  	s14 =	sadd.s32 $0x2900, s16;
	[sflag:s20] =	ssyncadd.s32 $0xFFFFE000  }
0x70: {  	[spmem:s2] =	stream.indirect.scatter.add.f32 [tilespmem:s21], [sflag:$0xB], $0x40, s14, s17, $0xb8;
	[tilespmem:$0x1EC60] =	vst v63  }
0x71: {  	_ =	swait.ge [sflag:s22], $0x2000  }
0x72: {  	[sflag:s22] =	ssyncset.done $0x0  }
0x73: {  	s14 =	sadd.s32 $0x2980, s16;
	[sflag:s22] =	ssyncadd.s32 $0xFFFFE000  }
0x74: {  	[spmem:s2] =	stream.indirect.scatter.add.f32 [tilespmem:s23], [sflag:$0xC], $0x40, s14, s17, $0xb8;
	[tilespmem:$0x1EC60] =	vst v63  }
0x75: {  	_ =	swait.ge [sflag:s24], $0x2000  }
0x76: {  	[sflag:s24] =	ssyncset.done $0x0  }
0x77: {  	s14 =	sadd.s32 $0x2A00, s16;
	[sflag:s24] =	ssyncadd.s32 $0xFFFFE000  }
0x78: {  	[spmem:s2] =	stream.indirect.scatter.add.f32 [tilespmem:s25], [sflag:$0xD], $0x40, s14, s17, $0xb8;
	[tilespmem:$0x1EC60] =	vst v63  }
0x79: {  	_ =	swait.ge [sflag:s26], $0x2000  }
0x7a: {  	[sflag:s26] =	ssyncset.done $0x0  }
0x7b: {  	s14 =	sadd.s32 $0x2A80, s16;
	[sflag:s26] =	ssyncadd.s32 $0xFFFFE000  }
0x7c: {  	[spmem:s2] =	stream.indirect.scatter.add.f32 [tilespmem:s28], [sflag:$0xE], $0x40, s14, s17, $0xb8;
	[tilespmem:$0x1EC60] =	vst v63  }
0x7d: {  	_ =	swait.ge [sflag:s29], $0x2000  }
0x7e: {  	[sflag:s29] =	ssyncset.done $0x0  }
0x7f: {  	s14 =	sadd.s32 $0x2B00, s16;
	[sflag:s29] =	ssyncadd.s32 $0xFFFFE000  }
0x80: {  	[spmem:s2] =	stream.indirect.scatter.add.f32 [tilespmem:s30], [sflag:$0xF], $0x40, s14, s17, $0xb8;
	[tilespmem:$0x1EC60] =	vst v63  }
0x81: {  	_ =	swait.ge [sflag:s31], $0x2000  }
0x82: {  	p1 =	seq.s32 s15, $0x9000;
	[sflag:s31] =	ssyncset.done $0x0  }
.Ltmp2:
0x83: {  	s14 =	sadd.s32 $0x2B80, s16;
	[sflag:s31] =	ssyncadd.s32 $0xFFFFE000;
	(pc) =	sbr.rel @p1 .LBB2_4-.Ltmp2, $4  }
0x84: {  	[spmem:s2] =	stream.indirect.scatter.add.f32 [tilespmem:s0], [sflag:$0x10], $0x40, s14, s17, $0xb8;
	[tilespmem:$0x1EC60] =	vst v63  }
0x85: {  	_ =	swait.ge [sflag:s5], $0x2000  }
0x86: {  	[sflag:s5] =	ssyncset.done $0x0  }
0x87: {  	[sflag:s5] =	ssyncadd.s32 $0xFFFFE000  }
0x88: {  	s12 =	sadd.s32 $0x400, s16  }
0x89: {  	[tilespmem:s18], [sflag:$0x1] =	stream.indirect.gather [hbm4b:s4+s17], $0x40, s12, s17, $0xb8;
	[tilespmem:$0x1EC60] =	vst v63  }
0x8a: {  	_ =	swait.ge [sflag:s6], $0x2000  }
0x8b: {  	[sflag:s6] =	ssyncset.done $0x0  }
0x8c: {  	s14 =	sadd.s32 $0x480, s16;
	[sflag:s6] =	ssyncadd.s32 $0xFFFFE000  }
0x8d: {  	[tilespmem:s19], [sflag:$0x2] =	stream.indirect.gather [hbm4b:s4+s17], $0x40, s14, s17, $0xb8;
	[tilespmem:$0x1EC60] =	vst v63  }
0x8e: {  	_ =	swait.ge [sflag:s8], $0x2000  }
0x8f: {  	[sflag:s8] =	ssyncset.done $0x0  }
0x90: {  	s14 =	sadd.s32 $0x500, s16;
	[sflag:s8] =	ssyncadd.s32 $0xFFFFE000  }
0x91: {  	[tilespmem:s21], [sflag:$0x3] =	stream.indirect.gather [hbm4b:s4+s17], $0x40, s14, s17, $0xb8;
	[tilespmem:$0x1EC60] =	vst v63  }
0x92: {  	_ =	swait.ge [sflag:s9], $0x2000  }
0x93: {  	[sflag:s9] =	ssyncset.done $0x0  }
0x94: {  	s14 =	sadd.s32 $0x580, s16;
	[sflag:s9] =	ssyncadd.s32 $0xFFFFE000  }
0x95: {  	[tilespmem:s23], [sflag:$0x4] =	stream.indirect.gather [hbm4b:s4+s17], $0x40, s14, s17, $0xb8;
	[tilespmem:$0x1EC60] =	vst v63  }
0x96: {  	_ =	swait.ge [sflag:s7], $0x2000  }
0x97: {  	[sflag:s7] =	ssyncset.done $0x0  }
0x98: {  	s14 =	sadd.s32 $0x600, s16;
	[sflag:s7] =	ssyncadd.s32 $0xFFFFE000  }
0x99: {  	[tilespmem:s25], [sflag:$0x5] =	stream.indirect.gather [hbm4b:s4+s17], $0x40, s14, s17, $0xb8;
	[tilespmem:$0x1EC60] =	vst v63  }
0x9a: {  	_ =	swait.ge [sflag:s11], $0x2000  }
0x9b: {  	[sflag:s11] =	ssyncset.done $0x0  }
0x9c: {  	s14 =	sadd.s32 $0x680, s16;
	[sflag:s11] =	ssyncadd.s32 $0xFFFFE000  }
0x9d: {  	[tilespmem:s28], [sflag:$0x6] =	stream.indirect.gather [hbm4b:s4+s17], $0x40, s14, s17, $0xb8;
	[tilespmem:$0x1EC60] =	vst v63  }
0x9e: {  	_ =	swait.ge [sflag:s3], $0x2000  }
0x9f: {  	[sflag:s3] =	ssyncset.done $0x0  }
0xa0: {  	s14 =	sadd.s32 $0x700, s16;
	[sflag:s3] =	ssyncadd.s32 $0xFFFFE000  }
0xa1: {  	[tilespmem:s30], [sflag:$0x7] =	stream.indirect.gather [hbm4b:s4+s17], $0x40, s14, s17, $0xb8;
	[tilespmem:$0x1EC60] =	vst v63  }
.Ltmp3:
0xa2: {  	_ = 	snop;
	(pc) =	sbr.rel .LBB2_2-.Ltmp3, $4  }
0xa3: {  	_ =	swait.ge [sflag:s10], $0x2000  }
0xa4: {  	[sflag:s10] =	ssyncset.done $0x0  }
0xa5: {  	s15 =	sadd.s32 $0x1000, s15;
	s16 =	sadd.s32 $0x780, s16;
	[sflag:s10] =	ssyncadd.s32 $0xFFFFE000  }
0xa6: {  	[tilespmem:s0], [sflag:$0x8] =	stream.indirect.gather [hbm4b:s4+s17], $0x40, s16, s17, $0xb8;
	[tilespmem:$0x1EC60] =	vst v63  }
.LBB2_5:
0xa7: {  	_ =	sfence.sel $0x180000  }
0xa8: {  	[bflag:$0x0] =	sbarrier.arrive $0xFFFF  }
0xa9: {  	_ =	strace $0x9000004D  }
0xaa: {  	s0 =	stileid.u32;
	[bflag:$0x2] =	sbarrier.arrive $0xFFFF  }
0xab: {  	p0 =	sne.s32 s0, $0x0;
	s0 =	rddreg [dreg:$0x2]  }
0xac: {  	s0 =	sadd.s32 @!p0 $0x100000, s0  }
0xad: {  	[sflag:s0] =	ssyncadd.tile.s32 @!p0 $0x1;
	_ =	shalt  }
.Lfunc_end2:
_tile_overlayer_lowered:
.L_overlay_start_2:
0xae: {  	(tag) =	ssettag $0x2  }
0xaf: {  	s0 =	rddreg [dreg:$0x0];
	s2 =	stileid.u32  }
0xb0: {  	s1 =	rddreg [dreg:$0x1];
	p0 =	sne.s32 s2, $0x0  }
0xb1: {  	s3 =	rddreg [dreg:$0x2];
	[bflag:$0x3] =	sbarrier.arrive $0xFFFF;
	s2 =	simm.s32 @!p0 $0x1C11  }
0xb2: {  	[timem:s3], [sflag:s2] =	dma.local @!p0 [hbm:s0], s1  }
0xb3: {  	s0 =	simm.s32 @!p0 $0x11  }
0xb4: {  	_ =	swait.ge @!p0 [sflag:s0], s1  }
0xb5: {  	s1 =	ssub.s32 @!p0 $0x0, s1;
	[sflag:s0] =	ssyncset.done @!p0 $0x0  }
0xb6: {  	[sflag:s0] =	ssyncadd.s32 @!p0 s1  }
0xb7: {  	[bflag:$0x3] =	sbarrier.arrive $0xFFFF  }
0xb8: {  	_ =	shalt  }

// kernel: kernel.8.cloned.1.call-start
scs
__scs_entry_jumppad:
0x0: {  	(pc) =	sbr.rel $0x88, $3  }
0x1: {  	(tag) =	ssettag $0x0;
	lr =	simm.s32 $0x1  }
0x2: {  	[smem:$0x3F8E] =	sst lr;
	_ =	strace $0xD0000000  }
0x3: {  	_ = 	snop  }
0x4: {  	_ = 	snop  }
0x5: {  	_ = 	snop  }
0x6: {  	_ = 	snop  }
0x7: {  	_ = 	snop  }
__scs_overlays_trampoline_lowered:
0x8: {  	[smem:$0x3F9D] =	sst s0  }
0x9: {  	[smem:$0x3F9E] =	sst s1  }
0xa: {  	[smem:$0x3F9F] =	sst s2  }
0xb: {  	[smem:$0x3FA0] =	sst s3  }
0xc: {  	[smem:$0x3FA1] =	sst s4  }
0xd: {  	[smem:$0x3FA2] =	sst s5  }
0xe: {  	[smem:$0x3FA3] =	sst s6  }
0xf: {  	[smem:$0x3FA4] =	sst s7  }
0x10: {  	[smem:$0x3FA5] =	sst s8  }
0x11: {  	[smem:$0x3FA6] =	sst s9;
	s0 =	simm.s32 @!p0 $0x0  }
0x12: {  	s1 =	sld [smem:$0x3F8C];
	s0 =	simm.s32 @p0 $0x1  }
0x13: {  	[smem:$0x3FA7] =	sst s0;
	s0 =	simm.s32 @!p1 $0x0  }
0x14: {  	s2 =	sld [smem:$0x3F8B];
	s0 =	simm.s32 @p1 $0x1  }
0x15: {  	[smem:$0x3FA8] =	sst s0;
	s0 =	simm.s32 @!p2 $0x0  }
0x16: {  	s3 =	sld [smem:$0x3FDB];
	s0 =	simm.s32 @p2 $0x1  }
0x17: {  	s4 =	simm.s32 $0x1BF5;
	[smem:$0x3FAA] =	sst s0  }
0x18: {  	s0 =	sld [smem:$0x3F8D];
	_ =	swait.ge [sflag:s4], $0x0  }
0x19: {  	s7 =	sld [smem:$0x3F8E]  }
0x1a: {  	s8 =	sadd.s32 $0xFFFFE003, lr  }
0x1b: {  	s9 =	sadd.s32 $0xFFFFFEF7, lr;
	s5 =	simm.s32 $0xFFFFFFFF;
	p2 =	slt.u32 s8, $0xFFFFF086  }
0x1c: {  	p1 =	slt.u32 s9, $0xF7A;
	s5 =	simm.s32 @!p2 $0x0  }
0x1d: {  	s5 =	simm.s32 @p1 $0x1;
	p0 =	seq.s32 s7, s2  }
0x1e: {  	s7 =	smul.u32 @!p0 $0xF7A, s2;
	p2 =	seq.s32 @!p0 s5, $0x0  }
0x1f: {  	s9 =	smul.u32 $0xF7A, s1;
	s8 =	simm.s32 @!p0 $0x1BF5;
	p2 =	por !p2, p0  }
0x20: {  	[sflag:s8] =	ssyncset.s32 @!p0 $0xFFFFF086;
	s6 =	sadd.s32 @!p0 s3, s7;
	s7 =	simm.s32 @!p0 $0x108  }
0x21: {  	s3 =	sadd.s32 s3, s9;
	s6 =	sadd.s32 @!p0 $0x88, s6;
	s7 =	simm.s32 @p2 $0x1082  }
0x22: {  	[simem:s7], [sflag:s8] =	dma.local @!p0 [hbm:s6], $0xF7A  }
0x23: {  	s9 =	sor.u32 $0xD0000000, s2;
	s6 =	simm.s32 $0x108;
	_ =	swait.ge @!p0 [sflag:s8], $0x0  }
0x24: {  	s3 =	sadd.s32 $0x88, s3;
	s6 =	simm.s32 @!p1 $0x1082;
	[sflag:s4] =	ssyncset.s32 $0xFFFFF086  }
0x25: {  	[simem:s6], [sflag:s4] =	dma.local [hbm:s3], $0xF7A  }
0x26: {  	[smem:$0x3F8E] =	sst s1;
	(tag) =	ssettag s2;
	_ =	strace s9  }
0x27: {  	s1 =	sld [smem:$0x3F9E]  }
0x28: {  	s2 =	sld [smem:$0x3F9F]  }
0x29: {  	s4 =	sld [smem:$0x3FA1]  }
0x2a: {  	p0 =	seq.s32 s5, $0x0;
	s5 =	sld [smem:$0x3FA2]  }
0x2b: {  	s6 =	sld [smem:$0x3FA3]  }
0x2c: {  	s7 =	sld [smem:$0x3FA4]  }
0x2d: {  	s3 =	simm.s32 $0x108;
	s8 =	sld [smem:$0x3FA5]  }
0x2e: {  	s3 =	simm.s32 @!p0 $0x1082;
	s9 =	sld [smem:$0x3FA6]  }
0x2f: {  	lr =	sadd.s32 s0, s3;
	s0 =	sld [smem:$0x3F9D]  }
0x30: {  	s3 =	sld [smem:$0x3FA0]  }
0x31: {  	[smem:$0x3FA9] =	sst s10  }
0x32: {  	s10 =	sld [smem:$0x3FA7];
	_ =	sdelay $0x3  }
0x33: {  	p0 =	seq.s32 s10, $0x1;
	s10 =	sld [smem:$0x3FA9];
	_ =	sdelay $0x3  }
0x34: {  	[smem:$0x3FA9] =	sst s10  }
0x35: {  	s10 =	sld [smem:$0x3FA8];
	_ =	sdelay $0x3  }
0x36: {  	p1 =	seq.s32 s10, $0x1;
	s10 =	sld [smem:$0x3FA9];
	_ =	sdelay $0x3  }
0x37: {  	[smem:$0x3FA9] =	sst s10  }
0x38: {  	s10 =	sld [smem:$0x3FAA]  }
0x39: {  	_ = 	snop;
	(pc) =	sbr.ind lr, $3  }
0x3a: {  	_ = 	snop  }
0x3b: {  	_ = 	snop  }
0x3c: {  	p2 =	seq.s32 s10, $0x1;
	s10 =	sld [smem:$0x3FA9]  }
0x3d: {  	_ =	shalt  }
0x3e: {  	_ =	shalt  }
0x3f: {  	_ =	shalt  }
0x40: {  	_ =	shalt  }
0x41: {  	_ =	shalt  }
0x42: {  	_ =	shalt  }
0x43: {  	_ =	shalt  }
0x44: {  	_ =	shalt  }
0x45: {  	_ =	shalt  }
0x46: {  	_ =	shalt  }
0x47: {  	_ =	shalt  }
0x48: {  	_ =	shalt  }
0x49: {  	_ =	shalt  }
0x4a: {  	_ =	shalt  }
0x4b: {  	_ =	shalt  }
0x4c: {  	_ =	shalt  }
0x4d: {  	_ =	shalt  }
0x4e: {  	_ =	shalt  }
0x4f: {  	_ =	shalt  }
0x50: {  	_ =	shalt  }
0x51: {  	_ =	shalt  }
0x52: {  	_ =	shalt  }
0x53: {  	_ =	shalt  }
0x54: {  	_ =	shalt  }
0x55: {  	_ =	shalt  }
0x56: {  	_ =	shalt  }
0x57: {  	_ =	shalt  }
0x58: {  	_ =	shalt  }
0x59: {  	_ =	shalt  }
0x5a: {  	_ =	shalt  }
0x5b: {  	_ =	shalt  }
0x5c: {  	_ =	shalt  }
0x5d: {  	_ =	shalt  }
0x5e: {  	_ =	shalt  }
0x5f: {  	_ =	shalt  }
0x60: {  	_ =	shalt  }
0x61: {  	_ =	shalt  }
0x62: {  	_ =	shalt  }
0x63: {  	_ =	shalt  }
0x64: {  	_ =	shalt  }
0x65: {  	_ =	shalt  }
0x66: {  	_ =	shalt  }
0x67: {  	_ =	shalt  }
0x68: {  	_ =	shalt  }
0x69: {  	_ =	shalt  }
0x6a: {  	_ =	shalt  }
0x6b: {  	_ =	shalt  }
0x6c: {  	_ =	shalt  }
0x6d: {  	_ =	shalt  }
0x6e: {  	_ =	shalt  }
0x6f: {  	_ =	shalt  }
0x70: {  	_ =	shalt  }
0x71: {  	_ =	shalt  }
0x72: {  	_ =	shalt  }
0x73: {  	_ =	shalt  }
0x74: {  	_ =	shalt  }
0x75: {  	_ =	shalt  }
0x76: {  	_ =	shalt  }
0x77: {  	_ =	shalt  }
0x78: {  	_ =	shalt  }
0x79: {  	_ =	shalt  }
0x7a: {  	_ =	shalt  }
0x7b: {  	_ =	shalt  }
0x7c: {  	_ =	shalt  }
0x7d: {  	_ =	shalt  }
0x7e: {  	_ =	shalt  }
0x7f: {  	_ =	shalt  }
0x80: {  	_ =	shalt  }
0x81: {  	_ =	shalt  }
0x82: {  	_ =	shalt  }
0x83: {  	_ =	shalt  }
0x84: {  	_ =	shalt  }
0x85: {  	_ =	shalt  }
0x86: {  	_ =	shalt  }
0x87: {  	_ =	shalt  }
.Lfunc_end0:
.L_simem_size_0:
called_computation_lowered:
.L_overlay_start_0:
0x88: {  	s2 =	sld [smem:$0x3FD9]  }
0x89: {  	s3 =	sld [smem:$0x3FFE];
	_ =	sdelay $0x1  }
0x8a: {  	s1 =	srdreg.scid  }
0x8b: {  	s0 =	sand.u32 $0x1, s1  }
0x8c: {  	s16 =	sshll.u32 s0, $0xA;
	s2 =	sadd.s32 s3, s2  }
0x8d: {  	s2 =	sadd.s32 s2, s16  }
0x8e: {  	[smem:$0x3FB5] =	sst s2  }
0x8f: {  	_ = 	snop  }
0x90: {  	(tm) =	ssettm $0x1  }
0x91: {  	s17 =	sld [smem:$0x3FFB];
	_ =	sdelay $0x3  }
0x92: {  	_ =	strace s17  }
0x93: {  	s2 =	sld [smem:$0x3FFC];
	_ =	sdelay $0x3  }
0x94: {  	_ =	strace s2  }
0x95: {  	s2 =	sld [smem:$0x3FFD];
	_ =	sdelay $0x3  }
0x96: {  	_ =	strace s2  }
0x97: {  	_ =	strace $0x8FFFFFFF  }
0x98: {  	s18 =	sld [smem:$0x3FDB];
	_ =	sdelay $0x1  }
0x99: {  	s19 =	simm.s32 $_scs_section_size  }
0x9a: {  	s4 =	simm.s32 $_size__tile_overlayer_lowered;
	s5 =	simm.s32 $_tile_overlayer_lowered  }
0x9b: {  	s22 =	simm.s32 $0x1BFF;
	s21 =	sshll.u32 s5, $0x1;
	s2 =	sadd.s32 s19, s18  }
0x9c: {  	s6 =	simm.s32 $0x0;
	s20 =	sshll.u32 s4, $0x1;
	s4 =	sadd.s32 s21, s2  }
0x9d: {  	[timem:s6], [sflag:s22] =	dma.local [hbm:s4], s20  }
0x9e: {  	_ =	swait.ge [sflag:s22], s20  }
0x9f: {  	s3 =	ssub.s32 $0x0, s20;
	[sflag:s22] =	ssyncset.done $0x0  }
0xa0: {  	[sflag:s22] =	ssyncadd.s32 s3;
	_ =	sdelay $0x1  }
0xa1: {  	s23 =	simm.s32 $0x1B8B  }
0xa2: {  	_ =	swait.ge [sflag:s23], $0x1  }
0xa3: {  	[sflag:s23] =	ssyncset.done $0x0  }
0xa4: {  	s25 =	simm.s32 $0x1B8E;
	s24 =	sld [smem:$0x3FFE];
	[sflag:s23] =	ssyncadd.s32 $0xFFFFFFFF  }
0xa5: {  	s26 =	simm.s32 $execute0_lowered;
	[smem:$0x3FD2] =	sst s25  }
0xa6: {  	s4 =	sshll.u32 s26, $0x1;
	_ =	strace $0x80000046;
	[dreg:$0x1] =	wrdreg $0xFFFFFFFF  }
0xa7: {  	s28 =	simm.s32 $_size_execute0_lowered;
	s2 =	sadd.s32 s2, s4;
	[dreg:$0x0] =	wrdreg $0x0  }
0xa8: {  	s4 =	sshll.u32 s28, $0x1;
	[dreg:$0x2] =	wrdreg s2  }
0xa9: {  	[dreg:$0x3] =	wrdreg s4  }
0xaa: {  	[dreg:$0x4] =	wrdreg $0xC0  }
0xab: {  	_ =	task [dreg:s6], $0x5FFFF  }
0xac: {  	[dreg:$0x1] =	wrdreg $0xFFFFFFFF  }
0xad: {  	[dreg:$0x0] =	wrdreg $0x60  }
0xae: {  	[dreg:$0x2] =	wrdreg s24  }
0xaf: {  	[dreg:$0x3] =	wrdreg $0x140000  }
0xb0: {  	[dreg:$0x4] =	wrdreg $0x9  }
0xb1: {  	_ =	task.clear_ibuf [dreg:s6], $0x5FFFF;
	_ =	strace $0x90000046  }
0xb2: {  	s29 =	simm.s32 $0x9;
	_ =	strace $0x80000048  }
0xb3: {  	_ =	swait.ge [sflag:s29], $0x1  }
0xb4: {  	[sflag:s29] =	ssyncadd.s32 $0xFFFFFFFF  }
0xb5: {  	_ =	strace $0x90000048  }
0xb6: {  	_ =	sfence  }
0xb7: {  	s30 =	sld [smem:$0x0];
	_ =	sdelay $0x2  }
0xb8: {  	s31 =	sshll.u32 s1, $0xD;
	s1 =	sshrl.u32 s1, $0x2  }
0xb9: {  	s3 =	sand.u32 $0x4000, s31;
	s1 =	sadd.s32 s1, s30  }
0xba: {  	s0 =	sor.u32 s3, s0;
	s1 =	sshll.u32 s1, $0x11  }
0xbb: {  	s0 =	sor.u32 s1, s0  }
0xbc: {  	s0 =	sadd.s32 $0x8F2B, s0  }
0xbd: {  	[sflag:s0] =	ssyncadd.remote.s32 $0x1  }
0xbe: {  	_ =	sfence.sel $0xFFFF  }
0xbf: {  	[dreg:$0x0] =	wrdreg $0xFFFFFFFF;
	(pc) =	sbr.abs _section_cstart, $3  }
0xc0: {  	[dreg:$0x1] =	wrdreg $0xFFFFFFFF  }
0xc1: {  	_ =	task.clear_ibuf [dreg:s6], $0x2FFFF;
	_ =	strace $0x9FFFFFFF  }
0xc2: {  	(tm) =	ssettm $0x7FFFFFFF  }
0xc3: {  	_ =	shalt  }
tec
execute0_lowered:
.L_overlay_start_1:
0x0: {  	(tag) =	ssettag $0x1  }
0x1: {  	s0 =	rddreg [dreg:$0x0]  }
0x2: {  	s2 =	rddreg [dreg:$0x1]  }
0x3: {  	s3 =	simm.s32 $0x0;
	s12 =	stileid.u32;
	s1 =	srdreg.scid  }
0x4: {  	s15 =	simm.s32 $0xB;
	s20 =	simm.s32 $0x80;
	s29 =	simm.s32 $0x12000  }
0x5: {  	s30 =	simm.s32 $0x1;
	s31 =	simm.s32 $0x2;
	s16 =	simm.s32 $0x5  }
0x6: {  	s28 =	simm.s32 $0x0;
	[smem:$0x7FF] =	sst s3;
	s21 =	smul.u32 $0xA00, s12  }
0x7: {  	s1 =	sand.u32 $0x1, s1;
	s4 =	sadd.s32 $0x3000, s0;
	s5 =	sadd.s32 $0x16A00, s0  }
0x8: {  	s9 =	smul.u32 $0x9C00, s12;
	s25 =	sadd.s32 $0x28E80, s0;
	p1 =	seq.s32 s12, $0xF  }
0x9: {  	_ =	strace $0x80000047;
	s6 =	smul.u32 $0x13880, s1;
	s7 =	ssub.s32 $0x2, s1  }
0xa: {  	[dreg:$0x5] =	wrdreg s25;
	p0 =	sne.s32 s1, $0x0;
	s1 =	simm.s32 $0x4  }
0xb: {  	s3 =	sadd.s32 s21, s0;
	s22 =	sshrl.u32 s7, $0x1;
	s21 =	simm.s32 $0xA000  }
0xc: {  	s10 =	sadd.s32 s6, s0;
	s11 =	ssub.s32 s7, s22;
	s23 =	sadd.s32 $0x2A400, s3  }
0xd: {  	s7 =	sshrl.u32 s9, $0x3;
	s8 =	sadd.s32 $0x34400, s3;
	s3 =	sadd.s32 s9, s2  }
0xe: {  	s9 =	sadd.s32 $0x92400, s2;
	s0 =	sadd.s32 $0x15480, s0;
	s22 =	simm.s32 $0xC000  }
0xf: {  	[dreg:$0x3] =	wrdreg s23;
	s24 =	sadd.s32 s5, s7;
	s26 =	sadd.s32 s4, s7  }
0x10: {  	[dreg:$0x7] =	wrdreg s0;
	s13 =	sadd.s32 $0x3E400, s10;
	s14 =	smax.u32 s11, $0x1  }
.Ltmp0:
0x11: {  	s17 =	sshrl.u32 @p1 s9, $0x3;
	s0 =	sshll.u32 @!p1 s12, $0x6;
	(pc) =	sbr.rel .LBB2_1-.Ltmp0, $4  }
0x12: {  	s19 =	sshrl.u32 @!p1 s3, $0x3;
	s9 =	simm.s32 $0x6;
	s10 =	simm.s32 $0x7  }
0x13: {  	s11 =	simm.s32 $0x8;
	s12 =	simm.s32 $0x9;
	[dreg:$0x4] =	wrdreg s24  }
0x14: {  	s23 =	simm.s32 $0xA;
	[dreg:$0x6] =	wrdreg s26;
	s18 =	sor.u32 @!p1 $0x1C0B, s0  }
0x15: {  	s24 =	simm.s32 $0xE000;
	s26 =	simm.s32 $0x10000;
	s0 =	simm.s32 $0x3  }
.LBB2_7:
0x16: {  	[tilespmem:s29], [sflag:$0x5] =	stream.indirect.gather [hbm4b:s5+s20], $0x40, s3, s20, $0xb8;
	[tilespmem:$0x1DC60] =	vst v63  }
.LBB2_8:
0x17: {  	_ =	swait.ge [sflag:s30], $0x2000  }
0x18: {  	[sflag:s30] =	ssyncset.done $0x0  }
0x19: {  	s3 =	simm.s32 $0x9D80;
	[sflag:s30] =	ssyncadd.s32 $0xFFFFE000  }
0x1a: {  	[spmem:s2] =	stream.indirect.scatter.add.f32 [tilespmem:s21], [sflag:$0x6], $0x40, s3, s20, $0xb8;
	[tilespmem:$0x1DC60] =	vst v63  }
0x1b: {  	_ =	swait.ge [sflag:s31], $0x2000  }
0x1c: {  	[sflag:s31] =	ssyncset.done $0x0  }
0x1d: {  	s6 =	simm.s32 $0x9E00;
	[sflag:s31] =	ssyncadd.s32 $0xFFFFE000  }
0x1e: {  	[spmem:s2] =	stream.indirect.scatter.add.f32 [tilespmem:s22], [sflag:$0x7], $0x40, s6, s20, $0xb8;
	[tilespmem:$0x1DC60] =	vst v63  }
0x1f: {  	_ =	swait.ge [sflag:s0], $0x2000  }
0x20: {  	[sflag:s0] =	ssyncset.done $0x0  }
0x21: {  	s25 =	simm.s32 $0x9E80;
	[sflag:s0] =	ssyncadd.s32 $0xFFFFE000  }
0x22: {  	[spmem:s2] =	stream.indirect.scatter.add.f32 [tilespmem:s24], [sflag:$0x8], $0x40, s25, s20, $0xb8;
	[tilespmem:$0x1DC60] =	vst v63  }
0x23: {  	_ =	swait.ge [sflag:s1], $0x2000  }
0x24: {  	[sflag:s1] =	ssyncset.done $0x0  }
0x25: {  	s6 =	simm.s32 $0x9F00;
	[sflag:s1] =	ssyncadd.s32 $0xFFFFE000  }
0x26: {  	[spmem:s2] =	stream.indirect.scatter.add.f32 [tilespmem:s26], [sflag:$0x9], $0x40, s6, s20, $0xb8;
	[tilespmem:$0x1DC60] =	vst v63  }
0x27: {  	_ =	swait.ge [sflag:s16], $0x2000  }
0x28: {  	[sflag:s16] =	ssyncset.done $0x0  }
0x29: {  	s25 =	simm.s32 $0x9F80;
	[sflag:s16] =	ssyncadd.s32 $0xFFFFE000  }
0x2a: {  	[spmem:s2] =	stream.indirect.scatter.add.f32 [tilespmem:s29], [sflag:$0xA], $0x40, s25, s20, $0xb8;
	[tilespmem:$0x1DC60] =	vst v63  }
0x2b: {  	_ =	swait.ge [sflag:s9], $0x2000  }
0x2c: {  	[sflag:s9] =	ssyncset.done $0x0  }
0x2d: {  	[sflag:s9] =	ssyncadd.s32 $0xFFFFE000  }
0x2e: {  	_ =	swait.ge [sflag:s10], $0x2000  }
0x2f: {  	[sflag:s10] =	ssyncset.done $0x0  }
0x30: {  	[sflag:s10] =	ssyncadd.s32 $0xFFFFE000  }
0x31: {  	_ =	swait.ge [sflag:s11], $0x2000  }
0x32: {  	[sflag:s11] =	ssyncset.done $0x0  }
0x33: {  	[sflag:s11] =	ssyncadd.s32 $0xFFFFE000  }
0x34: {  	_ =	swait.ge [sflag:s12], $0x2000  }
0x35: {  	[sflag:s12] =	ssyncset.done $0x0  }
0x36: {  	[sflag:s12] =	ssyncadd.s32 $0xFFFFE000  }
0x37: {  	_ =	swait.ge [sflag:s23], $0x2000  }
0x38: {  	[sflag:s23] =	ssyncset.done $0x0  }
0x39: {  	[sflag:s23] =	ssyncadd.s32 $0xFFFFE000  }
0x3a: {  	s3 =	sadd.s32 @p1 $0x12480, s13;
	s6 =	simm.s32 @p1 $0x1FCB;
	[bflag:$0x0] =	sbarrier.arrive $0xFFFF  }
0x3b: {  	[hbm:s3], [sflag:s6] =	dma.local @p1 [spmem:s17], $0x1400  }
0x3c: {  	s3 =	simm.s32 @p1 $0xB  }
0x3d: {  	_ =	swait.ge @p1 [sflag:s3], $0x1400  }
0x3e: {  	s28 =	sadd.s32 $0x1, s28;
	[sflag:s3] =	ssyncset.done @p1 $0x0  }
0x3f: {  	p2 =	sne.s32 s28, s14;
	[sflag:s3] =	ssyncadd.s32 @p1 $0xFFFFEC00;
	s3 =	sadd.s32 @!p1 s7, s13  }
0x40: {  	[hbm:s3], [sflag:s18] =	dma.local @!p1 [spmem:s19], $0x1380  }
.Ltmp1:
0x41: {  	_ = 	snop;
	(pc) =	sbr.rel @!p2 .LBB2_9-.Ltmp1, $4  }
0x42: {  	s3 =	simm.s32 @!p1 $0xB  }
0x43: {  	_ =	swait.ge @!p1 [sflag:s3], $0x1380  }
0x44: {  	[sflag:s3] =	ssyncset.done @!p1 $0x0  }
0x45: {  	[sflag:s3] =	ssyncadd.s32 @!p1 $0xFFFFEC80  }
.LBB2_1:
0x46: {  	s3 =	simm.s32 $0x0;
	s6 =	rddreg [dreg:$0x3]  }
0x47: {  	[tilespmem:s3], [sflag:$0xB] =	stream.linear.gather [hbm4b:s6+s3], $0x5000, $0x38;
	[tilespmem:$0x1DC60] =	vst v63  }
0x48: {  	_ =	swait.ge [sflag:s15], $0x5000  }
0x49: {  	[sflag:s15] =	ssyncset.done $0x0  }
.Ltmp2:
0x4a: {  	s25 =	simm.s32 $0x5000;
	[sflag:s15] =	ssyncadd.s32 $0xFFFFB000;
	(pc) =	sbr.rel @p0 .LBB2_5-.Ltmp2, $4  }
0x4b: {  	[tilespmem:s25], [sflag:$0xB] =	stream.linear.gather [hbm4b:s8+s3], $0x5000, $0x38;
	[tilespmem:$0x1DC60] =	vst v63  }
0x4c: {  	_ =	swait.ge [sflag:s15], $0x5000  }
0x4d: {  	[sflag:s15] =	ssyncset.done $0x0  }
0x4e: {  	[sflag:s15] =	ssyncadd.s32 $0xFFFFB000  }
0x4f: {  	s3 =	simm.s32 @p1 $0x1FCB;
	s6 =	rddreg [dreg:$0x7]  }
0x50: {  	[spmem:s17], [sflag:s3] =	dma.local @p1 [hbm:s6], $0x1400  }
0x51: {  	s3 =	simm.s32 @p1 $0xB  }
0x52: {  	_ =	swait.ge @p1 [sflag:s3], $0x1400  }
0x53: {  	[sflag:s3] =	ssyncset.done @p1 $0x0  }
0x54: {  	[sflag:s3] =	ssyncadd.s32 @p1 $0xFFFFEC00;
	s3 =	rddreg [dreg:$0x6]  }
0x55: {  	[spmem:s19], [sflag:s18] =	dma.local @!p1 [hbm:s3], $0x1380  }
0x56: {  	s3 =	simm.s32 @!p1 $0xB  }
0x57: {  	_ =	swait.ge @!p1 [sflag:s3], $0x1380  }
0x58: {  	[sflag:s3] =	ssyncset.done @!p1 $0x0  }
0x59: {  	[sflag:s3] =	ssyncadd.s32 @!p1 $0xFFFFEC80  }
0x5a: {  	s25 =	simm.s32 $0x0;
	[bflag:$0x0] =	sbarrier.arrive $0xFFFF  }
0x5b: {  	[tilespmem:s21], [sflag:$0x1] =	stream.indirect.gather [hbm4b:s4+s20], $0x40, s25, s20, $0xb8;
	[tilespmem:$0x1DC60] =	vst v63  }
0x5c: {  	_ = 	snop  }
0x5d: {  	[tilespmem:s22], [sflag:$0x2] =	stream.indirect.gather [hbm4b:s4+s20], $0x40, s20, s20, $0xb8;
	[tilespmem:$0x1DC60] =	vst v63  }
0x5e: {  	s6 =	simm.s32 $0x100  }
0x5f: {  	[tilespmem:s24], [sflag:$0x3] =	stream.indirect.gather [hbm4b:s4+s20], $0x40, s6, s20, $0xb8;
	[tilespmem:$0x1DC60] =	vst v63  }
0x60: {  	s25 =	simm.s32 $0x180  }
0x61: {  	[tilespmem:s26], [sflag:$0x4] =	stream.indirect.gather [hbm4b:s4+s20], $0x40, s25, s20, $0xb8;
	[tilespmem:$0x1DC60] =	vst v63  }
0x62: {  	s6 =	simm.s32 $0x200  }
0x63: {  	[tilespmem:s29], [sflag:$0x5] =	stream.indirect.gather [hbm4b:s4+s20], $0x40, s6, s20, $0xb8;
	[tilespmem:$0x1DC60] =	vst v63  }
0x64: {  	_ =	swait.ge [sflag:s30], $0x2000  }
0x65: {  	[sflag:s30] =	ssyncset.done $0x0  }
0x66: {  	s25 =	simm.s32 $0x5000;
	[sflag:s30] =	ssyncadd.s32 $0xFFFFE000  }
0x67: {  	[spmem:s2] =	stream.indirect.scatter.add.f32 [tilespmem:s21], [sflag:$0x6], $0x40, s25, s20, $0xb8;
	[tilespmem:$0x1DC60] =	vst v63  }
0x68: {  	_ =	swait.ge [sflag:s31], $0x2000  }
0x69: {  	[sflag:s31] =	ssyncset.done $0x0  }
0x6a: {  	s6 =	simm.s32 $0x5080;
	[sflag:s31] =	ssyncadd.s32 $0xFFFFE000  }
0x6b: {  	[spmem:s2] =	stream.indirect.scatter.add.f32 [tilespmem:s22], [sflag:$0x7], $0x40, s6, s20, $0xb8;
	[tilespmem:$0x1DC60] =	vst v63  }
0x6c: {  	_ =	swait.ge [sflag:s0], $0x2000  }
0x6d: {  	[sflag:s0] =	ssyncset.done $0x0  }
0x6e: {  	s25 =	simm.s32 $0x5100;
	[sflag:s0] =	ssyncadd.s32 $0xFFFFE000  }
0x6f: {  	[spmem:s2] =	stream.indirect.scatter.add.f32 [tilespmem:s24], [sflag:$0x8], $0x40, s25, s20, $0xb8;
	[tilespmem:$0x1DC60] =	vst v63  }
0x70: {  	_ =	swait.ge [sflag:s1], $0x2000  }
0x71: {  	[sflag:s1] =	ssyncset.done $0x0  }
0x72: {  	s6 =	simm.s32 $0x5180;
	[sflag:s1] =	ssyncadd.s32 $0xFFFFE000  }
0x73: {  	[spmem:s2] =	stream.indirect.scatter.add.f32 [tilespmem:s26], [sflag:$0x9], $0x40, s6, s20, $0xb8;
	[tilespmem:$0x1DC60] =	vst v63  }
0x74: {  	_ =	swait.ge [sflag:s16], $0x2000  }
0x75: {  	[sflag:s16] =	ssyncset.done $0x0  }
0x76: {  	s25 =	simm.s32 $0x5200;
	[sflag:s16] =	ssyncadd.s32 $0xFFFFE000  }
0x77: {  	[spmem:s2] =	stream.indirect.scatter.add.f32 [tilespmem:s29], [sflag:$0xA], $0x40, s25, s20, $0xb8;
	[tilespmem:$0x1DC60] =	vst v63  }
0x78: {  	_ =	swait.ge [sflag:s9], $0x2000  }
0x79: {  	[sflag:s9] =	ssyncset.done $0x0  }
0x7a: {  	s6 =	simm.s32 $0x280;
	[sflag:s9] =	ssyncadd.s32 $0xFFFFE000  }
0x7b: {  	[tilespmem:s21], [sflag:$0x1] =	stream.indirect.gather [hbm4b:s4+s20], $0x40, s6, s20, $0xb8;
	[tilespmem:$0x1DC60] =	vst v63  }
0x7c: {  	_ =	swait.ge [sflag:s10], $0x2000  }
0x7d: {  	[sflag:s10] =	ssyncset.done $0x0  }
0x7e: {  	s25 =	simm.s32 $0x300;
	[sflag:s10] =	ssyncadd.s32 $0xFFFFE000  }
0x7f: {  	[tilespmem:s22], [sflag:$0x2] =	stream.indirect.gather [hbm4b:s4+s20], $0x40, s25, s20, $0xb8;
	[tilespmem:$0x1DC60] =	vst v63  }
0x80: {  	_ =	swait.ge [sflag:s11], $0x2000  }
0x81: {  	[sflag:s11] =	ssyncset.done $0x0  }
0x82: {  	s6 =	simm.s32 $0x380;
	[sflag:s11] =	ssyncadd.s32 $0xFFFFE000  }
0x83: {  	[tilespmem:s24], [sflag:$0x3] =	stream.indirect.gather [hbm4b:s4+s20], $0x40, s6, s20, $0xb8;
	[tilespmem:$0x1DC60] =	vst v63  }
0x84: {  	_ =	swait.ge [sflag:s12], $0x2000  }
0x85: {  	[sflag:s12] =	ssyncset.done $0x0  }
0x86: {  	s25 =	simm.s32 $0x400;
	[sflag:s12] =	ssyncadd.s32 $0xFFFFE000  }
0x87: {  	[tilespmem:s26], [sflag:$0x4] =	stream.indirect.gather [hbm4b:s4+s20], $0x40, s25, s20, $0xb8;
	[tilespmem:$0x1DC60] =	vst v63  }
0x88: {  	_ =	swait.ge [sflag:s23], $0x2000  }
0x89: {  	[sflag:s23] =	ssyncset.done $0x0  }
0x8a: {  	s3 =	simm.s32 $0x480;
	s25 =	simm.s32 $0xA00;
	[sflag:s23] =	ssyncadd.s32 $0xFFFFE000  }
.LBB2_3:
0x8b: {  	[tilespmem:s29], [sflag:$0x5] =	stream.indirect.gather [hbm4b:s4+s20], $0x40, s3, s20, $0xb8;
	[tilespmem:$0x1DC60] =	vst v63  }
0x8c: {  	s3 =	smov.u32 s25  }
0x8d: {  	p2 =	seq.s32 s25, $0x12C00;
	s25 =	sadd.s32 $0xA00, s25;
	_ =	swait.ge [sflag:s30], $0x2000  }
0x8e: {  	s3 =	sshra.s32 s3, $0x2;
	[sflag:s30] =	ssyncset.done $0x0  }
0x8f: {  	s6 =	sadd.s32 $0x5000, s3;
	[sflag:s30] =	ssyncadd.s32 $0xFFFFE000  }
0x90: {  	[spmem:s2] =	stream.indirect.scatter.add.f32 [tilespmem:s21], [sflag:$0x6], $0x40, s6, s20, $0xb8;
	[tilespmem:$0x1DC60] =	vst v63  }
0x91: {  	_ =	swait.ge [sflag:s31], $0x2000  }
0x92: {  	[sflag:s31] =	ssyncset.done $0x0  }
0x93: {  	s6 =	sadd.s32 $0x5080, s3;
	[sflag:s31] =	ssyncadd.s32 $0xFFFFE000  }
0x94: {  	[spmem:s2] =	stream.indirect.scatter.add.f32 [tilespmem:s22], [sflag:$0x7], $0x40, s6, s20, $0xb8;
	[tilespmem:$0x1DC60] =	vst v63  }
0x95: {  	_ =	swait.ge [sflag:s0], $0x2000  }
0x96: {  	[sflag:s0] =	ssyncset.done $0x0  }
0x97: {  	s6 =	sadd.s32 $0x5100, s3;
	[sflag:s0] =	ssyncadd.s32 $0xFFFFE000  }
0x98: {  	[spmem:s2] =	stream.indirect.scatter.add.f32 [tilespmem:s24], [sflag:$0x8], $0x40, s6, s20, $0xb8;
	[tilespmem:$0x1DC60] =	vst v63  }
0x99: {  	_ =	swait.ge [sflag:s1], $0x2000  }
0x9a: {  	[sflag:s1] =	ssyncset.done $0x0  }
0x9b: {  	s6 =	sadd.s32 $0x5180, s3;
	[sflag:s1] =	ssyncadd.s32 $0xFFFFE000  }
0x9c: {  	[spmem:s2] =	stream.indirect.scatter.add.f32 [tilespmem:s26], [sflag:$0x9], $0x40, s6, s20, $0xb8;
	[tilespmem:$0x1DC60] =	vst v63  }
0x9d: {  	_ =	swait.ge [sflag:s16], $0x2000  }
0x9e: {  	[sflag:s16] =	ssyncset.done $0x0  }
0x9f: {  	s6 =	sadd.s32 $0x5200, s3;
	[sflag:s16] =	ssyncadd.s32 $0xFFFFE000  }
0xa0: {  	[spmem:s2] =	stream.indirect.scatter.add.f32 [tilespmem:s29], [sflag:$0xA], $0x40, s6, s20, $0xb8;
	[tilespmem:$0x1DC60] =	vst v63  }
0xa1: {  	_ =	swait.ge [sflag:s9], $0x2000  }
0xa2: {  	[sflag:s9] =	ssyncset.done $0x0  }
0xa3: {  	s6 =	sadd.s32 $0x280, s3;
	[sflag:s9] =	ssyncadd.s32 $0xFFFFE000  }
0xa4: {  	[tilespmem:s21], [sflag:$0x1] =	stream.indirect.gather [hbm4b:s4+s20], $0x40, s6, s20, $0xb8;
	[tilespmem:$0x1DC60] =	vst v63  }
0xa5: {  	_ =	swait.ge [sflag:s10], $0x2000  }
0xa6: {  	[sflag:s10] =	ssyncset.done $0x0  }
0xa7: {  	s6 =	sadd.s32 $0x300, s3;
	[sflag:s10] =	ssyncadd.s32 $0xFFFFE000  }
0xa8: {  	[tilespmem:s22], [sflag:$0x2] =	stream.indirect.gather [hbm4b:s4+s20], $0x40, s6, s20, $0xb8;
	[tilespmem:$0x1DC60] =	vst v63  }
0xa9: {  	_ =	swait.ge [sflag:s11], $0x2000  }
0xaa: {  	[sflag:s11] =	ssyncset.done $0x0  }
0xab: {  	s6 =	sadd.s32 $0x380, s3;
	[sflag:s11] =	ssyncadd.s32 $0xFFFFE000  }
0xac: {  	[tilespmem:s24], [sflag:$0x3] =	stream.indirect.gather [hbm4b:s4+s20], $0x40, s6, s20, $0xb8;
	[tilespmem:$0x1DC60] =	vst v63  }
0xad: {  	_ =	swait.ge [sflag:s12], $0x2000  }
0xae: {  	[sflag:s12] =	ssyncset.done $0x0  }
.Ltmp3:
0xaf: {  	s6 =	sadd.s32 $0x400, s3;
	[sflag:s12] =	ssyncadd.s32 $0xFFFFE000;
	(pc) =	sbr.rel @!p2 .LBB2_3-.Ltmp3, $4  }
0xb0: {  	[tilespmem:s26], [sflag:$0x4] =	stream.indirect.gather [hbm4b:s4+s20], $0x40, s6, s20, $0xb8;
	[tilespmem:$0x1DC60] =	vst v63  }
0xb1: {  	_ =	swait.ge [sflag:s23], $0x2000  }
0xb2: {  	[sflag:s23] =	ssyncset.done $0x0  }
0xb3: {  	s3 =	sadd.s32 $0x480, s3;
	[sflag:s23] =	ssyncadd.s32 $0xFFFFE000  }
.Ltmp4:
0xb4: {  	(pc) =	sbr.rel .LBB2_8-.Ltmp4, $2  }
0xb5: {  	_ =	sdelay $0x2  }
0xb6: {  	[tilespmem:s29], [sflag:$0x5] =	stream.indirect.gather [hbm4b:s4+s20], $0x40, s3, s20, $0xb8;
	[tilespmem:$0x1DC60] =	vst v63  }
.LBB2_5:
0xb7: {  	s3 =	simm.s32 @p1 $0x1FCB;
	s6 =	rddreg [dreg:$0x5]  }
0xb8: {  	[spmem:s17], [sflag:s3] =	dma.local @p1 [hbm:s6], $0x1400  }
0xb9: {  	s3 =	simm.s32 @p1 $0xB  }
0xba: {  	_ =	swait.ge @p1 [sflag:s3], $0x1400  }
0xbb: {  	[sflag:s3] =	ssyncset.done @p1 $0x0  }
0xbc: {  	[sflag:s3] =	ssyncadd.s32 @p1 $0xFFFFEC00;
	s3 =	rddreg [dreg:$0x4]  }
0xbd: {  	[spmem:s19], [sflag:s18] =	dma.local @!p1 [hbm:s3], $0x1380  }
0xbe: {  	s3 =	simm.s32 @!p1 $0xB  }
0xbf: {  	_ =	swait.ge @!p1 [sflag:s3], $0x1380  }
0xc0: {  	[sflag:s3] =	ssyncset.done @!p1 $0x0  }
0xc1: {  	[sflag:s3] =	ssyncadd.s32 @!p1 $0xFFFFEC80  }
0xc2: {  	s25 =	simm.s32 $0x0;
	[bflag:$0x0] =	sbarrier.arrive $0xFFFF  }
0xc3: {  	[tilespmem:s21], [sflag:$0x1] =	stream.indirect.gather [hbm4b:s5+s20], $0x40, s25, s20, $0xb8;
	[tilespmem:$0x1DC60] =	vst v63  }
0xc4: {  	_ = 	snop  }
0xc5: {  	[tilespmem:s22], [sflag:$0x2] =	stream.indirect.gather [hbm4b:s5+s20], $0x40, s20, s20, $0xb8;
	[tilespmem:$0x1DC60] =	vst v63  }
0xc6: {  	s6 =	simm.s32 $0x100  }
0xc7: {  	[tilespmem:s24], [sflag:$0x3] =	stream.indirect.gather [hbm4b:s5+s20], $0x40, s6, s20, $0xb8;
	[tilespmem:$0x1DC60] =	vst v63  }
0xc8: {  	s25 =	simm.s32 $0x180  }
0xc9: {  	[tilespmem:s26], [sflag:$0x4] =	stream.indirect.gather [hbm4b:s5+s20], $0x40, s25, s20, $0xb8;
	[tilespmem:$0x1DC60] =	vst v63  }
0xca: {  	s6 =	simm.s32 $0x200  }
0xcb: {  	[tilespmem:s29], [sflag:$0x5] =	stream.indirect.gather [hbm4b:s5+s20], $0x40, s6, s20, $0xb8;
	[tilespmem:$0x1DC60] =	vst v63  }
0xcc: {  	_ =	swait.ge [sflag:s30], $0x2000  }
0xcd: {  	[sflag:s30] =	ssyncset.done $0x0  }
0xce: {  	s25 =	simm.s32 $0x5000;
	[sflag:s30] =	ssyncadd.s32 $0xFFFFE000  }
0xcf: {  	[spmem:s2] =	stream.indirect.scatter.add.f32 [tilespmem:s21], [sflag:$0x6], $0x40, s25, s20, $0xb8;
	[tilespmem:$0x1DC60] =	vst v63  }
0xd0: {  	_ =	swait.ge [sflag:s31], $0x2000  }
0xd1: {  	[sflag:s31] =	ssyncset.done $0x0  }
0xd2: {  	s6 =	simm.s32 $0x5080;
	[sflag:s31] =	ssyncadd.s32 $0xFFFFE000  }
0xd3: {  	[spmem:s2] =	stream.indirect.scatter.add.f32 [tilespmem:s22], [sflag:$0x7], $0x40, s6, s20, $0xb8;
	[tilespmem:$0x1DC60] =	vst v63  }
0xd4: {  	_ =	swait.ge [sflag:s0], $0x2000  }
0xd5: {  	[sflag:s0] =	ssyncset.done $0x0  }
0xd6: {  	s25 =	simm.s32 $0x5100;
	[sflag:s0] =	ssyncadd.s32 $0xFFFFE000  }
0xd7: {  	[spmem:s2] =	stream.indirect.scatter.add.f32 [tilespmem:s24], [sflag:$0x8], $0x40, s25, s20, $0xb8;
	[tilespmem:$0x1DC60] =	vst v63  }
0xd8: {  	_ =	swait.ge [sflag:s1], $0x2000  }
0xd9: {  	[sflag:s1] =	ssyncset.done $0x0  }
0xda: {  	s6 =	simm.s32 $0x5180;
	[sflag:s1] =	ssyncadd.s32 $0xFFFFE000  }
0xdb: {  	[spmem:s2] =	stream.indirect.scatter.add.f32 [tilespmem:s26], [sflag:$0x9], $0x40, s6, s20, $0xb8;
	[tilespmem:$0x1DC60] =	vst v63  }
0xdc: {  	_ =	swait.ge [sflag:s16], $0x2000  }
0xdd: {  	[sflag:s16] =	ssyncset.done $0x0  }
0xde: {  	s25 =	simm.s32 $0x5200;
	[sflag:s16] =	ssyncadd.s32 $0xFFFFE000  }
0xdf: {  	[spmem:s2] =	stream.indirect.scatter.add.f32 [tilespmem:s29], [sflag:$0xA], $0x40, s25, s20, $0xb8;
	[tilespmem:$0x1DC60] =	vst v63  }
0xe0: {  	_ =	swait.ge [sflag:s9], $0x2000  }
0xe1: {  	[sflag:s9] =	ssyncset.done $0x0  }
0xe2: {  	s6 =	simm.s32 $0x280;
	[sflag:s9] =	ssyncadd.s32 $0xFFFFE000  }
0xe3: {  	[tilespmem:s21], [sflag:$0x1] =	stream.indirect.gather [hbm4b:s5+s20], $0x40, s6, s20, $0xb8;
	[tilespmem:$0x1DC60] =	vst v63  }
0xe4: {  	_ =	swait.ge [sflag:s10], $0x2000  }
0xe5: {  	[sflag:s10] =	ssyncset.done $0x0  }
0xe6: {  	s25 =	simm.s32 $0x300;
	[sflag:s10] =	ssyncadd.s32 $0xFFFFE000  }
0xe7: {  	[tilespmem:s22], [sflag:$0x2] =	stream.indirect.gather [hbm4b:s5+s20], $0x40, s25, s20, $0xb8;
	[tilespmem:$0x1DC60] =	vst v63  }
0xe8: {  	_ =	swait.ge [sflag:s11], $0x2000  }
0xe9: {  	[sflag:s11] =	ssyncset.done $0x0  }
0xea: {  	s6 =	simm.s32 $0x380;
	[sflag:s11] =	ssyncadd.s32 $0xFFFFE000  }
0xeb: {  	[tilespmem:s24], [sflag:$0x3] =	stream.indirect.gather [hbm4b:s5+s20], $0x40, s6, s20, $0xb8;
	[tilespmem:$0x1DC60] =	vst v63  }
0xec: {  	_ =	swait.ge [sflag:s12], $0x2000  }
0xed: {  	[sflag:s12] =	ssyncset.done $0x0  }
0xee: {  	s25 =	simm.s32 $0x400;
	[sflag:s12] =	ssyncadd.s32 $0xFFFFE000  }
0xef: {  	[tilespmem:s26], [sflag:$0x4] =	stream.indirect.gather [hbm4b:s5+s20], $0x40, s25, s20, $0xb8;
	[tilespmem:$0x1DC60] =	vst v63  }
0xf0: {  	_ =	swait.ge [sflag:s23], $0x2000  }
0xf1: {  	[sflag:s23] =	ssyncset.done $0x0  }
0xf2: {  	s3 =	simm.s32 $0x480;
	s25 =	simm.s32 $0xA00;
	[sflag:s23] =	ssyncadd.s32 $0xFFFFE000  }
.LBB2_6:
0xf3: {  	[tilespmem:s29], [sflag:$0x5] =	stream.indirect.gather [hbm4b:s5+s20], $0x40, s3, s20, $0xb8;
	[tilespmem:$0x1DC60] =	vst v63  }
0xf4: {  	s3 =	smov.u32 s25  }
0xf5: {  	p2 =	sne.s32 s25, $0x12C00;
	s25 =	sadd.s32 $0xA00, s25;
	_ =	swait.ge [sflag:s30], $0x2000  }
0xf6: {  	s3 =	sshra.s32 s3, $0x2;
	[sflag:s30] =	ssyncset.done $0x0  }
0xf7: {  	s6 =	sadd.s32 $0x5000, s3;
	[sflag:s30] =	ssyncadd.s32 $0xFFFFE000  }
0xf8: {  	[spmem:s2] =	stream.indirect.scatter.add.f32 [tilespmem:s21], [sflag:$0x6], $0x40, s6, s20, $0xb8;
	[tilespmem:$0x1DC60] =	vst v63  }
0xf9: {  	_ =	swait.ge [sflag:s31], $0x2000  }
0xfa: {  	[sflag:s31] =	ssyncset.done $0x0  }
0xfb: {  	s6 =	sadd.s32 $0x5080, s3;
	[sflag:s31] =	ssyncadd.s32 $0xFFFFE000  }
0xfc: {  	[spmem:s2] =	stream.indirect.scatter.add.f32 [tilespmem:s22], [sflag:$0x7], $0x40, s6, s20, $0xb8;
	[tilespmem:$0x1DC60] =	vst v63  }
0xfd: {  	_ =	swait.ge [sflag:s0], $0x2000  }
0xfe: {  	[sflag:s0] =	ssyncset.done $0x0  }
0xff: {  	s6 =	sadd.s32 $0x5100, s3;
	[sflag:s0] =	ssyncadd.s32 $0xFFFFE000  }
0x100: {  	[spmem:s2] =	stream.indirect.scatter.add.f32 [tilespmem:s24], [sflag:$0x8], $0x40, s6, s20, $0xb8;
	[tilespmem:$0x1DC60] =	vst v63  }
0x101: {  	_ =	swait.ge [sflag:s1], $0x2000  }
0x102: {  	[sflag:s1] =	ssyncset.done $0x0  }
0x103: {  	s6 =	sadd.s32 $0x5180, s3;
	[sflag:s1] =	ssyncadd.s32 $0xFFFFE000  }
0x104: {  	[spmem:s2] =	stream.indirect.scatter.add.f32 [tilespmem:s26], [sflag:$0x9], $0x40, s6, s20, $0xb8;
	[tilespmem:$0x1DC60] =	vst v63  }
0x105: {  	_ =	swait.ge [sflag:s16], $0x2000  }
0x106: {  	[sflag:s16] =	ssyncset.done $0x0  }
0x107: {  	s6 =	sadd.s32 $0x5200, s3;
	[sflag:s16] =	ssyncadd.s32 $0xFFFFE000  }
0x108: {  	[spmem:s2] =	stream.indirect.scatter.add.f32 [tilespmem:s29], [sflag:$0xA], $0x40, s6, s20, $0xb8;
	[tilespmem:$0x1DC60] =	vst v63  }
0x109: {  	_ =	swait.ge [sflag:s9], $0x2000  }
0x10a: {  	[sflag:s9] =	ssyncset.done $0x0  }
0x10b: {  	s6 =	sadd.s32 $0x280, s3;
	[sflag:s9] =	ssyncadd.s32 $0xFFFFE000  }
0x10c: {  	[tilespmem:s21], [sflag:$0x1] =	stream.indirect.gather [hbm4b:s5+s20], $0x40, s6, s20, $0xb8;
	[tilespmem:$0x1DC60] =	vst v63  }
0x10d: {  	_ =	swait.ge [sflag:s10], $0x2000  }
0x10e: {  	[sflag:s10] =	ssyncset.done $0x0  }
0x10f: {  	s6 =	sadd.s32 $0x300, s3;
	[sflag:s10] =	ssyncadd.s32 $0xFFFFE000  }
0x110: {  	[tilespmem:s22], [sflag:$0x2] =	stream.indirect.gather [hbm4b:s5+s20], $0x40, s6, s20, $0xb8;
	[tilespmem:$0x1DC60] =	vst v63  }
0x111: {  	_ =	swait.ge [sflag:s11], $0x2000  }
0x112: {  	[sflag:s11] =	ssyncset.done $0x0  }
0x113: {  	s6 =	sadd.s32 $0x380, s3;
	[sflag:s11] =	ssyncadd.s32 $0xFFFFE000  }
0x114: {  	[tilespmem:s24], [sflag:$0x3] =	stream.indirect.gather [hbm4b:s5+s20], $0x40, s6, s20, $0xb8;
	[tilespmem:$0x1DC60] =	vst v63  }
0x115: {  	_ =	swait.ge [sflag:s12], $0x2000  }
0x116: {  	[sflag:s12] =	ssyncset.done $0x0  }
.Ltmp5:
0x117: {  	s6 =	sadd.s32 $0x400, s3;
	[sflag:s12] =	ssyncadd.s32 $0xFFFFE000;
	(pc) =	sbr.rel @p2 .LBB2_6-.Ltmp5, $4  }
0x118: {  	[tilespmem:s26], [sflag:$0x4] =	stream.indirect.gather [hbm4b:s5+s20], $0x40, s6, s20, $0xb8;
	[tilespmem:$0x1DC60] =	vst v63  }
0x119: {  	_ =	swait.ge [sflag:s23], $0x2000  }
0x11a: {  	[sflag:s23] =	ssyncset.done $0x0  }
0x11b: {  	s3 =	sadd.s32 $0x480, s3;
	[sflag:s23] =	ssyncadd.s32 $0xFFFFE000  }
.Ltmp6:
0x11c: {  	_ = 	snop;
	(pc) =	sbr.rel .LBB2_7-.Ltmp6, $1  }
0x11d: {  	_ =	sdelay $0x3  }
.LBB2_9:
0x11e: {  	_ =	sfence.sel $0x180000  }
0x11f: {  	[bflag:$0x0] =	sbarrier.arrive $0xFFFF  }
0x120: {  	_ =	strace $0x90000047  }
0x121: {  	s0 =	stileid.u32;
	[bflag:$0x2] =	sbarrier.arrive $0xFFFF  }
0x122: {  	p0 =	sne.s32 s0, $0x0;
	s0 =	rddreg [dreg:$0x2]  }
0x123: {  	s0 =	sadd.s32 @!p0 $0x100000, s0  }
0x124: {  	[sflag:s0] =	ssyncadd.tile.s32 @!p0 $0x1;
	_ =	shalt  }
.Lfunc_end2:
_tile_overlayer_lowered:
.L_overlay_start_2:
0x125: {  	(tag) =	ssettag $0x2  }
0x126: {  	s0 =	rddreg [dreg:$0x0];
	s2 =	stileid.u32  }
0x127: {  	s1 =	rddreg [dreg:$0x1];
	p0 =	sne.s32 s2, $0x0  }
0x128: {  	s3 =	rddreg [dreg:$0x2];
	[bflag:$0x3] =	sbarrier.arrive $0xFFFF;
	s2 =	simm.s32 @!p0 $0x1C0B  }
0x129: {  	[timem:s3], [sflag:s2] =	dma.local @!p0 [hbm:s0], s1  }
0x12a: {  	s0 =	simm.s32 @!p0 $0xB  }
0x12b: {  	_ =	swait.ge @!p0 [sflag:s0], s1  }
0x12c: {  	s1 =	ssub.s32 @!p0 $0x0, s1;
	[sflag:s0] =	ssyncset.done @!p0 $0x0  }
0x12d: {  	[sflag:s0] =	ssyncadd.s32 @!p0 s1  }
0x12e: {  	[bflag:$0x3] =	sbarrier.arrive $0xFFFF  }
0x12f: {  	_ =	shalt  }

</sc_bundles>
